<compile_context>
chip_gen: v7x
topology: tpu7x:2x2x1
jax: 0.10.2.dev20260603
libtpu: 0.0.44.dev20260713+nightly
codegen_flags: <defaults>
</compile_context>

<pallas_src>
import functools

import jax
import jax.numpy as jnp
from jax import lax
from jax.experimental import pallas as pl
from jax.experimental.pallas import tpu as pltpu
from jax.experimental.pallas import tpu_sc as plsc

_NCLS = 1_000_000
_NPAD = 1 << 20
_NSAMP = 65536
_LANES = 128
_ROWS = _NPAD // _LANES
_RB = _ROWS // _LANES
_NT = _NPAD // 16

_NW = 32
_QPW = _NSAMP // _NW
_NV = _QPW // 16
_NCHUNK = _QPW // 128


def _tc_scan_body(x_ref, y_ref):
    acc = x_ref[0]
    y_ref[0] = acc
    for c in range(1, _LANES):
        acc = acc + x_ref[c]
        y_ref[c] = acc


_tc_scan = pl.pallas_call(
    _tc_scan_body,
    out_shape=jax.ShapeDtypeStruct((_LANES, _RB, _LANES), jnp.float32),
)


def _tc_fix_body(y_ref, off_ref, p_ref, cdf_ref, logp_ref):
    cdf_ref[...] = y_ref[...] + off_ref[...][None, :, :]
    logp_ref[...] = jnp.log(p_ref[...])


_GB = 8

_tc_fix = pl.pallas_call(
    _tc_fix_body,
    grid=(_RB // _GB,),
    in_specs=[
        pl.BlockSpec((_LANES, _GB, _LANES), lambda g: (0, g, 0)),
        pl.BlockSpec((_GB, _LANES), lambda g: (g, 0)),
        pl.BlockSpec((_GB * _LANES, _LANES), lambda g: (g, 0)),
    ],
    out_specs=[
        pl.BlockSpec((_LANES, _GB, _LANES), lambda g: (0, g, 0)),
        pl.BlockSpec((_GB * _LANES, _LANES), lambda g: (g, 0)),
    ],
    out_shape=[
        jax.ShapeDtypeStruct((_LANES, _RB, _LANES), jnp.float32),
        jax.ShapeDtypeStruct((_ROWS, _LANES), jnp.float32),
    ],
)


def _sc_body(u_hbm, cdf_hbm, t_hbm, logp_hbm, samp_hbm, lp_hbm,
             u_v, t_v, rows_v, c_v, s_v, lp_v, sem):
    wid = lax.axis_index("s") * 2 + lax.axis_index("c")
    base = wid * _QPW
    pltpu.sync_copy(u_hbm.at[pl.ds(base, _QPW)], u_v)
    pltpu.sync_copy(t_hbm, t_v)

    def group_coarse(g, carry):
        for vv in range(8):
            uv = u_v[pl.ds(g * 128 + vv * 16, 16)]
            pos = jnp.zeros((16,), jnp.int32)
            for k in range(15, -1, -1):
                cand = pos + (1 << k)
                tv = plsc.load_gather(t_v, [cand - 1])
                pos = jnp.where(tv <= uv, cand, pos)
            tv = plsc.load_gather(t_v, [pos])
            pos = pos + jnp.where(tv <= uv, 1, 0)
            c_v[pl.ds(g * 128 + vv * 16, 16)] = jnp.minimum(pos, _NT - 1)
        pltpu.async_copy(
            cdf_hbm.at[c_v.at[pl.ds(g * 128, 128)]],
            rows_v.at[pl.ds(g * 128, 128), :], sem)
        return carry

    lax.fori_loop(0, _NCHUNK, group_coarse, 0)
    pltpu.make_async_copy(cdf_hbm.at[pl.ds(0, _QPW), :], rows_v, sem).wait()

    def group_fine(g, carry):
        for vv in range(8):
            uv = u_v[pl.ds(g * 128 + vv * 16, 16)]
            c = c_v[pl.ds(g * 128 + vv * 16, 16)]
            q = g * 128 + vv * 16 + lax.iota(jnp.int32, 16)
            r = jnp.zeros((16,), jnp.int32)
            for k in range(3, -1, -1):
                cand = r + (1 << k)
                v = plsc.load_gather(rows_v, [q, cand - 1])
                r = jnp.where(v <= uv, cand, r)
            v = plsc.load_gather(rows_v, [q, r])
            r = r + jnp.where(v <= uv, 1, 0)
            s_v[pl.ds(g * 128 + vv * 16, 16)] = jnp.minimum(
                c * 16 + r, _NCLS - 1)
        pltpu.async_copy(
            logp_hbm.at[s_v.at[pl.ds(g * 128, 128)]],
            lp_v.at[pl.ds(g * 128, 128)], sem)
        return carry

    lax.fori_loop(0, _NCHUNK, group_fine, 0)
    pltpu.make_async_copy(logp_hbm.at[pl.ds(0, _QPW)], lp_v, sem).wait()

    pltpu.sync_copy(s_v, samp_hbm.at[pl.ds(base, _QPW)])
    pltpu.sync_copy(lp_v, lp_hbm.at[pl.ds(base, _QPW)])


@functools.cache
def _sc_pass():
    return pl.kernel(
        _sc_body,
        out_type=(
            jax.ShapeDtypeStruct((_NSAMP,), jnp.int32),
            jax.ShapeDtypeStruct((_NSAMP,), jnp.float32),
        ),
        mesh=plsc.VectorSubcoreMesh(core_axis_name="c",
                                    subcore_axis_name="s"),
        compiler_params=pltpu.CompilerParams(needs_layout_passes=False,
                                             use_tc_tiling_on_sc=False),
        scratch_types=[
            pltpu.VMEM((_QPW,), jnp.float32),
            pltpu.VMEM((_NT,), jnp.float32),
            pltpu.VMEM((_QPW, 16), jnp.float32),
            pltpu.VMEM((_QPW,), jnp.int32),
            pltpu.VMEM((_QPW,), jnp.int32),
            pltpu.VMEM((_QPW,), jnp.float32),
            pltpu.SemaphoreType.DMA,
        ],
    )


def kernel(u, probs):
    probs_p = jnp.concatenate(
        [probs, jnp.zeros((_NPAD - _NCLS,), jnp.float32)])
    nat = probs_p.reshape(_ROWS, _LANES)
    xt = nat.T.reshape(_LANES, _RB, _LANES)
    y3 = _tc_scan(xt)
    t_lin = y3[_LANES - 1].reshape(_ROWS)
    scan_t = jnp.cumsum(t_lin)
    off1 = jnp.concatenate(
        [jnp.zeros((1,), jnp.float32), scan_t[:-1]]).reshape(_RB, _LANES)
    cdf3, logp2 = _tc_fix(y3, off1, nat)
    cdf_flat = cdf3.reshape(_LANES, _ROWS).T.reshape(_NPAD)
    t = lax.slice(cdf_flat, (15,), (_NPAD,), (16,))
    samples, log_probs = _sc_pass()(
        u, cdf_flat.reshape(_NT, 16), t, logp2.reshape(_NPAD))
    return samples, log_probs

# --- scband reference (transcript-rebuilt; emitter-appended) ---
"""Pipeline reference for scband-log-uniform-sampler-11201274708670 (READ-ONLY COPY).

The authoritative reference and input builder live on the scoring server;
editing this copy changes nothing except your own understanding.
"""

import jax, jax.numpy as jnp
import numpy as np

NUM_CLASSES = 1000000
NUM_SAMPLES = 65536


def _make_probs():
    # Mirrors torch __init__: log-uniform (Zipf-like) distribution over class indices
    ws = jnp.arange(NUM_CLASSES, dtype=jnp.float32)
    dist = (jnp.log1p(ws + 1.0) - jnp.log1p(ws)) / jnp.log1p(jnp.float32(NUM_CLASSES))
    dist = jnp.clip(dist, 1e-10, None)
    dist = dist / jnp.sum(dist)
    return dist


def setup_inputs(seed: int = 0) -> dict:
    key = jax.random.key(seed)
    u = jax.random.uniform(key, (NUM_SAMPLES,), dtype=jnp.float32)
    probs = _make_probs()  # buffer materialized per init_kwargs (num_classes)
    return {"u": u, "probs": probs}


def reference(u, probs):
    # sample(num_samples): inverse-CDF categorical sampling with replacement,
    # equivalent in distribution to torch.distributions.Categorical(probs).sample([N])
    cdf = jnp.cumsum(probs)
    samples = jnp.searchsorted(cdf, u, side='right')
    samples = jnp.clip(samples, 0, NUM_CLASSES - 1).astype(jnp.int32)
    # log_prob(indices): Categorical.log_prob == log(normalized probs)[indices]
    log_probs = jnp.take(jnp.log(probs), samples, axis=0)
    return samples, log_probs

if __name__ == "__main__":
    import jax
    _d = setup_inputs()
    print(jax.jit(kernel)(*tuple(_d.values())))

</pallas_src>

<mosaic_0001>
#map = affine_map<(d0, d1) -> (0)>
#map1 = affine_map<(d0, d1) -> (0, 0)>
module attributes {stable_mosaic.version = 14 : i64} {
  func.func @_sc_body(%arg0: i32, %arg1: i32, %arg2: memref<65536xf32, #tpu.memory_space<hbm>>, %arg3: memref<65536x16xf32, #tpu.memory_space<hbm>>, %arg4: memref<65536xf32, #tpu.memory_space<hbm>>, %arg5: memref<1048576xf32, #tpu.memory_space<hbm>>, %arg6: memref<65536xi32, #tpu.memory_space<hbm>>, %arg7: memref<65536xf32, #tpu.memory_space<hbm>>, %arg8: memref<2048xf32, #tpu.memory_space<vmem>>, %arg9: memref<65536xf32, #tpu.memory_space<vmem>>, %arg10: memref<2048x16xf32, #tpu.memory_space<vmem>>, %arg11: memref<2048xi32, #tpu.memory_space<vmem>>, %arg12: memref<2048xi32, #tpu.memory_space<vmem>>, %arg13: memref<2048xf32, #tpu.memory_space<vmem>>, %arg14: memref<!tpu.dma_semaphore, #tpu.memory_space<semaphore_mem>>) attributes {dimension_semantics = [#tpu.dimension_semantics<core_parallel>, #tpu.dimension_semantics<subcore_parallel>], iteration_bounds = array<i64: 2, 16>, scalar_prefetch = 0 : i64, scratch_operands = 7 : i64, tpu.core_type = #tpu.core_type<sc_vector_subcore>, window_params = [{transform_indices = #map}, {transform_indices = #map1}, {transform_indices = #map}, {transform_indices = #map}, {transform_indices = #map}, {transform_indices = #map}]} {
    %mul3A = arith.constant 2 : i32
    %mul3A_0 = arith.muli %arg1, %mul3A : i32
    %add3A = arith.addi %mul3A_0, %arg0 : i32
    %mul3A_1 = arith.constant 2048 : i32
    %mul3A_2 = arith.muli %add3A, %mul3A_1 : i32
    "tpu.region"() ({
      %run_scoped3A = tpu.sem_alloc : memref<!tpu.dma_semaphore, #tpu.memory_space<semaphore_mem>>
      %dma_start3A = tpu.memref_slice %arg2[%mul3A_2] : memref<65536xf32, #tpu.memory_space<hbm>> -> memref<2048xf32, #tpu.memory_space<hbm>>
      %dma_start3A_23 = tpu.memref_slice %arg2[%mul3A_2] : memref<65536xf32, #tpu.memory_space<hbm>> -> memref<2048xf32, #tpu.memory_space<hbm>>
      tpu.enqueue_dma source(%dma_start3A_23 : memref<2048xf32, #tpu.memory_space<hbm>>) target(%arg8 : memref<2048xf32, #tpu.memory_space<vmem>>) target_semaphore(%run_scoped3A : memref<!tpu.dma_semaphore, #tpu.memory_space<semaphore_mem>>)
      %dma_wait3A_24 = tpu.memref_slice %arg2[%mul3A_2] : memref<65536xf32, #tpu.memory_space<hbm>> -> memref<2048xf32, #tpu.memory_space<hbm>>
      %dma_wait3A_25 = tpu.memref_slice %arg2[%mul3A_2] : memref<65536xf32, #tpu.memory_space<hbm>> -> memref<2048xf32, #tpu.memory_space<hbm>>
      tpu.wait_dma2 semaphore(%run_scoped3A : memref<!tpu.dma_semaphore, #tpu.memory_space<semaphore_mem>>) src(%dma_wait3A_25 : memref<2048xf32, #tpu.memory_space<hbm>>) dst(%arg8 : memref<2048xf32, #tpu.memory_space<vmem>>)
      tpu.yield
    }) : () -> ()
    "tpu.region"() ({
      %run_scoped3A = tpu.sem_alloc : memref<!tpu.dma_semaphore, #tpu.memory_space<semaphore_mem>>
      tpu.enqueue_dma source(%arg4 : memref<65536xf32, #tpu.memory_space<hbm>>) target(%arg9 : memref<65536xf32, #tpu.memory_space<vmem>>) target_semaphore(%run_scoped3A : memref<!tpu.dma_semaphore, #tpu.memory_space<semaphore_mem>>)
      tpu.wait_dma2 semaphore(%run_scoped3A : memref<!tpu.dma_semaphore, #tpu.memory_space<semaphore_mem>>) src(%arg4 : memref<65536xf32, #tpu.memory_space<hbm>>) dst(%arg9 : memref<65536xf32, #tpu.memory_space<vmem>>)
      tpu.yield
    }) : () -> ()
    %scan3A = arith.constant 0 : i32
    %scan3A_3 = arith.constant 0 : i32
    %scan3A_4 = arith.constant 16 : i32
    %scan3A_5 = arith.addi %scan3A_3, %scan3A_4 : i32
    %scan3A_6 = arith.constant 1 : i32
    scf.for %scan3A_23 = %scan3A_3 to %scan3A_5 step %scan3A_6  : i32 {
      %mul3A_24 = arith.constant 128 : i32
      %mul3A_25 = arith.muli %scan3A_23, %mul3A_24 : i32
      %add3A_26 = arith.constant 0 : i32
      %add3A_27 = arith.addi %mul3A_25, %add3A_26 : i32
      %get3A = arith.index_cast %add3A_27 : i32 to index
      %get3A_28 = tpu.vector_load %arg8[%get3A] {strides = array<i32>} : memref<2048xf32, #tpu.memory_space<vmem>>, vector<16xf32>,
      %broadcast_in_dim3A = arith.constant 0 : i32
      %broadcast_in_dim3A_29 = vector.broadcast %broadcast_in_dim3A : i32 to vector<16xi32>
      %add3A_30 = arith.constant 32768 : i32
      %add3A_31 = vector.broadcast %add3A_30 : i32 to vector<16xi32>
      %add3A_32 = arith.addi %broadcast_in_dim3A_29, %add3A_31 : vector<16xi32>
      %sub3A = arith.constant 1 : i32
      %sub3A_33 = vector.broadcast %sub3A : i32 to vector<16xi32>
      %sub3A_34 = arith.subi %add3A_32, %sub3A_33 : vector<16xi32>
      %gather3A = tpu.vector_load_idx %arg9[%sub3A_34] : memref<65536xf32, #tpu.memory_space<vmem>>[vector<16xi32>], vector<16xf32>,
      %le3A = arith.cmpf ole, %gather3A, %get3A_28 : vector<16xf32>
      %select_n3A = arith.select %le3A, %add3A_32, %broadcast_in_dim3A_29 : vector<16xi1>, vector<16xi32>
      %add3A_35 = arith.constant 16384 : i32
      %add3A_36 = vector.broadcast %add3A_35 : i32 to vector<16xi32>
      %add3A_37 = arith.addi %select_n3A, %add3A_36 : vector<16xi32>
      %sub3A_38 = arith.constant 1 : i32
      %sub3A_39 = vector.broadcast %sub3A_38 : i32 to vector<16xi32>
      %sub3A_40 = arith.subi %add3A_37, %sub3A_39 : vector<16xi32>
      %gather3A_41 = tpu.vector_load_idx %arg9[%sub3A_40] : memref<65536xf32, #tpu.memory_space<vmem>>[vector<16xi32>], vector<16xf32>,
      %le3A_42 = arith.cmpf ole, %gather3A_41, %get3A_28 : vector<16xf32>
      %select_n3A_43 = arith.select %le3A_42, %add3A_37, %select_n3A : vector<16xi1>, vector<16xi32>
      %add3A_44 = arith.constant 8192 : i32
      %add3A_45 = vector.broadcast %add3A_44 : i32 to vector<16xi32>
      %add3A_46 = arith.addi %select_n3A_43, %add3A_45 : vector<16xi32>
      %sub3A_47 = arith.constant 1 : i32
      %sub3A_48 = vector.broadcast %sub3A_47 : i32 to vector<16xi32>
      %sub3A_49 = arith.subi %add3A_46, %sub3A_48 : vector<16xi32>
      %gather3A_50 = tpu.vector_load_idx %arg9[%sub3A_49] : memref<65536xf32, #tpu.memory_space<vmem>>[vector<16xi32>], vector<16xf32>,
      %le3A_51 = arith.cmpf ole, %gather3A_50, %get3A_28 : vector<16xf32>
      %select_n3A_52 = arith.select %le3A_51, %add3A_46, %select_n3A_43 : vector<16xi1>, vector<16xi32>
      %add3A_53 = arith.constant 4096 : i32
      %add3A_54 = vector.broadcast %add3A_53 : i32 to vector<16xi32>
      %add3A_55 = arith.addi %select_n3A_52, %add3A_54 : vector<16xi32>
      %sub3A_56 = arith.constant 1 : i32
      %sub3A_57 = vector.broadcast %sub3A_56 : i32 to vector<16xi32>
      %sub3A_58 = arith.subi %add3A_55, %sub3A_57 : vector<16xi32>
      %gather3A_59 = tpu.vector_load_idx %arg9[%sub3A_58] : memref<65536xf32, #tpu.memory_space<vmem>>[vector<16xi32>], vector<16xf32>,
      %le3A_60 = arith.cmpf ole, %gather3A_59, %get3A_28 : vector<16xf32>
      %select_n3A_61 = arith.select %le3A_60, %add3A_55, %select_n3A_52 : vector<16xi1>, vector<16xi32>
      %add3A_62 = arith.constant 2048 : i32
      %add3A_63 = vector.broadcast %add3A_62 : i32 to vector<16xi32>
      %add3A_64 = arith.addi %select_n3A_61, %add3A_63 : vector<16xi32>
      %sub3A_65 = arith.constant 1 : i32
      %sub3A_66 = vector.broadcast %sub3A_65 : i32 to vector<16xi32>
      %sub3A_67 = arith.subi %add3A_64, %sub3A_66 : vector<16xi32>
      %gather3A_68 = tpu.vector_load_idx %arg9[%sub3A_67] : memref<65536xf32, #tpu.memory_space<vmem>>[vector<16xi32>], vector<16xf32>,
      %le3A_69 = arith.cmpf ole, %gather3A_68, %get3A_28 : vector<16xf32>
      %select_n3A_70 = arith.select %le3A_69, %add3A_64, %select_n3A_61 : vector<16xi1>, vector<16xi32>
      %add3A_71 = arith.constant 1024 : i32
      %add3A_72 = vector.broadcast %add3A_71 : i32 to vector<16xi32>
      %add3A_73 = arith.addi %select_n3A_70, %add3A_72 : vector<16xi32>
      %sub3A_74 = arith.constant 1 : i32
      %sub3A_75 = vector.broadcast %sub3A_74 : i32 to vector<16xi32>
      %sub3A_76 = arith.subi %add3A_73, %sub3A_75 : vector<16xi32>
      %gather3A_77 = tpu.vector_load_idx %arg9[%sub3A_76] : memref<65536xf32, #tpu.memory_space<vmem>>[vector<16xi32>], vector<16xf32>,
      %le3A_78 = arith.cmpf ole, %gather3A_77, %get3A_28 : vector<16xf32>
      %select_n3A_79 = arith.select %le3A_78, %add3A_73, %select_n3A_70 : vector<16xi1>, vector<16xi32>
      %add3A_80 = arith.constant 512 : i32
      %add3A_81 = vector.broadcast %add3A_80 : i32 to vector<16xi32>
      %add3A_82 = arith.addi %select_n3A_79, %add3A_81 : vector<16xi32>
      %sub3A_83 = arith.constant 1 : i32
      %sub3A_84 = vector.broadcast %sub3A_83 : i32 to vector<16xi32>
      %sub3A_85 = arith.subi %add3A_82, %sub3A_84 : vector<16xi32>
      %gather3A_86 = tpu.vector_load_idx %arg9[%sub3A_85] : memref<65536xf32, #tpu.memory_space<vmem>>[vector<16xi32>], vector<16xf32>,
      %le3A_87 = arith.cmpf ole, %gather3A_86, %get3A_28 : vector<16xf32>
      %select_n3A_88 = arith.select %le3A_87, %add3A_82, %select_n3A_79 : vector<16xi1>, vector<16xi32>
      %add3A_89 = arith.constant 256 : i32
      %add3A_90 = vector.broadcast %add3A_89 : i32 to vector<16xi32>
      %add3A_91 = arith.addi %select_n3A_88, %add3A_90 : vector<16xi32>
      %sub3A_92 = arith.constant 1 : i32
      %sub3A_93 = vector.broadcast %sub3A_92 : i32 to vector<16xi32>
      %sub3A_94 = arith.subi %add3A_91, %sub3A_93 : vector<16xi32>
      %gather3A_95 = tpu.vector_load_idx %arg9[%sub3A_94] : memref<65536xf32, #tpu.memory_space<vmem>>[vector<16xi32>], vector<16xf32>,
      %le3A_96 = arith.cmpf ole, %gather3A_95, %get3A_28 : vector<16xf32>
      %select_n3A_97 = arith.select %le3A_96, %add3A_91, %select_n3A_88 : vector<16xi1>, vector<16xi32>
      %add3A_98 = arith.constant 128 : i32
      %add3A_99 = vector.broadcast %add3A_98 : i32 to vector<16xi32>
      %add3A_100 = arith.addi %select_n3A_97, %add3A_99 : vector<16xi32>
      %sub3A_101 = arith.constant 1 : i32
      %sub3A_102 = vector.broadcast %sub3A_101 : i32 to vector<16xi32>
      %sub3A_103 = arith.subi %add3A_100, %sub3A_102 : vector<16xi32>
      %gather3A_104 = tpu.vector_load_idx %arg9[%sub3A_103] : memref<65536xf32, #tpu.memory_space<vmem>>[vector<16xi32>], vector<16xf32>,
      %le3A_105 = arith.cmpf ole, %gather3A_104, %get3A_28 : vector<16xf32>
      %select_n3A_106 = arith.select %le3A_105, %add3A_100, %select_n3A_97 : vector<16xi1>, vector<16xi32>
      %add3A_107 = arith.constant 64 : i32
      %add3A_108 = vector.broadcast %add3A_107 : i32 to vector<16xi32>
      %add3A_109 = arith.addi %select_n3A_106, %add3A_108 : vector<16xi32>
      %sub3A_110 = arith.constant 1 : i32
      %sub3A_111 = vector.broadcast %sub3A_110 : i32 to vector<16xi32>
      %sub3A_112 = arith.subi %add3A_109, %sub3A_111 : vector<16xi32>
      %gather3A_113 = tpu.vector_load_idx %arg9[%sub3A_112] : memref<65536xf32, #tpu.memory_space<vmem>>[vector<16xi32>], vector<16xf32>,
      %le3A_114 = arith.cmpf ole, %gather3A_113, %get3A_28 : vector<16xf32>
      %select_n3A_115 = arith.select %le3A_114, %add3A_109, %select_n3A_106 : vector<16xi1>, vector<16xi32>
      %add3A_116 = arith.constant 32 : i32
      %add3A_117 = vector.broadcast %add3A_116 : i32 to vector<16xi32>
      %add3A_118 = arith.addi %select_n3A_115, %add3A_117 : vector<16xi32>
      %sub3A_119 = arith.constant 1 : i32
      %sub3A_120 = vector.broadcast %sub3A_119 : i32 to vector<16xi32>
      %sub3A_121 = arith.subi %add3A_118, %sub3A_120 : vector<16xi32>
      %gather3A_122 = tpu.vector_load_idx %arg9[%sub3A_121] : memref<65536xf32, #tpu.memory_space<vmem>>[vector<16xi32>], vector<16xf32>,
      %le3A_123 = arith.cmpf ole, %gather3A_122, %get3A_28 : vector<16xf32>
      %select_n3A_124 = arith.select %le3A_123, %add3A_118, %select_n3A_115 : vector<16xi1>, vector<16xi32>
      %add3A_125 = arith.constant 16 : i32
      %add3A_126 = vector.broadcast %add3A_125 : i32 to vector<16xi32>
      %add3A_127 = arith.addi %select_n3A_124, %add3A_126 : vector<16xi32>
      %sub3A_128 = arith.constant 1 : i32
      %sub3A_129 = vector.broadcast %sub3A_128 : i32 to vector<16xi32>
      %sub3A_130 = arith.subi %add3A_127, %sub3A_129 : vector<16xi32>
      %gather3A_131 = tpu.vector_load_idx %arg9[%sub3A_130] : memref<65536xf32, #tpu.memory_space<vmem>>[vector<16xi32>], vector<16xf32>,
      %le3A_132 = arith.cmpf ole, %gather3A_131, %get3A_28 : vector<16xf32>
      %select_n3A_133 = arith.select %le3A_132, %add3A_127, %select_n3A_124 : vector<16xi1>, vector<16xi32>
      %add3A_134 = arith.constant 8 : i32
      %add3A_135 = vector.broadcast %add3A_134 : i32 to vector<16xi32>
      %add3A_136 = arith.addi %select_n3A_133, %add3A_135 : vector<16xi32>
      %sub3A_137 = arith.constant 1 : i32
      %sub3A_138 = vector.broadcast %sub3A_137 : i32 to vector<16xi32>
      %sub3A_139 = arith.subi %add3A_136, %sub3A_138 : vector<16xi32>
      %gather3A_140 = tpu.vector_load_idx %arg9[%sub3A_139] : memref<65536xf32, #tpu.memory_space<vmem>>[vector<16xi32>], vector<16xf32>,
      %le3A_141 = arith.cmpf ole, %gather3A_140, %get3A_28 : vector<16xf32>
      %select_n3A_142 = arith.select %le3A_141, %add3A_136, %select_n3A_133 : vector<16xi1>, vector<16xi32>
      %add3A_143 = arith.constant 4 : i32
      %add3A_144 = vector.broadcast %add3A_143 : i32 to vector<16xi32>
      %add3A_145 = arith.addi %select_n3A_142, %add3A_144 : vector<16xi32>
      %sub3A_146 = arith.constant 1 : i32
      %sub3A_147 = vector.broadcast %sub3A_146 : i32 to vector<16xi32>
      %sub3A_148 = arith.subi %add3A_145, %sub3A_147 : vector<16xi32>
      %gather3A_149 = tpu.vector_load_idx %arg9[%sub3A_148] : memref<65536xf32, #tpu.memory_space<vmem>>[vector<16xi32>], vector<16xf32>,
      %le3A_150 = arith.cmpf ole, %gather3A_149, %get3A_28 : vector<16xf32>
      %select_n3A_151 = arith.select %le3A_150, %add3A_145, %select_n3A_142 : vector<16xi1>, vector<16xi32>
      %add3A_152 = arith.constant 2 : i32
      %add3A_153 = vector.broadcast %add3A_152 : i32 to vector<16xi32>
      %add3A_154 = arith.addi %select_n3A_151, %add3A_153 : vector<16xi32>
      %sub3A_155 = arith.constant 1 : i32
      %sub3A_156 = vector.broadcast %sub3A_155 : i32 to vector<16xi32>
      %sub3A_157 = arith.subi %add3A_154, %sub3A_156 : vector<16xi32>
      %gather3A_158 = tpu.vector_load_idx %arg9[%sub3A_157] : memref<65536xf32, #tpu.memory_space<vmem>>[vector<16xi32>], vector<16xf32>,
      %le3A_159 = arith.cmpf ole, %gather3A_158, %get3A_28 : vector<16xf32>
      %select_n3A_160 = arith.select %le3A_159, %add3A_154, %select_n3A_151 : vector<16xi1>, vector<16xi32>
      %add3A_161 = arith.constant 1 : i32
      %add3A_162 = vector.broadcast %add3A_161 : i32 to vector<16xi32>
      %add3A_163 = arith.addi %select_n3A_160, %add3A_162 : vector<16xi32>
      %sub3A_164 = arith.constant 1 : i32
      %sub3A_165 = vector.broadcast %sub3A_164 : i32 to vector<16xi32>
      %sub3A_166 = arith.subi %add3A_163, %sub3A_165 : vector<16xi32>
      %gather3A_167 = tpu.vector_load_idx %arg9[%sub3A_166] : memref<65536xf32, #tpu.memory_space<vmem>>[vector<16xi32>], vector<16xf32>,
      %le3A_168 = arith.cmpf ole, %gather3A_167, %get3A_28 : vector<16xf32>
      %select_n3A_169 = arith.select %le3A_168, %add3A_163, %select_n3A_160 : vector<16xi1>, vector<16xi32>
      %gather3A_170 = tpu.vector_load_idx %arg9[%select_n3A_169] : memref<65536xf32, #tpu.memory_space<vmem>>[vector<16xi32>], vector<16xf32>,
      %le3A_171 = arith.cmpf ole, %gather3A_170, %get3A_28 : vector<16xf32>
      %jit3A = arith.constant 1 : i32
      %jit3A_172 = arith.constant 0 : i32
      %broadcast_in_dim3A_173 = vector.broadcast %jit3A : i32 to vector<16xi32>
      %broadcast_in_dim3A_174 = vector.broadcast %jit3A_172 : i32 to vector<16xi32>
      %select_n3A_175 = arith.select %le3A_171, %broadcast_in_dim3A_173, %broadcast_in_dim3A_174 : vector<16xi1>, vector<16xi32>
      %add3A_176 = arith.addi %select_n3A_169, %select_n3A_175 : vector<16xi32>
      %min3A = arith.constant 65535 : i32
      %min3A_177 = vector.broadcast %min3A : i32 to vector<16xi32>
      %min3A_178 = arith.minsi %add3A_176, %min3A_177 : vector<16xi32>
      %mul3A_179 = arith.constant 128 : i32
      %mul3A_180 = arith.muli %scan3A_23, %mul3A_179 : i32
      %add3A_181 = arith.constant 0 : i32
      %add3A_182 = arith.addi %mul3A_180, %add3A_181 : i32
      %swap3A = arith.index_cast %add3A_182 : i32 to index
      %swap3A_183 = tpu.vector_load %arg11[%swap3A] {strides = array<i32>} : memref<2048xi32, #tpu.memory_space<vmem>>, vector<16xi32>,
      tpu.vector_store %arg11[%swap3A], %min3A_178 {strides = array<i32>} : memref<2048xi32, #tpu.memory_space<vmem>>, vector<16xi32>,
      %mul3A_184 = arith.constant 128 : i32
      %mul3A_185 = arith.muli %scan3A_23, %mul3A_184 : i32
      %add3A_186 = arith.constant 16 : i32
      %add3A_187 = arith.addi %mul3A_185, %add3A_186 : i32
      %get3A_188 = arith.index_cast %add3A_187 : i32 to index
      %get3A_189 = tpu.vector_load %arg8[%get3A_188] {strides = array<i32>} : memref<2048xf32, #tpu.memory_space<vmem>>, vector<16xf32>,
      %broadcast_in_dim3A_190 = arith.constant 0 : i32
      %broadcast_in_dim3A_191 = vector.broadcast %broadcast_in_dim3A_190 : i32 to vector<16xi32>
      %add3A_192 = arith.constant 32768 : i32
      %add3A_193 = vector.broadcast %add3A_192 : i32 to vector<16xi32>
      %add3A_194 = arith.addi %broadcast_in_dim3A_191, %add3A_193 : vector<16xi32>
      %sub3A_195 = arith.constant 1 : i32
      %sub3A_196 = vector.broadcast %sub3A_195 : i32 to vector<16xi32>
      %sub3A_197 = arith.subi %add3A_194, %sub3A_196 : vector<16xi32>
      %gather3A_198 = tpu.vector_load_idx %arg9[%sub3A_197] : memref<65536xf32, #tpu.memory_space<vmem>>[vector<16xi32>], vector<16xf32>,
      %le3A_199 = arith.cmpf ole, %gather3A_198, %get3A_189 : vector<16xf32>
      %select_n3A_200 = arith.select %le3A_199, %add3A_194, %broadcast_in_dim3A_191 : vector<16xi1>, vector<16xi32>
      %add3A_201 = arith.constant 16384 : i32
      %add3A_202 = vector.broadcast %add3A_201 : i32 to vector<16xi32>
      %add3A_203 = arith.addi %select_n3A_200, %add3A_202 : vector<16xi32>
      %sub3A_204 = arith.constant 1 : i32
      %sub3A_205 = vector.broadcast %sub3A_204 : i32 to vector<16xi32>
      %sub3A_206 = arith.subi %add3A_203, %sub3A_205 : vector<16xi32>
      %gather3A_207 = tpu.vector_load_idx %arg9[%sub3A_206] : memref<65536xf32, #tpu.memory_space<vmem>>[vector<16xi32>], vector<16xf32>,
      %le3A_208 = arith.cmpf ole, %gather3A_207, %get3A_189 : vector<16xf32>
      %select_n3A_209 = arith.select %le3A_208, %add3A_203, %select_n3A_200 : vector<16xi1>, vector<16xi32>
      %add3A_210 = arith.constant 8192 : i32
      %add3A_211 = vector.broadcast %add3A_210 : i32 to vector<16xi32>
      %add3A_212 = arith.addi %select_n3A_209, %add3A_211 : vector<16xi32>
      %sub3A_213 = arith.constant 1 : i32
      %sub3A_214 = vector.broadcast %sub3A_213 : i32 to vector<16xi32>
      %sub3A_215 = arith.subi %add3A_212, %sub3A_214 : vector<16xi32>
      %gather3A_216 = tpu.vector_load_idx %arg9[%sub3A_215] : memref<65536xf32, #tpu.memory_space<vmem>>[vector<16xi32>], vector<16xf32>,
      %le3A_217 = arith.cmpf ole, %gather3A_216, %get3A_189 : vector<16xf32>
      %select_n3A_218 = arith.select %le3A_217, %add3A_212, %select_n3A_209 : vector<16xi1>, vector<16xi32>
      %add3A_219 = arith.constant 4096 : i32
      %add3A_220 = vector.broadcast %add3A_219 : i32 to vector<16xi32>
      %add3A_221 = arith.addi %select_n3A_218, %add3A_220 : vector<16xi32>
      %sub3A_222 = arith.constant 1 : i32
      %sub3A_223 = vector.broadcast %sub3A_222 : i32 to vector<16xi32>
      %sub3A_224 = arith.subi %add3A_221, %sub3A_223 : vector<16xi32>
      %gather3A_225 = tpu.vector_load_idx %arg9[%sub3A_224] : memref<65536xf32, #tpu.memory_space<vmem>>[vector<16xi32>], vector<16xf32>,
      %le3A_226 = arith.cmpf ole, %gather3A_225, %get3A_189 : vector<16xf32>
      %select_n3A_227 = arith.select %le3A_226, %add3A_221, %select_n3A_218 : vector<16xi1>, vector<16xi32>
      %add3A_228 = arith.constant 2048 : i32
      %add3A_229 = vector.broadcast %add3A_228 : i32 to vector<16xi32>
      %add3A_230 = arith.addi %select_n3A_227, %add3A_229 : vector<16xi32>
      %sub3A_231 = arith.constant 1 : i32
      %sub3A_232 = vector.broadcast %sub3A_231 : i32 to vector<16xi32>
      %sub3A_233 = arith.subi %add3A_230, %sub3A_232 : vector<16xi32>
      %gather3A_234 = tpu.vector_load_idx %arg9[%sub3A_233] : memref<65536xf32, #tpu.memory_space<vmem>>[vector<16xi32>], vector<16xf32>,
      %le3A_235 = arith.cmpf ole, %gather3A_234, %get3A_189 : vector<16xf32>
      %select_n3A_236 = arith.select %le3A_235, %add3A_230, %select_n3A_227 : vector<16xi1>, vector<16xi32>
      %add3A_237 = arith.constant 1024 : i32
      %add3A_238 = vector.broadcast %add3A_237 : i32 to vector<16xi32>
      %add3A_239 = arith.addi %select_n3A_236, %add3A_238 : vector<16xi32>
      %sub3A_240 = arith.constant 1 : i32
      %sub3A_241 = vector.broadcast %sub3A_240 : i32 to vector<16xi32>
      %sub3A_242 = arith.subi %add3A_239, %sub3A_241 : vector<16xi32>
      %gather3A_243 = tpu.vector_load_idx %arg9[%sub3A_242] : memref<65536xf32, #tpu.memory_space<vmem>>[vector<16xi32>], vector<16xf32>,
      %le3A_244 = arith.cmpf ole, %gather3A_243, %get3A_189 : vector<16xf32>
      %select_n3A_245 = arith.select %le3A_244, %add3A_239, %select_n3A_236 : vector<16xi1>, vector<16xi32>
      %add3A_246 = arith.constant 512 : i32
      %add3A_247 = vector.broadcast %add3A_246 : i32 to vector<16xi32>
      %add3A_248 = arith.addi %select_n3A_245, %add3A_247 : vector<16xi32>
      %sub3A_249 = arith.constant 1 : i32
      %sub3A_250 = vector.broadcast %sub3A_249 : i32 to vector<16xi32>
      %sub3A_251 = arith.subi %add3A_248, %sub3A_250 : vector<16xi32>
      %gather3A_252 = tpu.vector_load_idx %arg9[%sub3A_251] : memref<65536xf32, #tpu.memory_space<vmem>>[vector<16xi32>], vector<16xf32>,
      %le3A_253 = arith.cmpf ole, %gather3A_252, %get3A_189 : vector<16xf32>
      %select_n3A_254 = arith.select %le3A_253, %add3A_248, %select_n3A_245 : vector<16xi1>, vector<16xi32>
      %add3A_255 = arith.constant 256 : i32
      %add3A_256 = vector.broadcast %add3A_255 : i32 to vector<16xi32>
      %add3A_257 = arith.addi %select_n3A_254, %add3A_256 : vector<16xi32>
      %sub3A_258 = arith.constant 1 : i32
      %sub3A_259 = vector.broadcast %sub3A_258 : i32 to vector<16xi32>
      %sub3A_260 = arith.subi %add3A_257, %sub3A_259 : vector<16xi32>
      %gather3A_261 = tpu.vector_load_idx %arg9[%sub3A_260] : memref<65536xf32, #tpu.memory_space<vmem>>[vector<16xi32>], vector<16xf32>,
      %le3A_262 = arith.cmpf ole, %gather3A_261, %get3A_189 : vector<16xf32>
      %select_n3A_263 = arith.select %le3A_262, %add3A_257, %select_n3A_254 : vector<16xi1>, vector<16xi32>
      %add3A_264 = arith.constant 128 : i32
      %add3A_265 = vector.broadcast %add3A_264 : i32 to vector<16xi32>
      %add3A_266 = arith.addi %select_n3A_263, %add3A_265 : vector<16xi32>
      %sub3A_267 = arith.constant 1 : i32
      %sub3A_268 = vector.broadcast %sub3A_267 : i32 to vector<16xi32>
      %sub3A_269 = arith.subi %add3A_266, %sub3A_268 : vector<16xi32>
      %gather3A_270 = tpu.vector_load_idx %arg9[%sub3A_269] : memref<65536xf32, #tpu.memory_space<vmem>>[vector<16xi32>], vector<16xf32>,
      %le3A_271 = arith.cmpf ole, %gather3A_270, %get3A_189 : vector<16xf32>
      %select_n3A_272 = arith.select %le3A_271, %add3A_266, %select_n3A_263 : vector<16xi1>, vector<16xi32>
      %add3A_273 = arith.constant 64 : i32
      %add3A_274 = vector.broadcast %add3A_273 : i32 to vector<16xi32>
      %add3A_275 = arith.addi %select_n3A_272, %add3A_274 : vector<16xi32>
      %sub3A_276 = arith.constant 1 : i32
      %sub3A_277 = vector.broadcast %sub3A_276 : i32 to vector<16xi32>
      %sub3A_278 = arith.subi %add3A_275, %sub3A_277 : vector<16xi32>
      %gather3A_279 = tpu.vector_load_idx %arg9[%sub3A_278] : memref<65536xf32, #tpu.memory_space<vmem>>[vector<16xi32>], vector<16xf32>,
      %le3A_280 = arith.cmpf ole, %gather3A_279, %get3A_189 : vector<16xf32>
      %select_n3A_281 = arith.select %le3A_280, %add3A_275, %select_n3A_272 : vector<16xi1>, vector<16xi32>
      %add3A_282 = arith.constant 32 : i32
      %add3A_283 = vector.broadcast %add3A_282 : i32 to vector<16xi32>
      %add3A_284 = arith.addi %select_n3A_281, %add3A_283 : vector<16xi32>
      %sub3A_285 = arith.constant 1 : i32
      %sub3A_286 = vector.broadcast %sub3A_285 : i32 to vector<16xi32>
      %sub3A_287 = arith.subi %add3A_284, %sub3A_286 : vector<16xi32>
      %gather3A_288 = tpu.vector_load_idx %arg9[%sub3A_287] : memref<65536xf32, #tpu.memory_space<vmem>>[vector<16xi32>], vector<16xf32>,
      %le3A_289 = arith.cmpf ole, %gather3A_288, %get3A_189 : vector<16xf32>
      %select_n3A_290 = arith.select %le3A_289, %add3A_284, %select_n3A_281 : vector<16xi1>, vector<16xi32>
      %add3A_291 = arith.constant 16 : i32
      %add3A_292 = vector.broadcast %add3A_291 : i32 to vector<16xi32>
      %add3A_293 = arith.addi %select_n3A_290, %add3A_292 : vector<16xi32>
      %sub3A_294 = arith.constant 1 : i32
      %sub3A_295 = vector.broadcast %sub3A_294 : i32 to vector<16xi32>
      %sub3A_296 = arith.subi %add3A_293, %sub3A_295 : vector<16xi32>
      %gather3A_297 = tpu.vector_load_idx %arg9[%sub3A_296] : memref<65536xf32, #tpu.memory_space<vmem>>[vector<16xi32>], vector<16xf32>,
      %le3A_298 = arith.cmpf ole, %gather3A_297, %get3A_189 : vector<16xf32>
      %select_n3A_299 = arith.select %le3A_298, %add3A_293, %select_n3A_290 : vector<16xi1>, vector<16xi32>
      %add3A_300 = arith.constant 8 : i32
      %add3A_301 = vector.broadcast %add3A_300 : i32 to vector<16xi32>
      %add3A_302 = arith.addi %select_n3A_299, %add3A_301 : vector<16xi32>
      %sub3A_303 = arith.constant 1 : i32
      %sub3A_304 = vector.broadcast %sub3A_303 : i32 to vector<16xi32>
      %sub3A_305 = arith.subi %add3A_302, %sub3A_304 : vector<16xi32>
      %gather3A_306 = tpu.vector_load_idx %arg9[%sub3A_305] : memref<65536xf32, #tpu.memory_space<vmem>>[vector<16xi32>], vector<16xf32>,
      %le3A_307 = arith.cmpf ole, %gather3A_306, %get3A_189 : vector<16xf32>
      %select_n3A_308 = arith.select %le3A_307, %add3A_302, %select_n3A_299 : vector<16xi1>, vector<16xi32>
      %add3A_309 = arith.constant 4 : i32
      %add3A_310 = vector.broadcast %add3A_309 : i32 to vector<16xi32>
      %add3A_311 = arith.addi %select_n3A_308, %add3A_310 : vector<16xi32>
      %sub3A_312 = arith.constant 1 : i32
      %sub3A_313 = vector.broadcast %sub3A_312 : i32 to vector<16xi32>
      %sub3A_314 = arith.subi %add3A_311, %sub3A_313 : vector<16xi32>
      %gather3A_315 = tpu.vector_load_idx %arg9[%sub3A_314] : memref<65536xf32, #tpu.memory_space<vmem>>[vector<16xi32>], vector<16xf32>,
      %le3A_316 = arith.cmpf ole, %gather3A_315, %get3A_189 : vector<16xf32>
      %select_n3A_317 = arith.select %le3A_316, %add3A_311, %select_n3A_308 : vector<16xi1>, vector<16xi32>
      %add3A_318 = arith.constant 2 : i32
      %add3A_319 = vector.broadcast %add3A_318 : i32 to vector<16xi32>
      %add3A_320 = arith.addi %select_n3A_317, %add3A_319 : vector<16xi32>
      %sub3A_321 = arith.constant 1 : i32
      %sub3A_322 = vector.broadcast %sub3A_321 : i32 to vector<16xi32>
      %sub3A_323 = arith.subi %add3A_320, %sub3A_322 : vector<16xi32>
      %gather3A_324 = tpu.vector_load_idx %arg9[%sub3A_323] : memref<65536xf32, #tpu.memory_space<vmem>>[vector<16xi32>], vector<16xf32>,
      %le3A_325 = arith.cmpf ole, %gather3A_324, %get3A_189 : vector<16xf32>
      %select_n3A_326 = arith.select %le3A_325, %add3A_320, %select_n3A_317 : vector<16xi1>, vector<16xi32>
      %add3A_327 = arith.constant 1 : i32
      %add3A_328 = vector.broadcast %add3A_327 : i32 to vector<16xi32>
      %add3A_329 = arith.addi %select_n3A_326, %add3A_328 : vector<16xi32>
      %sub3A_330 = arith.constant 1 : i32
      %sub3A_331 = vector.broadcast %sub3A_330 : i32 to vector<16xi32>
      %sub3A_332 = arith.subi %add3A_329, %sub3A_331 : vector<16xi32>
      %gather3A_333 = tpu.vector_load_idx %arg9[%sub3A_332] : memref<65536xf32, #tpu.memory_space<vmem>>[vector<16xi32>], vector<16xf32>,
      %le3A_334 = arith.cmpf ole, %gather3A_333, %get3A_189 : vector<16xf32>
      %select_n3A_335 = arith.select %le3A_334, %add3A_329, %select_n3A_326 : vector<16xi1>, vector<16xi32>
      %gather3A_336 = tpu.vector_load_idx %arg9[%select_n3A_335] : memref<65536xf32, #tpu.memory_space<vmem>>[vector<16xi32>], vector<16xf32>,
      %le3A_337 = arith.cmpf ole, %gather3A_336, %get3A_189 : vector<16xf32>
      %jit3A_338 = arith.constant 1 : i32
      %jit3A_339 = arith.constant 0 : i32
      %broadcast_in_dim3A_340 = vector.broadcast %jit3A_338 : i32 to vector<16xi32>
      %broadcast_in_dim3A_341 = vector.broadcast %jit3A_339 : i32 to vector<16xi32>
      %select_n3A_342 = arith.select %le3A_337, %broadcast_in_dim3A_340, %broadcast_in_dim3A_341 : vector<16xi1>, vector<16xi32>
      %add3A_343 = arith.addi %select_n3A_335, %select_n3A_342 : vector<16xi32>
      %min3A_344 = arith.constant 65535 : i32
      %min3A_345 = vector.broadcast %min3A_344 : i32 to vector<16xi32>
      %min3A_346 = arith.minsi %add3A_343, %min3A_345 : vector<16xi32>
      %mul3A_347 = arith.constant 128 : i32
      %mul3A_348 = arith.muli %scan3A_23, %mul3A_347 : i32
      %add3A_349 = arith.constant 16 : i32
      %add3A_350 = arith.addi %mul3A_348, %add3A_349 : i32
      %swap3A_351 = arith.index_cast %add3A_350 : i32 to index
      %swap3A_352 = tpu.vector_load %arg11[%swap3A_351] {strides = array<i32>} : memref<2048xi32, #tpu.memory_space<vmem>>, vector<16xi32>,
      tpu.vector_store %arg11[%swap3A_351], %min3A_346 {strides = array<i32>} : memref<2048xi32, #tpu.memory_space<vmem>>, vector<16xi32>,
      %mul3A_353 = arith.constant 128 : i32
      %mul3A_354 = arith.muli %scan3A_23, %mul3A_353 : i32
      %add3A_355 = arith.constant 32 : i32
      %add3A_356 = arith.addi %mul3A_354, %add3A_355 : i32
      %get3A_357 = arith.index_cast %add3A_356 : i32 to index
      %get3A_358 = tpu.vector_load %arg8[%get3A_357] {strides = array<i32>} : memref<2048xf32, #tpu.memory_space<vmem>>, vector<16xf32>,
      %broadcast_in_dim3A_359 = arith.constant 0 : i32
      %broadcast_in_dim3A_360 = vector.broadcast %broadcast_in_dim3A_359 : i32 to vector<16xi32>
      %add3A_361 = arith.constant 32768 : i32
      %add3A_362 = vector.broadcast %add3A_361 : i32 to vector<16xi32>
      %add3A_363 = arith.addi %broadcast_in_dim3A_360, %add3A_362 : vector<16xi32>
      %sub3A_364 = arith.constant 1 : i32
      %sub3A_365 = vector.broadcast %sub3A_364 : i32 to vector<16xi32>
      %sub3A_366 = arith.subi %add3A_363, %sub3A_365 : vector<16xi32>
      %gather3A_367 = tpu.vector_load_idx %arg9[%sub3A_366] : memref<65536xf32, #tpu.memory_space<vmem>>[vector<16xi32>], vector<16xf32>,
      %le3A_368 = arith.cmpf ole, %gather3A_367, %get3A_358 : vector<16xf32>
      %select_n3A_369 = arith.select %le3A_368, %add3A_363, %broadcast_in_dim3A_360 : vector<16xi1>, vector<16xi32>
      %add3A_370 = arith.constant 16384 : i32
      %add3A_371 = vector.broadcast %add3A_370 : i32 to vector<16xi32>
      %add3A_372 = arith.addi %select_n3A_369, %add3A_371 : vector<16xi32>
      %sub3A_373 = arith.constant 1 : i32
      %sub3A_374 = vector.broadcast %sub3A_373 : i32 to vector<16xi32>
      %sub3A_375 = arith.subi %add3A_372, %sub3A_374 : vector<16xi32>
      %gather3A_376 = tpu.vector_load_idx %arg9[%sub3A_375] : memref<65536xf32, #tpu.memory_space<vmem>>[vector<16xi32>], vector<16xf32>,
      %le3A_377 = arith.cmpf ole, %gather3A_376, %get3A_358 : vector<16xf32>
      %select_n3A_378 = arith.select %le3A_377, %add3A_372, %select_n3A_369 : vector<16xi1>, vector<16xi32>
      %add3A_379 = arith.constant 8192 : i32
      %add3A_380 = vector.broadcast %add3A_379 : i32 to vector<16xi32>
      %add3A_381 = arith.addi %select_n3A_378, %add3A_380 : vector<16xi32>
      %sub3A_382 = arith.constant 1 : i32
      %sub3A_383 = vector.broadcast %sub3A_382 : i32 to vector<16xi32>
      %sub3A_384 = arith.subi %add3A_381, %sub3A_383 : vector<16xi32>
      %gather3A_385 = tpu.vector_load_idx %arg9[%sub3A_384] : memref<65536xf32, #tpu.memory_space<vmem>>[vector<16xi32>], vector<16xf32>,
      %le3A_386 = arith.cmpf ole, %gather3A_385, %get3A_358 : vector<16xf32>
      %select_n3A_387 = arith.select %le3A_386, %add3A_381, %select_n3A_378 : vector<16xi1>, vector<16xi32>
      %add3A_388 = arith.constant 4096 : i32
      %add3A_389 = vector.broadcast %add3A_388 : i32 to vector<16xi32>
      %add3A_390 = arith.addi %select_n3A_387, %add3A_389 : vector<16xi32>
      %sub3A_391 = arith.constant 1 : i32
      %sub3A_392 = vector.broadcast %sub3A_391 : i32 to vector<16xi32>
      %sub3A_393 = arith.subi %add3A_390, %sub3A_392 : vector<16xi32>
      %gather3A_394 = tpu.vector_load_idx %arg9[%sub3A_393] : memref<65536xf32, #tpu.memory_space<vmem>>[vector<16xi32>], vector<16xf32>,
      %le3A_395 = arith.cmpf ole, %gather3A_394, %get3A_358 : vector<16xf32>
      %select_n3A_396 = arith.select %le3A_395, %add3A_390, %select_n3A_387 : vector<16xi1>, vector<16xi32>
      %add3A_397 = arith.constant 2048 : i32
      %add3A_398 = vector.broadcast %add3A_397 : i32 to vector<16xi32>
      %add3A_399 = arith.addi %select_n3A_396, %add3A_398 : vector<16xi32>
      %sub3A_400 = arith.constant 1 : i32
      %sub3A_401 = vector.broadcast %sub3A_400 : i32 to vector<16xi32>
      %sub3A_402 = arith.subi %add3A_399, %sub3A_401 : vector<16xi32>
      %gather3A_403 = tpu.vector_load_idx %arg9[%sub3A_402] : memref<65536xf32, #tpu.memory_space<vmem>>[vector<16xi32>], vector<16xf32>,
      %le3A_404 = arith.cmpf ole, %gather3A_403, %get3A_358 : vector<16xf32>
      %select_n3A_405 = arith.select %le3A_404, %add3A_399, %select_n3A_396 : vector<16xi1>, vector<16xi32>
      %add3A_406 = arith.constant 1024 : i32
      %add3A_407 = vector.broadcast %add3A_406 : i32 to vector<16xi32>
      %add3A_408 = arith.addi %select_n3A_405, %add3A_407 : vector<16xi32>
      %sub3A_409 = arith.constant 1 : i32
      %sub3A_410 = vector.broadcast %sub3A_409 : i32 to vector<16xi32>
      %sub3A_411 = arith.subi %add3A_408, %sub3A_410 : vector<16xi32>
      %gather3A_412 = tpu.vector_load_idx %arg9[%sub3A_411] : memref<65536xf32, #tpu.memory_space<vmem>>[vector<16xi32>], vector<16xf32>,
      %le3A_413 = arith.cmpf ole, %gather3A_412, %get3A_358 : vector<16xf32>
      %select_n3A_414 = arith.select %le3A_413, %add3A_408, %select_n3A_405 : vector<16xi1>, vector<16xi32>
      %add3A_415 = arith.constant 512 : i32
      %add3A_416 = vector.broadcast %add3A_415 : i32 to vector<16xi32>
      %add3A_417 = arith.addi %select_n3A_414, %add3A_416 : vector<16xi32>
      %sub3A_418 = arith.constant 1 : i32
      %sub3A_419 = vector.broadcast %sub3A_418 : i32 to vector<16xi32>
      %sub3A_420 = arith.subi %add3A_417, %sub3A_419 : vector<16xi32>
      %gather3A_421 = tpu.vector_load_idx %arg9[%sub3A_420] : memref<65536xf32, #tpu.memory_space<vmem>>[vector<16xi32>], vector<16xf32>,
      %le3A_422 = arith.cmpf ole, %gather3A_421, %get3A_358 : vector<16xf32>
      %select_n3A_423 = arith.select %le3A_422, %add3A_417, %select_n3A_414 : vector<16xi1>, vector<16xi32>
      %add3A_424 = arith.constant 256 : i32
      %add3A_425 = vector.broadcast %add3A_424 : i32 to vector<16xi32>
      %add3A_426 = arith.addi %select_n3A_423, %add3A_425 : vector<16xi32>
      %sub3A_427 = arith.constant 1 : i32
      %sub3A_428 = vector.broadcast %sub3A_427 : i32 to vector<16xi32>
      %sub3A_429 = arith.subi %add3A_426, %sub3A_428 : vector<16xi32>
      %gather3A_430 = tpu.vector_load_idx %arg9[%sub3A_429] : memref<65536xf32, #tpu.memory_space<vmem>>[vector<16xi32>], vector<16xf32>,
      %le3A_431 = arith.cmpf ole, %gather3A_430, %get3A_358 : vector<16xf32>
      %select_n3A_432 = arith.select %le3A_431, %add3A_426, %select_n3A_423 : vector<16xi1>, vector<16xi32>
      %add3A_433 = arith.constant 128 : i32
      %add3A_434 = vector.broadcast %add3A_433 : i32 to vector<16xi32>
      %add3A_435 = arith.addi %select_n3A_432, %add3A_434 : vector<16xi32>
      %sub3A_436 = arith.constant 1 : i32
      %sub3A_437 = vector.broadcast %sub3A_436 : i32 to vector<16xi32>
      %sub3A_438 = arith.subi %add3A_435, %sub3A_437 : vector<16xi32>
      %gather3A_439 = tpu.vector_load_idx %arg9[%sub3A_438] : memref<65536xf32, #tpu.memory_space<vmem>>[vector<16xi32>], vector<16xf32>,
      %le3A_440 = arith.cmpf ole, %gather3A_439, %get3A_358 : vector<16xf32>
      %select_n3A_441 = arith.select %le3A_440, %add3A_435, %select_n3A_432 : vector<16xi1>, vector<16xi32>
      %add3A_442 = arith.constant 64 : i32
      %add3A_443 = vector.broadcast %add3A_442 : i32 to vector<16xi32>
      %add3A_444 = arith.addi %select_n3A_441, %add3A_443 : vector<16xi32>
      %sub3A_445 = arith.constant 1 : i32
      %sub3A_446 = vector.broadcast %sub3A_445 : i32 to vector<16xi32>
      %sub3A_447 = arith.subi %add3A_444, %sub3A_446 : vector<16xi32>
      %gather3A_448 = tpu.vector_load_idx %arg9[%sub3A_447] : memref<65536xf32, #tpu.memory_space<vmem>>[vector<16xi32>], vector<16xf32>,
      %le3A_449 = arith.cmpf ole, %gather3A_448, %get3A_358 : vector<16xf32>
      %select_n3A_450 = arith.select %le3A_449, %add3A_444, %select_n3A_441 : vector<16xi1>, vector<16xi32>
      %add3A_451 = arith.constant 32 : i32
      %add3A_452 = vector.broadcast %add3A_451 : i32 to vector<16xi32>
      %add3A_453 = arith.addi %select_n3A_450, %add3A_452 : vector<16xi32>
      %sub3A_454 = arith.constant 1 : i32
      %sub3A_455 = vector.broadcast %sub3A_454 : i32 to vector<16xi32>
      %sub3A_456 = arith.subi %add3A_453, %sub3A_455 : vector<16xi32>
      %gather3A_457 = tpu.vector_load_idx %arg9[%sub3A_456] : memref<65536xf32, #tpu.memory_space<vmem>>[vector<16xi32>], vector<16xf32>,
      %le3A_458 = arith.cmpf ole, %gather3A_457, %get3A_358 : vector<16xf32>
      %select_n3A_459 = arith.select %le3A_458, %add3A_453, %select_n3A_450 : vector<16xi1>, vector<16xi32>
      %add3A_460 = arith.constant 16 : i32
      %add3A_461 = vector.broadcast %add3A_460 : i32 to vector<16xi32>
      %add3A_462 = arith.addi %select_n3A_459, %add3A_461 : vector<16xi32>
      %sub3A_463 = arith.constant 1 : i32
      %sub3A_464 = vector.broadcast %sub3A_463 : i32 to vector<16xi32>
      %sub3A_465 = arith.subi %add3A_462, %sub3A_464 : vector<16xi32>
      %gather3A_466 = tpu.vector_load_idx %arg9[%sub3A_465] : memref<65536xf32, #tpu.memory_space<vmem>>[vector<16xi32>], vector<16xf32>,
      %le3A_467 = arith.cmpf ole, %gather3A_466, %get3A_358 : vector<16xf32>
      %select_n3A_468 = arith.select %le3A_467, %add3A_462, %select_n3A_459 : vector<16xi1>, vector<16xi32>
      %add3A_469 = arith.constant 8 : i32
      %add3A_470 = vector.broadcast %add3A_469 : i32 to vector<16xi32>
      %add3A_471 = arith.addi %select_n3A_468, %add3A_470 : vector<16xi32>
      %sub3A_472 = arith.constant 1 : i32
      %sub3A_473 = vector.broadcast %sub3A_472 : i32 to vector<16xi32>
      %sub3A_474 = arith.subi %add3A_471, %sub3A_473 : vector<16xi32>
      %gather3A_475 = tpu.vector_load_idx %arg9[%sub3A_474] : memref<65536xf32, #tpu.memory_space<vmem>>[vector<16xi32>], vector<16xf32>,
      %le3A_476 = arith.cmpf ole, %gather3A_475, %get3A_358 : vector<16xf32>
      %select_n3A_477 = arith.select %le3A_476, %add3A_471, %select_n3A_468 : vector<16xi1>, vector<16xi32>
      %add3A_478 = arith.constant 4 : i32
      %add3A_479 = vector.broadcast %add3A_478 : i32 to vector<16xi32>
      %add3A_480 = arith.addi %select_n3A_477, %add3A_479 : vector<16xi32>
      %sub3A_481 = arith.constant 1 : i32
      %sub3A_482 = vector.broadcast %sub3A_481 : i32 to vector<16xi32>
      %sub3A_483 = arith.subi %add3A_480, %sub3A_482 : vector<16xi32>
      %gather3A_484 = tpu.vector_load_idx %arg9[%sub3A_483] : memref<65536xf32, #tpu.memory_space<vmem>>[vector<16xi32>], vector<16xf32>,
      %le3A_485 = arith.cmpf ole, %gather3A_484, %get3A_358 : vector<16xf32>
      %select_n3A_486 = arith.select %le3A_485, %add3A_480, %select_n3A_477 : vector<16xi1>, vector<16xi32>
      %add3A_487 = arith.constant 2 : i32
      %add3A_488 = vector.broadcast %add3A_487 : i32 to vector<16xi32>
      %add3A_489 = arith.addi %select_n3A_486, %add3A_488 : vector<16xi32>
      %sub3A_490 = arith.constant 1 : i32
      %sub3A_491 = vector.broadcast %sub3A_490 : i32 to vector<16xi32>
      %sub3A_492 = arith.subi %add3A_489, %sub3A_491 : vector<16xi32>
      %gather3A_493 = tpu.vector_load_idx %arg9[%sub3A_492] : memref<65536xf32, #tpu.memory_space<vmem>>[vector<16xi32>], vector<16xf32>,
      %le3A_494 = arith.cmpf ole, %gather3A_493, %get3A_358 : vector<16xf32>
      %select_n3A_495 = arith.select %le3A_494, %add3A_489, %select_n3A_486 : vector<16xi1>, vector<16xi32>
      %add3A_496 = arith.constant 1 : i32
      %add3A_497 = vector.broadcast %add3A_496 : i32 to vector<16xi32>
      %add3A_498 = arith.addi %select_n3A_495, %add3A_497 : vector<16xi32>
      %sub3A_499 = arith.constant 1 : i32
      %sub3A_500 = vector.broadcast %sub3A_499 : i32 to vector<16xi32>
      %sub3A_501 = arith.subi %add3A_498, %sub3A_500 : vector<16xi32>
      %gather3A_502 = tpu.vector_load_idx %arg9[%sub3A_501] : memref<65536xf32, #tpu.memory_space<vmem>>[vector<16xi32>], vector<16xf32>,
      %le3A_503 = arith.cmpf ole, %gather3A_502, %get3A_358 : vector<16xf32>
      %select_n3A_504 = arith.select %le3A_503, %add3A_498, %select_n3A_495 : vector<16xi1>, vector<16xi32>
      %gather3A_505 = tpu.vector_load_idx %arg9[%select_n3A_504] : memref<65536xf32, #tpu.memory_space<vmem>>[vector<16xi32>], vector<16xf32>,
      %le3A_506 = arith.cmpf ole, %gather3A_505, %get3A_358 : vector<16xf32>
      %jit3A_507 = arith.constant 1 : i32
      %jit3A_508 = arith.constant 0 : i32
      %broadcast_in_dim3A_509 = vector.broadcast %jit3A_507 : i32 to vector<16xi32>
      %broadcast_in_dim3A_510 = vector.broadcast %jit3A_508 : i32 to vector<16xi32>
      %select_n3A_511 = arith.select %le3A_506, %broadcast_in_dim3A_509, %broadcast_in_dim3A_510 : vector<16xi1>, vector<16xi32>
      %add3A_512 = arith.addi %select_n3A_504, %select_n3A_511 : vector<16xi32>
      %min3A_513 = arith.constant 65535 : i32
      %min3A_514 = vector.broadcast %min3A_513 : i32 to vector<16xi32>
      %min3A_515 = arith.minsi %add3A_512, %min3A_514 : vector<16xi32>
      %mul3A_516 = arith.constant 128 : i32
      %mul3A_517 = arith.muli %scan3A_23, %mul3A_516 : i32
      %add3A_518 = arith.constant 32 : i32
      %add3A_519 = arith.addi %mul3A_517, %add3A_518 : i32
      %swap3A_520 = arith.index_cast %add3A_519 : i32 to index
      %swap3A_521 = tpu.vector_load %arg11[%swap3A_520] {strides = array<i32>} : memref<2048xi32, #tpu.memory_space<vmem>>, vector<16xi32>,
      tpu.vector_store %arg11[%swap3A_520], %min3A_515 {strides = array<i32>} : memref<2048xi32, #tpu.memory_space<vmem>>, vector<16xi32>,
      %mul3A_522 = arith.constant 128 : i32
      %mul3A_523 = arith.muli %scan3A_23, %mul3A_522 : i32
      %add3A_524 = arith.constant 48 : i32
      %add3A_525 = arith.addi %mul3A_523, %add3A_524 : i32
      %get3A_526 = arith.index_cast %add3A_525 : i32 to index
      %get3A_527 = tpu.vector_load %arg8[%get3A_526] {strides = array<i32>} : memref<2048xf32, #tpu.memory_space<vmem>>, vector<16xf32>,
      %broadcast_in_dim3A_528 = arith.constant 0 : i32
      %broadcast_in_dim3A_529 = vector.broadcast %broadcast_in_dim3A_528 : i32 to vector<16xi32>
      %add3A_530 = arith.constant 32768 : i32
      %add3A_531 = vector.broadcast %add3A_530 : i32 to vector<16xi32>
      %add3A_532 = arith.addi %broadcast_in_dim3A_529, %add3A_531 : vector<16xi32>
      %sub3A_533 = arith.constant 1 : i32
      %sub3A_534 = vector.broadcast %sub3A_533 : i32 to vector<16xi32>
      %sub3A_535 = arith.subi %add3A_532, %sub3A_534 : vector<16xi32>
      %gather3A_536 = tpu.vector_load_idx %arg9[%sub3A_535] : memref<65536xf32, #tpu.memory_space<vmem>>[vector<16xi32>], vector<16xf32>,
      %le3A_537 = arith.cmpf ole, %gather3A_536, %get3A_527 : vector<16xf32>
      %select_n3A_538 = arith.select %le3A_537, %add3A_532, %broadcast_in_dim3A_529 : vector<16xi1>, vector<16xi32>
      %add3A_539 = arith.constant 16384 : i32
      %add3A_540 = vector.broadcast %add3A_539 : i32 to vector<16xi32>
      %add3A_541 = arith.addi %select_n3A_538, %add3A_540 : vector<16xi32>
      %sub3A_542 = arith.constant 1 : i32
      %sub3A_543 = vector.broadcast %sub3A_542 : i32 to vector<16xi32>
      %sub3A_544 = arith.subi %add3A_541, %sub3A_543 : vector<16xi32>
      %gather3A_545 = tpu.vector_load_idx %arg9[%sub3A_544] : memref<65536xf32, #tpu.memory_space<vmem>>[vector<16xi32>], vector<16xf32>,
      %le3A_546 = arith.cmpf ole, %gather3A_545, %get3A_527 : vector<16xf32>
      %select_n3A_547 = arith.select %le3A_546, %add3A_541, %select_n3A_538 : vector<16xi1>, vector<16xi32>
      %add3A_548 = arith.constant 8192 : i32
      %add3A_549 = vector.broadcast %add3A_548 : i32 to vector<16xi32>
      %add3A_550 = arith.addi %select_n3A_547, %add3A_549 : vector<16xi32>
      %sub3A_551 = arith.constant 1 : i32
      %sub3A_552 = vector.broadcast %sub3A_551 : i32 to vector<16xi32>
      %sub3A_553 = arith.subi %add3A_550, %sub3A_552 : vector<16xi32>
      %gather3A_554 = tpu.vector_load_idx %arg9[%sub3A_553] : memref<65536xf32, #tpu.memory_space<vmem>>[vector<16xi32>], vector<16xf32>,
      %le3A_555 = arith.cmpf ole, %gather3A_554, %get3A_527 : vector<16xf32>
      %select_n3A_556 = arith.select %le3A_555, %add3A_550, %select_n3A_547 : vector<16xi1>, vector<16xi32>
      %add3A_557 = arith.constant 4096 : i32
      %add3A_558 = vector.broadcast %add3A_557 : i32 to vector<16xi32>
      %add3A_559 = arith.addi %select_n3A_556, %add3A_558 : vector<16xi32>
      %sub3A_560 = arith.constant 1 : i32
      %sub3A_561 = vector.broadcast %sub3A_560 : i32 to vector<16xi32>
      %sub3A_562 = arith.subi %add3A_559, %sub3A_561 : vector<16xi32>
      %gather3A_563 = tpu.vector_load_idx %arg9[%sub3A_562] : memref<65536xf32, #tpu.memory_space<vmem>>[vector<16xi32>], vector<16xf32>,
      %le3A_564 = arith.cmpf ole, %gather3A_563, %get3A_527 : vector<16xf32>
      %select_n3A_565 = arith.select %le3A_564, %add3A_559, %select_n3A_556 : vector<16xi1>, vector<16xi32>
      %add3A_566 = arith.constant 2048 : i32
      %add3A_567 = vector.broadcast %add3A_566 : i32 to vector<16xi32>
      %add3A_568 = arith.addi %select_n3A_565, %add3A_567 : vector<16xi32>
      %sub3A_569 = arith.constant 1 : i32
      %sub3A_570 = vector.broadcast %sub3A_569 : i32 to vector<16xi32>
      %sub3A_571 = arith.subi %add3A_568, %sub3A_570 : vector<16xi32>
      %gather3A_572 = tpu.vector_load_idx %arg9[%sub3A_571] : memref<65536xf32, #tpu.memory_space<vmem>>[vector<16xi32>], vector<16xf32>,
      %le3A_573 = arith.cmpf ole, %gather3A_572, %get3A_527 : vector<16xf32>
      %select_n3A_574 = arith.select %le3A_573, %add3A_568, %select_n3A_565 : vector<16xi1>, vector<16xi32>
      %add3A_575 = arith.constant 1024 : i32
      %add3A_576 = vector.broadcast %add3A_575 : i32 to vector<16xi32>
      %add3A_577 = arith.addi %select_n3A_574, %add3A_576 : vector<16xi32>
      %sub3A_578 = arith.constant 1 : i32
      %sub3A_579 = vector.broadcast %sub3A_578 : i32 to vector<16xi32>
      %sub3A_580 = arith.subi %add3A_577, %sub3A_579 : vector<16xi32>
      %gather3A_581 = tpu.vector_load_idx %arg9[%sub3A_580] : memref<65536xf32, #tpu.memory_space<vmem>>[vector<16xi32>], vector<16xf32>,
      %le3A_582 = arith.cmpf ole, %gather3A_581, %get3A_527 : vector<16xf32>
      %select_n3A_583 = arith.select %le3A_582, %add3A_577, %select_n3A_574 : vector<16xi1>, vector<16xi32>
      %add3A_584 = arith.constant 512 : i32
      %add3A_585 = vector.broadcast %add3A_584 : i32 to vector<16xi32>
      %add3A_586 = arith.addi %select_n3A_583, %add3A_585 : vector<16xi32>
      %sub3A_587 = arith.constant 1 : i32
      %sub3A_588 = vector.broadcast %sub3A_587 : i32 to vector<16xi32>
      %sub3A_589 = arith.subi %add3A_586, %sub3A_588 : vector<16xi32>
      %gather3A_590 = tpu.vector_load_idx %arg9[%sub3A_589] : memref<65536xf32, #tpu.memory_space<vmem>>[vector<16xi32>], vector<16xf32>,
      %le3A_591 = arith.cmpf ole, %gather3A_590, %get3A_527 : vector<16xf32>
      %select_n3A_592 = arith.select %le3A_591, %add3A_586, %select_n3A_583 : vector<16xi1>, vector<16xi32>
      %add3A_593 = arith.constant 256 : i32
      %add3A_594 = vector.broadcast %add3A_593 : i32 to vector<16xi32>
      %add3A_595 = arith.addi %select_n3A_592, %add3A_594 : vector<16xi32>
      %sub3A_596 = arith.constant 1 : i32
      %sub3A_597 = vector.broadcast %sub3A_596 : i32 to vector<16xi32>
      %sub3A_598 = arith.subi %add3A_595, %sub3A_597 : vector<16xi32>
      %gather3A_599 = tpu.vector_load_idx %arg9[%sub3A_598] : memref<65536xf32, #tpu.memory_space<vmem>>[vector<16xi32>], vector<16xf32>,
      %le3A_600 = arith.cmpf ole, %gather3A_599, %get3A_527 : vector<16xf32>
      %select_n3A_601 = arith.select %le3A_600, %add3A_595, %select_n3A_592 : vector<16xi1>, vector<16xi32>
      %add3A_602 = arith.constant 128 : i32
      %add3A_603 = vector.broadcast %add3A_602 : i32 to vector<16xi32>
      %add3A_604 = arith.addi %select_n3A_601, %add3A_603 : vector<16xi32>
      %sub3A_605 = arith.constant 1 : i32
      %sub3A_606 = vector.broadcast %sub3A_605 : i32 to vector<16xi32>
      %sub3A_607 = arith.subi %add3A_604, %sub3A_606 : vector<16xi32>
      %gather3A_608 = tpu.vector_load_idx %arg9[%sub3A_607] : memref<65536xf32, #tpu.memory_space<vmem>>[vector<16xi32>], vector<16xf32>,
      %le3A_609 = arith.cmpf ole, %gather3A_608, %get3A_527 : vector<16xf32>
      %select_n3A_610 = arith.select %le3A_609, %add3A_604, %select_n3A_601 : vector<16xi1>, vector<16xi32>
      %add3A_611 = arith.constant 64 : i32
      %add3A_612 = vector.broadcast %add3A_611 : i32 to vector<16xi32>
      %add3A_613 = arith.addi %select_n3A_610, %add3A_612 : vector<16xi32>
      %sub3A_614 = arith.constant 1 : i32
      %sub3A_615 = vector.broadcast %sub3A_614 : i32 to vector<16xi32>
      %sub3A_616 = arith.subi %add3A_613, %sub3A_615 : vector<16xi32>
      %gather3A_617 = tpu.vector_load_idx %arg9[%sub3A_616] : memref<65536xf32, #tpu.memory_space<vmem>>[vector<16xi32>], vector<16xf32>,
      %le3A_618 = arith.cmpf ole, %gather3A_617, %get3A_527 : vector<16xf32>
      %select_n3A_619 = arith.select %le3A_618, %add3A_613, %select_n3A_610 : vector<16xi1>, vector<16xi32>
      %add3A_620 = arith.constant 32 : i32
      %add3A_621 = vector.broadcast %add3A_620 : i32 to vector<16xi32>
      %add3A_622 = arith.addi %select_n3A_619, %add3A_621 : vector<16xi32>
      %sub3A_623 = arith.constant 1 : i32
      %sub3A_624 = vector.broadcast %sub3A_623 : i32 to vector<16xi32>
      %sub3A_625 = arith.subi %add3A_622, %sub3A_624 : vector<16xi32>
      %gather3A_626 = tpu.vector_load_idx %arg9[%sub3A_625] : memref<65536xf32, #tpu.memory_space<vmem>>[vector<16xi32>], vector<16xf32>,
      %le3A_627 = arith.cmpf ole, %gather3A_626, %get3A_527 : vector<16xf32>
      %select_n3A_628 = arith.select %le3A_627, %add3A_622, %select_n3A_619 : vector<16xi1>, vector<16xi32>
      %add3A_629 = arith.constant 16 : i32
      %add3A_630 = vector.broadcast %add3A_629 : i32 to vector<16xi32>
      %add3A_631 = arith.addi %select_n3A_628, %add3A_630 : vector<16xi32>
      %sub3A_632 = arith.constant 1 : i32
      %sub3A_633 = vector.broadcast %sub3A_632 : i32 to vector<16xi32>
      %sub3A_634 = arith.subi %add3A_631, %sub3A_633 : vector<16xi32>
      %gather3A_635 = tpu.vector_load_idx %arg9[%sub3A_634] : memref<65536xf32, #tpu.memory_space<vmem>>[vector<16xi32>], vector<16xf32>,
      %le3A_636 = arith.cmpf ole, %gather3A_635, %get3A_527 : vector<16xf32>
      %select_n3A_637 = arith.select %le3A_636, %add3A_631, %select_n3A_628 : vector<16xi1>, vector<16xi32>
      %add3A_638 = arith.constant 8 : i32
      %add3A_639 = vector.broadcast %add3A_638 : i32 to vector<16xi32>
      %add3A_640 = arith.addi %select_n3A_637, %add3A_639 : vector<16xi32>
      %sub3A_641 = arith.constant 1 : i32
      %sub3A_642 = vector.broadcast %sub3A_641 : i32 to vector<16xi32>
      %sub3A_643 = arith.subi %add3A_640, %sub3A_642 : vector<16xi32>
      %gather3A_644 = tpu.vector_load_idx %arg9[%sub3A_643] : memref<65536xf32, #tpu.memory_space<vmem>>[vector<16xi32>], vector<16xf32>,
      %le3A_645 = arith.cmpf ole, %gather3A_644, %get3A_527 : vector<16xf32>
      %select_n3A_646 = arith.select %le3A_645, %add3A_640, %select_n3A_637 : vector<16xi1>, vector<16xi32>
      %add3A_647 = arith.constant 4 : i32
      %add3A_648 = vector.broadcast %add3A_647 : i32 to vector<16xi32>
      %add3A_649 = arith.addi %select_n3A_646, %add3A_648 : vector<16xi32>
      %sub3A_650 = arith.constant 1 : i32
      %sub3A_651 = vector.broadcast %sub3A_650 : i32 to vector<16xi32>
      %sub3A_652 = arith.subi %add3A_649, %sub3A_651 : vector<16xi32>
      %gather3A_653 = tpu.vector_load_idx %arg9[%sub3A_652] : memref<65536xf32, #tpu.memory_space<vmem>>[vector<16xi32>], vector<16xf32>,
      %le3A_654 = arith.cmpf ole, %gather3A_653, %get3A_527 : vector<16xf32>
      %select_n3A_655 = arith.select %le3A_654, %add3A_649, %select_n3A_646 : vector<16xi1>, vector<16xi32>
      %add3A_656 = arith.constant 2 : i32
      %add3A_657 = vector.broadcast %add3A_656 : i32 to vector<16xi32>
      %add3A_658 = arith.addi %select_n3A_655, %add3A_657 : vector<16xi32>
      %sub3A_659 = arith.constant 1 : i32
      %sub3A_660 = vector.broadcast %sub3A_659 : i32 to vector<16xi32>
      %sub3A_661 = arith.subi %add3A_658, %sub3A_660 : vector<16xi32>
      %gather3A_662 = tpu.vector_load_idx %arg9[%sub3A_661] : memref<65536xf32, #tpu.memory_space<vmem>>[vector<16xi32>], vector<16xf32>,
      %le3A_663 = arith.cmpf ole, %gather3A_662, %get3A_527 : vector<16xf32>
      %select_n3A_664 = arith.select %le3A_663, %add3A_658, %select_n3A_655 : vector<16xi1>, vector<16xi32>
      %add3A_665 = arith.constant 1 : i32
      %add3A_666 = vector.broadcast %add3A_665 : i32 to vector<16xi32>
      %add3A_667 = arith.addi %select_n3A_664, %add3A_666 : vector<16xi32>
      %sub3A_668 = arith.constant 1 : i32
      %sub3A_669 = vector.broadcast %sub3A_668 : i32 to vector<16xi32>
      %sub3A_670 = arith.subi %add3A_667, %sub3A_669 : vector<16xi32>
      %gather3A_671 = tpu.vector_load_idx %arg9[%sub3A_670] : memref<65536xf32, #tpu.memory_space<vmem>>[vector<16xi32>], vector<16xf32>,
      %le3A_672 = arith.cmpf ole, %gather3A_671, %get3A_527 : vector<16xf32>
      %select_n3A_673 = arith.select %le3A_672, %add3A_667, %select_n3A_664 : vector<16xi1>, vector<16xi32>
      %gather3A_674 = tpu.vector_load_idx %arg9[%select_n3A_673] : memref<65536xf32, #tpu.memory_space<vmem>>[vector<16xi32>], vector<16xf32>,
      %le3A_675 = arith.cmpf ole, %gather3A_674, %get3A_527 : vector<16xf32>
      %jit3A_676 = arith.constant 1 : i32
      %jit3A_677 = arith.constant 0 : i32
      %broadcast_in_dim3A_678 = vector.broadcast %jit3A_676 : i32 to vector<16xi32>
      %broadcast_in_dim3A_679 = vector.broadcast %jit3A_677 : i32 to vector<16xi32>
      %select_n3A_680 = arith.select %le3A_675, %broadcast_in_dim3A_678, %broadcast_in_dim3A_679 : vector<16xi1>, vector<16xi32>
      %add3A_681 = arith.addi %select_n3A_673, %select_n3A_680 : vector<16xi32>
      %min3A_682 = arith.constant 65535 : i32
      %min3A_683 = vector.broadcast %min3A_682 : i32 to vector<16xi32>
      %min3A_684 = arith.minsi %add3A_681, %min3A_683 : vector<16xi32>
      %mul3A_685 = arith.constant 128 : i32
      %mul3A_686 = arith.muli %scan3A_23, %mul3A_685 : i32
      %add3A_687 = arith.constant 48 : i32
      %add3A_688 = arith.addi %mul3A_686, %add3A_687 : i32
      %swap3A_689 = arith.index_cast %add3A_688 : i32 to index
      %swap3A_690 = tpu.vector_load %arg11[%swap3A_689] {strides = array<i32>} : memref<2048xi32, #tpu.memory_space<vmem>>, vector<16xi32>,
      tpu.vector_store %arg11[%swap3A_689], %min3A_684 {strides = array<i32>} : memref<2048xi32, #tpu.memory_space<vmem>>, vector<16xi32>,
      %mul3A_691 = arith.constant 128 : i32
      %mul3A_692 = arith.muli %scan3A_23, %mul3A_691 : i32
      %add3A_693 = arith.constant 64 : i32
      %add3A_694 = arith.addi %mul3A_692, %add3A_693 : i32
      %get3A_695 = arith.index_cast %add3A_694 : i32 to index
      %get3A_696 = tpu.vector_load %arg8[%get3A_695] {strides = array<i32>} : memref<2048xf32, #tpu.memory_space<vmem>>, vector<16xf32>,
      %broadcast_in_dim3A_697 = arith.constant 0 : i32
      %broadcast_in_dim3A_698 = vector.broadcast %broadcast_in_dim3A_697 : i32 to vector<16xi32>
      %add3A_699 = arith.constant 32768 : i32
      %add3A_700 = vector.broadcast %add3A_699 : i32 to vector<16xi32>
      %add3A_701 = arith.addi %broadcast_in_dim3A_698, %add3A_700 : vector<16xi32>
      %sub3A_702 = arith.constant 1 : i32
      %sub3A_703 = vector.broadcast %sub3A_702 : i32 to vector<16xi32>
      %sub3A_704 = arith.subi %add3A_701, %sub3A_703 : vector<16xi32>
      %gather3A_705 = tpu.vector_load_idx %arg9[%sub3A_704] : memref<65536xf32, #tpu.memory_space<vmem>>[vector<16xi32>], vector<16xf32>,
      %le3A_706 = arith.cmpf ole, %gather3A_705, %get3A_696 : vector<16xf32>
      %select_n3A_707 = arith.select %le3A_706, %add3A_701, %broadcast_in_dim3A_698 : vector<16xi1>, vector<16xi32>
      %add3A_708 = arith.constant 16384 : i32
      %add3A_709 = vector.broadcast %add3A_708 : i32 to vector<16xi32>
      %add3A_710 = arith.addi %select_n3A_707, %add3A_709 : vector<16xi32>
      %sub3A_711 = arith.constant 1 : i32
      %sub3A_712 = vector.broadcast %sub3A_711 : i32 to vector<16xi32>
      %sub3A_713 = arith.subi %add3A_710, %sub3A_712 : vector<16xi32>
      %gather3A_714 = tpu.vector_load_idx %arg9[%sub3A_713] : memref<65536xf32, #tpu.memory_space<vmem>>[vector<16xi32>], vector<16xf32>,
      %le3A_715 = arith.cmpf ole, %gather3A_714, %get3A_696 : vector<16xf32>
      %select_n3A_716 = arith.select %le3A_715, %add3A_710, %select_n3A_707 : vector<16xi1>, vector<16xi32>
      %add3A_717 = arith.constant 8192 : i32
      %add3A_718 = vector.broadcast %add3A_717 : i32 to vector<16xi32>
      %add3A_719 = arith.addi %select_n3A_716, %add3A_718 : vector<16xi32>
      %sub3A_720 = arith.constant 1 : i32
      %sub3A_721 = vector.broadcast %sub3A_720 : i32 to vector<16xi32>
      %sub3A_722 = arith.subi %add3A_719, %sub3A_721 : vector<16xi32>
      %gather3A_723 = tpu.vector_load_idx %arg9[%sub3A_722] : memref<65536xf32, #tpu.memory_space<vmem>>[vector<16xi32>], vector<16xf32>,
      %le3A_724 = arith.cmpf ole, %gather3A_723, %get3A_696 : vector<16xf32>
      %select_n3A_725 = arith.select %le3A_724, %add3A_719, %select_n3A_716 : vector<16xi1>, vector<16xi32>
      %add3A_726 = arith.constant 4096 : i32
      %add3A_727 = vector.broadcast %add3A_726 : i32 to vector<16xi32>
      %add3A_728 = arith.addi %select_n3A_725, %add3A_727 : vector<16xi32>
      %sub3A_729 = arith.constant 1 : i32
      %sub3A_730 = vector.broadcast %sub3A_729 : i32 to vector<16xi32>
      %sub3A_731 = arith.subi %add3A_728, %sub3A_730 : vector<16xi32>
      %gather3A_732 = tpu.vector_load_idx %arg9[%sub3A_731] : memref<65536xf32, #tpu.memory_space<vmem>>[vector<16xi32>], vector<16xf32>,
      %le3A_733 = arith.cmpf ole, %gather3A_732, %get3A_696 : vector<16xf32>
      %select_n3A_734 = arith.select %le3A_733, %add3A_728, %select_n3A_725 : vector<16xi1>, vector<16xi32>
      %add3A_735 = arith.constant 2048 : i32
      %add3A_736 = vector.broadcast %add3A_735 : i32 to vector<16xi32>
      %add3A_737 = arith.addi %select_n3A_734, %add3A_736 : vector<16xi32>
      %sub3A_738 = arith.constant 1 : i32
      %sub3A_739 = vector.broadcast %sub3A_738 : i32 to vector<16xi32>
      %sub3A_740 = arith.subi %add3A_737, %sub3A_739 : vector<16xi32>
      %gather3A_741 = tpu.vector_load_idx %arg9[%sub3A_740] : memref<65536xf32, #tpu.memory_space<vmem>>[vector<16xi32>], vector<16xf32>,
      %le3A_742 = arith.cmpf ole, %gather3A_741, %get3A_696 : vector<16xf32>
      %select_n3A_743 = arith.select %le3A_742, %add3A_737, %select_n3A_734 : vector<16xi1>, vector<16xi32>
      %add3A_744 = arith.constant 1024 : i32
      %add3A_745 = vector.broadcast %add3A_744 : i32 to vector<16xi32>
      %add3A_746 = arith.addi %select_n3A_743, %add3A_745 : vector<16xi32>
      %sub3A_747 = arith.constant 1 : i32
      %sub3A_748 = vector.broadcast %sub3A_747 : i32 to vector<16xi32>
      %sub3A_749 = arith.subi %add3A_746, %sub3A_748 : vector<16xi32>
      %gather3A_750 = tpu.vector_load_idx %arg9[%sub3A_749] : memref<65536xf32, #tpu.memory_space<vmem>>[vector<16xi32>], vector<16xf32>,
      %le3A_751 = arith.cmpf ole, %gather3A_750, %get3A_696 : vector<16xf32>
      %select_n3A_752 = arith.select %le3A_751, %add3A_746, %select_n3A_743 : vector<16xi1>, vector<16xi32>
      %add3A_753 = arith.constant 512 : i32
      %add3A_754 = vector.broadcast %add3A_753 : i32 to vector<16xi32>
      %add3A_755 = arith.addi %select_n3A_752, %add3A_754 : vector<16xi32>
      %sub3A_756 = arith.constant 1 : i32
      %sub3A_757 = vector.broadcast %sub3A_756 : i32 to vector<16xi32>
      %sub3A_758 = arith.subi %add3A_755, %sub3A_757 : vector<16xi32>
      %gather3A_759 = tpu.vector_load_idx %arg9[%sub3A_758] : memref<65536xf32, #tpu.memory_space<vmem>>[vector<16xi32>], vector<16xf32>,
      %le3A_760 = arith.cmpf ole, %gather3A_759, %get3A_696 : vector<16xf32>
      %select_n3A_761 = arith.select %le3A_760, %add3A_755, %select_n3A_752 : vector<16xi1>, vector<16xi32>
      %add3A_762 = arith.constant 256 : i32
      %add3A_763 = vector.broadcast %add3A_762 : i32 to vector<16xi32>
      %add3A_764 = arith.addi %select_n3A_761, %add3A_763 : vector<16xi32>
      %sub3A_765 = arith.constant 1 : i32
      %sub3A_766 = vector.broadcast %sub3A_765 : i32 to vector<16xi32>
      %sub3A_767 = arith.subi %add3A_764, %sub3A_766 : vector<16xi32>
      %gather3A_768 = tpu.vector_load_idx %arg9[%sub3A_767] : memref<65536xf32, #tpu.memory_space<vmem>>[vector<16xi32>], vector<16xf32>,
      %le3A_769 = arith.cmpf ole, %gather3A_768, %get3A_696 : vector<16xf32>
      %select_n3A_770 = arith.select %le3A_769, %add3A_764, %select_n3A_761 : vector<16xi1>, vector<16xi32>
      %add3A_771 = arith.constant 128 : i32
      %add3A_772 = vector.broadcast %add3A_771 : i32 to vector<16xi32>
      %add3A_773 = arith.addi %select_n3A_770, %add3A_772 : vector<16xi32>
      %sub3A_774 = arith.constant 1 : i32
      %sub3A_775 = vector.broadcast %sub3A_774 : i32 to vector<16xi32>
      %sub3A_776 = arith.subi %add3A_773, %sub3A_775 : vector<16xi32>
      %gather3A_777 = tpu.vector_load_idx %arg9[%sub3A_776] : memref<65536xf32, #tpu.memory_space<vmem>>[vector<16xi32>], vector<16xf32>,
      %le3A_778 = arith.cmpf ole, %gather3A_777, %get3A_696 : vector<16xf32>
      %select_n3A_779 = arith.select %le3A_778, %add3A_773, %select_n3A_770 : vector<16xi1>, vector<16xi32>
      %add3A_780 = arith.constant 64 : i32
      %add3A_781 = vector.broadcast %add3A_780 : i32 to vector<16xi32>
      %add3A_782 = arith.addi %select_n3A_779, %add3A_781 : vector<16xi32>
      %sub3A_783 = arith.constant 1 : i32
      %sub3A_784 = vector.broadcast %sub3A_783 : i32 to vector<16xi32>
      %sub3A_785 = arith.subi %add3A_782, %sub3A_784 : vector<16xi32>
      %gather3A_786 = tpu.vector_load_idx %arg9[%sub3A_785] : memref<65536xf32, #tpu.memory_space<vmem>>[vector<16xi32>], vector<16xf32>,
      %le3A_787 = arith.cmpf ole, %gather3A_786, %get3A_696 : vector<16xf32>
      %select_n3A_788 = arith.select %le3A_787, %add3A_782, %select_n3A_779 : vector<16xi1>, vector<16xi32>
      %add3A_789 = arith.constant 32 : i32
      %add3A_790 = vector.broadcast %add3A_789 : i32 to vector<16xi32>
      %add3A_791 = arith.addi %select_n3A_788, %add3A_790 : vector<16xi32>
      %sub3A_792 = arith.constant 1 : i32
      %sub3A_793 = vector.broadcast %sub3A_792 : i32 to vector<16xi32>
      %sub3A_794 = arith.subi %add3A_791, %sub3A_793 : vector<16xi32>
      %gather3A_795 = tpu.vector_load_idx %arg9[%sub3A_794] : memref<65536xf32, #tpu.memory_space<vmem>>[vector<16xi32>], vector<16xf32>,
      %le3A_796 = arith.cmpf ole, %gather3A_795, %get3A_696 : vector<16xf32>
      %select_n3A_797 = arith.select %le3A_796, %add3A_791, %select_n3A_788 : vector<16xi1>, vector<16xi32>
      %add3A_798 = arith.constant 16 : i32
      %add3A_799 = vector.broadcast %add3A_798 : i32 to vector<16xi32>
      %add3A_800 = arith.addi %select_n3A_797, %add3A_799 : vector<16xi32>
      %sub3A_801 = arith.constant 1 : i32
      %sub3A_802 = vector.broadcast %sub3A_801 : i32 to vector<16xi32>
      %sub3A_803 = arith.subi %add3A_800, %sub3A_802 : vector<16xi32>
      %gather3A_804 = tpu.vector_load_idx %arg9[%sub3A_803] : memref<65536xf32, #tpu.memory_space<vmem>>[vector<16xi32>], vector<16xf32>,
      %le3A_805 = arith.cmpf ole, %gather3A_804, %get3A_696 : vector<16xf32>
      %select_n3A_806 = arith.select %le3A_805, %add3A_800, %select_n3A_797 : vector<16xi1>, vector<16xi32>
      %add3A_807 = arith.constant 8 : i32
      %add3A_808 = vector.broadcast %add3A_807 : i32 to vector<16xi32>
      %add3A_809 = arith.addi %select_n3A_806, %add3A_808 : vector<16xi32>
      %sub3A_810 = arith.constant 1 : i32
      %sub3A_811 = vector.broadcast %sub3A_810 : i32 to vector<16xi32>
      %sub3A_812 = arith.subi %add3A_809, %sub3A_811 : vector<16xi32>
      %gather3A_813 = tpu.vector_load_idx %arg9[%sub3A_812] : memref<65536xf32, #tpu.memory_space<vmem>>[vector<16xi32>], vector<16xf32>,
      %le3A_814 = arith.cmpf ole, %gather3A_813, %get3A_696 : vector<16xf32>
      %select_n3A_815 = arith.select %le3A_814, %add3A_809, %select_n3A_806 : vector<16xi1>, vector<16xi32>
      %add3A_816 = arith.constant 4 : i32
      %add3A_817 = vector.broadcast %add3A_816 : i32 to vector<16xi32>
      %add3A_818 = arith.addi %select_n3A_815, %add3A_817 : vector<16xi32>
      %sub3A_819 = arith.constant 1 : i32
      %sub3A_820 = vector.broadcast %sub3A_819 : i32 to vector<16xi32>
      %sub3A_821 = arith.subi %add3A_818, %sub3A_820 : vector<16xi32>
      %gather3A_822 = tpu.vector_load_idx %arg9[%sub3A_821] : memref<65536xf32, #tpu.memory_space<vmem>>[vector<16xi32>], vector<16xf32>,
      %le3A_823 = arith.cmpf ole, %gather3A_822, %get3A_696 : vector<16xf32>
      %select_n3A_824 = arith.select %le3A_823, %add3A_818, %select_n3A_815 : vector<16xi1>, vector<16xi32>
      %add3A_825 = arith.constant 2 : i32
      %add3A_826 = vector.broadcast %add3A_825 : i32 to vector<16xi32>
      %add3A_827 = arith.addi %select_n3A_824, %add3A_826 : vector<16xi32>
      %sub3A_828 = arith.constant 1 : i32
      %sub3A_829 = vector.broadcast %sub3A_828 : i32 to vector<16xi32>
      %sub3A_830 = arith.subi %add3A_827, %sub3A_829 : vector<16xi32>
      %gather3A_831 = tpu.vector_load_idx %arg9[%sub3A_830] : memref<65536xf32, #tpu.memory_space<vmem>>[vector<16xi32>], vector<16xf32>,
      %le3A_832 = arith.cmpf ole, %gather3A_831, %get3A_696 : vector<16xf32>
      %select_n3A_833 = arith.select %le3A_832, %add3A_827, %select_n3A_824 : vector<16xi1>, vector<16xi32>
      %add3A_834 = arith.constant 1 : i32
      %add3A_835 = vector.broadcast %add3A_834 : i32 to vector<16xi32>
      %add3A_836 = arith.addi %select_n3A_833, %add3A_835 : vector<16xi32>
      %sub3A_837 = arith.constant 1 : i32
      %sub3A_838 = vector.broadcast %sub3A_837 : i32 to vector<16xi32>
      %sub3A_839 = arith.subi %add3A_836, %sub3A_838 : vector<16xi32>
      %gather3A_840 = tpu.vector_load_idx %arg9[%sub3A_839] : memref<65536xf32, #tpu.memory_space<vmem>>[vector<16xi32>], vector<16xf32>,
      %le3A_841 = arith.cmpf ole, %gather3A_840, %get3A_696 : vector<16xf32>
      %select_n3A_842 = arith.select %le3A_841, %add3A_836, %select_n3A_833 : vector<16xi1>, vector<16xi32>
      %gather3A_843 = tpu.vector_load_idx %arg9[%select_n3A_842] : memref<65536xf32, #tpu.memory_space<vmem>>[vector<16xi32>], vector<16xf32>,
      %le3A_844 = arith.cmpf ole, %gather3A_843, %get3A_696 : vector<16xf32>
      %jit3A_845 = arith.constant 1 : i32
      %jit3A_846 = arith.constant 0 : i32
      %broadcast_in_dim3A_847 = vector.broadcast %jit3A_845 : i32 to vector<16xi32>
      %broadcast_in_dim3A_848 = vector.broadcast %jit3A_846 : i32 to vector<16xi32>
      %select_n3A_849 = arith.select %le3A_844, %broadcast_in_dim3A_847, %broadcast_in_dim3A_848 : vector<16xi1>, vector<16xi32>
      %add3A_850 = arith.addi %select_n3A_842, %select_n3A_849 : vector<16xi32>
      %min3A_851 = arith.constant 65535 : i32
      %min3A_852 = vector.broadcast %min3A_851 : i32 to vector<16xi32>
      %min3A_853 = arith.minsi %add3A_850, %min3A_852 : vector<16xi32>
      %mul3A_854 = arith.constant 128 : i32
      %mul3A_855 = arith.muli %scan3A_23, %mul3A_854 : i32
      %add3A_856 = arith.constant 64 : i32
      %add3A_857 = arith.addi %mul3A_855, %add3A_856 : i32
      %swap3A_858 = arith.index_cast %add3A_857 : i32 to index
      %swap3A_859 = tpu.vector_load %arg11[%swap3A_858] {strides = array<i32>} : memref<2048xi32, #tpu.memory_space<vmem>>, vector<16xi32>,
      tpu.vector_store %arg11[%swap3A_858], %min3A_853 {strides = array<i32>} : memref<2048xi32, #tpu.memory_space<vmem>>, vector<16xi32>,
      %mul3A_860 = arith.constant 128 : i32
      %mul3A_861 = arith.muli %scan3A_23, %mul3A_860 : i32
      %add3A_862 = arith.constant 80 : i32
      %add3A_863 = arith.addi %mul3A_861, %add3A_862 : i32
      %get3A_864 = arith.index_cast %add3A_863 : i32 to index
      %get3A_865 = tpu.vector_load %arg8[%get3A_864] {strides = array<i32>} : memref<2048xf32, #tpu.memory_space<vmem>>, vector<16xf32>,
      %broadcast_in_dim3A_866 = arith.constant 0 : i32
      %broadcast_in_dim3A_867 = vector.broadcast %broadcast_in_dim3A_866 : i32 to vector<16xi32>
      %add3A_868 = arith.constant 32768 : i32
      %add3A_869 = vector.broadcast %add3A_868 : i32 to vector<16xi32>
      %add3A_870 = arith.addi %broadcast_in_dim3A_867, %add3A_869 : vector<16xi32>
      %sub3A_871 = arith.constant 1 : i32
      %sub3A_872 = vector.broadcast %sub3A_871 : i32 to vector<16xi32>
      %sub3A_873 = arith.subi %add3A_870, %sub3A_872 : vector<16xi32>
      %gather3A_874 = tpu.vector_load_idx %arg9[%sub3A_873] : memref<65536xf32, #tpu.memory_space<vmem>>[vector<16xi32>], vector<16xf32>,
      %le3A_875 = arith.cmpf ole, %gather3A_874, %get3A_865 : vector<16xf32>
      %select_n3A_876 = arith.select %le3A_875, %add3A_870, %broadcast_in_dim3A_867 : vector<16xi1>, vector<16xi32>
      %add3A_877 = arith.constant 16384 : i32
      %add3A_878 = vector.broadcast %add3A_877 : i32 to vector<16xi32>
      %add3A_879 = arith.addi %select_n3A_876, %add3A_878 : vector<16xi32>
      %sub3A_880 = arith.constant 1 : i32
      %sub3A_881 = vector.broadcast %sub3A_880 : i32 to vector<16xi32>
      %sub3A_882 = arith.subi %add3A_879, %sub3A_881 : vector<16xi32>
      %gather3A_883 = tpu.vector_load_idx %arg9[%sub3A_882] : memref<65536xf32, #tpu.memory_space<vmem>>[vector<16xi32>], vector<16xf32>,
      %le3A_884 = arith.cmpf ole, %gather3A_883, %get3A_865 : vector<16xf32>
      %select_n3A_885 = arith.select %le3A_884, %add3A_879, %select_n3A_876 : vector<16xi1>, vector<16xi32>
      %add3A_886 = arith.constant 8192 : i32
      %add3A_887 = vector.broadcast %add3A_886 : i32 to vector<16xi32>
      %add3A_888 = arith.addi %select_n3A_885, %add3A_887 : vector<16xi32>
      %sub3A_889 = arith.constant 1 : i32
      %sub3A_890 = vector.broadcast %sub3A_889 : i32 to vector<16xi32>
      %sub3A_891 = arith.subi %add3A_888, %sub3A_890 : vector<16xi32>
      %gather3A_892 = tpu.vector_load_idx %arg9[%sub3A_891] : memref<65536xf32, #tpu.memory_space<vmem>>[vector<16xi32>], vector<16xf32>,
      %le3A_893 = arith.cmpf ole, %gather3A_892, %get3A_865 : vector<16xf32>
      %select_n3A_894 = arith.select %le3A_893, %add3A_888, %select_n3A_885 : vector<16xi1>, vector<16xi32>
      %add3A_895 = arith.constant 4096 : i32
      %add3A_896 = vector.broadcast %add3A_895 : i32 to vector<16xi32>
      %add3A_897 = arith.addi %select_n3A_894, %add3A_896 : vector<16xi32>
      %sub3A_898 = arith.constant 1 : i32
      %sub3A_899 = vector.broadcast %sub3A_898 : i32 to vector<16xi32>
      %sub3A_900 = arith.subi %add3A_897, %sub3A_899 : vector<16xi32>
      %gather3A_901 = tpu.vector_load_idx %arg9[%sub3A_900] : memref<65536xf32, #tpu.memory_space<vmem>>[vector<16xi32>], vector<16xf32>,
      %le3A_902 = arith.cmpf ole, %gather3A_901, %get3A_865 : vector<16xf32>
      %select_n3A_903 = arith.select %le3A_902, %add3A_897, %select_n3A_894 : vector<16xi1>, vector<16xi32>
      %add3A_904 = arith.constant 2048 : i32
      %add3A_905 = vector.broadcast %add3A_904 : i32 to vector<16xi32>
      %add3A_906 = arith.addi %select_n3A_903, %add3A_905 : vector<16xi32>
      %sub3A_907 = arith.constant 1 : i32
      %sub3A_908 = vector.broadcast %sub3A_907 : i32 to vector<16xi32>
      %sub3A_909 = arith.subi %add3A_906, %sub3A_908 : vector<16xi32>
      %gather3A_910 = tpu.vector_load_idx %arg9[%sub3A_909] : memref<65536xf32, #tpu.memory_space<vmem>>[vector<16xi32>], vector<16xf32>,
      %le3A_911 = arith.cmpf ole, %gather3A_910, %get3A_865 : vector<16xf32>
      %select_n3A_912 = arith.select %le3A_911, %add3A_906, %select_n3A_903 : vector<16xi1>, vector<16xi32>
      %add3A_913 = arith.constant 1024 : i32
      %add3A_914 = vector.broadcast %add3A_913 : i32 to vector<16xi32>
      %add3A_915 = arith.addi %select_n3A_912, %add3A_914 : vector<16xi32>
      %sub3A_916 = arith.constant 1 : i32
      %sub3A_917 = vector.broadcast %sub3A_916 : i32 to vector<16xi32>
      %sub3A_918 = arith.subi %add3A_915, %sub3A_917 : vector<16xi32>
      %gather3A_919 = tpu.vector_load_idx %arg9[%sub3A_918] : memref<65536xf32, #tpu.memory_space<vmem>>[vector<16xi32>], vector<16xf32>,
      %le3A_920 = arith.cmpf ole, %gather3A_919, %get3A_865 : vector<16xf32>
      %select_n3A_921 = arith.select %le3A_920, %add3A_915, %select_n3A_912 : vector<16xi1>, vector<16xi32>
      %add3A_922 = arith.constant 512 : i32
      %add3A_923 = vector.broadcast %add3A_922 : i32 to vector<16xi32>
      %add3A_924 = arith.addi %select_n3A_921, %add3A_923 : vector<16xi32>
      %sub3A_925 = arith.constant 1 : i32
      %sub3A_926 = vector.broadcast %sub3A_925 : i32 to vector<16xi32>
      %sub3A_927 = arith.subi %add3A_924, %sub3A_926 : vector<16xi32>
      %gather3A_928 = tpu.vector_load_idx %arg9[%sub3A_927] : memref<65536xf32, #tpu.memory_space<vmem>>[vector<16xi32>], vector<16xf32>,
      %le3A_929 = arith.cmpf ole, %gather3A_928, %get3A_865 : vector<16xf32>
      %select_n3A_930 = arith.select %le3A_929, %add3A_924, %select_n3A_921 : vector<16xi1>, vector<16xi32>
      %add3A_931 = arith.constant 256 : i32
      %add3A_932 = vector.broadcast %add3A_931 : i32 to vector<16xi32>
      %add3A_933 = arith.addi %select_n3A_930, %add3A_932 : vector<16xi32>
      %sub3A_934 = arith.constant 1 : i32
      %sub3A_935 = vector.broadcast %sub3A_934 : i32 to vector<16xi32>
      %sub3A_936 = arith.subi %add3A_933, %sub3A_935 : vector<16xi32>
      %gather3A_937 = tpu.vector_load_idx %arg9[%sub3A_936] : memref<65536xf32, #tpu.memory_space<vmem>>[vector<16xi32>], vector<16xf32>,
      %le3A_938 = arith.cmpf ole, %gather3A_937, %get3A_865 : vector<16xf32>
      %select_n3A_939 = arith.select %le3A_938, %add3A_933, %select_n3A_930 : vector<16xi1>, vector<16xi32>
      %add3A_940 = arith.constant 128 : i32
      %add3A_941 = vector.broadcast %add3A_940 : i32 to vector<16xi32>
      %add3A_942 = arith.addi %select_n3A_939, %add3A_941 : vector<16xi32>
      %sub3A_943 = arith.constant 1 : i32
      %sub3A_944 = vector.broadcast %sub3A_943 : i32 to vector<16xi32>
      %sub3A_945 = arith.subi %add3A_942, %sub3A_944 : vector<16xi32>
      %gather3A_946 = tpu.vector_load_idx %arg9[%sub3A_945] : memref<65536xf32, #tpu.memory_space<vmem>>[vector<16xi32>], vector<16xf32>,
      %le3A_947 = arith.cmpf ole, %gather3A_946, %get3A_865 : vector<16xf32>
      %select_n3A_948 = arith.select %le3A_947, %add3A_942, %select_n3A_939 : vector<16xi1>, vector<16xi32>
      %add3A_949 = arith.constant 64 : i32
      %add3A_950 = vector.broadcast %add3A_949 : i32 to vector<16xi32>
      %add3A_951 = arith.addi %select_n3A_948, %add3A_950 : vector<16xi32>
      %sub3A_952 = arith.constant 1 : i32
      %sub3A_953 = vector.broadcast %sub3A_952 : i32 to vector<16xi32>
      %sub3A_954 = arith.subi %add3A_951, %sub3A_953 : vector<16xi32>
      %gather3A_955 = tpu.vector_load_idx %arg9[%sub3A_954] : memref<65536xf32, #tpu.memory_space<vmem>>[vector<16xi32>], vector<16xf32>,
      %le3A_956 = arith.cmpf ole, %gather3A_955, %get3A_865 : vector<16xf32>
      %select_n3A_957 = arith.select %le3A_956, %add3A_951, %select_n3A_948 : vector<16xi1>, vector<16xi32>
      %add3A_958 = arith.constant 32 : i32
      %add3A_959 = vector.broadcast %add3A_958 : i32 to vector<16xi32>
      %add3A_960 = arith.addi %select_n3A_957, %add3A_959 : vector<16xi32>
      %sub3A_961 = arith.constant 1 : i32
      %sub3A_962 = vector.broadcast %sub3A_961 : i32 to vector<16xi32>
      %sub3A_963 = arith.subi %add3A_960, %sub3A_962 : vector<16xi32>
      %gather3A_964 = tpu.vector_load_idx %arg9[%sub3A_963] : memref<65536xf32, #tpu.memory_space<vmem>>[vector<16xi32>], vector<16xf32>,
      %le3A_965 = arith.cmpf ole, %gather3A_964, %get3A_865 : vector<16xf32>
      %select_n3A_966 = arith.select %le3A_965, %add3A_960, %select_n3A_957 : vector<16xi1>, vector<16xi32>
      %add3A_967 = arith.constant 16 : i32
      %add3A_968 = vector.broadcast %add3A_967 : i32 to vector<16xi32>
      %add3A_969 = arith.addi %select_n3A_966, %add3A_968 : vector<16xi32>
      %sub3A_970 = arith.constant 1 : i32
      %sub3A_971 = vector.broadcast %sub3A_970 : i32 to vector<16xi32>
      %sub3A_972 = arith.subi %add3A_969, %sub3A_971 : vector<16xi32>
      %gather3A_973 = tpu.vector_load_idx %arg9[%sub3A_972] : memref<65536xf32, #tpu.memory_space<vmem>>[vector<16xi32>], vector<16xf32>,
      %le3A_974 = arith.cmpf ole, %gather3A_973, %get3A_865 : vector<16xf32>
      %select_n3A_975 = arith.select %le3A_974, %add3A_969, %select_n3A_966 : vector<16xi1>, vector<16xi32>
      %add3A_976 = arith.constant 8 : i32
      %add3A_977 = vector.broadcast %add3A_976 : i32 to vector<16xi32>
      %add3A_978 = arith.addi %select_n3A_975, %add3A_977 : vector<16xi32>
      %sub3A_979 = arith.constant 1 : i32
      %sub3A_980 = vector.broadcast %sub3A_979 : i32 to vector<16xi32>
      %sub3A_981 = arith.subi %add3A_978, %sub3A_980 : vector<16xi32>
      %gather3A_982 = tpu.vector_load_idx %arg9[%sub3A_981] : memref<65536xf32, #tpu.memory_space<vmem>>[vector<16xi32>], vector<16xf32>,
      %le3A_983 = arith.cmpf ole, %gather3A_982, %get3A_865 : vector<16xf32>
      %select_n3A_984 = arith.select %le3A_983, %add3A_978, %select_n3A_975 : vector<16xi1>, vector<16xi32>
      %add3A_985 = arith.constant 4 : i32
      %add3A_986 = vector.broadcast %add3A_985 : i32 to vector<16xi32>
      %add3A_987 = arith.addi %select_n3A_984, %add3A_986 : vector<16xi32>
      %sub3A_988 = arith.constant 1 : i32
      %sub3A_989 = vector.broadcast %sub3A_988 : i32 to vector<16xi32>
      %sub3A_990 = arith.subi %add3A_987, %sub3A_989 : vector<16xi32>
      %gather3A_991 = tpu.vector_load_idx %arg9[%sub3A_990] : memref<65536xf32, #tpu.memory_space<vmem>>[vector<16xi32>], vector<16xf32>,
      %le3A_992 = arith.cmpf ole, %gather3A_991, %get3A_865 : vector<16xf32>
      %select_n3A_993 = arith.select %le3A_992, %add3A_987, %select_n3A_984 : vector<16xi1>, vector<16xi32>
      %add3A_994 = arith.constant 2 : i32
      %add3A_995 = vector.broadcast %add3A_994 : i32 to vector<16xi32>
      %add3A_996 = arith.addi %select_n3A_993, %add3A_995 : vector<16xi32>
      %sub3A_997 = arith.constant 1 : i32
      %sub3A_998 = vector.broadcast %sub3A_997 : i32 to vector<16xi32>
      %sub3A_999 = arith.subi %add3A_996, %sub3A_998 : vector<16xi32>
      %gather3A_1000 = tpu.vector_load_idx %arg9[%sub3A_999] : memref<65536xf32, #tpu.memory_space<vmem>>[vector<16xi32>], vector<16xf32>,
      %le3A_1001 = arith.cmpf ole, %gather3A_1000, %get3A_865 : vector<16xf32>
      %select_n3A_1002 = arith.select %le3A_1001, %add3A_996, %select_n3A_993 : vector<16xi1>, vector<16xi32>
      %add3A_1003 = arith.constant 1 : i32
      %add3A_1004 = vector.broadcast %add3A_1003 : i32 to vector<16xi32>
      %add3A_1005 = arith.addi %select_n3A_1002, %add3A_1004 : vector<16xi32>
      %sub3A_1006 = arith.constant 1 : i32
      %sub3A_1007 = vector.broadcast %sub3A_1006 : i32 to vector<16xi32>
      %sub3A_1008 = arith.subi %add3A_1005, %sub3A_1007 : vector<16xi32>
      %gather3A_1009 = tpu.vector_load_idx %arg9[%sub3A_1008] : memref<65536xf32, #tpu.memory_space<vmem>>[vector<16xi32>], vector<16xf32>,
      %le3A_1010 = arith.cmpf ole, %gather3A_1009, %get3A_865 : vector<16xf32>
      %select_n3A_1011 = arith.select %le3A_1010, %add3A_1005, %select_n3A_1002 : vector<16xi1>, vector<16xi32>
      %gather3A_1012 = tpu.vector_load_idx %arg9[%select_n3A_1011] : memref<65536xf32, #tpu.memory_space<vmem>>[vector<16xi32>], vector<16xf32>,
      %le3A_1013 = arith.cmpf ole, %gather3A_1012, %get3A_865 : vector<16xf32>
      %jit3A_1014 = arith.constant 1 : i32
      %jit3A_1015 = arith.constant 0 : i32
      %broadcast_in_dim3A_1016 = vector.broadcast %jit3A_1014 : i32 to vector<16xi32>
      %broadcast_in_dim3A_1017 = vector.broadcast %jit3A_1015 : i32 to vector<16xi32>
      %select_n3A_1018 = arith.select %le3A_1013, %broadcast_in_dim3A_1016, %broadcast_in_dim3A_1017 : vector<16xi1>, vector<16xi32>
      %add3A_1019 = arith.addi %select_n3A_1011, %select_n3A_1018 : vector<16xi32>
      %min3A_1020 = arith.constant 65535 : i32
      %min3A_1021 = vector.broadcast %min3A_1020 : i32 to vector<16xi32>
      %min3A_1022 = arith.minsi %add3A_1019, %min3A_1021 : vector<16xi32>
      %mul3A_1023 = arith.constant 128 : i32
      %mul3A_1024 = arith.muli %scan3A_23, %mul3A_1023 : i32
      %add3A_1025 = arith.constant 80 : i32
      %add3A_1026 = arith.addi %mul3A_1024, %add3A_1025 : i32
      %swap3A_1027 = arith.index_cast %add3A_1026 : i32 to index
      %swap3A_1028 = tpu.vector_load %arg11[%swap3A_1027] {strides = array<i32>} : memref<2048xi32, #tpu.memory_space<vmem>>, vector<16xi32>,
      tpu.vector_store %arg11[%swap3A_1027], %min3A_1022 {strides = array<i32>} : memref<2048xi32, #tpu.memory_space<vmem>>, vector<16xi32>,
      %mul3A_1029 = arith.constant 128 : i32
      %mul3A_1030 = arith.muli %scan3A_23, %mul3A_1029 : i32
      %add3A_1031 = arith.constant 96 : i32
      %add3A_1032 = arith.addi %mul3A_1030, %add3A_1031 : i32
      %get3A_1033 = arith.index_cast %add3A_1032 : i32 to index
      %get3A_1034 = tpu.vector_load %arg8[%get3A_1033] {strides = array<i32>} : memref<2048xf32, #tpu.memory_space<vmem>>, vector<16xf32>,
      %broadcast_in_dim3A_1035 = arith.constant 0 : i32
      %broadcast_in_dim3A_1036 = vector.broadcast %broadcast_in_dim3A_1035 : i32 to vector<16xi32>
      %add3A_1037 = arith.constant 32768 : i32
      %add3A_1038 = vector.broadcast %add3A_1037 : i32 to vector<16xi32>
      %add3A_1039 = arith.addi %broadcast_in_dim3A_1036, %add3A_1038 : vector<16xi32>
      %sub3A_1040 = arith.constant 1 : i32
      %sub3A_1041 = vector.broadcast %sub3A_1040 : i32 to vector<16xi32>
      %sub3A_1042 = arith.subi %add3A_1039, %sub3A_1041 : vector<16xi32>
      %gather3A_1043 = tpu.vector_load_idx %arg9[%sub3A_1042] : memref<65536xf32, #tpu.memory_space<vmem>>[vector<16xi32>], vector<16xf32>,
      %le3A_1044 = arith.cmpf ole, %gather3A_1043, %get3A_1034 : vector<16xf32>
      %select_n3A_1045 = arith.select %le3A_1044, %add3A_1039, %broadcast_in_dim3A_1036 : vector<16xi1>, vector<16xi32>
      %add3A_1046 = arith.constant 16384 : i32
      %add3A_1047 = vector.broadcast %add3A_1046 : i32 to vector<16xi32>
      %add3A_1048 = arith.addi %select_n3A_1045, %add3A_1047 : vector<16xi32>
      %sub3A_1049 = arith.constant 1 : i32
      %sub3A_1050 = vector.broadcast %sub3A_1049 : i32 to vector<16xi32>
      %sub3A_1051 = arith.subi %add3A_1048, %sub3A_1050 : vector<16xi32>
      %gather3A_1052 = tpu.vector_load_idx %arg9[%sub3A_1051] : memref<65536xf32, #tpu.memory_space<vmem>>[vector<16xi32>], vector<16xf32>,
      %le3A_1053 = arith.cmpf ole, %gather3A_1052, %get3A_1034 : vector<16xf32>
      %select_n3A_1054 = arith.select %le3A_1053, %add3A_1048, %select_n3A_1045 : vector<16xi1>, vector<16xi32>
      %add3A_1055 = arith.constant 8192 : i32
      %add3A_1056 = vector.broadcast %add3A_1055 : i32 to vector<16xi32>
      %add3A_1057 = arith.addi %select_n3A_1054, %add3A_1056 : vector<16xi32>
      %sub3A_1058 = arith.constant 1 : i32
      %sub3A_1059 = vector.broadcast %sub3A_1058 : i32 to vector<16xi32>
      %sub3A_1060 = arith.subi %add3A_1057, %sub3A_1059 : vector<16xi32>
      %gather3A_1061 = tpu.vector_load_idx %arg9[%sub3A_1060] : memref<65536xf32, #tpu.memory_space<vmem>>[vector<16xi32>], vector<16xf32>,
      %le3A_1062 = arith.cmpf ole, %gather3A_1061, %get3A_1034 : vector<16xf32>
      %select_n3A_1063 = arith.select %le3A_1062, %add3A_1057, %select_n3A_1054 : vector<16xi1>, vector<16xi32>
      %add3A_1064 = arith.constant 4096 : i32
      %add3A_1065 = vector.broadcast %add3A_1064 : i32 to vector<16xi32>
      %add3A_1066 = arith.addi %select_n3A_1063, %add3A_1065 : vector<16xi32>
      %sub3A_1067 = arith.constant 1 : i32
      %sub3A_1068 = vector.broadcast %sub3A_1067 : i32 to vector<16xi32>
      %sub3A_1069 = arith.subi %add3A_1066, %sub3A_1068 : vector<16xi32>
      %gather3A_1070 = tpu.vector_load_idx %arg9[%sub3A_1069] : memref<65536xf32, #tpu.memory_space<vmem>>[vector<16xi32>], vector<16xf32>,
      %le3A_1071 = arith.cmpf ole, %gather3A_1070, %get3A_1034 : vector<16xf32>
      %select_n3A_1072 = arith.select %le3A_1071, %add3A_1066, %select_n3A_1063 : vector<16xi1>, vector<16xi32>
      %add3A_1073 = arith.constant 2048 : i32
      %add3A_1074 = vector.broadcast %add3A_1073 : i32 to vector<16xi32>
      %add3A_1075 = arith.addi %select_n3A_1072, %add3A_1074 : vector<16xi32>
      %sub3A_1076 = arith.constant 1 : i32
      %sub3A_1077 = vector.broadcast %sub3A_1076 : i32 to vector<16xi32>
      %sub3A_1078 = arith.subi %add3A_1075, %sub3A_1077 : vector<16xi32>
      %gather3A_1079 = tpu.vector_load_idx %arg9[%sub3A_1078] : memref<65536xf32, #tpu.memory_space<vmem>>[vector<16xi32>], vector<16xf32>,
      %le3A_1080 = arith.cmpf ole, %gather3A_1079, %get3A_1034 : vector<16xf32>
      %select_n3A_1081 = arith.select %le3A_1080, %add3A_1075, %select_n3A_1072 : vector<16xi1>, vector<16xi32>
      %add3A_1082 = arith.constant 1024 : i32
      %add3A_1083 = vector.broadcast %add3A_1082 : i32 to vector<16xi32>
      %add3A_1084 = arith.addi %select_n3A_1081, %add3A_1083 : vector<16xi32>
      %sub3A_1085 = arith.constant 1 : i32
      %sub3A_1086 = vector.broadcast %sub3A_1085 : i32 to vector<16xi32>
      %sub3A_1087 = arith.subi %add3A_1084, %sub3A_1086 : vector<16xi32>
      %gather3A_1088 = tpu.vector_load_idx %arg9[%sub3A_1087] : memref<65536xf32, #tpu.memory_space<vmem>>[vector<16xi32>], vector<16xf32>,
      %le3A_1089 = arith.cmpf ole, %gather3A_1088, %get3A_1034 : vector<16xf32>
      %select_n3A_1090 = arith.select %le3A_1089, %add3A_1084, %select_n3A_1081 : vector<16xi1>, vector<16xi32>
      %add3A_1091 = arith.constant 512 : i32
      %add3A_1092 = vector.broadcast %add3A_1091 : i32 to vector<16xi32>
      %add3A_1093 = arith.addi %select_n3A_1090, %add3A_1092 : vector<16xi32>
      %sub3A_1094 = arith.constant 1 : i32
      %sub3A_1095 = vector.broadcast %sub3A_1094 : i32 to vector<16xi32>
      %sub3A_1096 = arith.subi %add3A_1093, %sub3A_1095 : vector<16xi32>
      %gather3A_1097 = tpu.vector_load_idx %arg9[%sub3A_1096] : memref<65536xf32, #tpu.memory_space<vmem>>[vector<16xi32>], vector<16xf32>,
      %le3A_1098 = arith.cmpf ole, %gather3A_1097, %get3A_1034 : vector<16xf32>
      %select_n3A_1099 = arith.select %le3A_1098, %add3A_1093, %select_n3A_1090 : vector<16xi1>, vector<16xi32>
      %add3A_1100 = arith.constant 256 : i32
      %add3A_1101 = vector.broadcast %add3A_1100 : i32 to vector<16xi32>
      %add3A_1102 = arith.addi %select_n3A_1099, %add3A_1101 : vector<16xi32>
      %sub3A_1103 = arith.constant 1 : i32
      %sub3A_1104 = vector.broadcast %sub3A_1103 : i32 to vector<16xi32>
      %sub3A_1105 = arith.subi %add3A_1102, %sub3A_1104 : vector<16xi32>
      %gather3A_1106 = tpu.vector_load_idx %arg9[%sub3A_1105] : memref<65536xf32, #tpu.memory_space<vmem>>[vector<16xi32>], vector<16xf32>,
      %le3A_1107 = arith.cmpf ole, %gather3A_1106, %get3A_1034 : vector<16xf32>
      %select_n3A_1108 = arith.select %le3A_1107, %add3A_1102, %select_n3A_1099 : vector<16xi1>, vector<16xi32>
      %add3A_1109 = arith.constant 128 : i32
      %add3A_1110 = vector.broadcast %add3A_1109 : i32 to vector<16xi32>
      %add3A_1111 = arith.addi %select_n3A_1108, %add3A_1110 : vector<16xi32>
      %sub3A_1112 = arith.constant 1 : i32
      %sub3A_1113 = vector.broadcast %sub3A_1112 : i32 to vector<16xi32>
      %sub3A_1114 = arith.subi %add3A_1111, %sub3A_1113 : vector<16xi32>
      %gather3A_1115 = tpu.vector_load_idx %arg9[%sub3A_1114] : memref<65536xf32, #tpu.memory_space<vmem>>[vector<16xi32>], vector<16xf32>,
      %le3A_1116 = arith.cmpf ole, %gather3A_1115, %get3A_1034 : vector<16xf32>
      %select_n3A_1117 = arith.select %le3A_1116, %add3A_1111, %select_n3A_1108 : vector<16xi1>, vector<16xi32>
      %add3A_1118 = arith.constant 64 : i32
      %add3A_1119 = vector.broadcast %add3A_1118 : i32 to vector<16xi32>
      %add3A_1120 = arith.addi %select_n3A_1117, %add3A_1119 : vector<16xi32>
      %sub3A_1121 = arith.constant 1 : i32
      %sub3A_1122 = vector.broadcast %sub3A_1121 : i32 to vector<16xi32>
      %sub3A_1123 = arith.subi %add3A_1120, %sub3A_1122 : vector<16xi32>
      %gather3A_1124 = tpu.vector_load_idx %arg9[%sub3A_1123] : memref<65536xf32, #tpu.memory_space<vmem>>[vector<16xi32>], vector<16xf32>,
      %le3A_1125 = arith.cmpf ole, %gather3A_1124, %get3A_1034 : vector<16xf32>
      %select_n3A_1126 = arith.select %le3A_1125, %add3A_1120, %select_n3A_1117 : vector<16xi1>, vector<16xi32>
      %add3A_1127 = arith.constant 32 : i32
      %add3A_1128 = vector.broadcast %add3A_1127 : i32 to vector<16xi32>
      %add3A_1129 = arith.addi %select_n3A_1126, %add3A_1128 : vector<16xi32>
      %sub3A_1130 = arith.constant 1 : i32
      %sub3A_1131 = vector.broadcast %sub3A_1130 : i32 to vector<16xi32>
      %sub3A_1132 = arith.subi %add3A_1129, %sub3A_1131 : vector<16xi32>
      %gather3A_1133 = tpu.vector_load_idx %arg9[%sub3A_1132] : memref<65536xf32, #tpu.memory_space<vmem>>[vector<16xi32>], vector<16xf32>,
      %le3A_1134 = arith.cmpf ole, %gather3A_1133, %get3A_1034 : vector<16xf32>
      %select_n3A_1135 = arith.select %le3A_1134, %add3A_1129, %select_n3A_1126 : vector<16xi1>, vector<16xi32>
      %add3A_1136 = arith.constant 16 : i32
      %add3A_1137 = vector.broadcast %add3A_1136 : i32 to vector<16xi32>
      %add3A_1138 = arith.addi %select_n3A_1135, %add3A_1137 : vector<16xi32>
      %sub3A_1139 = arith.constant 1 : i32
      %sub3A_1140 = vector.broadcast %sub3A_1139 : i32 to vector<16xi32>
      %sub3A_1141 = arith.subi %add3A_1138, %sub3A_1140 : vector<16xi32>
      %gather3A_1142 = tpu.vector_load_idx %arg9[%sub3A_1141] : memref<65536xf32, #tpu.memory_space<vmem>>[vector<16xi32>], vector<16xf32>,
      %le3A_1143 = arith.cmpf ole, %gather3A_1142, %get3A_1034 : vector<16xf32>
      %select_n3A_1144 = arith.select %le3A_1143, %add3A_1138, %select_n3A_1135 : vector<16xi1>, vector<16xi32>
      %add3A_1145 = arith.constant 8 : i32
      %add3A_1146 = vector.broadcast %add3A_1145 : i32 to vector<16xi32>
      %add3A_1147 = arith.addi %select_n3A_1144, %add3A_1146 : vector<16xi32>
      %sub3A_1148 = arith.constant 1 : i32
      %sub3A_1149 = vector.broadcast %sub3A_1148 : i32 to vector<16xi32>
      %sub3A_1150 = arith.subi %add3A_1147, %sub3A_1149 : vector<16xi32>
      %gather3A_1151 = tpu.vector_load_idx %arg9[%sub3A_1150] : memref<65536xf32, #tpu.memory_space<vmem>>[vector<16xi32>], vector<16xf32>,
      %le3A_1152 = arith.cmpf ole, %gather3A_1151, %get3A_1034 : vector<16xf32>
      %select_n3A_1153 = arith.select %le3A_1152, %add3A_1147, %select_n3A_1144 : vector<16xi1>, vector<16xi32>
      %add3A_1154 = arith.constant 4 : i32
      %add3A_1155 = vector.broadcast %add3A_1154 : i32 to vector<16xi32>
      %add3A_1156 = arith.addi %select_n3A_1153, %add3A_1155 : vector<16xi32>
      %sub3A_1157 = arith.constant 1 : i32
      %sub3A_1158 = vector.broadcast %sub3A_1157 : i32 to vector<16xi32>
      %sub3A_1159 = arith.subi %add3A_1156, %sub3A_1158 : vector<16xi32>
      %gather3A_1160 = tpu.vector_load_idx %arg9[%sub3A_1159] : memref<65536xf32, #tpu.memory_space<vmem>>[vector<16xi32>], vector<16xf32>,
      %le3A_1161 = arith.cmpf ole, %gather3A_1160, %get3A_1034 : vector<16xf32>
      %select_n3A_1162 = arith.select %le3A_1161, %add3A_1156, %select_n3A_1153 : vector<16xi1>, vector<16xi32>
      %add3A_1163 = arith.constant 2 : i32
      %add3A_1164 = vector.broadcast %add3A_1163 : i32 to vector<16xi32>
      %add3A_1165 = arith.addi %select_n3A_1162, %add3A_1164 : vector<16xi32>
      %sub3A_1166 = arith.constant 1 : i32
      %sub3A_1167 = vector.broadcast %sub3A_1166 : i32 to vector<16xi32>
      %sub3A_1168 = arith.subi %add3A_1165, %sub3A_1167 : vector<16xi32>
      %gather3A_1169 = tpu.vector_load_idx %arg9[%sub3A_1168] : memref<65536xf32, #tpu.memory_space<vmem>>[vector<16xi32>], vector<16xf32>,
      %le3A_1170 = arith.cmpf ole, %gather3A_1169, %get3A_1034 : vector<16xf32>
      %select_n3A_1171 = arith.select %le3A_1170, %add3A_1165, %select_n3A_1162 : vector<16xi1>, vector<16xi32>
      %add3A_1172 = arith.constant 1 : i32
      %add3A_1173 = vector.broadcast %add3A_1172 : i32 to vector<16xi32>
      %add3A_1174 = arith.addi %select_n3A_1171, %add3A_1173 : vector<16xi32>
      %sub3A_1175 = arith.constant 1 : i32
      %sub3A_1176 = vector.broadcast %sub3A_1175 : i32 to vector<16xi32>
      %sub3A_1177 = arith.subi %add3A_1174, %sub3A_1176 : vector<16xi32>
      %gather3A_1178 = tpu.vector_load_idx %arg9[%sub3A_1177] : memref<65536xf32, #tpu.memory_space<vmem>>[vector<16xi32>], vector<16xf32>,
      %le3A_1179 = arith.cmpf ole, %gather3A_1178, %get3A_1034 : vector<16xf32>
      %select_n3A_1180 = arith.select %le3A_1179, %add3A_1174, %select_n3A_1171 : vector<16xi1>, vector<16xi32>
      %gather3A_1181 = tpu.vector_load_idx %arg9[%select_n3A_1180] : memref<65536xf32, #tpu.memory_space<vmem>>[vector<16xi32>], vector<16xf32>,
      %le3A_1182 = arith.cmpf ole, %gather3A_1181, %get3A_1034 : vector<16xf32>
      %jit3A_1183 = arith.constant 1 : i32
      %jit3A_1184 = arith.constant 0 : i32
      %broadcast_in_dim3A_1185 = vector.broadcast %jit3A_1183 : i32 to vector<16xi32>
      %broadcast_in_dim3A_1186 = vector.broadcast %jit3A_1184 : i32 to vector<16xi32>
      %select_n3A_1187 = arith.select %le3A_1182, %broadcast_in_dim3A_1185, %broadcast_in_dim3A_1186 : vector<16xi1>, vector<16xi32>
      %add3A_1188 = arith.addi %select_n3A_1180, %select_n3A_1187 : vector<16xi32>
      %min3A_1189 = arith.constant 65535 : i32
      %min3A_1190 = vector.broadcast %min3A_1189 : i32 to vector<16xi32>
      %min3A_1191 = arith.minsi %add3A_1188, %min3A_1190 : vector<16xi32>
      %mul3A_1192 = arith.constant 128 : i32
      %mul3A_1193 = arith.muli %scan3A_23, %mul3A_1192 : i32
      %add3A_1194 = arith.constant 96 : i32
      %add3A_1195 = arith.addi %mul3A_1193, %add3A_1194 : i32
      %swap3A_1196 = arith.index_cast %add3A_1195 : i32 to index
      %swap3A_1197 = tpu.vector_load %arg11[%swap3A_1196] {strides = array<i32>} : memref<2048xi32, #tpu.memory_space<vmem>>, vector<16xi32>,
      tpu.vector_store %arg11[%swap3A_1196], %min3A_1191 {strides = array<i32>} : memref<2048xi32, #tpu.memory_space<vmem>>, vector<16xi32>,
      %mul3A_1198 = arith.constant 128 : i32
      %mul3A_1199 = arith.muli %scan3A_23, %mul3A_1198 : i32
      %add3A_1200 = arith.constant 112 : i32
      %add3A_1201 = arith.addi %mul3A_1199, %add3A_1200 : i32
      %get3A_1202 = arith.index_cast %add3A_1201 : i32 to index
      %get3A_1203 = tpu.vector_load %arg8[%get3A_1202] {strides = array<i32>} : memref<2048xf32, #tpu.memory_space<vmem>>, vector<16xf32>,
      %broadcast_in_dim3A_1204 = arith.constant 0 : i32
      %broadcast_in_dim3A_1205 = vector.broadcast %broadcast_in_dim3A_1204 : i32 to vector<16xi32>
      %add3A_1206 = arith.constant 32768 : i32
      %add3A_1207 = vector.broadcast %add3A_1206 : i32 to vector<16xi32>
      %add3A_1208 = arith.addi %broadcast_in_dim3A_1205, %add3A_1207 : vector<16xi32>
      %sub3A_1209 = arith.constant 1 : i32
      %sub3A_1210 = vector.broadcast %sub3A_1209 : i32 to vector<16xi32>
      %sub3A_1211 = arith.subi %add3A_1208, %sub3A_1210 : vector<16xi32>
      %gather3A_1212 = tpu.vector_load_idx %arg9[%sub3A_1211] : memref<65536xf32, #tpu.memory_space<vmem>>[vector<16xi32>], vector<16xf32>,
      %le3A_1213 = arith.cmpf ole, %gather3A_1212, %get3A_1203 : vector<16xf32>
      %select_n3A_1214 = arith.select %le3A_1213, %add3A_1208, %broadcast_in_dim3A_1205 : vector<16xi1>, vector<16xi32>
      %add3A_1215 = arith.constant 16384 : i32
      %add3A_1216 = vector.broadcast %add3A_1215 : i32 to vector<16xi32>
      %add3A_1217 = arith.addi %select_n3A_1214, %add3A_1216 : vector<16xi32>
      %sub3A_1218 = arith.constant 1 : i32
      %sub3A_1219 = vector.broadcast %sub3A_1218 : i32 to vector<16xi32>
      %sub3A_1220 = arith.subi %add3A_1217, %sub3A_1219 : vector<16xi32>
      %gather3A_1221 = tpu.vector_load_idx %arg9[%sub3A_1220] : memref<65536xf32, #tpu.memory_space<vmem>>[vector<16xi32>], vector<16xf32>,
      %le3A_1222 = arith.cmpf ole, %gather3A_1221, %get3A_1203 : vector<16xf32>
      %select_n3A_1223 = arith.select %le3A_1222, %add3A_1217, %select_n3A_1214 : vector<16xi1>, vector<16xi32>
      %add3A_1224 = arith.constant 8192 : i32
      %add3A_1225 = vector.broadcast %add3A_1224 : i32 to vector<16xi32>
      %add3A_1226 = arith.addi %select_n3A_1223, %add3A_1225 : vector<16xi32>
      %sub3A_1227 = arith.constant 1 : i32
      %sub3A_1228 = vector.broadcast %sub3A_1227 : i32 to vector<16xi32>
      %sub3A_1229 = arith.subi %add3A_1226, %sub3A_1228 : vector<16xi32>
      %gather3A_1230 = tpu.vector_load_idx %arg9[%sub3A_1229] : memref<65536xf32, #tpu.memory_space<vmem>>[vector<16xi32>], vector<16xf32>,
      %le3A_1231 = arith.cmpf ole, %gather3A_1230, %get3A_1203 : vector<16xf32>
      %select_n3A_1232 = arith.select %le3A_1231, %add3A_1226, %select_n3A_1223 : vector<16xi1>, vector<16xi32>
      %add3A_1233 = arith.constant 4096 : i32
      %add3A_1234 = vector.broadcast %add3A_1233 : i32 to vector<16xi32>
      %add3A_1235 = arith.addi %select_n3A_1232, %add3A_1234 : vector<16xi32>
      %sub3A_1236 = arith.constant 1 : i32
      %sub3A_1237 = vector.broadcast %sub3A_1236 : i32 to vector<16xi32>
      %sub3A_1238 = arith.subi %add3A_1235, %sub3A_1237 : vector<16xi32>
      %gather3A_1239 = tpu.vector_load_idx %arg9[%sub3A_1238] : memref<65536xf32, #tpu.memory_space<vmem>>[vector<16xi32>], vector<16xf32>,
      %le3A_1240 = arith.cmpf ole, %gather3A_1239, %get3A_1203 : vector<16xf32>
      %select_n3A_1241 = arith.select %le3A_1240, %add3A_1235, %select_n3A_1232 : vector<16xi1>, vector<16xi32>
      %add3A_1242 = arith.constant 2048 : i32
      %add3A_1243 = vector.broadcast %add3A_1242 : i32 to vector<16xi32>
      %add3A_1244 = arith.addi %select_n3A_1241, %add3A_1243 : vector<16xi32>
      %sub3A_1245 = arith.constant 1 : i32
      %sub3A_1246 = vector.broadcast %sub3A_1245 : i32 to vector<16xi32>
      %sub3A_1247 = arith.subi %add3A_1244, %sub3A_1246 : vector<16xi32>
      %gather3A_1248 = tpu.vector_load_idx %arg9[%sub3A_1247] : memref<65536xf32, #tpu.memory_space<vmem>>[vector<16xi32>], vector<16xf32>,
      %le3A_1249 = arith.cmpf ole, %gather3A_1248, %get3A_1203 : vector<16xf32>
      %select_n3A_1250 = arith.select %le3A_1249, %add3A_1244, %select_n3A_1241 : vector<16xi1>, vector<16xi32>
      %add3A_1251 = arith.constant 1024 : i32
      %add3A_1252 = vector.broadcast %add3A_1251 : i32 to vector<16xi32>
      %add3A_1253 = arith.addi %select_n3A_1250, %add3A_1252 : vector<16xi32>
      %sub3A_1254 = arith.constant 1 : i32
      %sub3A_1255 = vector.broadcast %sub3A_1254 : i32 to vector<16xi32>
      %sub3A_1256 = arith.subi %add3A_1253, %sub3A_1255 : vector<16xi32>
      %gather3A_1257 = tpu.vector_load_idx %arg9[%sub3A_1256] : memref<65536xf32, #tpu.memory_space<vmem>>[vector<16xi32>], vector<16xf32>,
      %le3A_1258 = arith.cmpf ole, %gather3A_1257, %get3A_1203 : vector<16xf32>
      %select_n3A_1259 = arith.select %le3A_1258, %add3A_1253, %select_n3A_1250 : vector<16xi1>, vector<16xi32>
      %add3A_1260 = arith.constant 512 : i32
      %add3A_1261 = vector.broadcast %add3A_1260 : i32 to vector<16xi32>
      %add3A_1262 = arith.addi %select_n3A_1259, %add3A_1261 : vector<16xi32>
      %sub3A_1263 = arith.constant 1 : i32
      %sub3A_1264 = vector.broadcast %sub3A_1263 : i32 to vector<16xi32>
      %sub3A_1265 = arith.subi %add3A_1262, %sub3A_1264 : vector<16xi32>
      %gather3A_1266 = tpu.vector_load_idx %arg9[%sub3A_1265] : memref<65536xf32, #tpu.memory_space<vmem>>[vector<16xi32>], vector<16xf32>,
      %le3A_1267 = arith.cmpf ole, %gather3A_1266, %get3A_1203 : vector<16xf32>
      %select_n3A_1268 = arith.select %le3A_1267, %add3A_1262, %select_n3A_1259 : vector<16xi1>, vector<16xi32>
      %add3A_1269 = arith.constant 256 : i32
      %add3A_1270 = vector.broadcast %add3A_1269 : i32 to vector<16xi32>
      %add3A_1271 = arith.addi %select_n3A_1268, %add3A_1270 : vector<16xi32>
      %sub3A_1272 = arith.constant 1 : i32
      %sub3A_1273 = vector.broadcast %sub3A_1272 : i32 to vector<16xi32>
      %sub3A_1274 = arith.subi %add3A_1271, %sub3A_1273 : vector<16xi32>
      %gather3A_1275 = tpu.vector_load_idx %arg9[%sub3A_1274] : memref<65536xf32, #tpu.memory_space<vmem>>[vector<16xi32>], vector<16xf32>,
      %le3A_1276 = arith.cmpf ole, %gather3A_1275, %get3A_1203 : vector<16xf32>
      %select_n3A_1277 = arith.select %le3A_1276, %add3A_1271, %select_n3A_1268 : vector<16xi1>, vector<16xi32>
      %add3A_1278 = arith.constant 128 : i32
      %add3A_1279 = vector.broadcast %add3A_1278 : i32 to vector<16xi32>
      %add3A_1280 = arith.addi %select_n3A_1277, %add3A_1279 : vector<16xi32>
      %sub3A_1281 = arith.constant 1 : i32
      %sub3A_1282 = vector.broadcast %sub3A_1281 : i32 to vector<16xi32>
      %sub3A_1283 = arith.subi %add3A_1280, %sub3A_1282 : vector<16xi32>
      %gather3A_1284 = tpu.vector_load_idx %arg9[%sub3A_1283] : memref<65536xf32, #tpu.memory_space<vmem>>[vector<16xi32>], vector<16xf32>,
      %le3A_1285 = arith.cmpf ole, %gather3A_1284, %get3A_1203 : vector<16xf32>
      %select_n3A_1286 = arith.select %le3A_1285, %add3A_1280, %select_n3A_1277 : vector<16xi1>, vector<16xi32>
      %add3A_1287 = arith.constant 64 : i32
      %add3A_1288 = vector.broadcast %add3A_1287 : i32 to vector<16xi32>
      %add3A_1289 = arith.addi %select_n3A_1286, %add3A_1288 : vector<16xi32>
      %sub3A_1290 = arith.constant 1 : i32
      %sub3A_1291 = vector.broadcast %sub3A_1290 : i32 to vector<16xi32>
      %sub3A_1292 = arith.subi %add3A_1289, %sub3A_1291 : vector<16xi32>
      %gather3A_1293 = tpu.vector_load_idx %arg9[%sub3A_1292] : memref<65536xf32, #tpu.memory_space<vmem>>[vector<16xi32>], vector<16xf32>,
      %le3A_1294 = arith.cmpf ole, %gather3A_1293, %get3A_1203 : vector<16xf32>
      %select_n3A_1295 = arith.select %le3A_1294, %add3A_1289, %select_n3A_1286 : vector<16xi1>, vector<16xi32>
      %add3A_1296 = arith.constant 32 : i32
      %add3A_1297 = vector.broadcast %add3A_1296 : i32 to vector<16xi32>
      %add3A_1298 = arith.addi %select_n3A_1295, %add3A_1297 : vector<16xi32>
      %sub3A_1299 = arith.constant 1 : i32
      %sub3A_1300 = vector.broadcast %sub3A_1299 : i32 to vector<16xi32>
      %sub3A_1301 = arith.subi %add3A_1298, %sub3A_1300 : vector<16xi32>
      %gather3A_1302 = tpu.vector_load_idx %arg9[%sub3A_1301] : memref<65536xf32, #tpu.memory_space<vmem>>[vector<16xi32>], vector<16xf32>,
      %le3A_1303 = arith.cmpf ole, %gather3A_1302, %get3A_1203 : vector<16xf32>
      %select_n3A_1304 = arith.select %le3A_1303, %add3A_1298, %select_n3A_1295 : vector<16xi1>, vector<16xi32>
      %add3A_1305 = arith.constant 16 : i32
      %add3A_1306 = vector.broadcast %add3A_1305 : i32 to vector<16xi32>
      %add3A_1307 = arith.addi %select_n3A_1304, %add3A_1306 : vector<16xi32>
      %sub3A_1308 = arith.constant 1 : i32
      %sub3A_1309 = vector.broadcast %sub3A_1308 : i32 to vector<16xi32>
      %sub3A_1310 = arith.subi %add3A_1307, %sub3A_1309 : vector<16xi32>
      %gather3A_1311 = tpu.vector_load_idx %arg9[%sub3A_1310] : memref<65536xf32, #tpu.memory_space<vmem>>[vector<16xi32>], vector<16xf32>,
      %le3A_1312 = arith.cmpf ole, %gather3A_1311, %get3A_1203 : vector<16xf32>
      %select_n3A_1313 = arith.select %le3A_1312, %add3A_1307, %select_n3A_1304 : vector<16xi1>, vector<16xi32>
      %add3A_1314 = arith.constant 8 : i32
      %add3A_1315 = vector.broadcast %add3A_1314 : i32 to vector<16xi32>
      %add3A_1316 = arith.addi %select_n3A_1313, %add3A_1315 : vector<16xi32>
      %sub3A_1317 = arith.constant 1 : i32
      %sub3A_1318 = vector.broadcast %sub3A_1317 : i32 to vector<16xi32>
      %sub3A_1319 = arith.subi %add3A_1316, %sub3A_1318 : vector<16xi32>
      %gather3A_1320 = tpu.vector_load_idx %arg9[%sub3A_1319] : memref<65536xf32, #tpu.memory_space<vmem>>[vector<16xi32>], vector<16xf32>,
      %le3A_1321 = arith.cmpf ole, %gather3A_1320, %get3A_1203 : vector<16xf32>
      %select_n3A_1322 = arith.select %le3A_1321, %add3A_1316, %select_n3A_1313 : vector<16xi1>, vector<16xi32>
      %add3A_1323 = arith.constant 4 : i32
      %add3A_1324 = vector.broadcast %add3A_1323 : i32 to vector<16xi32>
      %add3A_1325 = arith.addi %select_n3A_1322, %add3A_1324 : vector<16xi32>
      %sub3A_1326 = arith.constant 1 : i32
      %sub3A_1327 = vector.broadcast %sub3A_1326 : i32 to vector<16xi32>
      %sub3A_1328 = arith.subi %add3A_1325, %sub3A_1327 : vector<16xi32>
      %gather3A_1329 = tpu.vector_load_idx %arg9[%sub3A_1328] : memref<65536xf32, #tpu.memory_space<vmem>>[vector<16xi32>], vector<16xf32>,
      %le3A_1330 = arith.cmpf ole, %gather3A_1329, %get3A_1203 : vector<16xf32>
      %select_n3A_1331 = arith.select %le3A_1330, %add3A_1325, %select_n3A_1322 : vector<16xi1>, vector<16xi32>
      %add3A_1332 = arith.constant 2 : i32
      %add3A_1333 = vector.broadcast %add3A_1332 : i32 to vector<16xi32>
      %add3A_1334 = arith.addi %select_n3A_1331, %add3A_1333 : vector<16xi32>
      %sub3A_1335 = arith.constant 1 : i32
      %sub3A_1336 = vector.broadcast %sub3A_1335 : i32 to vector<16xi32>
      %sub3A_1337 = arith.subi %add3A_1334, %sub3A_1336 : vector<16xi32>
      %gather3A_1338 = tpu.vector_load_idx %arg9[%sub3A_1337] : memref<65536xf32, #tpu.memory_space<vmem>>[vector<16xi32>], vector<16xf32>,
      %le3A_1339 = arith.cmpf ole, %gather3A_1338, %get3A_1203 : vector<16xf32>
      %select_n3A_1340 = arith.select %le3A_1339, %add3A_1334, %select_n3A_1331 : vector<16xi1>, vector<16xi32>
      %add3A_1341 = arith.constant 1 : i32
      %add3A_1342 = vector.broadcast %add3A_1341 : i32 to vector<16xi32>
      %add3A_1343 = arith.addi %select_n3A_1340, %add3A_1342 : vector<16xi32>
      %sub3A_1344 = arith.constant 1 : i32
      %sub3A_1345 = vector.broadcast %sub3A_1344 : i32 to vector<16xi32>
      %sub3A_1346 = arith.subi %add3A_1343, %sub3A_1345 : vector<16xi32>
      %gather3A_1347 = tpu.vector_load_idx %arg9[%sub3A_1346] : memref<65536xf32, #tpu.memory_space<vmem>>[vector<16xi32>], vector<16xf32>,
      %le3A_1348 = arith.cmpf ole, %gather3A_1347, %get3A_1203 : vector<16xf32>
      %select_n3A_1349 = arith.select %le3A_1348, %add3A_1343, %select_n3A_1340 : vector<16xi1>, vector<16xi32>
      %gather3A_1350 = tpu.vector_load_idx %arg9[%select_n3A_1349] : memref<65536xf32, #tpu.memory_space<vmem>>[vector<16xi32>], vector<16xf32>,
      %le3A_1351 = arith.cmpf ole, %gather3A_1350, %get3A_1203 : vector<16xf32>
      %jit3A_1352 = arith.constant 1 : i32
      %jit3A_1353 = arith.constant 0 : i32
      %broadcast_in_dim3A_1354 = vector.broadcast %jit3A_1352 : i32 to vector<16xi32>
      %broadcast_in_dim3A_1355 = vector.broadcast %jit3A_1353 : i32 to vector<16xi32>
      %select_n3A_1356 = arith.select %le3A_1351, %broadcast_in_dim3A_1354, %broadcast_in_dim3A_1355 : vector<16xi1>, vector<16xi32>
      %add3A_1357 = arith.addi %select_n3A_1349, %select_n3A_1356 : vector<16xi32>
      %min3A_1358 = arith.constant 65535 : i32
      %min3A_1359 = vector.broadcast %min3A_1358 : i32 to vector<16xi32>
      %min3A_1360 = arith.minsi %add3A_1357, %min3A_1359 : vector<16xi32>
      %mul3A_1361 = arith.constant 128 : i32
      %mul3A_1362 = arith.muli %scan3A_23, %mul3A_1361 : i32
      %add3A_1363 = arith.constant 112 : i32
      %add3A_1364 = arith.addi %mul3A_1362, %add3A_1363 : i32
      %swap3A_1365 = arith.index_cast %add3A_1364 : i32 to index
      %swap3A_1366 = tpu.vector_load %arg11[%swap3A_1365] {strides = array<i32>} : memref<2048xi32, #tpu.memory_space<vmem>>, vector<16xi32>,
      tpu.vector_store %arg11[%swap3A_1365], %min3A_1360 {strides = array<i32>} : memref<2048xi32, #tpu.memory_space<vmem>>, vector<16xi32>,
      %mul3A_1367 = arith.constant 128 : i32
      %mul3A_1368 = arith.muli %scan3A_23, %mul3A_1367 : i32
      %mul3A_1369 = arith.constant 128 : i32
      %mul3A_1370 = arith.muli %scan3A_23, %mul3A_1369 : i32
      %dma_start3A = arith.constant 0 : i32
      %dma_start3A_1371 = tpu.memref_slice %arg10[%mul3A_1370, %dma_start3A] : memref<2048x16xf32, #tpu.memory_space<vmem>> -> memref<128x16xf32, #tpu.memory_space<vmem>>
      %dma_start3A_1372 = tpu.memref_slice %arg11[%mul3A_1368] : memref<2048xi32, #tpu.memory_space<vmem>> -> memref<128xi32, #tpu.memory_space<vmem>>
      %dma_start3A_1373 = arith.constant 0 : i32
      %dma_start3A_1374 = arith.constant 0 : i32
      %dma_start3A_1375 = tpu.memref_slice %arg3[%dma_start3A_1373, %dma_start3A_1374] : memref<65536x16xf32, #tpu.memory_space<hbm>> -> memref<65536x16xf32, #tpu.memory_space<hbm>>
      tpu.enqueue_indirect_dma source(%dma_start3A_1375 : memref<65536x16xf32, #tpu.memory_space<hbm>>) target(%dma_start3A_1371 : memref<128x16xf32, #tpu.memory_space<vmem>>) offsets(%dma_start3A_1372 : memref<128xi32, #tpu.memory_space<vmem>>) semaphore(%arg14 : memref<!tpu.dma_semaphore, #tpu.memory_space<semaphore_mem>>)
    }
    %scan3A_7 = arith.constant 16 : i32
    %dma_wait3A = arith.constant 0 : i32
    %dma_wait3A_8 = arith.constant 0 : i32
    %dma_wait3A_9 = tpu.memref_slice %arg3[%dma_wait3A, %dma_wait3A_8] : memref<65536x16xf32, #tpu.memory_space<hbm>> -> memref<2048x16xf32, #tpu.memory_space<hbm>>
    %dma_wait3A_10 = arith.constant 0 : i32
    %dma_wait3A_11 = arith.constant 0 : i32
    %dma_wait3A_12 = tpu.memref_slice %arg3[%dma_wait3A_10, %dma_wait3A_11] : memref<65536x16xf32, #tpu.memory_space<hbm>> -> memref<2048x16xf32, #tpu.memory_space<hbm>>
    tpu.wait_dma2 semaphore(%arg14 : memref<!tpu.dma_semaphore, #tpu.memory_space<semaphore_mem>>) src(%dma_wait3A_12 : memref<2048x16xf32, #tpu.memory_space<hbm>>) dst(%arg10 : memref<2048x16xf32, #tpu.memory_space<vmem>>)
    %scan3A_13 = arith.constant 0 : i32
    %scan3A_14 = arith.constant 0 : i32
    %scan3A_15 = arith.constant 16 : i32
    %scan3A_16 = arith.addi %scan3A_14, %scan3A_15 : i32
    %scan3A_17 = arith.constant 1 : i32
    scf.for %scan3A_23 = %scan3A_14 to %scan3A_16 step %scan3A_17  : i32 {
      %mul3A_24 = arith.constant 128 : i32
      %mul3A_25 = arith.muli %scan3A_23, %mul3A_24 : i32
      %add3A_26 = arith.constant 0 : i32
      %add3A_27 = arith.addi %mul3A_25, %add3A_26 : i32
      %get3A = arith.index_cast %add3A_27 : i32 to index
      %get3A_28 = tpu.vector_load %arg8[%get3A] {strides = array<i32>} : memref<2048xf32, #tpu.memory_space<vmem>>, vector<16xf32>,
      %mul3A_29 = arith.constant 128 : i32
      %mul3A_30 = arith.muli %scan3A_23, %mul3A_29 : i32
      %add3A_31 = arith.constant 0 : i32
      %add3A_32 = arith.addi %mul3A_30, %add3A_31 : i32
      %get3A_33 = arith.index_cast %add3A_32 : i32 to index
      %get3A_34 = tpu.vector_load %arg11[%get3A_33] {strides = array<i32>} : memref<2048xi32, #tpu.memory_space<vmem>>, vector<16xi32>,
      %mul3A_35 = arith.constant 128 : i32
      %mul3A_36 = arith.muli %scan3A_23, %mul3A_35 : i32
      %add3A_37 = arith.constant 0 : i32
      %add3A_38 = arith.addi %mul3A_36, %add3A_37 : i32
      %iota3A = tpu.iota {dimensions = array<i32: 0>} : vector<16xi32>
      %add3A_39 = vector.broadcast %add3A_38 : i32 to vector<16xi32>
      %add3A_40 = arith.addi %add3A_39, %iota3A : vector<16xi32>
      %broadcast_in_dim3A = arith.constant 0 : i32
      %broadcast_in_dim3A_41 = vector.broadcast %broadcast_in_dim3A : i32 to vector<16xi32>
      %add3A_42 = arith.constant 8 : i32
      %add3A_43 = vector.broadcast %add3A_42 : i32 to vector<16xi32>
      %add3A_44 = arith.addi %broadcast_in_dim3A_41, %add3A_43 : vector<16xi32>
      %sub3A = arith.constant 1 : i32
      %sub3A_45 = vector.broadcast %sub3A : i32 to vector<16xi32>
      %sub3A_46 = arith.subi %add3A_44, %sub3A_45 : vector<16xi32>
      %gather3A = tpu.vector_load_idx %arg10[%add3A_40, %sub3A_46] : memref<2048x16xf32, #tpu.memory_space<vmem>>[vector<16xi32>, vector<16xi32>], vector<16xf32>,
      %le3A = arith.cmpf ole, %gather3A, %get3A_28 : vector<16xf32>
      %select_n3A = arith.select %le3A, %add3A_44, %broadcast_in_dim3A_41 : vector<16xi1>, vector<16xi32>
      %add3A_47 = arith.constant 4 : i32
      %add3A_48 = vector.broadcast %add3A_47 : i32 to vector<16xi32>
      %add3A_49 = arith.addi %select_n3A, %add3A_48 : vector<16xi32>
      %sub3A_50 = arith.constant 1 : i32
      %sub3A_51 = vector.broadcast %sub3A_50 : i32 to vector<16xi32>
      %sub3A_52 = arith.subi %add3A_49, %sub3A_51 : vector<16xi32>
      %gather3A_53 = tpu.vector_load_idx %arg10[%add3A_40, %sub3A_52] : memref<2048x16xf32, #tpu.memory_space<vmem>>[vector<16xi32>, vector<16xi32>], vector<16xf32>,
      %le3A_54 = arith.cmpf ole, %gather3A_53, %get3A_28 : vector<16xf32>
      %select_n3A_55 = arith.select %le3A_54, %add3A_49, %select_n3A : vector<16xi1>, vector<16xi32>
      %add3A_56 = arith.constant 2 : i32
      %add3A_57 = vector.broadcast %add3A_56 : i32 to vector<16xi32>
      %add3A_58 = arith.addi %select_n3A_55, %add3A_57 : vector<16xi32>
      %sub3A_59 = arith.constant 1 : i32
      %sub3A_60 = vector.broadcast %sub3A_59 : i32 to vector<16xi32>
      %sub3A_61 = arith.subi %add3A_58, %sub3A_60 : vector<16xi32>
      %gather3A_62 = tpu.vector_load_idx %arg10[%add3A_40, %sub3A_61] : memref<2048x16xf32, #tpu.memory_space<vmem>>[vector<16xi32>, vector<16xi32>], vector<16xf32>,
      %le3A_63 = arith.cmpf ole, %gather3A_62, %get3A_28 : vector<16xf32>
      %select_n3A_64 = arith.select %le3A_63, %add3A_58, %select_n3A_55 : vector<16xi1>, vector<16xi32>
      %add3A_65 = arith.constant 1 : i32
      %add3A_66 = vector.broadcast %add3A_65 : i32 to vector<16xi32>
      %add3A_67 = arith.addi %select_n3A_64, %add3A_66 : vector<16xi32>
      %sub3A_68 = arith.constant 1 : i32
      %sub3A_69 = vector.broadcast %sub3A_68 : i32 to vector<16xi32>
      %sub3A_70 = arith.subi %add3A_67, %sub3A_69 : vector<16xi32>
      %gather3A_71 = tpu.vector_load_idx %arg10[%add3A_40, %sub3A_70] : memref<2048x16xf32, #tpu.memory_space<vmem>>[vector<16xi32>, vector<16xi32>], vector<16xf32>,
      %le3A_72 = arith.cmpf ole, %gather3A_71, %get3A_28 : vector<16xf32>
      %select_n3A_73 = arith.select %le3A_72, %add3A_67, %select_n3A_64 : vector<16xi1>, vector<16xi32>
      %gather3A_74 = tpu.vector_load_idx %arg10[%add3A_40, %select_n3A_73] : memref<2048x16xf32, #tpu.memory_space<vmem>>[vector<16xi32>, vector<16xi32>], vector<16xf32>,
      %le3A_75 = arith.cmpf ole, %gather3A_74, %get3A_28 : vector<16xf32>
      %jit3A = arith.constant 1 : i32
      %jit3A_76 = arith.constant 0 : i32
      %broadcast_in_dim3A_77 = vector.broadcast %jit3A : i32 to vector<16xi32>
      %broadcast_in_dim3A_78 = vector.broadcast %jit3A_76 : i32 to vector<16xi32>
      %select_n3A_79 = arith.select %le3A_75, %broadcast_in_dim3A_77, %broadcast_in_dim3A_78 : vector<16xi1>, vector<16xi32>
      %add3A_80 = arith.addi %select_n3A_73, %select_n3A_79 : vector<16xi32>
      %mul3A_81 = arith.constant 16 : i32
      %mul3A_82 = vector.broadcast %mul3A_81 : i32 to vector<16xi32>
      %mul3A_83 = arith.muli %get3A_34, %mul3A_82 : vector<16xi32>
      %add3A_84 = arith.addi %mul3A_83, %add3A_80 : vector<16xi32>
      %min3A = arith.constant 999999 : i32
      %min3A_85 = vector.broadcast %min3A : i32 to vector<16xi32>
      %min3A_86 = arith.minsi %add3A_84, %min3A_85 : vector<16xi32>
      %mul3A_87 = arith.constant 128 : i32
      %mul3A_88 = arith.muli %scan3A_23, %mul3A_87 : i32
      %add3A_89 = arith.constant 0 : i32
      %add3A_90 = arith.addi %mul3A_88, %add3A_89 : i32
      %swap3A = arith.index_cast %add3A_90 : i32 to index
      %swap3A_91 = tpu.vector_load %arg12[%swap3A] {strides = array<i32>} : memref<2048xi32, #tpu.memory_space<vmem>>, vector<16xi32>,
      tpu.vector_store %arg12[%swap3A], %min3A_86 {strides = array<i32>} : memref<2048xi32, #tpu.memory_space<vmem>>, vector<16xi32>,
      %mul3A_92 = arith.constant 128 : i32
      %mul3A_93 = arith.muli %scan3A_23, %mul3A_92 : i32
      %add3A_94 = arith.constant 16 : i32
      %add3A_95 = arith.addi %mul3A_93, %add3A_94 : i32
      %get3A_96 = arith.index_cast %add3A_95 : i32 to index
      %get3A_97 = tpu.vector_load %arg8[%get3A_96] {strides = array<i32>} : memref<2048xf32, #tpu.memory_space<vmem>>, vector<16xf32>,
      %mul3A_98 = arith.constant 128 : i32
      %mul3A_99 = arith.muli %scan3A_23, %mul3A_98 : i32
      %add3A_100 = arith.constant 16 : i32
      %add3A_101 = arith.addi %mul3A_99, %add3A_100 : i32
      %get3A_102 = arith.index_cast %add3A_101 : i32 to index
      %get3A_103 = tpu.vector_load %arg11[%get3A_102] {strides = array<i32>} : memref<2048xi32, #tpu.memory_space<vmem>>, vector<16xi32>,
      %mul3A_104 = arith.constant 128 : i32
      %mul3A_105 = arith.muli %scan3A_23, %mul3A_104 : i32
      %add3A_106 = arith.constant 16 : i32
      %add3A_107 = arith.addi %mul3A_105, %add3A_106 : i32
      %iota3A_108 = tpu.iota {dimensions = array<i32: 0>} : vector<16xi32>
      %add3A_109 = vector.broadcast %add3A_107 : i32 to vector<16xi32>
      %add3A_110 = arith.addi %add3A_109, %iota3A_108 : vector<16xi32>
      %broadcast_in_dim3A_111 = arith.constant 0 : i32
      %broadcast_in_dim3A_112 = vector.broadcast %broadcast_in_dim3A_111 : i32 to vector<16xi32>
      %add3A_113 = arith.constant 8 : i32
      %add3A_114 = vector.broadcast %add3A_113 : i32 to vector<16xi32>
      %add3A_115 = arith.addi %broadcast_in_dim3A_112, %add3A_114 : vector<16xi32>
      %sub3A_116 = arith.constant 1 : i32
      %sub3A_117 = vector.broadcast %sub3A_116 : i32 to vector<16xi32>
      %sub3A_118 = arith.subi %add3A_115, %sub3A_117 : vector<16xi32>
      %gather3A_119 = tpu.vector_load_idx %arg10[%add3A_110, %sub3A_118] : memref<2048x16xf32, #tpu.memory_space<vmem>>[vector<16xi32>, vector<16xi32>], vector<16xf32>,
      %le3A_120 = arith.cmpf ole, %gather3A_119, %get3A_97 : vector<16xf32>
      %select_n3A_121 = arith.select %le3A_120, %add3A_115, %broadcast_in_dim3A_112 : vector<16xi1>, vector<16xi32>
      %add3A_122 = arith.constant 4 : i32
      %add3A_123 = vector.broadcast %add3A_122 : i32 to vector<16xi32>
      %add3A_124 = arith.addi %select_n3A_121, %add3A_123 : vector<16xi32>
      %sub3A_125 = arith.constant 1 : i32
      %sub3A_126 = vector.broadcast %sub3A_125 : i32 to vector<16xi32>
      %sub3A_127 = arith.subi %add3A_124, %sub3A_126 : vector<16xi32>
      %gather3A_128 = tpu.vector_load_idx %arg10[%add3A_110, %sub3A_127] : memref<2048x16xf32, #tpu.memory_space<vmem>>[vector<16xi32>, vector<16xi32>], vector<16xf32>,
      %le3A_129 = arith.cmpf ole, %gather3A_128, %get3A_97 : vector<16xf32>
      %select_n3A_130 = arith.select %le3A_129, %add3A_124, %select_n3A_121 : vector<16xi1>, vector<16xi32>
      %add3A_131 = arith.constant 2 : i32
      %add3A_132 = vector.broadcast %add3A_131 : i32 to vector<16xi32>
      %add3A_133 = arith.addi %select_n3A_130, %add3A_132 : vector<16xi32>
      %sub3A_134 = arith.constant 1 : i32
      %sub3A_135 = vector.broadcast %sub3A_134 : i32 to vector<16xi32>
      %sub3A_136 = arith.subi %add3A_133, %sub3A_135 : vector<16xi32>
      %gather3A_137 = tpu.vector_load_idx %arg10[%add3A_110, %sub3A_136] : memref<2048x16xf32, #tpu.memory_space<vmem>>[vector<16xi32>, vector<16xi32>], vector<16xf32>,
      %le3A_138 = arith.cmpf ole, %gather3A_137, %get3A_97 : vector<16xf32>
      %select_n3A_139 = arith.select %le3A_138, %add3A_133, %select_n3A_130 : vector<16xi1>, vector<16xi32>
      %add3A_140 = arith.constant 1 : i32
      %add3A_141 = vector.broadcast %add3A_140 : i32 to vector<16xi32>
      %add3A_142 = arith.addi %select_n3A_139, %add3A_141 : vector<16xi32>
      %sub3A_143 = arith.constant 1 : i32
      %sub3A_144 = vector.broadcast %sub3A_143 : i32 to vector<16xi32>
      %sub3A_145 = arith.subi %add3A_142, %sub3A_144 : vector<16xi32>
      %gather3A_146 = tpu.vector_load_idx %arg10[%add3A_110, %sub3A_145] : memref<2048x16xf32, #tpu.memory_space<vmem>>[vector<16xi32>, vector<16xi32>], vector<16xf32>,
      %le3A_147 = arith.cmpf ole, %gather3A_146, %get3A_97 : vector<16xf32>
      %select_n3A_148 = arith.select %le3A_147, %add3A_142, %select_n3A_139 : vector<16xi1>, vector<16xi32>
      %gather3A_149 = tpu.vector_load_idx %arg10[%add3A_110, %select_n3A_148] : memref<2048x16xf32, #tpu.memory_space<vmem>>[vector<16xi32>, vector<16xi32>], vector<16xf32>,
      %le3A_150 = arith.cmpf ole, %gather3A_149, %get3A_97 : vector<16xf32>
      %jit3A_151 = arith.constant 1 : i32
      %jit3A_152 = arith.constant 0 : i32
      %broadcast_in_dim3A_153 = vector.broadcast %jit3A_151 : i32 to vector<16xi32>
      %broadcast_in_dim3A_154 = vector.broadcast %jit3A_152 : i32 to vector<16xi32>
      %select_n3A_155 = arith.select %le3A_150, %broadcast_in_dim3A_153, %broadcast_in_dim3A_154 : vector<16xi1>, vector<16xi32>
      %add3A_156 = arith.addi %select_n3A_148, %select_n3A_155 : vector<16xi32>
      %mul3A_157 = arith.constant 16 : i32
      %mul3A_158 = vector.broadcast %mul3A_157 : i32 to vector<16xi32>
      %mul3A_159 = arith.muli %get3A_103, %mul3A_158 : vector<16xi32>
      %add3A_160 = arith.addi %mul3A_159, %add3A_156 : vector<16xi32>
      %min3A_161 = arith.constant 999999 : i32
      %min3A_162 = vector.broadcast %min3A_161 : i32 to vector<16xi32>
      %min3A_163 = arith.minsi %add3A_160, %min3A_162 : vector<16xi32>
      %mul3A_164 = arith.constant 128 : i32
      %mul3A_165 = arith.muli %scan3A_23, %mul3A_164 : i32
      %add3A_166 = arith.constant 16 : i32
      %add3A_167 = arith.addi %mul3A_165, %add3A_166 : i32
      %swap3A_168 = arith.index_cast %add3A_167 : i32 to index
      %swap3A_169 = tpu.vector_load %arg12[%swap3A_168] {strides = array<i32>} : memref<2048xi32, #tpu.memory_space<vmem>>, vector<16xi32>,
      tpu.vector_store %arg12[%swap3A_168], %min3A_163 {strides = array<i32>} : memref<2048xi32, #tpu.memory_space<vmem>>, vector<16xi32>,
      %mul3A_170 = arith.constant 128 : i32
      %mul3A_171 = arith.muli %scan3A_23, %mul3A_170 : i32
      %add3A_172 = arith.constant 32 : i32
      %add3A_173 = arith.addi %mul3A_171, %add3A_172 : i32
      %get3A_174 = arith.index_cast %add3A_173 : i32 to index
      %get3A_175 = tpu.vector_load %arg8[%get3A_174] {strides = array<i32>} : memref<2048xf32, #tpu.memory_space<vmem>>, vector<16xf32>,
      %mul3A_176 = arith.constant 128 : i32
      %mul3A_177 = arith.muli %scan3A_23, %mul3A_176 : i32
      %add3A_178 = arith.constant 32 : i32
      %add3A_179 = arith.addi %mul3A_177, %add3A_178 : i32
      %get3A_180 = arith.index_cast %add3A_179 : i32 to index
      %get3A_181 = tpu.vector_load %arg11[%get3A_180] {strides = array<i32>} : memref<2048xi32, #tpu.memory_space<vmem>>, vector<16xi32>,
      %mul3A_182 = arith.constant 128 : i32
      %mul3A_183 = arith.muli %scan3A_23, %mul3A_182 : i32
      %add3A_184 = arith.constant 32 : i32
      %add3A_185 = arith.addi %mul3A_183, %add3A_184 : i32
      %iota3A_186 = tpu.iota {dimensions = array<i32: 0>} : vector<16xi32>
      %add3A_187 = vector.broadcast %add3A_185 : i32 to vector<16xi32>
      %add3A_188 = arith.addi %add3A_187, %iota3A_186 : vector<16xi32>
      %broadcast_in_dim3A_189 = arith.constant 0 : i32
      %broadcast_in_dim3A_190 = vector.broadcast %broadcast_in_dim3A_189 : i32 to vector<16xi32>
      %add3A_191 = arith.constant 8 : i32
      %add3A_192 = vector.broadcast %add3A_191 : i32 to vector<16xi32>
      %add3A_193 = arith.addi %broadcast_in_dim3A_190, %add3A_192 : vector<16xi32>
      %sub3A_194 = arith.constant 1 : i32
      %sub3A_195 = vector.broadcast %sub3A_194 : i32 to vector<16xi32>
      %sub3A_196 = arith.subi %add3A_193, %sub3A_195 : vector<16xi32>
      %gather3A_197 = tpu.vector_load_idx %arg10[%add3A_188, %sub3A_196] : memref<2048x16xf32, #tpu.memory_space<vmem>>[vector<16xi32>, vector<16xi32>], vector<16xf32>,
      %le3A_198 = arith.cmpf ole, %gather3A_197, %get3A_175 : vector<16xf32>
      %select_n3A_199 = arith.select %le3A_198, %add3A_193, %broadcast_in_dim3A_190 : vector<16xi1>, vector<16xi32>
      %add3A_200 = arith.constant 4 : i32
      %add3A_201 = vector.broadcast %add3A_200 : i32 to vector<16xi32>
      %add3A_202 = arith.addi %select_n3A_199, %add3A_201 : vector<16xi32>
      %sub3A_203 = arith.constant 1 : i32
      %sub3A_204 = vector.broadcast %sub3A_203 : i32 to vector<16xi32>
      %sub3A_205 = arith.subi %add3A_202, %sub3A_204 : vector<16xi32>
      %gather3A_206 = tpu.vector_load_idx %arg10[%add3A_188, %sub3A_205] : memref<2048x16xf32, #tpu.memory_space<vmem>>[vector<16xi32>, vector<16xi32>], vector<16xf32>,
      %le3A_207 = arith.cmpf ole, %gather3A_206, %get3A_175 : vector<16xf32>
      %select_n3A_208 = arith.select %le3A_207, %add3A_202, %select_n3A_199 : vector<16xi1>, vector<16xi32>
      %add3A_209 = arith.constant 2 : i32
      %add3A_210 = vector.broadcast %add3A_209 : i32 to vector<16xi32>
      %add3A_211 = arith.addi %select_n3A_208, %add3A_210 : vector<16xi32>
      %sub3A_212 = arith.constant 1 : i32
      %sub3A_213 = vector.broadcast %sub3A_212 : i32 to vector<16xi32>
      %sub3A_214 = arith.subi %add3A_211, %sub3A_213 : vector<16xi32>
      %gather3A_215 = tpu.vector_load_idx %arg10[%add3A_188, %sub3A_214] : memref<2048x16xf32, #tpu.memory_space<vmem>>[vector<16xi32>, vector<16xi32>], vector<16xf32>,
      %le3A_216 = arith.cmpf ole, %gather3A_215, %get3A_175 : vector<16xf32>
      %select_n3A_217 = arith.select %le3A_216, %add3A_211, %select_n3A_208 : vector<16xi1>, vector<16xi32>
      %add3A_218 = arith.constant 1 : i32
      %add3A_219 = vector.broadcast %add3A_218 : i32 to vector<16xi32>
      %add3A_220 = arith.addi %select_n3A_217, %add3A_219 : vector<16xi32>
      %sub3A_221 = arith.constant 1 : i32
      %sub3A_222 = vector.broadcast %sub3A_221 : i32 to vector<16xi32>
      %sub3A_223 = arith.subi %add3A_220, %sub3A_222 : vector<16xi32>
      %gather3A_224 = tpu.vector_load_idx %arg10[%add3A_188, %sub3A_223] : memref<2048x16xf32, #tpu.memory_space<vmem>>[vector<16xi32>, vector<16xi32>], vector<16xf32>,
      %le3A_225 = arith.cmpf ole, %gather3A_224, %get3A_175 : vector<16xf32>
      %select_n3A_226 = arith.select %le3A_225, %add3A_220, %select_n3A_217 : vector<16xi1>, vector<16xi32>
      %gather3A_227 = tpu.vector_load_idx %arg10[%add3A_188, %select_n3A_226] : memref<2048x16xf32, #tpu.memory_space<vmem>>[vector<16xi32>, vector<16xi32>], vector<16xf32>,
      %le3A_228 = arith.cmpf ole, %gather3A_227, %get3A_175 : vector<16xf32>
      %jit3A_229 = arith.constant 1 : i32
      %jit3A_230 = arith.constant 0 : i32
      %broadcast_in_dim3A_231 = vector.broadcast %jit3A_229 : i32 to vector<16xi32>
      %broadcast_in_dim3A_232 = vector.broadcast %jit3A_230 : i32 to vector<16xi32>
      %select_n3A_233 = arith.select %le3A_228, %broadcast_in_dim3A_231, %broadcast_in_dim3A_232 : vector<16xi1>, vector<16xi32>
      %add3A_234 = arith.addi %select_n3A_226, %select_n3A_233 : vector<16xi32>
      %mul3A_235 = arith.constant 16 : i32
      %mul3A_236 = vector.broadcast %mul3A_235 : i32 to vector<16xi32>
      %mul3A_237 = arith.muli %get3A_181, %mul3A_236 : vector<16xi32>
      %add3A_238 = arith.addi %mul3A_237, %add3A_234 : vector<16xi32>
      %min3A_239 = arith.constant 999999 : i32
      %min3A_240 = vector.broadcast %min3A_239 : i32 to vector<16xi32>
      %min3A_241 = arith.minsi %add3A_238, %min3A_240 : vector<16xi32>
      %mul3A_242 = arith.constant 128 : i32
      %mul3A_243 = arith.muli %scan3A_23, %mul3A_242 : i32
      %add3A_244 = arith.constant 32 : i32
      %add3A_245 = arith.addi %mul3A_243, %add3A_244 : i32
      %swap3A_246 = arith.index_cast %add3A_245 : i32 to index
      %swap3A_247 = tpu.vector_load %arg12[%swap3A_246] {strides = array<i32>} : memref<2048xi32, #tpu.memory_space<vmem>>, vector<16xi32>,
      tpu.vector_store %arg12[%swap3A_246], %min3A_241 {strides = array<i32>} : memref<2048xi32, #tpu.memory_space<vmem>>, vector<16xi32>,
      %mul3A_248 = arith.constant 128 : i32
      %mul3A_249 = arith.muli %scan3A_23, %mul3A_248 : i32
      %add3A_250 = arith.constant 48 : i32
      %add3A_251 = arith.addi %mul3A_249, %add3A_250 : i32
      %get3A_252 = arith.index_cast %add3A_251 : i32 to index
      %get3A_253 = tpu.vector_load %arg8[%get3A_252] {strides = array<i32>} : memref<2048xf32, #tpu.memory_space<vmem>>, vector<16xf32>,
      %mul3A_254 = arith.constant 128 : i32
      %mul3A_255 = arith.muli %scan3A_23, %mul3A_254 : i32
      %add3A_256 = arith.constant 48 : i32
      %add3A_257 = arith.addi %mul3A_255, %add3A_256 : i32
      %get3A_258 = arith.index_cast %add3A_257 : i32 to index
      %get3A_259 = tpu.vector_load %arg11[%get3A_258] {strides = array<i32>} : memref<2048xi32, #tpu.memory_space<vmem>>, vector<16xi32>,
      %mul3A_260 = arith.constant 128 : i32
      %mul3A_261 = arith.muli %scan3A_23, %mul3A_260 : i32
      %add3A_262 = arith.constant 48 : i32
      %add3A_263 = arith.addi %mul3A_261, %add3A_262 : i32
      %iota3A_264 = tpu.iota {dimensions = array<i32: 0>} : vector<16xi32>
      %add3A_265 = vector.broadcast %add3A_263 : i32 to vector<16xi32>
      %add3A_266 = arith.addi %add3A_265, %iota3A_264 : vector<16xi32>
      %broadcast_in_dim3A_267 = arith.constant 0 : i32
      %broadcast_in_dim3A_268 = vector.broadcast %broadcast_in_dim3A_267 : i32 to vector<16xi32>
      %add3A_269 = arith.constant 8 : i32
      %add3A_270 = vector.broadcast %add3A_269 : i32 to vector<16xi32>
      %add3A_271 = arith.addi %broadcast_in_dim3A_268, %add3A_270 : vector<16xi32>
      %sub3A_272 = arith.constant 1 : i32
      %sub3A_273 = vector.broadcast %sub3A_272 : i32 to vector<16xi32>
      %sub3A_274 = arith.subi %add3A_271, %sub3A_273 : vector<16xi32>
      %gather3A_275 = tpu.vector_load_idx %arg10[%add3A_266, %sub3A_274] : memref<2048x16xf32, #tpu.memory_space<vmem>>[vector<16xi32>, vector<16xi32>], vector<16xf32>,
      %le3A_276 = arith.cmpf ole, %gather3A_275, %get3A_253 : vector<16xf32>
      %select_n3A_277 = arith.select %le3A_276, %add3A_271, %broadcast_in_dim3A_268 : vector<16xi1>, vector<16xi32>
      %add3A_278 = arith.constant 4 : i32
      %add3A_279 = vector.broadcast %add3A_278 : i32 to vector<16xi32>
      %add3A_280 = arith.addi %select_n3A_277, %add3A_279 : vector<16xi32>
      %sub3A_281 = arith.constant 1 : i32
      %sub3A_282 = vector.broadcast %sub3A_281 : i32 to vector<16xi32>
      %sub3A_283 = arith.subi %add3A_280, %sub3A_282 : vector<16xi32>
      %gather3A_284 = tpu.vector_load_idx %arg10[%add3A_266, %sub3A_283] : memref<2048x16xf32, #tpu.memory_space<vmem>>[vector<16xi32>, vector<16xi32>], vector<16xf32>,
      %le3A_285 = arith.cmpf ole, %gather3A_284, %get3A_253 : vector<16xf32>
      %select_n3A_286 = arith.select %le3A_285, %add3A_280, %select_n3A_277 : vector<16xi1>, vector<16xi32>
      %add3A_287 = arith.constant 2 : i32
      %add3A_288 = vector.broadcast %add3A_287 : i32 to vector<16xi32>
      %add3A_289 = arith.addi %select_n3A_286, %add3A_288 : vector<16xi32>
      %sub3A_290 = arith.constant 1 : i32
      %sub3A_291 = vector.broadcast %sub3A_290 : i32 to vector<16xi32>
      %sub3A_292 = arith.subi %add3A_289, %sub3A_291 : vector<16xi32>
      %gather3A_293 = tpu.vector_load_idx %arg10[%add3A_266, %sub3A_292] : memref<2048x16xf32, #tpu.memory_space<vmem>>[vector<16xi32>, vector<16xi32>], vector<16xf32>,
      %le3A_294 = arith.cmpf ole, %gather3A_293, %get3A_253 : vector<16xf32>
      %select_n3A_295 = arith.select %le3A_294, %add3A_289, %select_n3A_286 : vector<16xi1>, vector<16xi32>
      %add3A_296 = arith.constant 1 : i32
      %add3A_297 = vector.broadcast %add3A_296 : i32 to vector<16xi32>
      %add3A_298 = arith.addi %select_n3A_295, %add3A_297 : vector<16xi32>
      %sub3A_299 = arith.constant 1 : i32
      %sub3A_300 = vector.broadcast %sub3A_299 : i32 to vector<16xi32>
      %sub3A_301 = arith.subi %add3A_298, %sub3A_300 : vector<16xi32>
      %gather3A_302 = tpu.vector_load_idx %arg10[%add3A_266, %sub3A_301] : memref<2048x16xf32, #tpu.memory_space<vmem>>[vector<16xi32>, vector<16xi32>], vector<16xf32>,
      %le3A_303 = arith.cmpf ole, %gather3A_302, %get3A_253 : vector<16xf32>
      %select_n3A_304 = arith.select %le3A_303, %add3A_298, %select_n3A_295 : vector<16xi1>, vector<16xi32>
      %gather3A_305 = tpu.vector_load_idx %arg10[%add3A_266, %select_n3A_304] : memref<2048x16xf32, #tpu.memory_space<vmem>>[vector<16xi32>, vector<16xi32>], vector<16xf32>,
      %le3A_306 = arith.cmpf ole, %gather3A_305, %get3A_253 : vector<16xf32>
      %jit3A_307 = arith.constant 1 : i32
      %jit3A_308 = arith.constant 0 : i32
      %broadcast_in_dim3A_309 = vector.broadcast %jit3A_307 : i32 to vector<16xi32>
      %broadcast_in_dim3A_310 = vector.broadcast %jit3A_308 : i32 to vector<16xi32>
      %select_n3A_311 = arith.select %le3A_306, %broadcast_in_dim3A_309, %broadcast_in_dim3A_310 : vector<16xi1>, vector<16xi32>
      %add3A_312 = arith.addi %select_n3A_304, %select_n3A_311 : vector<16xi32>
      %mul3A_313 = arith.constant 16 : i32
      %mul3A_314 = vector.broadcast %mul3A_313 : i32 to vector<16xi32>
      %mul3A_315 = arith.muli %get3A_259, %mul3A_314 : vector<16xi32>
      %add3A_316 = arith.addi %mul3A_315, %add3A_312 : vector<16xi32>
      %min3A_317 = arith.constant 999999 : i32
      %min3A_318 = vector.broadcast %min3A_317 : i32 to vector<16xi32>
      %min3A_319 = arith.minsi %add3A_316, %min3A_318 : vector<16xi32>
      %mul3A_320 = arith.constant 128 : i32
      %mul3A_321 = arith.muli %scan3A_23, %mul3A_320 : i32
      %add3A_322 = arith.constant 48 : i32
      %add3A_323 = arith.addi %mul3A_321, %add3A_322 : i32
      %swap3A_324 = arith.index_cast %add3A_323 : i32 to index
      %swap3A_325 = tpu.vector_load %arg12[%swap3A_324] {strides = array<i32>} : memref<2048xi32, #tpu.memory_space<vmem>>, vector<16xi32>,
      tpu.vector_store %arg12[%swap3A_324], %min3A_319 {strides = array<i32>} : memref<2048xi32, #tpu.memory_space<vmem>>, vector<16xi32>,
      %mul3A_326 = arith.constant 128 : i32
      %mul3A_327 = arith.muli %scan3A_23, %mul3A_326 : i32
      %add3A_328 = arith.constant 64 : i32
      %add3A_329 = arith.addi %mul3A_327, %add3A_328 : i32
      %get3A_330 = arith.index_cast %add3A_329 : i32 to index
      %get3A_331 = tpu.vector_load %arg8[%get3A_330] {strides = array<i32>} : memref<2048xf32, #tpu.memory_space<vmem>>, vector<16xf32>,
      %mul3A_332 = arith.constant 128 : i32
      %mul3A_333 = arith.muli %scan3A_23, %mul3A_332 : i32
      %add3A_334 = arith.constant 64 : i32
      %add3A_335 = arith.addi %mul3A_333, %add3A_334 : i32
      %get3A_336 = arith.index_cast %add3A_335 : i32 to index
      %get3A_337 = tpu.vector_load %arg11[%get3A_336] {strides = array<i32>} : memref<2048xi32, #tpu.memory_space<vmem>>, vector<16xi32>,
      %mul3A_338 = arith.constant 128 : i32
      %mul3A_339 = arith.muli %scan3A_23, %mul3A_338 : i32
      %add3A_340 = arith.constant 64 : i32
      %add3A_341 = arith.addi %mul3A_339, %add3A_340 : i32
      %iota3A_342 = tpu.iota {dimensions = array<i32: 0>} : vector<16xi32>
      %add3A_343 = vector.broadcast %add3A_341 : i32 to vector<16xi32>
      %add3A_344 = arith.addi %add3A_343, %iota3A_342 : vector<16xi32>
      %broadcast_in_dim3A_345 = arith.constant 0 : i32
      %broadcast_in_dim3A_346 = vector.broadcast %broadcast_in_dim3A_345 : i32 to vector<16xi32>
      %add3A_347 = arith.constant 8 : i32
      %add3A_348 = vector.broadcast %add3A_347 : i32 to vector<16xi32>
      %add3A_349 = arith.addi %broadcast_in_dim3A_346, %add3A_348 : vector<16xi32>
      %sub3A_350 = arith.constant 1 : i32
      %sub3A_351 = vector.broadcast %sub3A_350 : i32 to vector<16xi32>
      %sub3A_352 = arith.subi %add3A_349, %sub3A_351 : vector<16xi32>
      %gather3A_353 = tpu.vector_load_idx %arg10[%add3A_344, %sub3A_352] : memref<2048x16xf32, #tpu.memory_space<vmem>>[vector<16xi32>, vector<16xi32>], vector<16xf32>,
      %le3A_354 = arith.cmpf ole, %gather3A_353, %get3A_331 : vector<16xf32>
      %select_n3A_355 = arith.select %le3A_354, %add3A_349, %broadcast_in_dim3A_346 : vector<16xi1>, vector<16xi32>
      %add3A_356 = arith.constant 4 : i32
      %add3A_357 = vector.broadcast %add3A_356 : i32 to vector<16xi32>
      %add3A_358 = arith.addi %select_n3A_355, %add3A_357 : vector<16xi32>
      %sub3A_359 = arith.constant 1 : i32
      %sub3A_360 = vector.broadcast %sub3A_359 : i32 to vector<16xi32>
      %sub3A_361 = arith.subi %add3A_358, %sub3A_360 : vector<16xi32>
      %gather3A_362 = tpu.vector_load_idx %arg10[%add3A_344, %sub3A_361] : memref<2048x16xf32, #tpu.memory_space<vmem>>[vector<16xi32>, vector<16xi32>], vector<16xf32>,
      %le3A_363 = arith.cmpf ole, %gather3A_362, %get3A_331 : vector<16xf32>
      %select_n3A_364 = arith.select %le3A_363, %add3A_358, %select_n3A_355 : vector<16xi1>, vector<16xi32>
      %add3A_365 = arith.constant 2 : i32
      %add3A_366 = vector.broadcast %add3A_365 : i32 to vector<16xi32>
      %add3A_367 = arith.addi %select_n3A_364, %add3A_366 : vector<16xi32>
      %sub3A_368 = arith.constant 1 : i32
      %sub3A_369 = vector.broadcast %sub3A_368 : i32 to vector<16xi32>
      %sub3A_370 = arith.subi %add3A_367, %sub3A_369 : vector<16xi32>
      %gather3A_371 = tpu.vector_load_idx %arg10[%add3A_344, %sub3A_370] : memref<2048x16xf32, #tpu.memory_space<vmem>>[vector<16xi32>, vector<16xi32>], vector<16xf32>,
      %le3A_372 = arith.cmpf ole, %gather3A_371, %get3A_331 : vector<16xf32>
      %select_n3A_373 = arith.select %le3A_372, %add3A_367, %select_n3A_364 : vector<16xi1>, vector<16xi32>
      %add3A_374 = arith.constant 1 : i32
      %add3A_375 = vector.broadcast %add3A_374 : i32 to vector<16xi32>
      %add3A_376 = arith.addi %select_n3A_373, %add3A_375 : vector<16xi32>
      %sub3A_377 = arith.constant 1 : i32
      %sub3A_378 = vector.broadcast %sub3A_377 : i32 to vector<16xi32>
      %sub3A_379 = arith.subi %add3A_376, %sub3A_378 : vector<16xi32>
      %gather3A_380 = tpu.vector_load_idx %arg10[%add3A_344, %sub3A_379] : memref<2048x16xf32, #tpu.memory_space<vmem>>[vector<16xi32>, vector<16xi32>], vector<16xf32>,
      %le3A_381 = arith.cmpf ole, %gather3A_380, %get3A_331 : vector<16xf32>
      %select_n3A_382 = arith.select %le3A_381, %add3A_376, %select_n3A_373 : vector<16xi1>, vector<16xi32>
      %gather3A_383 = tpu.vector_load_idx %arg10[%add3A_344, %select_n3A_382] : memref<2048x16xf32, #tpu.memory_space<vmem>>[vector<16xi32>, vector<16xi32>], vector<16xf32>,
      %le3A_384 = arith.cmpf ole, %gather3A_383, %get3A_331 : vector<16xf32>
      %jit3A_385 = arith.constant 1 : i32
      %jit3A_386 = arith.constant 0 : i32
      %broadcast_in_dim3A_387 = vector.broadcast %jit3A_385 : i32 to vector<16xi32>
      %broadcast_in_dim3A_388 = vector.broadcast %jit3A_386 : i32 to vector<16xi32>
      %select_n3A_389 = arith.select %le3A_384, %broadcast_in_dim3A_387, %broadcast_in_dim3A_388 : vector<16xi1>, vector<16xi32>
      %add3A_390 = arith.addi %select_n3A_382, %select_n3A_389 : vector<16xi32>
      %mul3A_391 = arith.constant 16 : i32
      %mul3A_392 = vector.broadcast %mul3A_391 : i32 to vector<16xi32>
      %mul3A_393 = arith.muli %get3A_337, %mul3A_392 : vector<16xi32>
      %add3A_394 = arith.addi %mul3A_393, %add3A_390 : vector<16xi32>
      %min3A_395 = arith.constant 999999 : i32
      %min3A_396 = vector.broadcast %min3A_395 : i32 to vector<16xi32>
      %min3A_397 = arith.minsi %add3A_394, %min3A_396 : vector<16xi32>
      %mul3A_398 = arith.constant 128 : i32
      %mul3A_399 = arith.muli %scan3A_23, %mul3A_398 : i32
      %add3A_400 = arith.constant 64 : i32
      %add3A_401 = arith.addi %mul3A_399, %add3A_400 : i32
      %swap3A_402 = arith.index_cast %add3A_401 : i32 to index
      %swap3A_403 = tpu.vector_load %arg12[%swap3A_402] {strides = array<i32>} : memref<2048xi32, #tpu.memory_space<vmem>>, vector<16xi32>,
      tpu.vector_store %arg12[%swap3A_402], %min3A_397 {strides = array<i32>} : memref<2048xi32, #tpu.memory_space<vmem>>, vector<16xi32>,
      %mul3A_404 = arith.constant 128 : i32
      %mul3A_405 = arith.muli %scan3A_23, %mul3A_404 : i32
      %add3A_406 = arith.constant 80 : i32
      %add3A_407 = arith.addi %mul3A_405, %add3A_406 : i32
      %get3A_408 = arith.index_cast %add3A_407 : i32 to index
      %get3A_409 = tpu.vector_load %arg8[%get3A_408] {strides = array<i32>} : memref<2048xf32, #tpu.memory_space<vmem>>, vector<16xf32>,
      %mul3A_410 = arith.constant 128 : i32
      %mul3A_411 = arith.muli %scan3A_23, %mul3A_410 : i32
      %add3A_412 = arith.constant 80 : i32
      %add3A_413 = arith.addi %mul3A_411, %add3A_412 : i32
      %get3A_414 = arith.index_cast %add3A_413 : i32 to index
      %get3A_415 = tpu.vector_load %arg11[%get3A_414] {strides = array<i32>} : memref<2048xi32, #tpu.memory_space<vmem>>, vector<16xi32>,
      %mul3A_416 = arith.constant 128 : i32
      %mul3A_417 = arith.muli %scan3A_23, %mul3A_416 : i32
      %add3A_418 = arith.constant 80 : i32
      %add3A_419 = arith.addi %mul3A_417, %add3A_418 : i32
      %iota3A_420 = tpu.iota {dimensions = array<i32: 0>} : vector<16xi32>
      %add3A_421 = vector.broadcast %add3A_419 : i32 to vector<16xi32>
      %add3A_422 = arith.addi %add3A_421, %iota3A_420 : vector<16xi32>
      %broadcast_in_dim3A_423 = arith.constant 0 : i32
      %broadcast_in_dim3A_424 = vector.broadcast %broadcast_in_dim3A_423 : i32 to vector<16xi32>
      %add3A_425 = arith.constant 8 : i32
      %add3A_426 = vector.broadcast %add3A_425 : i32 to vector<16xi32>
      %add3A_427 = arith.addi %broadcast_in_dim3A_424, %add3A_426 : vector<16xi32>
      %sub3A_428 = arith.constant 1 : i32
      %sub3A_429 = vector.broadcast %sub3A_428 : i32 to vector<16xi32>
      %sub3A_430 = arith.subi %add3A_427, %sub3A_429 : vector<16xi32>
      %gather3A_431 = tpu.vector_load_idx %arg10[%add3A_422, %sub3A_430] : memref<2048x16xf32, #tpu.memory_space<vmem>>[vector<16xi32>, vector<16xi32>], vector<16xf32>,
      %le3A_432 = arith.cmpf ole, %gather3A_431, %get3A_409 : vector<16xf32>
      %select_n3A_433 = arith.select %le3A_432, %add3A_427, %broadcast_in_dim3A_424 : vector<16xi1>, vector<16xi32>
      %add3A_434 = arith.constant 4 : i32
      %add3A_435 = vector.broadcast %add3A_434 : i32 to vector<16xi32>
      %add3A_436 = arith.addi %select_n3A_433, %add3A_435 : vector<16xi32>
      %sub3A_437 = arith.constant 1 : i32
      %sub3A_438 = vector.broadcast %sub3A_437 : i32 to vector<16xi32>
      %sub3A_439 = arith.subi %add3A_436, %sub3A_438 : vector<16xi32>
      %gather3A_440 = tpu.vector_load_idx %arg10[%add3A_422, %sub3A_439] : memref<2048x16xf32, #tpu.memory_space<vmem>>[vector<16xi32>, vector<16xi32>], vector<16xf32>,
      %le3A_441 = arith.cmpf ole, %gather3A_440, %get3A_409 : vector<16xf32>
      %select_n3A_442 = arith.select %le3A_441, %add3A_436, %select_n3A_433 : vector<16xi1>, vector<16xi32>
      %add3A_443 = arith.constant 2 : i32
      %add3A_444 = vector.broadcast %add3A_443 : i32 to vector<16xi32>
      %add3A_445 = arith.addi %select_n3A_442, %add3A_444 : vector<16xi32>
      %sub3A_446 = arith.constant 1 : i32
      %sub3A_447 = vector.broadcast %sub3A_446 : i32 to vector<16xi32>
      %sub3A_448 = arith.subi %add3A_445, %sub3A_447 : vector<16xi32>
      %gather3A_449 = tpu.vector_load_idx %arg10[%add3A_422, %sub3A_448] : memref<2048x16xf32, #tpu.memory_space<vmem>>[vector<16xi32>, vector<16xi32>], vector<16xf32>,
      %le3A_450 = arith.cmpf ole, %gather3A_449, %get3A_409 : vector<16xf32>
      %select_n3A_451 = arith.select %le3A_450, %add3A_445, %select_n3A_442 : vector<16xi1>, vector<16xi32>
      %add3A_452 = arith.constant 1 : i32
      %add3A_453 = vector.broadcast %add3A_452 : i32 to vector<16xi32>
      %add3A_454 = arith.addi %select_n3A_451, %add3A_453 : vector<16xi32>
      %sub3A_455 = arith.constant 1 : i32
      %sub3A_456 = vector.broadcast %sub3A_455 : i32 to vector<16xi32>
      %sub3A_457 = arith.subi %add3A_454, %sub3A_456 : vector<16xi32>
      %gather3A_458 = tpu.vector_load_idx %arg10[%add3A_422, %sub3A_457] : memref<2048x16xf32, #tpu.memory_space<vmem>>[vector<16xi32>, vector<16xi32>], vector<16xf32>,
      %le3A_459 = arith.cmpf ole, %gather3A_458, %get3A_409 : vector<16xf32>
      %select_n3A_460 = arith.select %le3A_459, %add3A_454, %select_n3A_451 : vector<16xi1>, vector<16xi32>
      %gather3A_461 = tpu.vector_load_idx %arg10[%add3A_422, %select_n3A_460] : memref<2048x16xf32, #tpu.memory_space<vmem>>[vector<16xi32>, vector<16xi32>], vector<16xf32>,
      %le3A_462 = arith.cmpf ole, %gather3A_461, %get3A_409 : vector<16xf32>
      %jit3A_463 = arith.constant 1 : i32
      %jit3A_464 = arith.constant 0 : i32
      %broadcast_in_dim3A_465 = vector.broadcast %jit3A_463 : i32 to vector<16xi32>
      %broadcast_in_dim3A_466 = vector.broadcast %jit3A_464 : i32 to vector<16xi32>
      %select_n3A_467 = arith.select %le3A_462, %broadcast_in_dim3A_465, %broadcast_in_dim3A_466 : vector<16xi1>, vector<16xi32>
      %add3A_468 = arith.addi %select_n3A_460, %select_n3A_467 : vector<16xi32>
      %mul3A_469 = arith.constant 16 : i32
      %mul3A_470 = vector.broadcast %mul3A_469 : i32 to vector<16xi32>
      %mul3A_471 = arith.muli %get3A_415, %mul3A_470 : vector<16xi32>
      %add3A_472 = arith.addi %mul3A_471, %add3A_468 : vector<16xi32>
      %min3A_473 = arith.constant 999999 : i32
      %min3A_474 = vector.broadcast %min3A_473 : i32 to vector<16xi32>
      %min3A_475 = arith.minsi %add3A_472, %min3A_474 : vector<16xi32>
      %mul3A_476 = arith.constant 128 : i32
      %mul3A_477 = arith.muli %scan3A_23, %mul3A_476 : i32
      %add3A_478 = arith.constant 80 : i32
      %add3A_479 = arith.addi %mul3A_477, %add3A_478 : i32
      %swap3A_480 = arith.index_cast %add3A_479 : i32 to index
      %swap3A_481 = tpu.vector_load %arg12[%swap3A_480] {strides = array<i32>} : memref<2048xi32, #tpu.memory_space<vmem>>, vector<16xi32>,
      tpu.vector_store %arg12[%swap3A_480], %min3A_475 {strides = array<i32>} : memref<2048xi32, #tpu.memory_space<vmem>>, vector<16xi32>,
      %mul3A_482 = arith.constant 128 : i32
      %mul3A_483 = arith.muli %scan3A_23, %mul3A_482 : i32
      %add3A_484 = arith.constant 96 : i32
      %add3A_485 = arith.addi %mul3A_483, %add3A_484 : i32
      %get3A_486 = arith.index_cast %add3A_485 : i32 to index
      %get3A_487 = tpu.vector_load %arg8[%get3A_486] {strides = array<i32>} : memref<2048xf32, #tpu.memory_space<vmem>>, vector<16xf32>,
      %mul3A_488 = arith.constant 128 : i32
      %mul3A_489 = arith.muli %scan3A_23, %mul3A_488 : i32
      %add3A_490 = arith.constant 96 : i32
      %add3A_491 = arith.addi %mul3A_489, %add3A_490 : i32
      %get3A_492 = arith.index_cast %add3A_491 : i32 to index
      %get3A_493 = tpu.vector_load %arg11[%get3A_492] {strides = array<i32>} : memref<2048xi32, #tpu.memory_space<vmem>>, vector<16xi32>,
      %mul3A_494 = arith.constant 128 : i32
      %mul3A_495 = arith.muli %scan3A_23, %mul3A_494 : i32
      %add3A_496 = arith.constant 96 : i32
      %add3A_497 = arith.addi %mul3A_495, %add3A_496 : i32
      %iota3A_498 = tpu.iota {dimensions = array<i32: 0>} : vector<16xi32>
      %add3A_499 = vector.broadcast %add3A_497 : i32 to vector<16xi32>
      %add3A_500 = arith.addi %add3A_499, %iota3A_498 : vector<16xi32>
      %broadcast_in_dim3A_501 = arith.constant 0 : i32
      %broadcast_in_dim3A_502 = vector.broadcast %broadcast_in_dim3A_501 : i32 to vector<16xi32>
      %add3A_503 = arith.constant 8 : i32
      %add3A_504 = vector.broadcast %add3A_503 : i32 to vector<16xi32>
      %add3A_505 = arith.addi %broadcast_in_dim3A_502, %add3A_504 : vector<16xi32>
      %sub3A_506 = arith.constant 1 : i32
      %sub3A_507 = vector.broadcast %sub3A_506 : i32 to vector<16xi32>
      %sub3A_508 = arith.subi %add3A_505, %sub3A_507 : vector<16xi32>
      %gather3A_509 = tpu.vector_load_idx %arg10[%add3A_500, %sub3A_508] : memref<2048x16xf32, #tpu.memory_space<vmem>>[vector<16xi32>, vector<16xi32>], vector<16xf32>,
      %le3A_510 = arith.cmpf ole, %gather3A_509, %get3A_487 : vector<16xf32>
      %select_n3A_511 = arith.select %le3A_510, %add3A_505, %broadcast_in_dim3A_502 : vector<16xi1>, vector<16xi32>
      %add3A_512 = arith.constant 4 : i32
      %add3A_513 = vector.broadcast %add3A_512 : i32 to vector<16xi32>
      %add3A_514 = arith.addi %select_n3A_511, %add3A_513 : vector<16xi32>
      %sub3A_515 = arith.constant 1 : i32
      %sub3A_516 = vector.broadcast %sub3A_515 : i32 to vector<16xi32>
      %sub3A_517 = arith.subi %add3A_514, %sub3A_516 : vector<16xi32>
      %gather3A_518 = tpu.vector_load_idx %arg10[%add3A_500, %sub3A_517] : memref<2048x16xf32, #tpu.memory_space<vmem>>[vector<16xi32>, vector<16xi32>], vector<16xf32>,
      %le3A_519 = arith.cmpf ole, %gather3A_518, %get3A_487 : vector<16xf32>
      %select_n3A_520 = arith.select %le3A_519, %add3A_514, %select_n3A_511 : vector<16xi1>, vector<16xi32>
      %add3A_521 = arith.constant 2 : i32
      %add3A_522 = vector.broadcast %add3A_521 : i32 to vector<16xi32>
      %add3A_523 = arith.addi %select_n3A_520, %add3A_522 : vector<16xi32>
      %sub3A_524 = arith.constant 1 : i32
      %sub3A_525 = vector.broadcast %sub3A_524 : i32 to vector<16xi32>
      %sub3A_526 = arith.subi %add3A_523, %sub3A_525 : vector<16xi32>
      %gather3A_527 = tpu.vector_load_idx %arg10[%add3A_500, %sub3A_526] : memref<2048x16xf32, #tpu.memory_space<vmem>>[vector<16xi32>, vector<16xi32>], vector<16xf32>,
      %le3A_528 = arith.cmpf ole, %gather3A_527, %get3A_487 : vector<16xf32>
      %select_n3A_529 = arith.select %le3A_528, %add3A_523, %select_n3A_520 : vector<16xi1>, vector<16xi32>
      %add3A_530 = arith.constant 1 : i32
      %add3A_531 = vector.broadcast %add3A_530 : i32 to vector<16xi32>
      %add3A_532 = arith.addi %select_n3A_529, %add3A_531 : vector<16xi32>
      %sub3A_533 = arith.constant 1 : i32
      %sub3A_534 = vector.broadcast %sub3A_533 : i32 to vector<16xi32>
      %sub3A_535 = arith.subi %add3A_532, %sub3A_534 : vector<16xi32>
      %gather3A_536 = tpu.vector_load_idx %arg10[%add3A_500, %sub3A_535] : memref<2048x16xf32, #tpu.memory_space<vmem>>[vector<16xi32>, vector<16xi32>], vector<16xf32>,
      %le3A_537 = arith.cmpf ole, %gather3A_536, %get3A_487 : vector<16xf32>
      %select_n3A_538 = arith.select %le3A_537, %add3A_532, %select_n3A_529 : vector<16xi1>, vector<16xi32>
      %gather3A_539 = tpu.vector_load_idx %arg10[%add3A_500, %select_n3A_538] : memref<2048x16xf32, #tpu.memory_space<vmem>>[vector<16xi32>, vector<16xi32>], vector<16xf32>,
      %le3A_540 = arith.cmpf ole, %gather3A_539, %get3A_487 : vector<16xf32>
      %jit3A_541 = arith.constant 1 : i32
      %jit3A_542 = arith.constant 0 : i32
      %broadcast_in_dim3A_543 = vector.broadcast %jit3A_541 : i32 to vector<16xi32>
      %broadcast_in_dim3A_544 = vector.broadcast %jit3A_542 : i32 to vector<16xi32>
      %select_n3A_545 = arith.select %le3A_540, %broadcast_in_dim3A_543, %broadcast_in_dim3A_544 : vector<16xi1>, vector<16xi32>
      %add3A_546 = arith.addi %select_n3A_538, %select_n3A_545 : vector<16xi32>
      %mul3A_547 = arith.constant 16 : i32
      %mul3A_548 = vector.broadcast %mul3A_547 : i32 to vector<16xi32>
      %mul3A_549 = arith.muli %get3A_493, %mul3A_548 : vector<16xi32>
      %add3A_550 = arith.addi %mul3A_549, %add3A_546 : vector<16xi32>
      %min3A_551 = arith.constant 999999 : i32
      %min3A_552 = vector.broadcast %min3A_551 : i32 to vector<16xi32>
      %min3A_553 = arith.minsi %add3A_550, %min3A_552 : vector<16xi32>
      %mul3A_554 = arith.constant 128 : i32
      %mul3A_555 = arith.muli %scan3A_23, %mul3A_554 : i32
      %add3A_556 = arith.constant 96 : i32
      %add3A_557 = arith.addi %mul3A_555, %add3A_556 : i32
      %swap3A_558 = arith.index_cast %add3A_557 : i32 to index
      %swap3A_559 = tpu.vector_load %arg12[%swap3A_558] {strides = array<i32>} : memref<2048xi32, #tpu.memory_space<vmem>>, vector<16xi32>,
      tpu.vector_store %arg12[%swap3A_558], %min3A_553 {strides = array<i32>} : memref<2048xi32, #tpu.memory_space<vmem>>, vector<16xi32>,
      %mul3A_560 = arith.constant 128 : i32
      %mul3A_561 = arith.muli %scan3A_23, %mul3A_560 : i32
      %add3A_562 = arith.constant 112 : i32
      %add3A_563 = arith.addi %mul3A_561, %add3A_562 : i32
      %get3A_564 = arith.index_cast %add3A_563 : i32 to index
      %get3A_565 = tpu.vector_load %arg8[%get3A_564] {strides = array<i32>} : memref<2048xf32, #tpu.memory_space<vmem>>, vector<16xf32>,
      %mul3A_566 = arith.constant 128 : i32
      %mul3A_567 = arith.muli %scan3A_23, %mul3A_566 : i32
      %add3A_568 = arith.constant 112 : i32
      %add3A_569 = arith.addi %mul3A_567, %add3A_568 : i32
      %get3A_570 = arith.index_cast %add3A_569 : i32 to index
      %get3A_571 = tpu.vector_load %arg11[%get3A_570] {strides = array<i32>} : memref<2048xi32, #tpu.memory_space<vmem>>, vector<16xi32>,
      %mul3A_572 = arith.constant 128 : i32
      %mul3A_573 = arith.muli %scan3A_23, %mul3A_572 : i32
      %add3A_574 = arith.constant 112 : i32
      %add3A_575 = arith.addi %mul3A_573, %add3A_574 : i32
      %iota3A_576 = tpu.iota {dimensions = array<i32: 0>} : vector<16xi32>
      %add3A_577 = vector.broadcast %add3A_575 : i32 to vector<16xi32>
      %add3A_578 = arith.addi %add3A_577, %iota3A_576 : vector<16xi32>
      %broadcast_in_dim3A_579 = arith.constant 0 : i32
      %broadcast_in_dim3A_580 = vector.broadcast %broadcast_in_dim3A_579 : i32 to vector<16xi32>
      %add3A_581 = arith.constant 8 : i32
      %add3A_582 = vector.broadcast %add3A_581 : i32 to vector<16xi32>
      %add3A_583 = arith.addi %broadcast_in_dim3A_580, %add3A_582 : vector<16xi32>
      %sub3A_584 = arith.constant 1 : i32
      %sub3A_585 = vector.broadcast %sub3A_584 : i32 to vector<16xi32>
      %sub3A_586 = arith.subi %add3A_583, %sub3A_585 : vector<16xi32>
      %gather3A_587 = tpu.vector_load_idx %arg10[%add3A_578, %sub3A_586] : memref<2048x16xf32, #tpu.memory_space<vmem>>[vector<16xi32>, vector<16xi32>], vector<16xf32>,
      %le3A_588 = arith.cmpf ole, %gather3A_587, %get3A_565 : vector<16xf32>
      %select_n3A_589 = arith.select %le3A_588, %add3A_583, %broadcast_in_dim3A_580 : vector<16xi1>, vector<16xi32>
      %add3A_590 = arith.constant 4 : i32
      %add3A_591 = vector.broadcast %add3A_590 : i32 to vector<16xi32>
      %add3A_592 = arith.addi %select_n3A_589, %add3A_591 : vector<16xi32>
      %sub3A_593 = arith.constant 1 : i32
      %sub3A_594 = vector.broadcast %sub3A_593 : i32 to vector<16xi32>
      %sub3A_595 = arith.subi %add3A_592, %sub3A_594 : vector<16xi32>
      %gather3A_596 = tpu.vector_load_idx %arg10[%add3A_578, %sub3A_595] : memref<2048x16xf32, #tpu.memory_space<vmem>>[vector<16xi32>, vector<16xi32>], vector<16xf32>,
      %le3A_597 = arith.cmpf ole, %gather3A_596, %get3A_565 : vector<16xf32>
      %select_n3A_598 = arith.select %le3A_597, %add3A_592, %select_n3A_589 : vector<16xi1>, vector<16xi32>
      %add3A_599 = arith.constant 2 : i32
      %add3A_600 = vector.broadcast %add3A_599 : i32 to vector<16xi32>
      %add3A_601 = arith.addi %select_n3A_598, %add3A_600 : vector<16xi32>
      %sub3A_602 = arith.constant 1 : i32
      %sub3A_603 = vector.broadcast %sub3A_602 : i32 to vector<16xi32>
      %sub3A_604 = arith.subi %add3A_601, %sub3A_603 : vector<16xi32>
      %gather3A_605 = tpu.vector_load_idx %arg10[%add3A_578, %sub3A_604] : memref<2048x16xf32, #tpu.memory_space<vmem>>[vector<16xi32>, vector<16xi32>], vector<16xf32>,
      %le3A_606 = arith.cmpf ole, %gather3A_605, %get3A_565 : vector<16xf32>
      %select_n3A_607 = arith.select %le3A_606, %add3A_601, %select_n3A_598 : vector<16xi1>, vector<16xi32>
      %add3A_608 = arith.constant 1 : i32
      %add3A_609 = vector.broadcast %add3A_608 : i32 to vector<16xi32>
      %add3A_610 = arith.addi %select_n3A_607, %add3A_609 : vector<16xi32>
      %sub3A_611 = arith.constant 1 : i32
      %sub3A_612 = vector.broadcast %sub3A_611 : i32 to vector<16xi32>
      %sub3A_613 = arith.subi %add3A_610, %sub3A_612 : vector<16xi32>
      %gather3A_614 = tpu.vector_load_idx %arg10[%add3A_578, %sub3A_613] : memref<2048x16xf32, #tpu.memory_space<vmem>>[vector<16xi32>, vector<16xi32>], vector<16xf32>,
      %le3A_615 = arith.cmpf ole, %gather3A_614, %get3A_565 : vector<16xf32>
      %select_n3A_616 = arith.select %le3A_615, %add3A_610, %select_n3A_607 : vector<16xi1>, vector<16xi32>
      %gather3A_617 = tpu.vector_load_idx %arg10[%add3A_578, %select_n3A_616] : memref<2048x16xf32, #tpu.memory_space<vmem>>[vector<16xi32>, vector<16xi32>], vector<16xf32>,
      %le3A_618 = arith.cmpf ole, %gather3A_617, %get3A_565 : vector<16xf32>
      %jit3A_619 = arith.constant 1 : i32
      %jit3A_620 = arith.constant 0 : i32
      %broadcast_in_dim3A_621 = vector.broadcast %jit3A_619 : i32 to vector<16xi32>
      %broadcast_in_dim3A_622 = vector.broadcast %jit3A_620 : i32 to vector<16xi32>
      %select_n3A_623 = arith.select %le3A_618, %broadcast_in_dim3A_621, %broadcast_in_dim3A_622 : vector<16xi1>, vector<16xi32>
      %add3A_624 = arith.addi %select_n3A_616, %select_n3A_623 : vector<16xi32>
      %mul3A_625 = arith.constant 16 : i32
      %mul3A_626 = vector.broadcast %mul3A_625 : i32 to vector<16xi32>
      %mul3A_627 = arith.muli %get3A_571, %mul3A_626 : vector<16xi32>
      %add3A_628 = arith.addi %mul3A_627, %add3A_624 : vector<16xi32>
      %min3A_629 = arith.constant 999999 : i32
      %min3A_630 = vector.broadcast %min3A_629 : i32 to vector<16xi32>
      %min3A_631 = arith.minsi %add3A_628, %min3A_630 : vector<16xi32>
      %mul3A_632 = arith.constant 128 : i32
      %mul3A_633 = arith.muli %scan3A_23, %mul3A_632 : i32
      %add3A_634 = arith.constant 112 : i32
      %add3A_635 = arith.addi %mul3A_633, %add3A_634 : i32
      %swap3A_636 = arith.index_cast %add3A_635 : i32 to index
      %swap3A_637 = tpu.vector_load %arg12[%swap3A_636] {strides = array<i32>} : memref<2048xi32, #tpu.memory_space<vmem>>, vector<16xi32>,
      tpu.vector_store %arg12[%swap3A_636], %min3A_631 {strides = array<i32>} : memref<2048xi32, #tpu.memory_space<vmem>>, vector<16xi32>,
      %mul3A_638 = arith.constant 128 : i32
      %mul3A_639 = arith.muli %scan3A_23, %mul3A_638 : i32
      %mul3A_640 = arith.constant 128 : i32
      %mul3A_641 = arith.muli %scan3A_23, %mul3A_640 : i32
      %dma_start3A = tpu.memref_slice %arg13[%mul3A_641] : memref<2048xf32, #tpu.memory_space<vmem>> -> memref<128xf32, #tpu.memory_space<vmem>>
      %dma_start3A_642 = tpu.memref_slice %arg12[%mul3A_639] : memref<2048xi32, #tpu.memory_space<vmem>> -> memref<128xi32, #tpu.memory_space<vmem>>
      %dma_start3A_643 = arith.constant 0 : i32
      %dma_start3A_644 = tpu.memref_slice %arg5[%dma_start3A_643] : memref<1048576xf32, #tpu.memory_space<hbm>> -> memref<1048576xf32, #tpu.memory_space<hbm>>
      tpu.enqueue_indirect_dma source(%dma_start3A_644 : memref<1048576xf32, #tpu.memory_space<hbm>>) target(%dma_start3A : memref<128xf32, #tpu.memory_space<vmem>>) offsets(%dma_start3A_642 : memref<128xi32, #tpu.memory_space<vmem>>) semaphore(%arg14 : memref<!tpu.dma_semaphore, #tpu.memory_space<semaphore_mem>>)
    }
    %scan3A_18 = arith.constant 16 : i32
    %dma_wait3A_19 = arith.constant 0 : i32
    %dma_wait3A_20 = tpu.memref_slice %arg5[%dma_wait3A_19] : memref<1048576xf32, #tpu.memory_space<hbm>> -> memref<2048xf32, #tpu.memory_space<hbm>>
    %dma_wait3A_21 = arith.constant 0 : i32
    %dma_wait3A_22 = tpu.memref_slice %arg5[%dma_wait3A_21] : memref<1048576xf32, #tpu.memory_space<hbm>> -> memref<2048xf32, #tpu.memory_space<hbm>>
    tpu.wait_dma2 semaphore(%arg14 : memref<!tpu.dma_semaphore, #tpu.memory_space<semaphore_mem>>) src(%dma_wait3A_22 : memref<2048xf32, #tpu.memory_space<hbm>>) dst(%arg13 : memref<2048xf32, #tpu.memory_space<vmem>>)
    "tpu.region"() ({
      %run_scoped3A = tpu.sem_alloc : memref<!tpu.dma_semaphore, #tpu.memory_space<semaphore_mem>>
      %dma_start3A = tpu.memref_slice %arg6[%mul3A_2] : memref<65536xi32, #tpu.memory_space<hbm>> -> memref<2048xi32, #tpu.memory_space<hbm>>
      %dma_start3A_23 = tpu.memref_slice %arg6[%mul3A_2] : memref<65536xi32, #tpu.memory_space<hbm>> -> memref<2048xi32, #tpu.memory_space<hbm>>
      tpu.enqueue_dma source(%arg12 : memref<2048xi32, #tpu.memory_space<vmem>>) target(%dma_start3A_23 : memref<2048xi32, #tpu.memory_space<hbm>>) target_semaphore(%run_scoped3A : memref<!tpu.dma_semaphore, #tpu.memory_space<semaphore_mem>>)
      %dma_wait3A_24 = tpu.memref_slice %arg6[%mul3A_2] : memref<65536xi32, #tpu.memory_space<hbm>> -> memref<2048xi32, #tpu.memory_space<hbm>>
      %dma_wait3A_25 = tpu.memref_slice %arg6[%mul3A_2] : memref<65536xi32, #tpu.memory_space<hbm>> -> memref<2048xi32, #tpu.memory_space<hbm>>
      tpu.wait_dma2 semaphore(%run_scoped3A : memref<!tpu.dma_semaphore, #tpu.memory_space<semaphore_mem>>) src(%arg12 : memref<2048xi32, #tpu.memory_space<vmem>>) dst(%dma_wait3A_25 : memref<2048xi32, #tpu.memory_space<hbm>>)
      tpu.yield
    }) : () -> ()
    "tpu.region"() ({
      %run_scoped3A = tpu.sem_alloc : memref<!tpu.dma_semaphore, #tpu.memory_space<semaphore_mem>>
      %dma_start3A = tpu.memref_slice %arg7[%mul3A_2] : memref<65536xf32, #tpu.memory_space<hbm>> -> memref<2048xf32, #tpu.memory_space<hbm>>
      %dma_start3A_23 = tpu.memref_slice %arg7[%mul3A_2] : memref<65536xf32, #tpu.memory_space<hbm>> -> memref<2048xf32, #tpu.memory_space<hbm>>
      tpu.enqueue_dma source(%arg13 : memref<2048xf32, #tpu.memory_space<vmem>>) target(%dma_start3A_23 : memref<2048xf32, #tpu.memory_space<hbm>>) target_semaphore(%run_scoped3A : memref<!tpu.dma_semaphore, #tpu.memory_space<semaphore_mem>>)
      %dma_wait3A_24 = tpu.memref_slice %arg7[%mul3A_2] : memref<65536xf32, #tpu.memory_space<hbm>> -> memref<2048xf32, #tpu.memory_space<hbm>>
      %dma_wait3A_25 = tpu.memref_slice %arg7[%mul3A_2] : memref<65536xf32, #tpu.memory_space<hbm>> -> memref<2048xf32, #tpu.memory_space<hbm>>
      tpu.wait_dma2 semaphore(%run_scoped3A : memref<!tpu.dma_semaphore, #tpu.memory_space<semaphore_mem>>) src(%arg13 : memref<2048xf32, #tpu.memory_space<vmem>>) dst(%dma_wait3A_25 : memref<2048xf32, #tpu.memory_space<hbm>>)
      tpu.yield
    }) : () -> ()
    return
  }
}

module attributes {stable_mosaic.version = 14 : i64} {
  func.func @_tc_scan_body(%arg0: memref<128x64x128xf32, #tpu.memory_space<vmem>>, %arg1: memref<128x64x128xf32, #tpu.memory_space<vmem>>) attributes {dimension_semantics = [], scalar_prefetch = 0 : i64, scratch_operands = 0 : i64, tpu.core_type = #tpu.core_type<tc>} {
    %get3A = arith.constant 0 : index
    %get3A_0 = arith.constant 0 : index
    %get3A_1 = arith.constant 0 : index
    %get3A_2 = vector.load %arg0[%get3A, %get3A_0, %get3A_1] : memref<128x64x128xf32, #tpu.memory_space<vmem>>, vector<1x64x128xf32>
    %get3A_3 = vector.shape_cast %get3A_2 : vector<1x64x128xf32> to vector<64x128xf32>
    %swap3A = arith.constant 0 : index
    %swap3A_4 = arith.constant 0 : index
    %swap3A_5 = arith.constant 0 : index
    %swap3A_6 = vector.load %arg1[%swap3A, %swap3A_4, %swap3A_5] : memref<128x64x128xf32, #tpu.memory_space<vmem>>, vector<1x64x128xf32>
    %swap3A_7 = vector.shape_cast %swap3A_6 : vector<1x64x128xf32> to vector<64x128xf32>
    %swap3A_8 = vector.shape_cast %get3A_3 : vector<64x128xf32> to vector<1x64x128xf32>
    tpu.vector_store %arg1[%swap3A, %swap3A_4, %swap3A_5], %swap3A_8 {strides = array<i32>} : memref<128x64x128xf32, #tpu.memory_space<vmem>>, vector<1x64x128xf32>,
    %get3A_9 = arith.constant 1 : index
    %get3A_10 = arith.constant 0 : index
    %get3A_11 = arith.constant 0 : index
    %get3A_12 = vector.load %arg0[%get3A_9, %get3A_10, %get3A_11] : memref<128x64x128xf32, #tpu.memory_space<vmem>>, vector<1x64x128xf32>
    %get3A_13 = vector.shape_cast %get3A_12 : vector<1x64x128xf32> to vector<64x128xf32>
    %add3A = arith.addf %get3A_3, %get3A_13 : vector<64x128xf32>
    %swap3A_14 = arith.constant 1 : index
    %swap3A_15 = arith.constant 0 : index
    %swap3A_16 = arith.constant 0 : index
    %swap3A_17 = vector.load %arg1[%swap3A_14, %swap3A_15, %swap3A_16] : memref<128x64x128xf32, #tpu.memory_space<vmem>>, vector<1x64x128xf32>
    %swap3A_18 = vector.shape_cast %swap3A_17 : vector<1x64x128xf32> to vector<64x128xf32>
    %swap3A_19 = vector.shape_cast %add3A : vector<64x128xf32> to vector<1x64x128xf32>
    tpu.vector_store %arg1[%swap3A_14, %swap3A_15, %swap3A_16], %swap3A_19 {strides = array<i32>} : memref<128x64x128xf32, #tpu.memory_space<vmem>>, vector<1x64x128xf32>,
    %get3A_20 = arith.constant 2 : index
    %get3A_21 = arith.constant 0 : index
    %get3A_22 = arith.constant 0 : index
    %get3A_23 = vector.load %arg0[%get3A_20, %get3A_21, %get3A_22] : memref<128x64x128xf32, #tpu.memory_space<vmem>>, vector<1x64x128xf32>
    %get3A_24 = vector.shape_cast %get3A_23 : vector<1x64x128xf32> to vector<64x128xf32>
    %add3A_25 = arith.addf %add3A, %get3A_24 : vector<64x128xf32>
    %swap3A_26 = arith.constant 2 : index
    %swap3A_27 = arith.constant 0 : index
    %swap3A_28 = arith.constant 0 : index
    %swap3A_29 = vector.load %arg1[%swap3A_26, %swap3A_27, %swap3A_28] : memref<128x64x128xf32, #tpu.memory_space<vmem>>, vector<1x64x128xf32>
    %swap3A_30 = vector.shape_cast %swap3A_29 : vector<1x64x128xf32> to vector<64x128xf32>
    %swap3A_31 = vector.shape_cast %add3A_25 : vector<64x128xf32> to vector<1x64x128xf32>
    tpu.vector_store %arg1[%swap3A_26, %swap3A_27, %swap3A_28], %swap3A_31 {strides = array<i32>} : memref<128x64x128xf32, #tpu.memory_space<vmem>>, vector<1x64x128xf32>,
    %get3A_32 = arith.constant 3 : index
    %get3A_33 = arith.constant 0 : index
    %get3A_34 = arith.constant 0 : index
    %get3A_35 = vector.load %arg0[%get3A_32, %get3A_33, %get3A_34] : memref<128x64x128xf32, #tpu.memory_space<vmem>>, vector<1x64x128xf32>
    %get3A_36 = vector.shape_cast %get3A_35 : vector<1x64x128xf32> to vector<64x128xf32>
    %add3A_37 = arith.addf %add3A_25, %get3A_36 : vector<64x128xf32>
    %swap3A_38 = arith.constant 3 : index
    %swap3A_39 = arith.constant 0 : index
    %swap3A_40 = arith.constant 0 : index
    %swap3A_41 = vector.load %arg1[%swap3A_38, %swap3A_39, %swap3A_40] : memref<128x64x128xf32, #tpu.memory_space<vmem>>, vector<1x64x128xf32>
    %swap3A_42 = vector.shape_cast %swap3A_41 : vector<1x64x128xf32> to vector<64x128xf32>
    %swap3A_43 = vector.shape_cast %add3A_37 : vector<64x128xf32> to vector<1x64x128xf32>
    tpu.vector_store %arg1[%swap3A_38, %swap3A_39, %swap3A_40], %swap3A_43 {strides = array<i32>} : memref<128x64x128xf32, #tpu.memory_space<vmem>>, vector<1x64x128xf32>,
    %get3A_44 = arith.constant 4 : index
    %get3A_45 = arith.constant 0 : index
    %get3A_46 = arith.constant 0 : index
    %get3A_47 = vector.load %arg0[%get3A_44, %get3A_45, %get3A_46] : memref<128x64x128xf32, #tpu.memory_space<vmem>>, vector<1x64x128xf32>
    %get3A_48 = vector.shape_cast %get3A_47 : vector<1x64x128xf32> to vector<64x128xf32>
    %add3A_49 = arith.addf %add3A_37, %get3A_48 : vector<64x128xf32>
    %swap3A_50 = arith.constant 4 : index
    %swap3A_51 = arith.constant 0 : index
    %swap3A_52 = arith.constant 0 : index
    %swap3A_53 = vector.load %arg1[%swap3A_50, %swap3A_51, %swap3A_52] : memref<128x64x128xf32, #tpu.memory_space<vmem>>, vector<1x64x128xf32>
    %swap3A_54 = vector.shape_cast %swap3A_53 : vector<1x64x128xf32> to vector<64x128xf32>
    %swap3A_55 = vector.shape_cast %add3A_49 : vector<64x128xf32> to vector<1x64x128xf32>
    tpu.vector_store %arg1[%swap3A_50, %swap3A_51, %swap3A_52], %swap3A_55 {strides = array<i32>} : memref<128x64x128xf32, #tpu.memory_space<vmem>>, vector<1x64x128xf32>,
    %get3A_56 = arith.constant 5 : index
    %get3A_57 = arith.constant 0 : index
    %get3A_58 = arith.constant 0 : index
    %get3A_59 = vector.load %arg0[%get3A_56, %get3A_57, %get3A_58] : memref<128x64x128xf32, #tpu.memory_space<vmem>>, vector<1x64x128xf32>
    %get3A_60 = vector.shape_cast %get3A_59 : vector<1x64x128xf32> to vector<64x128xf32>
    %add3A_61 = arith.addf %add3A_49, %get3A_60 : vector<64x128xf32>
    %swap3A_62 = arith.constant 5 : index
    %swap3A_63 = arith.constant 0 : index
    %swap3A_64 = arith.constant 0 : index
    %swap3A_65 = vector.load %arg1[%swap3A_62, %swap3A_63, %swap3A_64] : memref<128x64x128xf32, #tpu.memory_space<vmem>>, vector<1x64x128xf32>
    %swap3A_66 = vector.shape_cast %swap3A_65 : vector<1x64x128xf32> to vector<64x128xf32>
    %swap3A_67 = vector.shape_cast %add3A_61 : vector<64x128xf32> to vector<1x64x128xf32>
    tpu.vector_store %arg1[%swap3A_62, %swap3A_63, %swap3A_64], %swap3A_67 {strides = array<i32>} : memref<128x64x128xf32, #tpu.memory_space<vmem>>, vector<1x64x128xf32>,
    %get3A_68 = arith.constant 6 : index
    %get3A_69 = arith.constant 0 : index
    %get3A_70 = arith.constant 0 : index
    %get3A_71 = vector.load %arg0[%get3A_68, %get3A_69, %get3A_70] : memref<128x64x128xf32, #tpu.memory_space<vmem>>, vector<1x64x128xf32>
    %get3A_72 = vector.shape_cast %get3A_71 : vector<1x64x128xf32> to vector<64x128xf32>
    %add3A_73 = arith.addf %add3A_61, %get3A_72 : vector<64x128xf32>
    %swap3A_74 = arith.constant 6 : index
    %swap3A_75 = arith.constant 0 : index
    %swap3A_76 = arith.constant 0 : index
    %swap3A_77 = vector.load %arg1[%swap3A_74, %swap3A_75, %swap3A_76] : memref<128x64x128xf32, #tpu.memory_space<vmem>>, vector<1x64x128xf32>
    %swap3A_78 = vector.shape_cast %swap3A_77 : vector<1x64x128xf32> to vector<64x128xf32>
    %swap3A_79 = vector.shape_cast %add3A_73 : vector<64x128xf32> to vector<1x64x128xf32>
    tpu.vector_store %arg1[%swap3A_74, %swap3A_75, %swap3A_76], %swap3A_79 {strides = array<i32>} : memref<128x64x128xf32, #tpu.memory_space<vmem>>, vector<1x64x128xf32>,
    %get3A_80 = arith.constant 7 : index
    %get3A_81 = arith.constant 0 : index
    %get3A_82 = arith.constant 0 : index
    %get3A_83 = vector.load %arg0[%get3A_80, %get3A_81, %get3A_82] : memref<128x64x128xf32, #tpu.memory_space<vmem>>, vector<1x64x128xf32>
    %get3A_84 = vector.shape_cast %get3A_83 : vector<1x64x128xf32> to vector<64x128xf32>
    %add3A_85 = arith.addf %add3A_73, %get3A_84 : vector<64x128xf32>
    %swap3A_86 = arith.constant 7 : index
    %swap3A_87 = arith.constant 0 : index
    %swap3A_88 = arith.constant 0 : index
    %swap3A_89 = vector.load %arg1[%swap3A_86, %swap3A_87, %swap3A_88] : memref<128x64x128xf32, #tpu.memory_space<vmem>>, vector<1x64x128xf32>
    %swap3A_90 = vector.shape_cast %swap3A_89 : vector<1x64x128xf32> to vector<64x128xf32>
    %swap3A_91 = vector.shape_cast %add3A_85 : vector<64x128xf32> to vector<1x64x128xf32>
    tpu.vector_store %arg1[%swap3A_86, %swap3A_87, %swap3A_88], %swap3A_91 {strides = array<i32>} : memref<128x64x128xf32, #tpu.memory_space<vmem>>, vector<1x64x128xf32>,
    %get3A_92 = arith.constant 8 : index
    %get3A_93 = arith.constant 0 : index
    %get3A_94 = arith.constant 0 : index
    %get3A_95 = vector.load %arg0[%get3A_92, %get3A_93, %get3A_94] : memref<128x64x128xf32, #tpu.memory_space<vmem>>, vector<1x64x128xf32>
    %get3A_96 = vector.shape_cast %get3A_95 : vector<1x64x128xf32> to vector<64x128xf32>
    %add3A_97 = arith.addf %add3A_85, %get3A_96 : vector<64x128xf32>
    %swap3A_98 = arith.constant 8 : index
    %swap3A_99 = arith.constant 0 : index
    %swap3A_100 = arith.constant 0 : index
    %swap3A_101 = vector.load %arg1[%swap3A_98, %swap3A_99, %swap3A_100] : memref<128x64x128xf32, #tpu.memory_space<vmem>>, vector<1x64x128xf32>
    %swap3A_102 = vector.shape_cast %swap3A_101 : vector<1x64x128xf32> to vector<64x128xf32>
    %swap3A_103 = vector.shape_cast %add3A_97 : vector<64x128xf32> to vector<1x64x128xf32>
    tpu.vector_store %arg1[%swap3A_98, %swap3A_99, %swap3A_100], %swap3A_103 {strides = array<i32>} : memref<128x64x128xf32, #tpu.memory_space<vmem>>, vector<1x64x128xf32>,
    %get3A_104 = arith.constant 9 : index
    %get3A_105 = arith.constant 0 : index
    %get3A_106 = arith.constant 0 : index
    %get3A_107 = vector.load %arg0[%get3A_104, %get3A_105, %get3A_106] : memref<128x64x128xf32, #tpu.memory_space<vmem>>, vector<1x64x128xf32>
    %get3A_108 = vector.shape_cast %get3A_107 : vector<1x64x128xf32> to vector<64x128xf32>
    %add3A_109 = arith.addf %add3A_97, %get3A_108 : vector<64x128xf32>
    %swap3A_110 = arith.constant 9 : index
    %swap3A_111 = arith.constant 0 : index
    %swap3A_112 = arith.constant 0 : index
    %swap3A_113 = vector.load %arg1[%swap3A_110, %swap3A_111, %swap3A_112] : memref<128x64x128xf32, #tpu.memory_space<vmem>>, vector<1x64x128xf32>
    %swap3A_114 = vector.shape_cast %swap3A_113 : vector<1x64x128xf32> to vector<64x128xf32>
    %swap3A_115 = vector.shape_cast %add3A_109 : vector<64x128xf32> to vector<1x64x128xf32>
    tpu.vector_store %arg1[%swap3A_110, %swap3A_111, %swap3A_112], %swap3A_115 {strides = array<i32>} : memref<128x64x128xf32, #tpu.memory_space<vmem>>, vector<1x64x128xf32>,
    %get3A_116 = arith.constant 10 : index
    %get3A_117 = arith.constant 0 : index
    %get3A_118 = arith.constant 0 : index
    %get3A_119 = vector.load %arg0[%get3A_116, %get3A_117, %get3A_118] : memref<128x64x128xf32, #tpu.memory_space<vmem>>, vector<1x64x128xf32>
    %get3A_120 = vector.shape_cast %get3A_119 : vector<1x64x128xf32> to vector<64x128xf32>
    %add3A_121 = arith.addf %add3A_109, %get3A_120 : vector<64x128xf32>
    %swap3A_122 = arith.constant 10 : index
    %swap3A_123 = arith.constant 0 : index
    %swap3A_124 = arith.constant 0 : index
    %swap3A_125 = vector.load %arg1[%swap3A_122, %swap3A_123, %swap3A_124] : memref<128x64x128xf32, #tpu.memory_space<vmem>>, vector<1x64x128xf32>
    %swap3A_126 = vector.shape_cast %swap3A_125 : vector<1x64x128xf32> to vector<64x128xf32>
    %swap3A_127 = vector.shape_cast %add3A_121 : vector<64x128xf32> to vector<1x64x128xf32>
    tpu.vector_store %arg1[%swap3A_122, %swap3A_123, %swap3A_124], %swap3A_127 {strides = array<i32>} : memref<128x64x128xf32, #tpu.memory_space<vmem>>, vector<1x64x128xf32>,
    %get3A_128 = arith.constant 11 : index
    %get3A_129 = arith.constant 0 : index
    %get3A_130 = arith.constant 0 : index
    %get3A_131 = vector.load %arg0[%get3A_128, %get3A_129, %get3A_130] : memref<128x64x128xf32, #tpu.memory_space<vmem>>, vector<1x64x128xf32>
    %get3A_132 = vector.shape_cast %get3A_131 : vector<1x64x128xf32> to vector<64x128xf32>
    %add3A_133 = arith.addf %add3A_121, %get3A_132 : vector<64x128xf32>
    %swap3A_134 = arith.constant 11 : index
    %swap3A_135 = arith.constant 0 : index
    %swap3A_136 = arith.constant 0 : index
    %swap3A_137 = vector.load %arg1[%swap3A_134, %swap3A_135, %swap3A_136] : memref<128x64x128xf32, #tpu.memory_space<vmem>>, vector<1x64x128xf32>
    %swap3A_138 = vector.shape_cast %swap3A_137 : vector<1x64x128xf32> to vector<64x128xf32>
    %swap3A_139 = vector.shape_cast %add3A_133 : vector<64x128xf32> to vector<1x64x128xf32>
    tpu.vector_store %arg1[%swap3A_134, %swap3A_135, %swap3A_136], %swap3A_139 {strides = array<i32>} : memref<128x64x128xf32, #tpu.memory_space<vmem>>, vector<1x64x128xf32>,
    %get3A_140 = arith.constant 12 : index
    %get3A_141 = arith.constant 0 : index
    %get3A_142 = arith.constant 0 : index
    %get3A_143 = vector.load %arg0[%get3A_140, %get3A_141, %get3A_142] : memref<128x64x128xf32, #tpu.memory_space<vmem>>, vector<1x64x128xf32>
    %get3A_144 = vector.shape_cast %get3A_143 : vector<1x64x128xf32> to vector<64x128xf32>
    %add3A_145 = arith.addf %add3A_133, %get3A_144 : vector<64x128xf32>
    %swap3A_146 = arith.constant 12 : index
    %swap3A_147 = arith.constant 0 : index
    %swap3A_148 = arith.constant 0 : index
    %swap3A_149 = vector.load %arg1[%swap3A_146, %swap3A_147, %swap3A_148] : memref<128x64x128xf32, #tpu.memory_space<vmem>>, vector<1x64x128xf32>
    %swap3A_150 = vector.shape_cast %swap3A_149 : vector<1x64x128xf32> to vector<64x128xf32>
    %swap3A_151 = vector.shape_cast %add3A_145 : vector<64x128xf32> to vector<1x64x128xf32>
    tpu.vector_store %arg1[%swap3A_146, %swap3A_147, %swap3A_148], %swap3A_151 {strides = array<i32>} : memref<128x64x128xf32, #tpu.memory_space<vmem>>, vector<1x64x128xf32>,
    %get3A_152 = arith.constant 13 : index
    %get3A_153 = arith.constant 0 : index
    %get3A_154 = arith.constant 0 : index
    %get3A_155 = vector.load %arg0[%get3A_152, %get3A_153, %get3A_154] : memref<128x64x128xf32, #tpu.memory_space<vmem>>, vector<1x64x128xf32>
    %get3A_156 = vector.shape_cast %get3A_155 : vector<1x64x128xf32> to vector<64x128xf32>
    %add3A_157 = arith.addf %add3A_145, %get3A_156 : vector<64x128xf32>
    %swap3A_158 = arith.constant 13 : index
    %swap3A_159 = arith.constant 0 : index
    %swap3A_160 = arith.constant 0 : index
    %swap3A_161 = vector.load %arg1[%swap3A_158, %swap3A_159, %swap3A_160] : memref<128x64x128xf32, #tpu.memory_space<vmem>>, vector<1x64x128xf32>
    %swap3A_162 = vector.shape_cast %swap3A_161 : vector<1x64x128xf32> to vector<64x128xf32>
    %swap3A_163 = vector.shape_cast %add3A_157 : vector<64x128xf32> to vector<1x64x128xf32>
    tpu.vector_store %arg1[%swap3A_158, %swap3A_159, %swap3A_160], %swap3A_163 {strides = array<i32>} : memref<128x64x128xf32, #tpu.memory_space<vmem>>, vector<1x64x128xf32>,
    %get3A_164 = arith.constant 14 : index
    %get3A_165 = arith.constant 0 : index
    %get3A_166 = arith.constant 0 : index
    %get3A_167 = vector.load %arg0[%get3A_164, %get3A_165, %get3A_166] : memref<128x64x128xf32, #tpu.memory_space<vmem>>, vector<1x64x128xf32>
    %get3A_168 = vector.shape_cast %get3A_167 : vector<1x64x128xf32> to vector<64x128xf32>
    %add3A_169 = arith.addf %add3A_157, %get3A_168 : vector<64x128xf32>
    %swap3A_170 = arith.constant 14 : index
    %swap3A_171 = arith.constant 0 : index
    %swap3A_172 = arith.constant 0 : index
    %swap3A_173 = vector.load %arg1[%swap3A_170, %swap3A_171, %swap3A_172] : memref<128x64x128xf32, #tpu.memory_space<vmem>>, vector<1x64x128xf32>
    %swap3A_174 = vector.shape_cast %swap3A_173 : vector<1x64x128xf32> to vector<64x128xf32>
    %swap3A_175 = vector.shape_cast %add3A_169 : vector<64x128xf32> to vector<1x64x128xf32>
    tpu.vector_store %arg1[%swap3A_170, %swap3A_171, %swap3A_172], %swap3A_175 {strides = array<i32>} : memref<128x64x128xf32, #tpu.memory_space<vmem>>, vector<1x64x128xf32>,
    %get3A_176 = arith.constant 15 : index
    %get3A_177 = arith.constant 0 : index
    %get3A_178 = arith.constant 0 : index
    %get3A_179 = vector.load %arg0[%get3A_176, %get3A_177, %get3A_178] : memref<128x64x128xf32, #tpu.memory_space<vmem>>, vector<1x64x128xf32>
    %get3A_180 = vector.shape_cast %get3A_179 : vector<1x64x128xf32> to vector<64x128xf32>
    %add3A_181 = arith.addf %add3A_169, %get3A_180 : vector<64x128xf32>
    %swap3A_182 = arith.constant 15 : index
    %swap3A_183 = arith.constant 0 : index
    %swap3A_184 = arith.constant 0 : index
    %swap3A_185 = vector.load %arg1[%swap3A_182, %swap3A_183, %swap3A_184] : memref<128x64x128xf32, #tpu.memory_space<vmem>>, vector<1x64x128xf32>
    %swap3A_186 = vector.shape_cast %swap3A_185 : vector<1x64x128xf32> to vector<64x128xf32>
    %swap3A_187 = vector.shape_cast %add3A_181 : vector<64x128xf32> to vector<1x64x128xf32>
    tpu.vector_store %arg1[%swap3A_182, %swap3A_183, %swap3A_184], %swap3A_187 {strides = array<i32>} : memref<128x64x128xf32, #tpu.memory_space<vmem>>, vector<1x64x128xf32>,
    %get3A_188 = arith.constant 16 : index
    %get3A_189 = arith.constant 0 : index
    %get3A_190 = arith.constant 0 : index
    %get3A_191 = vector.load %arg0[%get3A_188, %get3A_189, %get3A_190] : memref<128x64x128xf32, #tpu.memory_space<vmem>>, vector<1x64x128xf32>
    %get3A_192 = vector.shape_cast %get3A_191 : vector<1x64x128xf32> to vector<64x128xf32>
    %add3A_193 = arith.addf %add3A_181, %get3A_192 : vector<64x128xf32>
    %swap3A_194 = arith.constant 16 : index
    %swap3A_195 = arith.constant 0 : index
    %swap3A_196 = arith.constant 0 : index
    %swap3A_197 = vector.load %arg1[%swap3A_194, %swap3A_195, %swap3A_196] : memref<128x64x128xf32, #tpu.memory_space<vmem>>, vector<1x64x128xf32>
    %swap3A_198 = vector.shape_cast %swap3A_197 : vector<1x64x128xf32> to vector<64x128xf32>
    %swap3A_199 = vector.shape_cast %add3A_193 : vector<64x128xf32> to vector<1x64x128xf32>
    tpu.vector_store %arg1[%swap3A_194, %swap3A_195, %swap3A_196], %swap3A_199 {strides = array<i32>} : memref<128x64x128xf32, #tpu.memory_space<vmem>>, vector<1x64x128xf32>,
    %get3A_200 = arith.constant 17 : index
    %get3A_201 = arith.constant 0 : index
    %get3A_202 = arith.constant 0 : index
    %get3A_203 = vector.load %arg0[%get3A_200, %get3A_201, %get3A_202] : memref<128x64x128xf32, #tpu.memory_space<vmem>>, vector<1x64x128xf32>
    %get3A_204 = vector.shape_cast %get3A_203 : vector<1x64x128xf32> to vector<64x128xf32>
    %add3A_205 = arith.addf %add3A_193, %get3A_204 : vector<64x128xf32>
    %swap3A_206 = arith.constant 17 : index
    %swap3A_207 = arith.constant 0 : index
    %swap3A_208 = arith.constant 0 : index
    %swap3A_209 = vector.load %arg1[%swap3A_206, %swap3A_207, %swap3A_208] : memref<128x64x128xf32, #tpu.memory_space<vmem>>, vector<1x64x128xf32>
    %swap3A_210 = vector.shape_cast %swap3A_209 : vector<1x64x128xf32> to vector<64x128xf32>
    %swap3A_211 = vector.shape_cast %add3A_205 : vector<64x128xf32> to vector<1x64x128xf32>
    tpu.vector_store %arg1[%swap3A_206, %swap3A_207, %swap3A_208], %swap3A_211 {strides = array<i32>} : memref<128x64x128xf32, #tpu.memory_space<vmem>>, vector<1x64x128xf32>,
    %get3A_212 = arith.constant 18 : index
    %get3A_213 = arith.constant 0 : index
    %get3A_214 = arith.constant 0 : index
    %get3A_215 = vector.load %arg0[%get3A_212, %get3A_213, %get3A_214] : memref<128x64x128xf32, #tpu.memory_space<vmem>>, vector<1x64x128xf32>
    %get3A_216 = vector.shape_cast %get3A_215 : vector<1x64x128xf32> to vector<64x128xf32>
    %add3A_217 = arith.addf %add3A_205, %get3A_216 : vector<64x128xf32>
    %swap3A_218 = arith.constant 18 : index
    %swap3A_219 = arith.constant 0 : index
    %swap3A_220 = arith.constant 0 : index
    %swap3A_221 = vector.load %arg1[%swap3A_218, %swap3A_219, %swap3A_220] : memref<128x64x128xf32, #tpu.memory_space<vmem>>, vector<1x64x128xf32>
    %swap3A_222 = vector.shape_cast %swap3A_221 : vector<1x64x128xf32> to vector<64x128xf32>
    %swap3A_223 = vector.shape_cast %add3A_217 : vector<64x128xf32> to vector<1x64x128xf32>
    tpu.vector_store %arg1[%swap3A_218, %swap3A_219, %swap3A_220], %swap3A_223 {strides = array<i32>} : memref<128x64x128xf32, #tpu.memory_space<vmem>>, vector<1x64x128xf32>,
    %get3A_224 = arith.constant 19 : index
    %get3A_225 = arith.constant 0 : index
    %get3A_226 = arith.constant 0 : index
    %get3A_227 = vector.load %arg0[%get3A_224, %get3A_225, %get3A_226] : memref<128x64x128xf32, #tpu.memory_space<vmem>>, vector<1x64x128xf32>
    %get3A_228 = vector.shape_cast %get3A_227 : vector<1x64x128xf32> to vector<64x128xf32>
    %add3A_229 = arith.addf %add3A_217, %get3A_228 : vector<64x128xf32>
    %swap3A_230 = arith.constant 19 : index
    %swap3A_231 = arith.constant 0 : index
    %swap3A_232 = arith.constant 0 : index
    %swap3A_233 = vector.load %arg1[%swap3A_230, %swap3A_231, %swap3A_232] : memref<128x64x128xf32, #tpu.memory_space<vmem>>, vector<1x64x128xf32>
    %swap3A_234 = vector.shape_cast %swap3A_233 : vector<1x64x128xf32> to vector<64x128xf32>
    %swap3A_235 = vector.shape_cast %add3A_229 : vector<64x128xf32> to vector<1x64x128xf32>
    tpu.vector_store %arg1[%swap3A_230, %swap3A_231, %swap3A_232], %swap3A_235 {strides = array<i32>} : memref<128x64x128xf32, #tpu.memory_space<vmem>>, vector<1x64x128xf32>,
    %get3A_236 = arith.constant 20 : index
    %get3A_237 = arith.constant 0 : index
    %get3A_238 = arith.constant 0 : index
    %get3A_239 = vector.load %arg0[%get3A_236, %get3A_237, %get3A_238] : memref<128x64x128xf32, #tpu.memory_space<vmem>>, vector<1x64x128xf32>
    %get3A_240 = vector.shape_cast %get3A_239 : vector<1x64x128xf32> to vector<64x128xf32>
    %add3A_241 = arith.addf %add3A_229, %get3A_240 : vector<64x128xf32>
    %swap3A_242 = arith.constant 20 : index
    %swap3A_243 = arith.constant 0 : index
    %swap3A_244 = arith.constant 0 : index
    %swap3A_245 = vector.load %arg1[%swap3A_242, %swap3A_243, %swap3A_244] : memref<128x64x128xf32, #tpu.memory_space<vmem>>, vector<1x64x128xf32>
    %swap3A_246 = vector.shape_cast %swap3A_245 : vector<1x64x128xf32> to vector<64x128xf32>
    %swap3A_247 = vector.shape_cast %add3A_241 : vector<64x128xf32> to vector<1x64x128xf32>
    tpu.vector_store %arg1[%swap3A_242, %swap3A_243, %swap3A_244], %swap3A_247 {strides = array<i32>} : memref<128x64x128xf32, #tpu.memory_space<vmem>>, vector<1x64x128xf32>,
    %get3A_248 = arith.constant 21 : index
    %get3A_249 = arith.constant 0 : index
    %get3A_250 = arith.constant 0 : index
    %get3A_251 = vector.load %arg0[%get3A_248, %get3A_249, %get3A_250] : memref<128x64x128xf32, #tpu.memory_space<vmem>>, vector<1x64x128xf32>
    %get3A_252 = vector.shape_cast %get3A_251 : vector<1x64x128xf32> to vector<64x128xf32>
    %add3A_253 = arith.addf %add3A_241, %get3A_252 : vector<64x128xf32>
    %swap3A_254 = arith.constant 21 : index
    %swap3A_255 = arith.constant 0 : index
    %swap3A_256 = arith.constant 0 : index
    %swap3A_257 = vector.load %arg1[%swap3A_254, %swap3A_255, %swap3A_256] : memref<128x64x128xf32, #tpu.memory_space<vmem>>, vector<1x64x128xf32>
    %swap3A_258 = vector.shape_cast %swap3A_257 : vector<1x64x128xf32> to vector<64x128xf32>
    %swap3A_259 = vector.shape_cast %add3A_253 : vector<64x128xf32> to vector<1x64x128xf32>
    tpu.vector_store %arg1[%swap3A_254, %swap3A_255, %swap3A_256], %swap3A_259 {strides = array<i32>} : memref<128x64x128xf32, #tpu.memory_space<vmem>>, vector<1x64x128xf32>,
    %get3A_260 = arith.constant 22 : index
    %get3A_261 = arith.constant 0 : index
    %get3A_262 = arith.constant 0 : index
    %get3A_263 = vector.load %arg0[%get3A_260, %get3A_261, %get3A_262] : memref<128x64x128xf32, #tpu.memory_space<vmem>>, vector<1x64x128xf32>
    %get3A_264 = vector.shape_cast %get3A_263 : vector<1x64x128xf32> to vector<64x128xf32>
    %add3A_265 = arith.addf %add3A_253, %get3A_264 : vector<64x128xf32>
    %swap3A_266 = arith.constant 22 : index
    %swap3A_267 = arith.constant 0 : index
    %swap3A_268 = arith.constant 0 : index
    %swap3A_269 = vector.load %arg1[%swap3A_266, %swap3A_267, %swap3A_268] : memref<128x64x128xf32, #tpu.memory_space<vmem>>, vector<1x64x128xf32>
    %swap3A_270 = vector.shape_cast %swap3A_269 : vector<1x64x128xf32> to vector<64x128xf32>
    %swap3A_271 = vector.shape_cast %add3A_265 : vector<64x128xf32> to vector<1x64x128xf32>
    tpu.vector_store %arg1[%swap3A_266, %swap3A_267, %swap3A_268], %swap3A_271 {strides = array<i32>} : memref<128x64x128xf32, #tpu.memory_space<vmem>>, vector<1x64x128xf32>,
    %get3A_272 = arith.constant 23 : index
    %get3A_273 = arith.constant 0 : index
    %get3A_274 = arith.constant 0 : index
    %get3A_275 = vector.load %arg0[%get3A_272, %get3A_273, %get3A_274] : memref<128x64x128xf32, #tpu.memory_space<vmem>>, vector<1x64x128xf32>
    %get3A_276 = vector.shape_cast %get3A_275 : vector<1x64x128xf32> to vector<64x128xf32>
    %add3A_277 = arith.addf %add3A_265, %get3A_276 : vector<64x128xf32>
    %swap3A_278 = arith.constant 23 : index
    %swap3A_279 = arith.constant 0 : index
    %swap3A_280 = arith.constant 0 : index
    %swap3A_281 = vector.load %arg1[%swap3A_278, %swap3A_279, %swap3A_280] : memref<128x64x128xf32, #tpu.memory_space<vmem>>, vector<1x64x128xf32>
    %swap3A_282 = vector.shape_cast %swap3A_281 : vector<1x64x128xf32> to vector<64x128xf32>
    %swap3A_283 = vector.shape_cast %add3A_277 : vector<64x128xf32> to vector<1x64x128xf32>
    tpu.vector_store %arg1[%swap3A_278, %swap3A_279, %swap3A_280], %swap3A_283 {strides = array<i32>} : memref<128x64x128xf32, #tpu.memory_space<vmem>>, vector<1x64x128xf32>,
    %get3A_284 = arith.constant 24 : index
    %get3A_285 = arith.constant 0 : index
    %get3A_286 = arith.constant 0 : index
    %get3A_287 = vector.load %arg0[%get3A_284, %get3A_285, %get3A_286] : memref<128x64x128xf32, #tpu.memory_space<vmem>>, vector<1x64x128xf32>
    %get3A_288 = vector.shape_cast %get3A_287 : vector<1x64x128xf32> to vector<64x128xf32>
    %add3A_289 = arith.addf %add3A_277, %get3A_288 : vector<64x128xf32>
    %swap3A_290 = arith.constant 24 : index
    %swap3A_291 = arith.constant 0 : index
    %swap3A_292 = arith.constant 0 : index
    %swap3A_293 = vector.load %arg1[%swap3A_290, %swap3A_291, %swap3A_292] : memref<128x64x128xf32, #tpu.memory_space<vmem>>, vector<1x64x128xf32>
    %swap3A_294 = vector.shape_cast %swap3A_293 : vector<1x64x128xf32> to vector<64x128xf32>
    %swap3A_295 = vector.shape_cast %add3A_289 : vector<64x128xf32> to vector<1x64x128xf32>
    tpu.vector_store %arg1[%swap3A_290, %swap3A_291, %swap3A_292], %swap3A_295 {strides = array<i32>} : memref<128x64x128xf32, #tpu.memory_space<vmem>>, vector<1x64x128xf32>,
    %get3A_296 = arith.constant 25 : index
    %get3A_297 = arith.constant 0 : index
    %get3A_298 = arith.constant 0 : index
    %get3A_299 = vector.load %arg0[%get3A_296, %get3A_297, %get3A_298] : memref<128x64x128xf32, #tpu.memory_space<vmem>>, vector<1x64x128xf32>
    %get3A_300 = vector.shape_cast %get3A_299 : vector<1x64x128xf32> to vector<64x128xf32>
    %add3A_301 = arith.addf %add3A_289, %get3A_300 : vector<64x128xf32>
    %swap3A_302 = arith.constant 25 : index
    %swap3A_303 = arith.constant 0 : index
    %swap3A_304 = arith.constant 0 : index
    %swap3A_305 = vector.load %arg1[%swap3A_302, %swap3A_303, %swap3A_304] : memref<128x64x128xf32, #tpu.memory_space<vmem>>, vector<1x64x128xf32>
    %swap3A_306 = vector.shape_cast %swap3A_305 : vector<1x64x128xf32> to vector<64x128xf32>
    %swap3A_307 = vector.shape_cast %add3A_301 : vector<64x128xf32> to vector<1x64x128xf32>
    tpu.vector_store %arg1[%swap3A_302, %swap3A_303, %swap3A_304], %swap3A_307 {strides = array<i32>} : memref<128x64x128xf32, #tpu.memory_space<vmem>>, vector<1x64x128xf32>,
    %get3A_308 = arith.constant 26 : index
    %get3A_309 = arith.constant 0 : index
    %get3A_310 = arith.constant 0 : index
    %get3A_311 = vector.load %arg0[%get3A_308, %get3A_309, %get3A_310] : memref<128x64x128xf32, #tpu.memory_space<vmem>>, vector<1x64x128xf32>
    %get3A_312 = vector.shape_cast %get3A_311 : vector<1x64x128xf32> to vector<64x128xf32>
    %add3A_313 = arith.addf %add3A_301, %get3A_312 : vector<64x128xf32>
    %swap3A_314 = arith.constant 26 : index
    %swap3A_315 = arith.constant 0 : index
    %swap3A_316 = arith.constant 0 : index
    %swap3A_317 = vector.load %arg1[%swap3A_314, %swap3A_315, %swap3A_316] : memref<128x64x128xf32, #tpu.memory_space<vmem>>, vector<1x64x128xf32>
    %swap3A_318 = vector.shape_cast %swap3A_317 : vector<1x64x128xf32> to vector<64x128xf32>
    %swap3A_319 = vector.shape_cast %add3A_313 : vector<64x128xf32> to vector<1x64x128xf32>
    tpu.vector_store %arg1[%swap3A_314, %swap3A_315, %swap3A_316], %swap3A_319 {strides = array<i32>} : memref<128x64x128xf32, #tpu.memory_space<vmem>>, vector<1x64x128xf32>,
    %get3A_320 = arith.constant 27 : index
    %get3A_321 = arith.constant 0 : index
    %get3A_322 = arith.constant 0 : index
    %get3A_323 = vector.load %arg0[%get3A_320, %get3A_321, %get3A_322] : memref<128x64x128xf32, #tpu.memory_space<vmem>>, vector<1x64x128xf32>
    %get3A_324 = vector.shape_cast %get3A_323 : vector<1x64x128xf32> to vector<64x128xf32>
    %add3A_325 = arith.addf %add3A_313, %get3A_324 : vector<64x128xf32>
    %swap3A_326 = arith.constant 27 : index
    %swap3A_327 = arith.constant 0 : index
    %swap3A_328 = arith.constant 0 : index
    %swap3A_329 = vector.load %arg1[%swap3A_326, %swap3A_327, %swap3A_328] : memref<128x64x128xf32, #tpu.memory_space<vmem>>, vector<1x64x128xf32>
    %swap3A_330 = vector.shape_cast %swap3A_329 : vector<1x64x128xf32> to vector<64x128xf32>
    %swap3A_331 = vector.shape_cast %add3A_325 : vector<64x128xf32> to vector<1x64x128xf32>
    tpu.vector_store %arg1[%swap3A_326, %swap3A_327, %swap3A_328], %swap3A_331 {strides = array<i32>} : memref<128x64x128xf32, #tpu.memory_space<vmem>>, vector<1x64x128xf32>,
    %get3A_332 = arith.constant 28 : index
    %get3A_333 = arith.constant 0 : index
    %get3A_334 = arith.constant 0 : index
    %get3A_335 = vector.load %arg0[%get3A_332, %get3A_333, %get3A_334] : memref<128x64x128xf32, #tpu.memory_space<vmem>>, vector<1x64x128xf32>
    %get3A_336 = vector.shape_cast %get3A_335 : vector<1x64x128xf32> to vector<64x128xf32>
    %add3A_337 = arith.addf %add3A_325, %get3A_336 : vector<64x128xf32>
    %swap3A_338 = arith.constant 28 : index
    %swap3A_339 = arith.constant 0 : index
    %swap3A_340 = arith.constant 0 : index
    %swap3A_341 = vector.load %arg1[%swap3A_338, %swap3A_339, %swap3A_340] : memref<128x64x128xf32, #tpu.memory_space<vmem>>, vector<1x64x128xf32>
    %swap3A_342 = vector.shape_cast %swap3A_341 : vector<1x64x128xf32> to vector<64x128xf32>
    %swap3A_343 = vector.shape_cast %add3A_337 : vector<64x128xf32> to vector<1x64x128xf32>
    tpu.vector_store %arg1[%swap3A_338, %swap3A_339, %swap3A_340], %swap3A_343 {strides = array<i32>} : memref<128x64x128xf32, #tpu.memory_space<vmem>>, vector<1x64x128xf32>,
    %get3A_344 = arith.constant 29 : index
    %get3A_345 = arith.constant 0 : index
    %get3A_346 = arith.constant 0 : index
    %get3A_347 = vector.load %arg0[%get3A_344, %get3A_345, %get3A_346] : memref<128x64x128xf32, #tpu.memory_space<vmem>>, vector<1x64x128xf32>
    %get3A_348 = vector.shape_cast %get3A_347 : vector<1x64x128xf32> to vector<64x128xf32>
    %add3A_349 = arith.addf %add3A_337, %get3A_348 : vector<64x128xf32>
    %swap3A_350 = arith.constant 29 : index
    %swap3A_351 = arith.constant 0 : index
    %swap3A_352 = arith.constant 0 : index
    %swap3A_353 = vector.load %arg1[%swap3A_350, %swap3A_351, %swap3A_352] : memref<128x64x128xf32, #tpu.memory_space<vmem>>, vector<1x64x128xf32>
    %swap3A_354 = vector.shape_cast %swap3A_353 : vector<1x64x128xf32> to vector<64x128xf32>
    %swap3A_355 = vector.shape_cast %add3A_349 : vector<64x128xf32> to vector<1x64x128xf32>
    tpu.vector_store %arg1[%swap3A_350, %swap3A_351, %swap3A_352], %swap3A_355 {strides = array<i32>} : memref<128x64x128xf32, #tpu.memory_space<vmem>>, vector<1x64x128xf32>,
    %get3A_356 = arith.constant 30 : index
    %get3A_357 = arith.constant 0 : index
    %get3A_358 = arith.constant 0 : index
    %get3A_359 = vector.load %arg0[%get3A_356, %get3A_357, %get3A_358] : memref<128x64x128xf32, #tpu.memory_space<vmem>>, vector<1x64x128xf32>
    %get3A_360 = vector.shape_cast %get3A_359 : vector<1x64x128xf32> to vector<64x128xf32>
    %add3A_361 = arith.addf %add3A_349, %get3A_360 : vector<64x128xf32>
    %swap3A_362 = arith.constant 30 : index
    %swap3A_363 = arith.constant 0 : index
    %swap3A_364 = arith.constant 0 : index
    %swap3A_365 = vector.load %arg1[%swap3A_362, %swap3A_363, %swap3A_364] : memref<128x64x128xf32, #tpu.memory_space<vmem>>, vector<1x64x128xf32>
    %swap3A_366 = vector.shape_cast %swap3A_365 : vector<1x64x128xf32> to vector<64x128xf32>
    %swap3A_367 = vector.shape_cast %add3A_361 : vector<64x128xf32> to vector<1x64x128xf32>
    tpu.vector_store %arg1[%swap3A_362, %swap3A_363, %swap3A_364], %swap3A_367 {strides = array<i32>} : memref<128x64x128xf32, #tpu.memory_space<vmem>>, vector<1x64x128xf32>,
    %get3A_368 = arith.constant 31 : index
    %get3A_369 = arith.constant 0 : index
    %get3A_370 = arith.constant 0 : index
    %get3A_371 = vector.load %arg0[%get3A_368, %get3A_369, %get3A_370] : memref<128x64x128xf32, #tpu.memory_space<vmem>>, vector<1x64x128xf32>
    %get3A_372 = vector.shape_cast %get3A_371 : vector<1x64x128xf32> to vector<64x128xf32>
    %add3A_373 = arith.addf %add3A_361, %get3A_372 : vector<64x128xf32>
    %swap3A_374 = arith.constant 31 : index
    %swap3A_375 = arith.constant 0 : index
    %swap3A_376 = arith.constant 0 : index
    %swap3A_377 = vector.load %arg1[%swap3A_374, %swap3A_375, %swap3A_376] : memref<128x64x128xf32, #tpu.memory_space<vmem>>, vector<1x64x128xf32>
    %swap3A_378 = vector.shape_cast %swap3A_377 : vector<1x64x128xf32> to vector<64x128xf32>
    %swap3A_379 = vector.shape_cast %add3A_373 : vector<64x128xf32> to vector<1x64x128xf32>
    tpu.vector_store %arg1[%swap3A_374, %swap3A_375, %swap3A_376], %swap3A_379 {strides = array<i32>} : memref<128x64x128xf32, #tpu.memory_space<vmem>>, vector<1x64x128xf32>,
    %get3A_380 = arith.constant 32 : index
    %get3A_381 = arith.constant 0 : index
    %get3A_382 = arith.constant 0 : index
    %get3A_383 = vector.load %arg0[%get3A_380, %get3A_381, %get3A_382] : memref<128x64x128xf32, #tpu.memory_space<vmem>>, vector<1x64x128xf32>
    %get3A_384 = vector.shape_cast %get3A_383 : vector<1x64x128xf32> to vector<64x128xf32>
    %add3A_385 = arith.addf %add3A_373, %get3A_384 : vector<64x128xf32>
    %swap3A_386 = arith.constant 32 : index
    %swap3A_387 = arith.constant 0 : index
    %swap3A_388 = arith.constant 0 : index
    %swap3A_389 = vector.load %arg1[%swap3A_386, %swap3A_387, %swap3A_388] : memref<128x64x128xf32, #tpu.memory_space<vmem>>, vector<1x64x128xf32>
    %swap3A_390 = vector.shape_cast %swap3A_389 : vector<1x64x128xf32> to vector<64x128xf32>
    %swap3A_391 = vector.shape_cast %add3A_385 : vector<64x128xf32> to vector<1x64x128xf32>
    tpu.vector_store %arg1[%swap3A_386, %swap3A_387, %swap3A_388], %swap3A_391 {strides = array<i32>} : memref<128x64x128xf32, #tpu.memory_space<vmem>>, vector<1x64x128xf32>,
    %get3A_392 = arith.constant 33 : index
    %get3A_393 = arith.constant 0 : index
    %get3A_394 = arith.constant 0 : index
    %get3A_395 = vector.load %arg0[%get3A_392, %get3A_393, %get3A_394] : memref<128x64x128xf32, #tpu.memory_space<vmem>>, vector<1x64x128xf32>
    %get3A_396 = vector.shape_cast %get3A_395 : vector<1x64x128xf32> to vector<64x128xf32>
    %add3A_397 = arith.addf %add3A_385, %get3A_396 : vector<64x128xf32>
    %swap3A_398 = arith.constant 33 : index
    %swap3A_399 = arith.constant 0 : index
    %swap3A_400 = arith.constant 0 : index
    %swap3A_401 = vector.load %arg1[%swap3A_398, %swap3A_399, %swap3A_400] : memref<128x64x128xf32, #tpu.memory_space<vmem>>, vector<1x64x128xf32>
    %swap3A_402 = vector.shape_cast %swap3A_401 : vector<1x64x128xf32> to vector<64x128xf32>
    %swap3A_403 = vector.shape_cast %add3A_397 : vector<64x128xf32> to vector<1x64x128xf32>
    tpu.vector_store %arg1[%swap3A_398, %swap3A_399, %swap3A_400], %swap3A_403 {strides = array<i32>} : memref<128x64x128xf32, #tpu.memory_space<vmem>>, vector<1x64x128xf32>,
    %get3A_404 = arith.constant 34 : index
    %get3A_405 = arith.constant 0 : index
    %get3A_406 = arith.constant 0 : index
    %get3A_407 = vector.load %arg0[%get3A_404, %get3A_405, %get3A_406] : memref<128x64x128xf32, #tpu.memory_space<vmem>>, vector<1x64x128xf32>
    %get3A_408 = vector.shape_cast %get3A_407 : vector<1x64x128xf32> to vector<64x128xf32>
    %add3A_409 = arith.addf %add3A_397, %get3A_408 : vector<64x128xf32>
    %swap3A_410 = arith.constant 34 : index
    %swap3A_411 = arith.constant 0 : index
    %swap3A_412 = arith.constant 0 : index
    %swap3A_413 = vector.load %arg1[%swap3A_410, %swap3A_411, %swap3A_412] : memref<128x64x128xf32, #tpu.memory_space<vmem>>, vector<1x64x128xf32>
    %swap3A_414 = vector.shape_cast %swap3A_413 : vector<1x64x128xf32> to vector<64x128xf32>
    %swap3A_415 = vector.shape_cast %add3A_409 : vector<64x128xf32> to vector<1x64x128xf32>
    tpu.vector_store %arg1[%swap3A_410, %swap3A_411, %swap3A_412], %swap3A_415 {strides = array<i32>} : memref<128x64x128xf32, #tpu.memory_space<vmem>>, vector<1x64x128xf32>,
    %get3A_416 = arith.constant 35 : index
    %get3A_417 = arith.constant 0 : index
    %get3A_418 = arith.constant 0 : index
    %get3A_419 = vector.load %arg0[%get3A_416, %get3A_417, %get3A_418] : memref<128x64x128xf32, #tpu.memory_space<vmem>>, vector<1x64x128xf32>
    %get3A_420 = vector.shape_cast %get3A_419 : vector<1x64x128xf32> to vector<64x128xf32>
    %add3A_421 = arith.addf %add3A_409, %get3A_420 : vector<64x128xf32>
    %swap3A_422 = arith.constant 35 : index
    %swap3A_423 = arith.constant 0 : index
    %swap3A_424 = arith.constant 0 : index
    %swap3A_425 = vector.load %arg1[%swap3A_422, %swap3A_423, %swap3A_424] : memref<128x64x128xf32, #tpu.memory_space<vmem>>, vector<1x64x128xf32>
    %swap3A_426 = vector.shape_cast %swap3A_425 : vector<1x64x128xf32> to vector<64x128xf32>
    %swap3A_427 = vector.shape_cast %add3A_421 : vector<64x128xf32> to vector<1x64x128xf32>
    tpu.vector_store %arg1[%swap3A_422, %swap3A_423, %swap3A_424], %swap3A_427 {strides = array<i32>} : memref<128x64x128xf32, #tpu.memory_space<vmem>>, vector<1x64x128xf32>,
    %get3A_428 = arith.constant 36 : index
    %get3A_429 = arith.constant 0 : index
    %get3A_430 = arith.constant 0 : index
    %get3A_431 = vector.load %arg0[%get3A_428, %get3A_429, %get3A_430] : memref<128x64x128xf32, #tpu.memory_space<vmem>>, vector<1x64x128xf32>
    %get3A_432 = vector.shape_cast %get3A_431 : vector<1x64x128xf32> to vector<64x128xf32>
    %add3A_433 = arith.addf %add3A_421, %get3A_432 : vector<64x128xf32>
    %swap3A_434 = arith.constant 36 : index
    %swap3A_435 = arith.constant 0 : index
    %swap3A_436 = arith.constant 0 : index
    %swap3A_437 = vector.load %arg1[%swap3A_434, %swap3A_435, %swap3A_436] : memref<128x64x128xf32, #tpu.memory_space<vmem>>, vector<1x64x128xf32>
    %swap3A_438 = vector.shape_cast %swap3A_437 : vector<1x64x128xf32> to vector<64x128xf32>
    %swap3A_439 = vector.shape_cast %add3A_433 : vector<64x128xf32> to vector<1x64x128xf32>
    tpu.vector_store %arg1[%swap3A_434, %swap3A_435, %swap3A_436], %swap3A_439 {strides = array<i32>} : memref<128x64x128xf32, #tpu.memory_space<vmem>>, vector<1x64x128xf32>,
    %get3A_440 = arith.constant 37 : index
    %get3A_441 = arith.constant 0 : index
    %get3A_442 = arith.constant 0 : index
    %get3A_443 = vector.load %arg0[%get3A_440, %get3A_441, %get3A_442] : memref<128x64x128xf32, #tpu.memory_space<vmem>>, vector<1x64x128xf32>
    %get3A_444 = vector.shape_cast %get3A_443 : vector<1x64x128xf32> to vector<64x128xf32>
    %add3A_445 = arith.addf %add3A_433, %get3A_444 : vector<64x128xf32>
    %swap3A_446 = arith.constant 37 : index
    %swap3A_447 = arith.constant 0 : index
    %swap3A_448 = arith.constant 0 : index
    %swap3A_449 = vector.load %arg1[%swap3A_446, %swap3A_447, %swap3A_448] : memref<128x64x128xf32, #tpu.memory_space<vmem>>, vector<1x64x128xf32>
    %swap3A_450 = vector.shape_cast %swap3A_449 : vector<1x64x128xf32> to vector<64x128xf32>
    %swap3A_451 = vector.shape_cast %add3A_445 : vector<64x128xf32> to vector<1x64x128xf32>
    tpu.vector_store %arg1[%swap3A_446, %swap3A_447, %swap3A_448], %swap3A_451 {strides = array<i32>} : memref<128x64x128xf32, #tpu.memory_space<vmem>>, vector<1x64x128xf32>,
    %get3A_452 = arith.constant 38 : index
    %get3A_453 = arith.constant 0 : index
    %get3A_454 = arith.constant 0 : index
    %get3A_455 = vector.load %arg0[%get3A_452, %get3A_453, %get3A_454] : memref<128x64x128xf32, #tpu.memory_space<vmem>>, vector<1x64x128xf32>
    %get3A_456 = vector.shape_cast %get3A_455 : vector<1x64x128xf32> to vector<64x128xf32>
    %add3A_457 = arith.addf %add3A_445, %get3A_456 : vector<64x128xf32>
    %swap3A_458 = arith.constant 38 : index
    %swap3A_459 = arith.constant 0 : index
    %swap3A_460 = arith.constant 0 : index
    %swap3A_461 = vector.load %arg1[%swap3A_458, %swap3A_459, %swap3A_460] : memref<128x64x128xf32, #tpu.memory_space<vmem>>, vector<1x64x128xf32>
    %swap3A_462 = vector.shape_cast %swap3A_461 : vector<1x64x128xf32> to vector<64x128xf32>
    %swap3A_463 = vector.shape_cast %add3A_457 : vector<64x128xf32> to vector<1x64x128xf32>
    tpu.vector_store %arg1[%swap3A_458, %swap3A_459, %swap3A_460], %swap3A_463 {strides = array<i32>} : memref<128x64x128xf32, #tpu.memory_space<vmem>>, vector<1x64x128xf32>,
    %get3A_464 = arith.constant 39 : index
    %get3A_465 = arith.constant 0 : index
    %get3A_466 = arith.constant 0 : index
    %get3A_467 = vector.load %arg0[%get3A_464, %get3A_465, %get3A_466] : memref<128x64x128xf32, #tpu.memory_space<vmem>>, vector<1x64x128xf32>
    %get3A_468 = vector.shape_cast %get3A_467 : vector<1x64x128xf32> to vector<64x128xf32>
    %add3A_469 = arith.addf %add3A_457, %get3A_468 : vector<64x128xf32>
    %swap3A_470 = arith.constant 39 : index
    %swap3A_471 = arith.constant 0 : index
    %swap3A_472 = arith.constant 0 : index
    %swap3A_473 = vector.load %arg1[%swap3A_470, %swap3A_471, %swap3A_472] : memref<128x64x128xf32, #tpu.memory_space<vmem>>, vector<1x64x128xf32>
    %swap3A_474 = vector.shape_cast %swap3A_473 : vector<1x64x128xf32> to vector<64x128xf32>
    %swap3A_475 = vector.shape_cast %add3A_469 : vector<64x128xf32> to vector<1x64x128xf32>
    tpu.vector_store %arg1[%swap3A_470, %swap3A_471, %swap3A_472], %swap3A_475 {strides = array<i32>} : memref<128x64x128xf32, #tpu.memory_space<vmem>>, vector<1x64x128xf32>,
    %get3A_476 = arith.constant 40 : index
    %get3A_477 = arith.constant 0 : index
    %get3A_478 = arith.constant 0 : index
    %get3A_479 = vector.load %arg0[%get3A_476, %get3A_477, %get3A_478] : memref<128x64x128xf32, #tpu.memory_space<vmem>>, vector<1x64x128xf32>
    %get3A_480 = vector.shape_cast %get3A_479 : vector<1x64x128xf32> to vector<64x128xf32>
    %add3A_481 = arith.addf %add3A_469, %get3A_480 : vector<64x128xf32>
    %swap3A_482 = arith.constant 40 : index
    %swap3A_483 = arith.constant 0 : index
    %swap3A_484 = arith.constant 0 : index
    %swap3A_485 = vector.load %arg1[%swap3A_482, %swap3A_483, %swap3A_484] : memref<128x64x128xf32, #tpu.memory_space<vmem>>, vector<1x64x128xf32>
    %swap3A_486 = vector.shape_cast %swap3A_485 : vector<1x64x128xf32> to vector<64x128xf32>
    %swap3A_487 = vector.shape_cast %add3A_481 : vector<64x128xf32> to vector<1x64x128xf32>
    tpu.vector_store %arg1[%swap3A_482, %swap3A_483, %swap3A_484], %swap3A_487 {strides = array<i32>} : memref<128x64x128xf32, #tpu.memory_space<vmem>>, vector<1x64x128xf32>,
    %get3A_488 = arith.constant 41 : index
    %get3A_489 = arith.constant 0 : index
    %get3A_490 = arith.constant 0 : index
    %get3A_491 = vector.load %arg0[%get3A_488, %get3A_489, %get3A_490] : memref<128x64x128xf32, #tpu.memory_space<vmem>>, vector<1x64x128xf32>
    %get3A_492 = vector.shape_cast %get3A_491 : vector<1x64x128xf32> to vector<64x128xf32>
    %add3A_493 = arith.addf %add3A_481, %get3A_492 : vector<64x128xf32>
    %swap3A_494 = arith.constant 41 : index
    %swap3A_495 = arith.constant 0 : index
    %swap3A_496 = arith.constant 0 : index
    %swap3A_497 = vector.load %arg1[%swap3A_494, %swap3A_495, %swap3A_496] : memref<128x64x128xf32, #tpu.memory_space<vmem>>, vector<1x64x128xf32>
    %swap3A_498 = vector.shape_cast %swap3A_497 : vector<1x64x128xf32> to vector<64x128xf32>
    %swap3A_499 = vector.shape_cast %add3A_493 : vector<64x128xf32> to vector<1x64x128xf32>
    tpu.vector_store %arg1[%swap3A_494, %swap3A_495, %swap3A_496], %swap3A_499 {strides = array<i32>} : memref<128x64x128xf32, #tpu.memory_space<vmem>>, vector<1x64x128xf32>,
    %get3A_500 = arith.constant 42 : index
    %get3A_501 = arith.constant 0 : index
    %get3A_502 = arith.constant 0 : index
    %get3A_503 = vector.load %arg0[%get3A_500, %get3A_501, %get3A_502] : memref<128x64x128xf32, #tpu.memory_space<vmem>>, vector<1x64x128xf32>
    %get3A_504 = vector.shape_cast %get3A_503 : vector<1x64x128xf32> to vector<64x128xf32>
    %add3A_505 = arith.addf %add3A_493, %get3A_504 : vector<64x128xf32>
    %swap3A_506 = arith.constant 42 : index
    %swap3A_507 = arith.constant 0 : index
    %swap3A_508 = arith.constant 0 : index
    %swap3A_509 = vector.load %arg1[%swap3A_506, %swap3A_507, %swap3A_508] : memref<128x64x128xf32, #tpu.memory_space<vmem>>, vector<1x64x128xf32>
    %swap3A_510 = vector.shape_cast %swap3A_509 : vector<1x64x128xf32> to vector<64x128xf32>
    %swap3A_511 = vector.shape_cast %add3A_505 : vector<64x128xf32> to vector<1x64x128xf32>
    tpu.vector_store %arg1[%swap3A_506, %swap3A_507, %swap3A_508], %swap3A_511 {strides = array<i32>} : memref<128x64x128xf32, #tpu.memory_space<vmem>>, vector<1x64x128xf32>,
    %get3A_512 = arith.constant 43 : index
    %get3A_513 = arith.constant 0 : index
    %get3A_514 = arith.constant 0 : index
    %get3A_515 = vector.load %arg0[%get3A_512, %get3A_513, %get3A_514] : memref<128x64x128xf32, #tpu.memory_space<vmem>>, vector<1x64x128xf32>
    %get3A_516 = vector.shape_cast %get3A_515 : vector<1x64x128xf32> to vector<64x128xf32>
    %add3A_517 = arith.addf %add3A_505, %get3A_516 : vector<64x128xf32>
    %swap3A_518 = arith.constant 43 : index
    %swap3A_519 = arith.constant 0 : index
    %swap3A_520 = arith.constant 0 : index
    %swap3A_521 = vector.load %arg1[%swap3A_518, %swap3A_519, %swap3A_520] : memref<128x64x128xf32, #tpu.memory_space<vmem>>, vector<1x64x128xf32>
    %swap3A_522 = vector.shape_cast %swap3A_521 : vector<1x64x128xf32> to vector<64x128xf32>
    %swap3A_523 = vector.shape_cast %add3A_517 : vector<64x128xf32> to vector<1x64x128xf32>
    tpu.vector_store %arg1[%swap3A_518, %swap3A_519, %swap3A_520], %swap3A_523 {strides = array<i32>} : memref<128x64x128xf32, #tpu.memory_space<vmem>>, vector<1x64x128xf32>,
    %get3A_524 = arith.constant 44 : index
    %get3A_525 = arith.constant 0 : index
    %get3A_526 = arith.constant 0 : index
    %get3A_527 = vector.load %arg0[%get3A_524, %get3A_525, %get3A_526] : memref<128x64x128xf32, #tpu.memory_space<vmem>>, vector<1x64x128xf32>
    %get3A_528 = vector.shape_cast %get3A_527 : vector<1x64x128xf32> to vector<64x128xf32>
    %add3A_529 = arith.addf %add3A_517, %get3A_528 : vector<64x128xf32>
    %swap3A_530 = arith.constant 44 : index
    %swap3A_531 = arith.constant 0 : index
    %swap3A_532 = arith.constant 0 : index
    %swap3A_533 = vector.load %arg1[%swap3A_530, %swap3A_531, %swap3A_532] : memref<128x64x128xf32, #tpu.memory_space<vmem>>, vector<1x64x128xf32>
    %swap3A_534 = vector.shape_cast %swap3A_533 : vector<1x64x128xf32> to vector<64x128xf32>
    %swap3A_535 = vector.shape_cast %add3A_529 : vector<64x128xf32> to vector<1x64x128xf32>
    tpu.vector_store %arg1[%swap3A_530, %swap3A_531, %swap3A_532], %swap3A_535 {strides = array<i32>} : memref<128x64x128xf32, #tpu.memory_space<vmem>>, vector<1x64x128xf32>,
    %get3A_536 = arith.constant 45 : index
    %get3A_537 = arith.constant 0 : index
    %get3A_538 = arith.constant 0 : index
    %get3A_539 = vector.load %arg0[%get3A_536, %get3A_537, %get3A_538] : memref<128x64x128xf32, #tpu.memory_space<vmem>>, vector<1x64x128xf32>
    %get3A_540 = vector.shape_cast %get3A_539 : vector<1x64x128xf32> to vector<64x128xf32>
    %add3A_541 = arith.addf %add3A_529, %get3A_540 : vector<64x128xf32>
    %swap3A_542 = arith.constant 45 : index
    %swap3A_543 = arith.constant 0 : index
    %swap3A_544 = arith.constant 0 : index
    %swap3A_545 = vector.load %arg1[%swap3A_542, %swap3A_543, %swap3A_544] : memref<128x64x128xf32, #tpu.memory_space<vmem>>, vector<1x64x128xf32>
    %swap3A_546 = vector.shape_cast %swap3A_545 : vector<1x64x128xf32> to vector<64x128xf32>
    %swap3A_547 = vector.shape_cast %add3A_541 : vector<64x128xf32> to vector<1x64x128xf32>
    tpu.vector_store %arg1[%swap3A_542, %swap3A_543, %swap3A_544], %swap3A_547 {strides = array<i32>} : memref<128x64x128xf32, #tpu.memory_space<vmem>>, vector<1x64x128xf32>,
    %get3A_548 = arith.constant 46 : index
    %get3A_549 = arith.constant 0 : index
    %get3A_550 = arith.constant 0 : index
    %get3A_551 = vector.load %arg0[%get3A_548, %get3A_549, %get3A_550] : memref<128x64x128xf32, #tpu.memory_space<vmem>>, vector<1x64x128xf32>
    %get3A_552 = vector.shape_cast %get3A_551 : vector<1x64x128xf32> to vector<64x128xf32>
    %add3A_553 = arith.addf %add3A_541, %get3A_552 : vector<64x128xf32>
    %swap3A_554 = arith.constant 46 : index
    %swap3A_555 = arith.constant 0 : index
    %swap3A_556 = arith.constant 0 : index
    %swap3A_557 = vector.load %arg1[%swap3A_554, %swap3A_555, %swap3A_556] : memref<128x64x128xf32, #tpu.memory_space<vmem>>, vector<1x64x128xf32>
    %swap3A_558 = vector.shape_cast %swap3A_557 : vector<1x64x128xf32> to vector<64x128xf32>
    %swap3A_559 = vector.shape_cast %add3A_553 : vector<64x128xf32> to vector<1x64x128xf32>
    tpu.vector_store %arg1[%swap3A_554, %swap3A_555, %swap3A_556], %swap3A_559 {strides = array<i32>} : memref<128x64x128xf32, #tpu.memory_space<vmem>>, vector<1x64x128xf32>,
    %get3A_560 = arith.constant 47 : index
    %get3A_561 = arith.constant 0 : index
    %get3A_562 = arith.constant 0 : index
    %get3A_563 = vector.load %arg0[%get3A_560, %get3A_561, %get3A_562] : memref<128x64x128xf32, #tpu.memory_space<vmem>>, vector<1x64x128xf32>
    %get3A_564 = vector.shape_cast %get3A_563 : vector<1x64x128xf32> to vector<64x128xf32>
    %add3A_565 = arith.addf %add3A_553, %get3A_564 : vector<64x128xf32>
    %swap3A_566 = arith.constant 47 : index
    %swap3A_567 = arith.constant 0 : index
    %swap3A_568 = arith.constant 0 : index
    %swap3A_569 = vector.load %arg1[%swap3A_566, %swap3A_567, %swap3A_568] : memref<128x64x128xf32, #tpu.memory_space<vmem>>, vector<1x64x128xf32>
    %swap3A_570 = vector.shape_cast %swap3A_569 : vector<1x64x128xf32> to vector<64x128xf32>
    %swap3A_571 = vector.shape_cast %add3A_565 : vector<64x128xf32> to vector<1x64x128xf32>
    tpu.vector_store %arg1[%swap3A_566, %swap3A_567, %swap3A_568], %swap3A_571 {strides = array<i32>} : memref<128x64x128xf32, #tpu.memory_space<vmem>>, vector<1x64x128xf32>,
    %get3A_572 = arith.constant 48 : index
    %get3A_573 = arith.constant 0 : index
    %get3A_574 = arith.constant 0 : index
    %get3A_575 = vector.load %arg0[%get3A_572, %get3A_573, %get3A_574] : memref<128x64x128xf32, #tpu.memory_space<vmem>>, vector<1x64x128xf32>
    %get3A_576 = vector.shape_cast %get3A_575 : vector<1x64x128xf32> to vector<64x128xf32>
    %add3A_577 = arith.addf %add3A_565, %get3A_576 : vector<64x128xf32>
    %swap3A_578 = arith.constant 48 : index
    %swap3A_579 = arith.constant 0 : index
    %swap3A_580 = arith.constant 0 : index
    %swap3A_581 = vector.load %arg1[%swap3A_578, %swap3A_579, %swap3A_580] : memref<128x64x128xf32, #tpu.memory_space<vmem>>, vector<1x64x128xf32>
    %swap3A_582 = vector.shape_cast %swap3A_581 : vector<1x64x128xf32> to vector<64x128xf32>
    %swap3A_583 = vector.shape_cast %add3A_577 : vector<64x128xf32> to vector<1x64x128xf32>
    tpu.vector_store %arg1[%swap3A_578, %swap3A_579, %swap3A_580], %swap3A_583 {strides = array<i32>} : memref<128x64x128xf32, #tpu.memory_space<vmem>>, vector<1x64x128xf32>,
    %get3A_584 = arith.constant 49 : index
    %get3A_585 = arith.constant 0 : index
    %get3A_586 = arith.constant 0 : index
    %get3A_587 = vector.load %arg0[%get3A_584, %get3A_585, %get3A_586] : memref<128x64x128xf32, #tpu.memory_space<vmem>>, vector<1x64x128xf32>
    %get3A_588 = vector.shape_cast %get3A_587 : vector<1x64x128xf32> to vector<64x128xf32>
    %add3A_589 = arith.addf %add3A_577, %get3A_588 : vector<64x128xf32>
    %swap3A_590 = arith.constant 49 : index
    %swap3A_591 = arith.constant 0 : index
    %swap3A_592 = arith.constant 0 : index
    %swap3A_593 = vector.load %arg1[%swap3A_590, %swap3A_591, %swap3A_592] : memref<128x64x128xf32, #tpu.memory_space<vmem>>, vector<1x64x128xf32>
    %swap3A_594 = vector.shape_cast %swap3A_593 : vector<1x64x128xf32> to vector<64x128xf32>
    %swap3A_595 = vector.shape_cast %add3A_589 : vector<64x128xf32> to vector<1x64x128xf32>
    tpu.vector_store %arg1[%swap3A_590, %swap3A_591, %swap3A_592], %swap3A_595 {strides = array<i32>} : memref<128x64x128xf32, #tpu.memory_space<vmem>>, vector<1x64x128xf32>,
    %get3A_596 = arith.constant 50 : index
    %get3A_597 = arith.constant 0 : index
    %get3A_598 = arith.constant 0 : index
    %get3A_599 = vector.load %arg0[%get3A_596, %get3A_597, %get3A_598] : memref<128x64x128xf32, #tpu.memory_space<vmem>>, vector<1x64x128xf32>
    %get3A_600 = vector.shape_cast %get3A_599 : vector<1x64x128xf32> to vector<64x128xf32>
    %add3A_601 = arith.addf %add3A_589, %get3A_600 : vector<64x128xf32>
    %swap3A_602 = arith.constant 50 : index
    %swap3A_603 = arith.constant 0 : index
    %swap3A_604 = arith.constant 0 : index
    %swap3A_605 = vector.load %arg1[%swap3A_602, %swap3A_603, %swap3A_604] : memref<128x64x128xf32, #tpu.memory_space<vmem>>, vector<1x64x128xf32>
    %swap3A_606 = vector.shape_cast %swap3A_605 : vector<1x64x128xf32> to vector<64x128xf32>
    %swap3A_607 = vector.shape_cast %add3A_601 : vector<64x128xf32> to vector<1x64x128xf32>
    tpu.vector_store %arg1[%swap3A_602, %swap3A_603, %swap3A_604], %swap3A_607 {strides = array<i32>} : memref<128x64x128xf32, #tpu.memory_space<vmem>>, vector<1x64x128xf32>,
    %get3A_608 = arith.constant 51 : index
    %get3A_609 = arith.constant 0 : index
    %get3A_610 = arith.constant 0 : index
    %get3A_611 = vector.load %arg0[%get3A_608, %get3A_609, %get3A_610] : memref<128x64x128xf32, #tpu.memory_space<vmem>>, vector<1x64x128xf32>
    %get3A_612 = vector.shape_cast %get3A_611 : vector<1x64x128xf32> to vector<64x128xf32>
    %add3A_613 = arith.addf %add3A_601, %get3A_612 : vector<64x128xf32>
    %swap3A_614 = arith.constant 51 : index
    %swap3A_615 = arith.constant 0 : index
    %swap3A_616 = arith.constant 0 : index
    %swap3A_617 = vector.load %arg1[%swap3A_614, %swap3A_615, %swap3A_616] : memref<128x64x128xf32, #tpu.memory_space<vmem>>, vector<1x64x128xf32>
    %swap3A_618 = vector.shape_cast %swap3A_617 : vector<1x64x128xf32> to vector<64x128xf32>
    %swap3A_619 = vector.shape_cast %add3A_613 : vector<64x128xf32> to vector<1x64x128xf32>
    tpu.vector_store %arg1[%swap3A_614, %swap3A_615, %swap3A_616], %swap3A_619 {strides = array<i32>} : memref<128x64x128xf32, #tpu.memory_space<vmem>>, vector<1x64x128xf32>,
    %get3A_620 = arith.constant 52 : index
    %get3A_621 = arith.constant 0 : index
    %get3A_622 = arith.constant 0 : index
    %get3A_623 = vector.load %arg0[%get3A_620, %get3A_621, %get3A_622] : memref<128x64x128xf32, #tpu.memory_space<vmem>>, vector<1x64x128xf32>
    %get3A_624 = vector.shape_cast %get3A_623 : vector<1x64x128xf32> to vector<64x128xf32>
    %add3A_625 = arith.addf %add3A_613, %get3A_624 : vector<64x128xf32>
    %swap3A_626 = arith.constant 52 : index
    %swap3A_627 = arith.constant 0 : index
    %swap3A_628 = arith.constant 0 : index
    %swap3A_629 = vector.load %arg1[%swap3A_626, %swap3A_627, %swap3A_628] : memref<128x64x128xf32, #tpu.memory_space<vmem>>, vector<1x64x128xf32>
    %swap3A_630 = vector.shape_cast %swap3A_629 : vector<1x64x128xf32> to vector<64x128xf32>
    %swap3A_631 = vector.shape_cast %add3A_625 : vector<64x128xf32> to vector<1x64x128xf32>
    tpu.vector_store %arg1[%swap3A_626, %swap3A_627, %swap3A_628], %swap3A_631 {strides = array<i32>} : memref<128x64x128xf32, #tpu.memory_space<vmem>>, vector<1x64x128xf32>,
    %get3A_632 = arith.constant 53 : index
    %get3A_633 = arith.constant 0 : index
    %get3A_634 = arith.constant 0 : index
    %get3A_635 = vector.load %arg0[%get3A_632, %get3A_633, %get3A_634] : memref<128x64x128xf32, #tpu.memory_space<vmem>>, vector<1x64x128xf32>
    %get3A_636 = vector.shape_cast %get3A_635 : vector<1x64x128xf32> to vector<64x128xf32>
    %add3A_637 = arith.addf %add3A_625, %get3A_636 : vector<64x128xf32>
    %swap3A_638 = arith.constant 53 : index
    %swap3A_639 = arith.constant 0 : index
    %swap3A_640 = arith.constant 0 : index
    %swap3A_641 = vector.load %arg1[%swap3A_638, %swap3A_639, %swap3A_640] : memref<128x64x128xf32, #tpu.memory_space<vmem>>, vector<1x64x128xf32>
    %swap3A_642 = vector.shape_cast %swap3A_641 : vector<1x64x128xf32> to vector<64x128xf32>
    %swap3A_643 = vector.shape_cast %add3A_637 : vector<64x128xf32> to vector<1x64x128xf32>
    tpu.vector_store %arg1[%swap3A_638, %swap3A_639, %swap3A_640], %swap3A_643 {strides = array<i32>} : memref<128x64x128xf32, #tpu.memory_space<vmem>>, vector<1x64x128xf32>,
    %get3A_644 = arith.constant 54 : index
    %get3A_645 = arith.constant 0 : index
    %get3A_646 = arith.constant 0 : index
    %get3A_647 = vector.load %arg0[%get3A_644, %get3A_645, %get3A_646] : memref<128x64x128xf32, #tpu.memory_space<vmem>>, vector<1x64x128xf32>
    %get3A_648 = vector.shape_cast %get3A_647 : vector<1x64x128xf32> to vector<64x128xf32>
    %add3A_649 = arith.addf %add3A_637, %get3A_648 : vector<64x128xf32>
    %swap3A_650 = arith.constant 54 : index
    %swap3A_651 = arith.constant 0 : index
    %swap3A_652 = arith.constant 0 : index
    %swap3A_653 = vector.load %arg1[%swap3A_650, %swap3A_651, %swap3A_652] : memref<128x64x128xf32, #tpu.memory_space<vmem>>, vector<1x64x128xf32>
    %swap3A_654 = vector.shape_cast %swap3A_653 : vector<1x64x128xf32> to vector<64x128xf32>
    %swap3A_655 = vector.shape_cast %add3A_649 : vector<64x128xf32> to vector<1x64x128xf32>
    tpu.vector_store %arg1[%swap3A_650, %swap3A_651, %swap3A_652], %swap3A_655 {strides = array<i32>} : memref<128x64x128xf32, #tpu.memory_space<vmem>>, vector<1x64x128xf32>,
    %get3A_656 = arith.constant 55 : index
    %get3A_657 = arith.constant 0 : index
    %get3A_658 = arith.constant 0 : index
    %get3A_659 = vector.load %arg0[%get3A_656, %get3A_657, %get3A_658] : memref<128x64x128xf32, #tpu.memory_space<vmem>>, vector<1x64x128xf32>
    %get3A_660 = vector.shape_cast %get3A_659 : vector<1x64x128xf32> to vector<64x128xf32>
    %add3A_661 = arith.addf %add3A_649, %get3A_660 : vector<64x128xf32>
    %swap3A_662 = arith.constant 55 : index
    %swap3A_663 = arith.constant 0 : index
    %swap3A_664 = arith.constant 0 : index
    %swap3A_665 = vector.load %arg1[%swap3A_662, %swap3A_663, %swap3A_664] : memref<128x64x128xf32, #tpu.memory_space<vmem>>, vector<1x64x128xf32>
    %swap3A_666 = vector.shape_cast %swap3A_665 : vector<1x64x128xf32> to vector<64x128xf32>
    %swap3A_667 = vector.shape_cast %add3A_661 : vector<64x128xf32> to vector<1x64x128xf32>
    tpu.vector_store %arg1[%swap3A_662, %swap3A_663, %swap3A_664], %swap3A_667 {strides = array<i32>} : memref<128x64x128xf32, #tpu.memory_space<vmem>>, vector<1x64x128xf32>,
    %get3A_668 = arith.constant 56 : index
    %get3A_669 = arith.constant 0 : index
    %get3A_670 = arith.constant 0 : index
    %get3A_671 = vector.load %arg0[%get3A_668, %get3A_669, %get3A_670] : memref<128x64x128xf32, #tpu.memory_space<vmem>>, vector<1x64x128xf32>
    %get3A_672 = vector.shape_cast %get3A_671 : vector<1x64x128xf32> to vector<64x128xf32>
    %add3A_673 = arith.addf %add3A_661, %get3A_672 : vector<64x128xf32>
    %swap3A_674 = arith.constant 56 : index
    %swap3A_675 = arith.constant 0 : index
    %swap3A_676 = arith.constant 0 : index
    %swap3A_677 = vector.load %arg1[%swap3A_674, %swap3A_675, %swap3A_676] : memref<128x64x128xf32, #tpu.memory_space<vmem>>, vector<1x64x128xf32>
    %swap3A_678 = vector.shape_cast %swap3A_677 : vector<1x64x128xf32> to vector<64x128xf32>
    %swap3A_679 = vector.shape_cast %add3A_673 : vector<64x128xf32> to vector<1x64x128xf32>
    tpu.vector_store %arg1[%swap3A_674, %swap3A_675, %swap3A_676], %swap3A_679 {strides = array<i32>} : memref<128x64x128xf32, #tpu.memory_space<vmem>>, vector<1x64x128xf32>,
    %get3A_680 = arith.constant 57 : index
    %get3A_681 = arith.constant 0 : index
    %get3A_682 = arith.constant 0 : index
    %get3A_683 = vector.load %arg0[%get3A_680, %get3A_681, %get3A_682] : memref<128x64x128xf32, #tpu.memory_space<vmem>>, vector<1x64x128xf32>
    %get3A_684 = vector.shape_cast %get3A_683 : vector<1x64x128xf32> to vector<64x128xf32>
    %add3A_685 = arith.addf %add3A_673, %get3A_684 : vector<64x128xf32>
    %swap3A_686 = arith.constant 57 : index
    %swap3A_687 = arith.constant 0 : index
    %swap3A_688 = arith.constant 0 : index
    %swap3A_689 = vector.load %arg1[%swap3A_686, %swap3A_687, %swap3A_688] : memref<128x64x128xf32, #tpu.memory_space<vmem>>, vector<1x64x128xf32>
    %swap3A_690 = vector.shape_cast %swap3A_689 : vector<1x64x128xf32> to vector<64x128xf32>
    %swap3A_691 = vector.shape_cast %add3A_685 : vector<64x128xf32> to vector<1x64x128xf32>
    tpu.vector_store %arg1[%swap3A_686, %swap3A_687, %swap3A_688], %swap3A_691 {strides = array<i32>} : memref<128x64x128xf32, #tpu.memory_space<vmem>>, vector<1x64x128xf32>,
    %get3A_692 = arith.constant 58 : index
    %get3A_693 = arith.constant 0 : index
    %get3A_694 = arith.constant 0 : index
    %get3A_695 = vector.load %arg0[%get3A_692, %get3A_693, %get3A_694] : memref<128x64x128xf32, #tpu.memory_space<vmem>>, vector<1x64x128xf32>
    %get3A_696 = vector.shape_cast %get3A_695 : vector<1x64x128xf32> to vector<64x128xf32>
    %add3A_697 = arith.addf %add3A_685, %get3A_696 : vector<64x128xf32>
    %swap3A_698 = arith.constant 58 : index
    %swap3A_699 = arith.constant 0 : index
    %swap3A_700 = arith.constant 0 : index
    %swap3A_701 = vector.load %arg1[%swap3A_698, %swap3A_699, %swap3A_700] : memref<128x64x128xf32, #tpu.memory_space<vmem>>, vector<1x64x128xf32>
    %swap3A_702 = vector.shape_cast %swap3A_701 : vector<1x64x128xf32> to vector<64x128xf32>
    %swap3A_703 = vector.shape_cast %add3A_697 : vector<64x128xf32> to vector<1x64x128xf32>
    tpu.vector_store %arg1[%swap3A_698, %swap3A_699, %swap3A_700], %swap3A_703 {strides = array<i32>} : memref<128x64x128xf32, #tpu.memory_space<vmem>>, vector<1x64x128xf32>,
    %get3A_704 = arith.constant 59 : index
    %get3A_705 = arith.constant 0 : index
    %get3A_706 = arith.constant 0 : index
    %get3A_707 = vector.load %arg0[%get3A_704, %get3A_705, %get3A_706] : memref<128x64x128xf32, #tpu.memory_space<vmem>>, vector<1x64x128xf32>
    %get3A_708 = vector.shape_cast %get3A_707 : vector<1x64x128xf32> to vector<64x128xf32>
    %add3A_709 = arith.addf %add3A_697, %get3A_708 : vector<64x128xf32>
    %swap3A_710 = arith.constant 59 : index
    %swap3A_711 = arith.constant 0 : index
    %swap3A_712 = arith.constant 0 : index
    %swap3A_713 = vector.load %arg1[%swap3A_710, %swap3A_711, %swap3A_712] : memref<128x64x128xf32, #tpu.memory_space<vmem>>, vector<1x64x128xf32>
    %swap3A_714 = vector.shape_cast %swap3A_713 : vector<1x64x128xf32> to vector<64x128xf32>
    %swap3A_715 = vector.shape_cast %add3A_709 : vector<64x128xf32> to vector<1x64x128xf32>
    tpu.vector_store %arg1[%swap3A_710, %swap3A_711, %swap3A_712], %swap3A_715 {strides = array<i32>} : memref<128x64x128xf32, #tpu.memory_space<vmem>>, vector<1x64x128xf32>,
    %get3A_716 = arith.constant 60 : index
    %get3A_717 = arith.constant 0 : index
    %get3A_718 = arith.constant 0 : index
    %get3A_719 = vector.load %arg0[%get3A_716, %get3A_717, %get3A_718] : memref<128x64x128xf32, #tpu.memory_space<vmem>>, vector<1x64x128xf32>
    %get3A_720 = vector.shape_cast %get3A_719 : vector<1x64x128xf32> to vector<64x128xf32>
    %add3A_721 = arith.addf %add3A_709, %get3A_720 : vector<64x128xf32>
    %swap3A_722 = arith.constant 60 : index
    %swap3A_723 = arith.constant 0 : index
    %swap3A_724 = arith.constant 0 : index
    %swap3A_725 = vector.load %arg1[%swap3A_722, %swap3A_723, %swap3A_724] : memref<128x64x128xf32, #tpu.memory_space<vmem>>, vector<1x64x128xf32>
    %swap3A_726 = vector.shape_cast %swap3A_725 : vector<1x64x128xf32> to vector<64x128xf32>
    %swap3A_727 = vector.shape_cast %add3A_721 : vector<64x128xf32> to vector<1x64x128xf32>
    tpu.vector_store %arg1[%swap3A_722, %swap3A_723, %swap3A_724], %swap3A_727 {strides = array<i32>} : memref<128x64x128xf32, #tpu.memory_space<vmem>>, vector<1x64x128xf32>,
    %get3A_728 = arith.constant 61 : index
    %get3A_729 = arith.constant 0 : index
    %get3A_730 = arith.constant 0 : index
    %get3A_731 = vector.load %arg0[%get3A_728, %get3A_729, %get3A_730] : memref<128x64x128xf32, #tpu.memory_space<vmem>>, vector<1x64x128xf32>
    %get3A_732 = vector.shape_cast %get3A_731 : vector<1x64x128xf32> to vector<64x128xf32>
    %add3A_733 = arith.addf %add3A_721, %get3A_732 : vector<64x128xf32>
    %swap3A_734 = arith.constant 61 : index
    %swap3A_735 = arith.constant 0 : index
    %swap3A_736 = arith.constant 0 : index
    %swap3A_737 = vector.load %arg1[%swap3A_734, %swap3A_735, %swap3A_736] : memref<128x64x128xf32, #tpu.memory_space<vmem>>, vector<1x64x128xf32>
    %swap3A_738 = vector.shape_cast %swap3A_737 : vector<1x64x128xf32> to vector<64x128xf32>
    %swap3A_739 = vector.shape_cast %add3A_733 : vector<64x128xf32> to vector<1x64x128xf32>
    tpu.vector_store %arg1[%swap3A_734, %swap3A_735, %swap3A_736], %swap3A_739 {strides = array<i32>} : memref<128x64x128xf32, #tpu.memory_space<vmem>>, vector<1x64x128xf32>,
    %get3A_740 = arith.constant 62 : index
    %get3A_741 = arith.constant 0 : index
    %get3A_742 = arith.constant 0 : index
    %get3A_743 = vector.load %arg0[%get3A_740, %get3A_741, %get3A_742] : memref<128x64x128xf32, #tpu.memory_space<vmem>>, vector<1x64x128xf32>
    %get3A_744 = vector.shape_cast %get3A_743 : vector<1x64x128xf32> to vector<64x128xf32>
    %add3A_745 = arith.addf %add3A_733, %get3A_744 : vector<64x128xf32>
    %swap3A_746 = arith.constant 62 : index
    %swap3A_747 = arith.constant 0 : index
    %swap3A_748 = arith.constant 0 : index
    %swap3A_749 = vector.load %arg1[%swap3A_746, %swap3A_747, %swap3A_748] : memref<128x64x128xf32, #tpu.memory_space<vmem>>, vector<1x64x128xf32>
    %swap3A_750 = vector.shape_cast %swap3A_749 : vector<1x64x128xf32> to vector<64x128xf32>
    %swap3A_751 = vector.shape_cast %add3A_745 : vector<64x128xf32> to vector<1x64x128xf32>
    tpu.vector_store %arg1[%swap3A_746, %swap3A_747, %swap3A_748], %swap3A_751 {strides = array<i32>} : memref<128x64x128xf32, #tpu.memory_space<vmem>>, vector<1x64x128xf32>,
    %get3A_752 = arith.constant 63 : index
    %get3A_753 = arith.constant 0 : index
    %get3A_754 = arith.constant 0 : index
    %get3A_755 = vector.load %arg0[%get3A_752, %get3A_753, %get3A_754] : memref<128x64x128xf32, #tpu.memory_space<vmem>>, vector<1x64x128xf32>
    %get3A_756 = vector.shape_cast %get3A_755 : vector<1x64x128xf32> to vector<64x128xf32>
    %add3A_757 = arith.addf %add3A_745, %get3A_756 : vector<64x128xf32>
    %swap3A_758 = arith.constant 63 : index
    %swap3A_759 = arith.constant 0 : index
    %swap3A_760 = arith.constant 0 : index
    %swap3A_761 = vector.load %arg1[%swap3A_758, %swap3A_759, %swap3A_760] : memref<128x64x128xf32, #tpu.memory_space<vmem>>, vector<1x64x128xf32>
    %swap3A_762 = vector.shape_cast %swap3A_761 : vector<1x64x128xf32> to vector<64x128xf32>
    %swap3A_763 = vector.shape_cast %add3A_757 : vector<64x128xf32> to vector<1x64x128xf32>
    tpu.vector_store %arg1[%swap3A_758, %swap3A_759, %swap3A_760], %swap3A_763 {strides = array<i32>} : memref<128x64x128xf32, #tpu.memory_space<vmem>>, vector<1x64x128xf32>,
    %get3A_764 = arith.constant 64 : index
    %get3A_765 = arith.constant 0 : index
    %get3A_766 = arith.constant 0 : index
    %get3A_767 = vector.load %arg0[%get3A_764, %get3A_765, %get3A_766] : memref<128x64x128xf32, #tpu.memory_space<vmem>>, vector<1x64x128xf32>
    %get3A_768 = vector.shape_cast %get3A_767 : vector<1x64x128xf32> to vector<64x128xf32>
    %add3A_769 = arith.addf %add3A_757, %get3A_768 : vector<64x128xf32>
    %swap3A_770 = arith.constant 64 : index
    %swap3A_771 = arith.constant 0 : index
    %swap3A_772 = arith.constant 0 : index
    %swap3A_773 = vector.load %arg1[%swap3A_770, %swap3A_771, %swap3A_772] : memref<128x64x128xf32, #tpu.memory_space<vmem>>, vector<1x64x128xf32>
    %swap3A_774 = vector.shape_cast %swap3A_773 : vector<1x64x128xf32> to vector<64x128xf32>
    %swap3A_775 = vector.shape_cast %add3A_769 : vector<64x128xf32> to vector<1x64x128xf32>
    tpu.vector_store %arg1[%swap3A_770, %swap3A_771, %swap3A_772], %swap3A_775 {strides = array<i32>} : memref<128x64x128xf32, #tpu.memory_space<vmem>>, vector<1x64x128xf32>,
    %get3A_776 = arith.constant 65 : index
    %get3A_777 = arith.constant 0 : index
    %get3A_778 = arith.constant 0 : index
    %get3A_779 = vector.load %arg0[%get3A_776, %get3A_777, %get3A_778] : memref<128x64x128xf32, #tpu.memory_space<vmem>>, vector<1x64x128xf32>
    %get3A_780 = vector.shape_cast %get3A_779 : vector<1x64x128xf32> to vector<64x128xf32>
    %add3A_781 = arith.addf %add3A_769, %get3A_780 : vector<64x128xf32>
    %swap3A_782 = arith.constant 65 : index
    %swap3A_783 = arith.constant 0 : index
    %swap3A_784 = arith.constant 0 : index
    %swap3A_785 = vector.load %arg1[%swap3A_782, %swap3A_783, %swap3A_784] : memref<128x64x128xf32, #tpu.memory_space<vmem>>, vector<1x64x128xf32>
    %swap3A_786 = vector.shape_cast %swap3A_785 : vector<1x64x128xf32> to vector<64x128xf32>
    %swap3A_787 = vector.shape_cast %add3A_781 : vector<64x128xf32> to vector<1x64x128xf32>
    tpu.vector_store %arg1[%swap3A_782, %swap3A_783, %swap3A_784], %swap3A_787 {strides = array<i32>} : memref<128x64x128xf32, #tpu.memory_space<vmem>>, vector<1x64x128xf32>,
    %get3A_788 = arith.constant 66 : index
    %get3A_789 = arith.constant 0 : index
    %get3A_790 = arith.constant 0 : index
    %get3A_791 = vector.load %arg0[%get3A_788, %get3A_789, %get3A_790] : memref<128x64x128xf32, #tpu.memory_space<vmem>>, vector<1x64x128xf32>
    %get3A_792 = vector.shape_cast %get3A_791 : vector<1x64x128xf32> to vector<64x128xf32>
    %add3A_793 = arith.addf %add3A_781, %get3A_792 : vector<64x128xf32>
    %swap3A_794 = arith.constant 66 : index
    %swap3A_795 = arith.constant 0 : index
    %swap3A_796 = arith.constant 0 : index
    %swap3A_797 = vector.load %arg1[%swap3A_794, %swap3A_795, %swap3A_796] : memref<128x64x128xf32, #tpu.memory_space<vmem>>, vector<1x64x128xf32>
    %swap3A_798 = vector.shape_cast %swap3A_797 : vector<1x64x128xf32> to vector<64x128xf32>
    %swap3A_799 = vector.shape_cast %add3A_793 : vector<64x128xf32> to vector<1x64x128xf32>
    tpu.vector_store %arg1[%swap3A_794, %swap3A_795, %swap3A_796], %swap3A_799 {strides = array<i32>} : memref<128x64x128xf32, #tpu.memory_space<vmem>>, vector<1x64x128xf32>,
    %get3A_800 = arith.constant 67 : index
    %get3A_801 = arith.constant 0 : index
    %get3A_802 = arith.constant 0 : index
    %get3A_803 = vector.load %arg0[%get3A_800, %get3A_801, %get3A_802] : memref<128x64x128xf32, #tpu.memory_space<vmem>>, vector<1x64x128xf32>
    %get3A_804 = vector.shape_cast %get3A_803 : vector<1x64x128xf32> to vector<64x128xf32>
    %add3A_805 = arith.addf %add3A_793, %get3A_804 : vector<64x128xf32>
    %swap3A_806 = arith.constant 67 : index
    %swap3A_807 = arith.constant 0 : index
    %swap3A_808 = arith.constant 0 : index
    %swap3A_809 = vector.load %arg1[%swap3A_806, %swap3A_807, %swap3A_808] : memref<128x64x128xf32, #tpu.memory_space<vmem>>, vector<1x64x128xf32>
    %swap3A_810 = vector.shape_cast %swap3A_809 : vector<1x64x128xf32> to vector<64x128xf32>
    %swap3A_811 = vector.shape_cast %add3A_805 : vector<64x128xf32> to vector<1x64x128xf32>
    tpu.vector_store %arg1[%swap3A_806, %swap3A_807, %swap3A_808], %swap3A_811 {strides = array<i32>} : memref<128x64x128xf32, #tpu.memory_space<vmem>>, vector<1x64x128xf32>,
    %get3A_812 = arith.constant 68 : index
    %get3A_813 = arith.constant 0 : index
    %get3A_814 = arith.constant 0 : index
    %get3A_815 = vector.load %arg0[%get3A_812, %get3A_813, %get3A_814] : memref<128x64x128xf32, #tpu.memory_space<vmem>>, vector<1x64x128xf32>
    %get3A_816 = vector.shape_cast %get3A_815 : vector<1x64x128xf32> to vector<64x128xf32>
    %add3A_817 = arith.addf %add3A_805, %get3A_816 : vector<64x128xf32>
    %swap3A_818 = arith.constant 68 : index
    %swap3A_819 = arith.constant 0 : index
    %swap3A_820 = arith.constant 0 : index
    %swap3A_821 = vector.load %arg1[%swap3A_818, %swap3A_819, %swap3A_820] : memref<128x64x128xf32, #tpu.memory_space<vmem>>, vector<1x64x128xf32>
    %swap3A_822 = vector.shape_cast %swap3A_821 : vector<1x64x128xf32> to vector<64x128xf32>
    %swap3A_823 = vector.shape_cast %add3A_817 : vector<64x128xf32> to vector<1x64x128xf32>
    tpu.vector_store %arg1[%swap3A_818, %swap3A_819, %swap3A_820], %swap3A_823 {strides = array<i32>} : memref<128x64x128xf32, #tpu.memory_space<vmem>>, vector<1x64x128xf32>,
    %get3A_824 = arith.constant 69 : index
    %get3A_825 = arith.constant 0 : index
    %get3A_826 = arith.constant 0 : index
    %get3A_827 = vector.load %arg0[%get3A_824, %get3A_825, %get3A_826] : memref<128x64x128xf32, #tpu.memory_space<vmem>>, vector<1x64x128xf32>
    %get3A_828 = vector.shape_cast %get3A_827 : vector<1x64x128xf32> to vector<64x128xf32>
    %add3A_829 = arith.addf %add3A_817, %get3A_828 : vector<64x128xf32>
    %swap3A_830 = arith.constant 69 : index
    %swap3A_831 = arith.constant 0 : index
    %swap3A_832 = arith.constant 0 : index
    %swap3A_833 = vector.load %arg1[%swap3A_830, %swap3A_831, %swap3A_832] : memref<128x64x128xf32, #tpu.memory_space<vmem>>, vector<1x64x128xf32>
    %swap3A_834 = vector.shape_cast %swap3A_833 : vector<1x64x128xf32> to vector<64x128xf32>
    %swap3A_835 = vector.shape_cast %add3A_829 : vector<64x128xf32> to vector<1x64x128xf32>
    tpu.vector_store %arg1[%swap3A_830, %swap3A_831, %swap3A_832], %swap3A_835 {strides = array<i32>} : memref<128x64x128xf32, #tpu.memory_space<vmem>>, vector<1x64x128xf32>,
    %get3A_836 = arith.constant 70 : index
    %get3A_837 = arith.constant 0 : index
    %get3A_838 = arith.constant 0 : index
    %get3A_839 = vector.load %arg0[%get3A_836, %get3A_837, %get3A_838] : memref<128x64x128xf32, #tpu.memory_space<vmem>>, vector<1x64x128xf32>
    %get3A_840 = vector.shape_cast %get3A_839 : vector<1x64x128xf32> to vector<64x128xf32>
    %add3A_841 = arith.addf %add3A_829, %get3A_840 : vector<64x128xf32>
    %swap3A_842 = arith.constant 70 : index
    %swap3A_843 = arith.constant 0 : index
    %swap3A_844 = arith.constant 0 : index
    %swap3A_845 = vector.load %arg1[%swap3A_842, %swap3A_843, %swap3A_844] : memref<128x64x128xf32, #tpu.memory_space<vmem>>, vector<1x64x128xf32>
    %swap3A_846 = vector.shape_cast %swap3A_845 : vector<1x64x128xf32> to vector<64x128xf32>
    %swap3A_847 = vector.shape_cast %add3A_841 : vector<64x128xf32> to vector<1x64x128xf32>
    tpu.vector_store %arg1[%swap3A_842, %swap3A_843, %swap3A_844], %swap3A_847 {strides = array<i32>} : memref<128x64x128xf32, #tpu.memory_space<vmem>>, vector<1x64x128xf32>,
    %get3A_848 = arith.constant 71 : index
    %get3A_849 = arith.constant 0 : index
    %get3A_850 = arith.constant 0 : index
    %get3A_851 = vector.load %arg0[%get3A_848, %get3A_849, %get3A_850] : memref<128x64x128xf32, #tpu.memory_space<vmem>>, vector<1x64x128xf32>
    %get3A_852 = vector.shape_cast %get3A_851 : vector<1x64x128xf32> to vector<64x128xf32>
    %add3A_853 = arith.addf %add3A_841, %get3A_852 : vector<64x128xf32>
    %swap3A_854 = arith.constant 71 : index
    %swap3A_855 = arith.constant 0 : index
    %swap3A_856 = arith.constant 0 : index
    %swap3A_857 = vector.load %arg1[%swap3A_854, %swap3A_855, %swap3A_856] : memref<128x64x128xf32, #tpu.memory_space<vmem>>, vector<1x64x128xf32>
    %swap3A_858 = vector.shape_cast %swap3A_857 : vector<1x64x128xf32> to vector<64x128xf32>
    %swap3A_859 = vector.shape_cast %add3A_853 : vector<64x128xf32> to vector<1x64x128xf32>
    tpu.vector_store %arg1[%swap3A_854, %swap3A_855, %swap3A_856], %swap3A_859 {strides = array<i32>} : memref<128x64x128xf32, #tpu.memory_space<vmem>>, vector<1x64x128xf32>,
    %get3A_860 = arith.constant 72 : index
    %get3A_861 = arith.constant 0 : index
    %get3A_862 = arith.constant 0 : index
    %get3A_863 = vector.load %arg0[%get3A_860, %get3A_861, %get3A_862] : memref<128x64x128xf32, #tpu.memory_space<vmem>>, vector<1x64x128xf32>
    %get3A_864 = vector.shape_cast %get3A_863 : vector<1x64x128xf32> to vector<64x128xf32>
    %add3A_865 = arith.addf %add3A_853, %get3A_864 : vector<64x128xf32>
    %swap3A_866 = arith.constant 72 : index
    %swap3A_867 = arith.constant 0 : index
    %swap3A_868 = arith.constant 0 : index
    %swap3A_869 = vector.load %arg1[%swap3A_866, %swap3A_867, %swap3A_868] : memref<128x64x128xf32, #tpu.memory_space<vmem>>, vector<1x64x128xf32>
    %swap3A_870 = vector.shape_cast %swap3A_869 : vector<1x64x128xf32> to vector<64x128xf32>
    %swap3A_871 = vector.shape_cast %add3A_865 : vector<64x128xf32> to vector<1x64x128xf32>
    tpu.vector_store %arg1[%swap3A_866, %swap3A_867, %swap3A_868], %swap3A_871 {strides = array<i32>} : memref<128x64x128xf32, #tpu.memory_space<vmem>>, vector<1x64x128xf32>,
    %get3A_872 = arith.constant 73 : index
    %get3A_873 = arith.constant 0 : index
    %get3A_874 = arith.constant 0 : index
    %get3A_875 = vector.load %arg0[%get3A_872, %get3A_873, %get3A_874] : memref<128x64x128xf32, #tpu.memory_space<vmem>>, vector<1x64x128xf32>
    %get3A_876 = vector.shape_cast %get3A_875 : vector<1x64x128xf32> to vector<64x128xf32>
    %add3A_877 = arith.addf %add3A_865, %get3A_876 : vector<64x128xf32>
    %swap3A_878 = arith.constant 73 : index
    %swap3A_879 = arith.constant 0 : index
    %swap3A_880 = arith.constant 0 : index
    %swap3A_881 = vector.load %arg1[%swap3A_878, %swap3A_879, %swap3A_880] : memref<128x64x128xf32, #tpu.memory_space<vmem>>, vector<1x64x128xf32>
    %swap3A_882 = vector.shape_cast %swap3A_881 : vector<1x64x128xf32> to vector<64x128xf32>
    %swap3A_883 = vector.shape_cast %add3A_877 : vector<64x128xf32> to vector<1x64x128xf32>
    tpu.vector_store %arg1[%swap3A_878, %swap3A_879, %swap3A_880], %swap3A_883 {strides = array<i32>} : memref<128x64x128xf32, #tpu.memory_space<vmem>>, vector<1x64x128xf32>,
    %get3A_884 = arith.constant 74 : index
    %get3A_885 = arith.constant 0 : index
    %get3A_886 = arith.constant 0 : index
    %get3A_887 = vector.load %arg0[%get3A_884, %get3A_885, %get3A_886] : memref<128x64x128xf32, #tpu.memory_space<vmem>>, vector<1x64x128xf32>
    %get3A_888 = vector.shape_cast %get3A_887 : vector<1x64x128xf32> to vector<64x128xf32>
    %add3A_889 = arith.addf %add3A_877, %get3A_888 : vector<64x128xf32>
    %swap3A_890 = arith.constant 74 : index
    %swap3A_891 = arith.constant 0 : index
    %swap3A_892 = arith.constant 0 : index
    %swap3A_893 = vector.load %arg1[%swap3A_890, %swap3A_891, %swap3A_892] : memref<128x64x128xf32, #tpu.memory_space<vmem>>, vector<1x64x128xf32>
    %swap3A_894 = vector.shape_cast %swap3A_893 : vector<1x64x128xf32> to vector<64x128xf32>
    %swap3A_895 = vector.shape_cast %add3A_889 : vector<64x128xf32> to vector<1x64x128xf32>
    tpu.vector_store %arg1[%swap3A_890, %swap3A_891, %swap3A_892], %swap3A_895 {strides = array<i32>} : memref<128x64x128xf32, #tpu.memory_space<vmem>>, vector<1x64x128xf32>,
    %get3A_896 = arith.constant 75 : index
    %get3A_897 = arith.constant 0 : index
    %get3A_898 = arith.constant 0 : index
    %get3A_899 = vector.load %arg0[%get3A_896, %get3A_897, %get3A_898] : memref<128x64x128xf32, #tpu.memory_space<vmem>>, vector<1x64x128xf32>
    %get3A_900 = vector.shape_cast %get3A_899 : vector<1x64x128xf32> to vector<64x128xf32>
    %add3A_901 = arith.addf %add3A_889, %get3A_900 : vector<64x128xf32>
    %swap3A_902 = arith.constant 75 : index
    %swap3A_903 = arith.constant 0 : index
    %swap3A_904 = arith.constant 0 : index
    %swap3A_905 = vector.load %arg1[%swap3A_902, %swap3A_903, %swap3A_904] : memref<128x64x128xf32, #tpu.memory_space<vmem>>, vector<1x64x128xf32>
    %swap3A_906 = vector.shape_cast %swap3A_905 : vector<1x64x128xf32> to vector<64x128xf32>
    %swap3A_907 = vector.shape_cast %add3A_901 : vector<64x128xf32> to vector<1x64x128xf32>
    tpu.vector_store %arg1[%swap3A_902, %swap3A_903, %swap3A_904], %swap3A_907 {strides = array<i32>} : memref<128x64x128xf32, #tpu.memory_space<vmem>>, vector<1x64x128xf32>,
    %get3A_908 = arith.constant 76 : index
    %get3A_909 = arith.constant 0 : index
    %get3A_910 = arith.constant 0 : index
    %get3A_911 = vector.load %arg0[%get3A_908, %get3A_909, %get3A_910] : memref<128x64x128xf32, #tpu.memory_space<vmem>>, vector<1x64x128xf32>
    %get3A_912 = vector.shape_cast %get3A_911 : vector<1x64x128xf32> to vector<64x128xf32>
    %add3A_913 = arith.addf %add3A_901, %get3A_912 : vector<64x128xf32>
    %swap3A_914 = arith.constant 76 : index
    %swap3A_915 = arith.constant 0 : index
    %swap3A_916 = arith.constant 0 : index
    %swap3A_917 = vector.load %arg1[%swap3A_914, %swap3A_915, %swap3A_916] : memref<128x64x128xf32, #tpu.memory_space<vmem>>, vector<1x64x128xf32>
    %swap3A_918 = vector.shape_cast %swap3A_917 : vector<1x64x128xf32> to vector<64x128xf32>
    %swap3A_919 = vector.shape_cast %add3A_913 : vector<64x128xf32> to vector<1x64x128xf32>
    tpu.vector_store %arg1[%swap3A_914, %swap3A_915, %swap3A_916], %swap3A_919 {strides = array<i32>} : memref<128x64x128xf32, #tpu.memory_space<vmem>>, vector<1x64x128xf32>,
    %get3A_920 = arith.constant 77 : index
    %get3A_921 = arith.constant 0 : index
    %get3A_922 = arith.constant 0 : index
    %get3A_923 = vector.load %arg0[%get3A_920, %get3A_921, %get3A_922] : memref<128x64x128xf32, #tpu.memory_space<vmem>>, vector<1x64x128xf32>
    %get3A_924 = vector.shape_cast %get3A_923 : vector<1x64x128xf32> to vector<64x128xf32>
    %add3A_925 = arith.addf %add3A_913, %get3A_924 : vector<64x128xf32>
    %swap3A_926 = arith.constant 77 : index
    %swap3A_927 = arith.constant 0 : index
    %swap3A_928 = arith.constant 0 : index
    %swap3A_929 = vector.load %arg1[%swap3A_926, %swap3A_927, %swap3A_928] : memref<128x64x128xf32, #tpu.memory_space<vmem>>, vector<1x64x128xf32>
    %swap3A_930 = vector.shape_cast %swap3A_929 : vector<1x64x128xf32> to vector<64x128xf32>
    %swap3A_931 = vector.shape_cast %add3A_925 : vector<64x128xf32> to vector<1x64x128xf32>
    tpu.vector_store %arg1[%swap3A_926, %swap3A_927, %swap3A_928], %swap3A_931 {strides = array<i32>} : memref<128x64x128xf32, #tpu.memory_space<vmem>>, vector<1x64x128xf32>,
    %get3A_932 = arith.constant 78 : index
    %get3A_933 = arith.constant 0 : index
    %get3A_934 = arith.constant 0 : index
    %get3A_935 = vector.load %arg0[%get3A_932, %get3A_933, %get3A_934] : memref<128x64x128xf32, #tpu.memory_space<vmem>>, vector<1x64x128xf32>
    %get3A_936 = vector.shape_cast %get3A_935 : vector<1x64x128xf32> to vector<64x128xf32>
    %add3A_937 = arith.addf %add3A_925, %get3A_936 : vector<64x128xf32>
    %swap3A_938 = arith.constant 78 : index
    %swap3A_939 = arith.constant 0 : index
    %swap3A_940 = arith.constant 0 : index
    %swap3A_941 = vector.load %arg1[%swap3A_938, %swap3A_939, %swap3A_940] : memref<128x64x128xf32, #tpu.memory_space<vmem>>, vector<1x64x128xf32>
    %swap3A_942 = vector.shape_cast %swap3A_941 : vector<1x64x128xf32> to vector<64x128xf32>
    %swap3A_943 = vector.shape_cast %add3A_937 : vector<64x128xf32> to vector<1x64x128xf32>
    tpu.vector_store %arg1[%swap3A_938, %swap3A_939, %swap3A_940], %swap3A_943 {strides = array<i32>} : memref<128x64x128xf32, #tpu.memory_space<vmem>>, vector<1x64x128xf32>,
    %get3A_944 = arith.constant 79 : index
    %get3A_945 = arith.constant 0 : index
    %get3A_946 = arith.constant 0 : index
    %get3A_947 = vector.load %arg0[%get3A_944, %get3A_945, %get3A_946] : memref<128x64x128xf32, #tpu.memory_space<vmem>>, vector<1x64x128xf32>
    %get3A_948 = vector.shape_cast %get3A_947 : vector<1x64x128xf32> to vector<64x128xf32>
    %add3A_949 = arith.addf %add3A_937, %get3A_948 : vector<64x128xf32>
    %swap3A_950 = arith.constant 79 : index
    %swap3A_951 = arith.constant 0 : index
    %swap3A_952 = arith.constant 0 : index
    %swap3A_953 = vector.load %arg1[%swap3A_950, %swap3A_951, %swap3A_952] : memref<128x64x128xf32, #tpu.memory_space<vmem>>, vector<1x64x128xf32>
    %swap3A_954 = vector.shape_cast %swap3A_953 : vector<1x64x128xf32> to vector<64x128xf32>
    %swap3A_955 = vector.shape_cast %add3A_949 : vector<64x128xf32> to vector<1x64x128xf32>
    tpu.vector_store %arg1[%swap3A_950, %swap3A_951, %swap3A_952], %swap3A_955 {strides = array<i32>} : memref<128x64x128xf32, #tpu.memory_space<vmem>>, vector<1x64x128xf32>,
    %get3A_956 = arith.constant 80 : index
    %get3A_957 = arith.constant 0 : index
    %get3A_958 = arith.constant 0 : index
    %get3A_959 = vector.load %arg0[%get3A_956, %get3A_957, %get3A_958] : memref<128x64x128xf32, #tpu.memory_space<vmem>>, vector<1x64x128xf32>
    %get3A_960 = vector.shape_cast %get3A_959 : vector<1x64x128xf32> to vector<64x128xf32>
    %add3A_961 = arith.addf %add3A_949, %get3A_960 : vector<64x128xf32>
    %swap3A_962 = arith.constant 80 : index
    %swap3A_963 = arith.constant 0 : index
    %swap3A_964 = arith.constant 0 : index
    %swap3A_965 = vector.load %arg1[%swap3A_962, %swap3A_963, %swap3A_964] : memref<128x64x128xf32, #tpu.memory_space<vmem>>, vector<1x64x128xf32>
    %swap3A_966 = vector.shape_cast %swap3A_965 : vector<1x64x128xf32> to vector<64x128xf32>
    %swap3A_967 = vector.shape_cast %add3A_961 : vector<64x128xf32> to vector<1x64x128xf32>
    tpu.vector_store %arg1[%swap3A_962, %swap3A_963, %swap3A_964], %swap3A_967 {strides = array<i32>} : memref<128x64x128xf32, #tpu.memory_space<vmem>>, vector<1x64x128xf32>,
    %get3A_968 = arith.constant 81 : index
    %get3A_969 = arith.constant 0 : index
    %get3A_970 = arith.constant 0 : index
    %get3A_971 = vector.load %arg0[%get3A_968, %get3A_969, %get3A_970] : memref<128x64x128xf32, #tpu.memory_space<vmem>>, vector<1x64x128xf32>
    %get3A_972 = vector.shape_cast %get3A_971 : vector<1x64x128xf32> to vector<64x128xf32>
    %add3A_973 = arith.addf %add3A_961, %get3A_972 : vector<64x128xf32>
    %swap3A_974 = arith.constant 81 : index
    %swap3A_975 = arith.constant 0 : index
    %swap3A_976 = arith.constant 0 : index
    %swap3A_977 = vector.load %arg1[%swap3A_974, %swap3A_975, %swap3A_976] : memref<128x64x128xf32, #tpu.memory_space<vmem>>, vector<1x64x128xf32>
    %swap3A_978 = vector.shape_cast %swap3A_977 : vector<1x64x128xf32> to vector<64x128xf32>
    %swap3A_979 = vector.shape_cast %add3A_973 : vector<64x128xf32> to vector<1x64x128xf32>
    tpu.vector_store %arg1[%swap3A_974, %swap3A_975, %swap3A_976], %swap3A_979 {strides = array<i32>} : memref<128x64x128xf32, #tpu.memory_space<vmem>>, vector<1x64x128xf32>,
    %get3A_980 = arith.constant 82 : index
    %get3A_981 = arith.constant 0 : index
    %get3A_982 = arith.constant 0 : index
    %get3A_983 = vector.load %arg0[%get3A_980, %get3A_981, %get3A_982] : memref<128x64x128xf32, #tpu.memory_space<vmem>>, vector<1x64x128xf32>
    %get3A_984 = vector.shape_cast %get3A_983 : vector<1x64x128xf32> to vector<64x128xf32>
    %add3A_985 = arith.addf %add3A_973, %get3A_984 : vector<64x128xf32>
    %swap3A_986 = arith.constant 82 : index
    %swap3A_987 = arith.constant 0 : index
    %swap3A_988 = arith.constant 0 : index
    %swap3A_989 = vector.load %arg1[%swap3A_986, %swap3A_987, %swap3A_988] : memref<128x64x128xf32, #tpu.memory_space<vmem>>, vector<1x64x128xf32>
    %swap3A_990 = vector.shape_cast %swap3A_989 : vector<1x64x128xf32> to vector<64x128xf32>
    %swap3A_991 = vector.shape_cast %add3A_985 : vector<64x128xf32> to vector<1x64x128xf32>
    tpu.vector_store %arg1[%swap3A_986, %swap3A_987, %swap3A_988], %swap3A_991 {strides = array<i32>} : memref<128x64x128xf32, #tpu.memory_space<vmem>>, vector<1x64x128xf32>,
    %get3A_992 = arith.constant 83 : index
    %get3A_993 = arith.constant 0 : index
    %get3A_994 = arith.constant 0 : index
    %get3A_995 = vector.load %arg0[%get3A_992, %get3A_993, %get3A_994] : memref<128x64x128xf32, #tpu.memory_space<vmem>>, vector<1x64x128xf32>
    %get3A_996 = vector.shape_cast %get3A_995 : vector<1x64x128xf32> to vector<64x128xf32>
    %add3A_997 = arith.addf %add3A_985, %get3A_996 : vector<64x128xf32>
    %swap3A_998 = arith.constant 83 : index
    %swap3A_999 = arith.constant 0 : index
    %swap3A_1000 = arith.constant 0 : index
    %swap3A_1001 = vector.load %arg1[%swap3A_998, %swap3A_999, %swap3A_1000] : memref<128x64x128xf32, #tpu.memory_space<vmem>>, vector<1x64x128xf32>
    %swap3A_1002 = vector.shape_cast %swap3A_1001 : vector<1x64x128xf32> to vector<64x128xf32>
    %swap3A_1003 = vector.shape_cast %add3A_997 : vector<64x128xf32> to vector<1x64x128xf32>
    tpu.vector_store %arg1[%swap3A_998, %swap3A_999, %swap3A_1000], %swap3A_1003 {strides = array<i32>} : memref<128x64x128xf32, #tpu.memory_space<vmem>>, vector<1x64x128xf32>,
    %get3A_1004 = arith.constant 84 : index
    %get3A_1005 = arith.constant 0 : index
    %get3A_1006 = arith.constant 0 : index
    %get3A_1007 = vector.load %arg0[%get3A_1004, %get3A_1005, %get3A_1006] : memref<128x64x128xf32, #tpu.memory_space<vmem>>, vector<1x64x128xf32>
    %get3A_1008 = vector.shape_cast %get3A_1007 : vector<1x64x128xf32> to vector<64x128xf32>
    %add3A_1009 = arith.addf %add3A_997, %get3A_1008 : vector<64x128xf32>
    %swap3A_1010 = arith.constant 84 : index
    %swap3A_1011 = arith.constant 0 : index
    %swap3A_1012 = arith.constant 0 : index
    %swap3A_1013 = vector.load %arg1[%swap3A_1010, %swap3A_1011, %swap3A_1012] : memref<128x64x128xf32, #tpu.memory_space<vmem>>, vector<1x64x128xf32>
    %swap3A_1014 = vector.shape_cast %swap3A_1013 : vector<1x64x128xf32> to vector<64x128xf32>
    %swap3A_1015 = vector.shape_cast %add3A_1009 : vector<64x128xf32> to vector<1x64x128xf32>
    tpu.vector_store %arg1[%swap3A_1010, %swap3A_1011, %swap3A_1012], %swap3A_1015 {strides = array<i32>} : memref<128x64x128xf32, #tpu.memory_space<vmem>>, vector<1x64x128xf32>,
    %get3A_1016 = arith.constant 85 : index
    %get3A_1017 = arith.constant 0 : index
    %get3A_1018 = arith.constant 0 : index
    %get3A_1019 = vector.load %arg0[%get3A_1016, %get3A_1017, %get3A_1018] : memref<128x64x128xf32, #tpu.memory_space<vmem>>, vector<1x64x128xf32>
    %get3A_1020 = vector.shape_cast %get3A_1019 : vector<1x64x128xf32> to vector<64x128xf32>
    %add3A_1021 = arith.addf %add3A_1009, %get3A_1020 : vector<64x128xf32>
    %swap3A_1022 = arith.constant 85 : index
    %swap3A_1023 = arith.constant 0 : index
    %swap3A_1024 = arith.constant 0 : index
    %swap3A_1025 = vector.load %arg1[%swap3A_1022, %swap3A_1023, %swap3A_1024] : memref<128x64x128xf32, #tpu.memory_space<vmem>>, vector<1x64x128xf32>
    %swap3A_1026 = vector.shape_cast %swap3A_1025 : vector<1x64x128xf32> to vector<64x128xf32>
    %swap3A_1027 = vector.shape_cast %add3A_1021 : vector<64x128xf32> to vector<1x64x128xf32>
    tpu.vector_store %arg1[%swap3A_1022, %swap3A_1023, %swap3A_1024], %swap3A_1027 {strides = array<i32>} : memref<128x64x128xf32, #tpu.memory_space<vmem>>, vector<1x64x128xf32>,
    %get3A_1028 = arith.constant 86 : index
    %get3A_1029 = arith.constant 0 : index
    %get3A_1030 = arith.constant 0 : index
    %get3A_1031 = vector.load %arg0[%get3A_1028, %get3A_1029, %get3A_1030] : memref<128x64x128xf32, #tpu.memory_space<vmem>>, vector<1x64x128xf32>
    %get3A_1032 = vector.shape_cast %get3A_1031 : vector<1x64x128xf32> to vector<64x128xf32>
    %add3A_1033 = arith.addf %add3A_1021, %get3A_1032 : vector<64x128xf32>
    %swap3A_1034 = arith.constant 86 : index
    %swap3A_1035 = arith.constant 0 : index
    %swap3A_1036 = arith.constant 0 : index
    %swap3A_1037 = vector.load %arg1[%swap3A_1034, %swap3A_1035, %swap3A_1036] : memref<128x64x128xf32, #tpu.memory_space<vmem>>, vector<1x64x128xf32>
    %swap3A_1038 = vector.shape_cast %swap3A_1037 : vector<1x64x128xf32> to vector<64x128xf32>
    %swap3A_1039 = vector.shape_cast %add3A_1033 : vector<64x128xf32> to vector<1x64x128xf32>
    tpu.vector_store %arg1[%swap3A_1034, %swap3A_1035, %swap3A_1036], %swap3A_1039 {strides = array<i32>} : memref<128x64x128xf32, #tpu.memory_space<vmem>>, vector<1x64x128xf32>,
    %get3A_1040 = arith.constant 87 : index
    %get3A_1041 = arith.constant 0 : index
    %get3A_1042 = arith.constant 0 : index
    %get3A_1043 = vector.load %arg0[%get3A_1040, %get3A_1041, %get3A_1042] : memref<128x64x128xf32, #tpu.memory_space<vmem>>, vector<1x64x128xf32>
    %get3A_1044 = vector.shape_cast %get3A_1043 : vector<1x64x128xf32> to vector<64x128xf32>
    %add3A_1045 = arith.addf %add3A_1033, %get3A_1044 : vector<64x128xf32>
    %swap3A_1046 = arith.constant 87 : index
    %swap3A_1047 = arith.constant 0 : index
    %swap3A_1048 = arith.constant 0 : index
    %swap3A_1049 = vector.load %arg1[%swap3A_1046, %swap3A_1047, %swap3A_1048] : memref<128x64x128xf32, #tpu.memory_space<vmem>>, vector<1x64x128xf32>
    %swap3A_1050 = vector.shape_cast %swap3A_1049 : vector<1x64x128xf32> to vector<64x128xf32>
    %swap3A_1051 = vector.shape_cast %add3A_1045 : vector<64x128xf32> to vector<1x64x128xf32>
    tpu.vector_store %arg1[%swap3A_1046, %swap3A_1047, %swap3A_1048], %swap3A_1051 {strides = array<i32>} : memref<128x64x128xf32, #tpu.memory_space<vmem>>, vector<1x64x128xf32>,
    %get3A_1052 = arith.constant 88 : index
    %get3A_1053 = arith.constant 0 : index
    %get3A_1054 = arith.constant 0 : index
    %get3A_1055 = vector.load %arg0[%get3A_1052, %get3A_1053, %get3A_1054] : memref<128x64x128xf32, #tpu.memory_space<vmem>>, vector<1x64x128xf32>
    %get3A_1056 = vector.shape_cast %get3A_1055 : vector<1x64x128xf32> to vector<64x128xf32>
    %add3A_1057 = arith.addf %add3A_1045, %get3A_1056 : vector<64x128xf32>
    %swap3A_1058 = arith.constant 88 : index
    %swap3A_1059 = arith.constant 0 : index
    %swap3A_1060 = arith.constant 0 : index
    %swap3A_1061 = vector.load %arg1[%swap3A_1058, %swap3A_1059, %swap3A_1060] : memref<128x64x128xf32, #tpu.memory_space<vmem>>, vector<1x64x128xf32>
    %swap3A_1062 = vector.shape_cast %swap3A_1061 : vector<1x64x128xf32> to vector<64x128xf32>
    %swap3A_1063 = vector.shape_cast %add3A_1057 : vector<64x128xf32> to vector<1x64x128xf32>
    tpu.vector_store %arg1[%swap3A_1058, %swap3A_1059, %swap3A_1060], %swap3A_1063 {strides = array<i32>} : memref<128x64x128xf32, #tpu.memory_space<vmem>>, vector<1x64x128xf32>,
    %get3A_1064 = arith.constant 89 : index
    %get3A_1065 = arith.constant 0 : index
    %get3A_1066 = arith.constant 0 : index
    %get3A_1067 = vector.load %arg0[%get3A_1064, %get3A_1065, %get3A_1066] : memref<128x64x128xf32, #tpu.memory_space<vmem>>, vector<1x64x128xf32>
    %get3A_1068 = vector.shape_cast %get3A_1067 : vector<1x64x128xf32> to vector<64x128xf32>
    %add3A_1069 = arith.addf %add3A_1057, %get3A_1068 : vector<64x128xf32>
    %swap3A_1070 = arith.constant 89 : index
    %swap3A_1071 = arith.constant 0 : index
    %swap3A_1072 = arith.constant 0 : index
    %swap3A_1073 = vector.load %arg1[%swap3A_1070, %swap3A_1071, %swap3A_1072] : memref<128x64x128xf32, #tpu.memory_space<vmem>>, vector<1x64x128xf32>
    %swap3A_1074 = vector.shape_cast %swap3A_1073 : vector<1x64x128xf32> to vector<64x128xf32>
    %swap3A_1075 = vector.shape_cast %add3A_1069 : vector<64x128xf32> to vector<1x64x128xf32>
    tpu.vector_store %arg1[%swap3A_1070, %swap3A_1071, %swap3A_1072], %swap3A_1075 {strides = array<i32>} : memref<128x64x128xf32, #tpu.memory_space<vmem>>, vector<1x64x128xf32>,
    %get3A_1076 = arith.constant 90 : index
    %get3A_1077 = arith.constant 0 : index
    %get3A_1078 = arith.constant 0 : index
    %get3A_1079 = vector.load %arg0[%get3A_1076, %get3A_1077, %get3A_1078] : memref<128x64x128xf32, #tpu.memory_space<vmem>>, vector<1x64x128xf32>
    %get3A_1080 = vector.shape_cast %get3A_1079 : vector<1x64x128xf32> to vector<64x128xf32>
    %add3A_1081 = arith.addf %add3A_1069, %get3A_1080 : vector<64x128xf32>
    %swap3A_1082 = arith.constant 90 : index
    %swap3A_1083 = arith.constant 0 : index
    %swap3A_1084 = arith.constant 0 : index
    %swap3A_1085 = vector.load %arg1[%swap3A_1082, %swap3A_1083, %swap3A_1084] : memref<128x64x128xf32, #tpu.memory_space<vmem>>, vector<1x64x128xf32>
    %swap3A_1086 = vector.shape_cast %swap3A_1085 : vector<1x64x128xf32> to vector<64x128xf32>
    %swap3A_1087 = vector.shape_cast %add3A_1081 : vector<64x128xf32> to vector<1x64x128xf32>
    tpu.vector_store %arg1[%swap3A_1082, %swap3A_1083, %swap3A_1084], %swap3A_1087 {strides = array<i32>} : memref<128x64x128xf32, #tpu.memory_space<vmem>>, vector<1x64x128xf32>,
    %get3A_1088 = arith.constant 91 : index
    %get3A_1089 = arith.constant 0 : index
    %get3A_1090 = arith.constant 0 : index
    %get3A_1091 = vector.load %arg0[%get3A_1088, %get3A_1089, %get3A_1090] : memref<128x64x128xf32, #tpu.memory_space<vmem>>, vector<1x64x128xf32>
    %get3A_1092 = vector.shape_cast %get3A_1091 : vector<1x64x128xf32> to vector<64x128xf32>
    %add3A_1093 = arith.addf %add3A_1081, %get3A_1092 : vector<64x128xf32>
    %swap3A_1094 = arith.constant 91 : index
    %swap3A_1095 = arith.constant 0 : index
    %swap3A_1096 = arith.constant 0 : index
    %swap3A_1097 = vector.load %arg1[%swap3A_1094, %swap3A_1095, %swap3A_1096] : memref<128x64x128xf32, #tpu.memory_space<vmem>>, vector<1x64x128xf32>
    %swap3A_1098 = vector.shape_cast %swap3A_1097 : vector<1x64x128xf32> to vector<64x128xf32>
    %swap3A_1099 = vector.shape_cast %add3A_1093 : vector<64x128xf32> to vector<1x64x128xf32>
    tpu.vector_store %arg1[%swap3A_1094, %swap3A_1095, %swap3A_1096], %swap3A_1099 {strides = array<i32>} : memref<128x64x128xf32, #tpu.memory_space<vmem>>, vector<1x64x128xf32>,
    %get3A_1100 = arith.constant 92 : index
    %get3A_1101 = arith.constant 0 : index
    %get3A_1102 = arith.constant 0 : index
    %get3A_1103 = vector.load %arg0[%get3A_1100, %get3A_1101, %get3A_1102] : memref<128x64x128xf32, #tpu.memory_space<vmem>>, vector<1x64x128xf32>
    %get3A_1104 = vector.shape_cast %get3A_1103 : vector<1x64x128xf32> to vector<64x128xf32>
    %add3A_1105 = arith.addf %add3A_1093, %get3A_1104 : vector<64x128xf32>
    %swap3A_1106 = arith.constant 92 : index
    %swap3A_1107 = arith.constant 0 : index
    %swap3A_1108 = arith.constant 0 : index
    %swap3A_1109 = vector.load %arg1[%swap3A_1106, %swap3A_1107, %swap3A_1108] : memref<128x64x128xf32, #tpu.memory_space<vmem>>, vector<1x64x128xf32>
    %swap3A_1110 = vector.shape_cast %swap3A_1109 : vector<1x64x128xf32> to vector<64x128xf32>
    %swap3A_1111 = vector.shape_cast %add3A_1105 : vector<64x128xf32> to vector<1x64x128xf32>
    tpu.vector_store %arg1[%swap3A_1106, %swap3A_1107, %swap3A_1108], %swap3A_1111 {strides = array<i32>} : memref<128x64x128xf32, #tpu.memory_space<vmem>>, vector<1x64x128xf32>,
    %get3A_1112 = arith.constant 93 : index
    %get3A_1113 = arith.constant 0 : index
    %get3A_1114 = arith.constant 0 : index
    %get3A_1115 = vector.load %arg0[%get3A_1112, %get3A_1113, %get3A_1114] : memref<128x64x128xf32, #tpu.memory_space<vmem>>, vector<1x64x128xf32>
    %get3A_1116 = vector.shape_cast %get3A_1115 : vector<1x64x128xf32> to vector<64x128xf32>
    %add3A_1117 = arith.addf %add3A_1105, %get3A_1116 : vector<64x128xf32>
    %swap3A_1118 = arith.constant 93 : index
    %swap3A_1119 = arith.constant 0 : index
    %swap3A_1120 = arith.constant 0 : index
    %swap3A_1121 = vector.load %arg1[%swap3A_1118, %swap3A_1119, %swap3A_1120] : memref<128x64x128xf32, #tpu.memory_space<vmem>>, vector<1x64x128xf32>
    %swap3A_1122 = vector.shape_cast %swap3A_1121 : vector<1x64x128xf32> to vector<64x128xf32>
    %swap3A_1123 = vector.shape_cast %add3A_1117 : vector<64x128xf32> to vector<1x64x128xf32>
    tpu.vector_store %arg1[%swap3A_1118, %swap3A_1119, %swap3A_1120], %swap3A_1123 {strides = array<i32>} : memref<128x64x128xf32, #tpu.memory_space<vmem>>, vector<1x64x128xf32>,
    %get3A_1124 = arith.constant 94 : index
    %get3A_1125 = arith.constant 0 : index
    %get3A_1126 = arith.constant 0 : index
    %get3A_1127 = vector.load %arg0[%get3A_1124, %get3A_1125, %get3A_1126] : memref<128x64x128xf32, #tpu.memory_space<vmem>>, vector<1x64x128xf32>
    %get3A_1128 = vector.shape_cast %get3A_1127 : vector<1x64x128xf32> to vector<64x128xf32>
    %add3A_1129 = arith.addf %add3A_1117, %get3A_1128 : vector<64x128xf32>
    %swap3A_1130 = arith.constant 94 : index
    %swap3A_1131 = arith.constant 0 : index
    %swap3A_1132 = arith.constant 0 : index
    %swap3A_1133 = vector.load %arg1[%swap3A_1130, %swap3A_1131, %swap3A_1132] : memref<128x64x128xf32, #tpu.memory_space<vmem>>, vector<1x64x128xf32>
    %swap3A_1134 = vector.shape_cast %swap3A_1133 : vector<1x64x128xf32> to vector<64x128xf32>
    %swap3A_1135 = vector.shape_cast %add3A_1129 : vector<64x128xf32> to vector<1x64x128xf32>
    tpu.vector_store %arg1[%swap3A_1130, %swap3A_1131, %swap3A_1132], %swap3A_1135 {strides = array<i32>} : memref<128x64x128xf32, #tpu.memory_space<vmem>>, vector<1x64x128xf32>,
    %get3A_1136 = arith.constant 95 : index
    %get3A_1137 = arith.constant 0 : index
    %get3A_1138 = arith.constant 0 : index
    %get3A_1139 = vector.load %arg0[%get3A_1136, %get3A_1137, %get3A_1138] : memref<128x64x128xf32, #tpu.memory_space<vmem>>, vector<1x64x128xf32>
    %get3A_1140 = vector.shape_cast %get3A_1139 : vector<1x64x128xf32> to vector<64x128xf32>
    %add3A_1141 = arith.addf %add3A_1129, %get3A_1140 : vector<64x128xf32>
    %swap3A_1142 = arith.constant 95 : index
    %swap3A_1143 = arith.constant 0 : index
    %swap3A_1144 = arith.constant 0 : index
    %swap3A_1145 = vector.load %arg1[%swap3A_1142, %swap3A_1143, %swap3A_1144] : memref<128x64x128xf32, #tpu.memory_space<vmem>>, vector<1x64x128xf32>
    %swap3A_1146 = vector.shape_cast %swap3A_1145 : vector<1x64x128xf32> to vector<64x128xf32>
    %swap3A_1147 = vector.shape_cast %add3A_1141 : vector<64x128xf32> to vector<1x64x128xf32>
    tpu.vector_store %arg1[%swap3A_1142, %swap3A_1143, %swap3A_1144], %swap3A_1147 {strides = array<i32>} : memref<128x64x128xf32, #tpu.memory_space<vmem>>, vector<1x64x128xf32>,
    %get3A_1148 = arith.constant 96 : index
    %get3A_1149 = arith.constant 0 : index
    %get3A_1150 = arith.constant 0 : index
    %get3A_1151 = vector.load %arg0[%get3A_1148, %get3A_1149, %get3A_1150] : memref<128x64x128xf32, #tpu.memory_space<vmem>>, vector<1x64x128xf32>
    %get3A_1152 = vector.shape_cast %get3A_1151 : vector<1x64x128xf32> to vector<64x128xf32>
    %add3A_1153 = arith.addf %add3A_1141, %get3A_1152 : vector<64x128xf32>
    %swap3A_1154 = arith.constant 96 : index
    %swap3A_1155 = arith.constant 0 : index
    %swap3A_1156 = arith.constant 0 : index
    %swap3A_1157 = vector.load %arg1[%swap3A_1154, %swap3A_1155, %swap3A_1156] : memref<128x64x128xf32, #tpu.memory_space<vmem>>, vector<1x64x128xf32>
    %swap3A_1158 = vector.shape_cast %swap3A_1157 : vector<1x64x128xf32> to vector<64x128xf32>
    %swap3A_1159 = vector.shape_cast %add3A_1153 : vector<64x128xf32> to vector<1x64x128xf32>
    tpu.vector_store %arg1[%swap3A_1154, %swap3A_1155, %swap3A_1156], %swap3A_1159 {strides = array<i32>} : memref<128x64x128xf32, #tpu.memory_space<vmem>>, vector<1x64x128xf32>,
    %get3A_1160 = arith.constant 97 : index
    %get3A_1161 = arith.constant 0 : index
    %get3A_1162 = arith.constant 0 : index
    %get3A_1163 = vector.load %arg0[%get3A_1160, %get3A_1161, %get3A_1162] : memref<128x64x128xf32, #tpu.memory_space<vmem>>, vector<1x64x128xf32>
    %get3A_1164 = vector.shape_cast %get3A_1163 : vector<1x64x128xf32> to vector<64x128xf32>
    %add3A_1165 = arith.addf %add3A_1153, %get3A_1164 : vector<64x128xf32>
    %swap3A_1166 = arith.constant 97 : index
    %swap3A_1167 = arith.constant 0 : index
    %swap3A_1168 = arith.constant 0 : index
    %swap3A_1169 = vector.load %arg1[%swap3A_1166, %swap3A_1167, %swap3A_1168] : memref<128x64x128xf32, #tpu.memory_space<vmem>>, vector<1x64x128xf32>
    %swap3A_1170 = vector.shape_cast %swap3A_1169 : vector<1x64x128xf32> to vector<64x128xf32>
    %swap3A_1171 = vector.shape_cast %add3A_1165 : vector<64x128xf32> to vector<1x64x128xf32>
    tpu.vector_store %arg1[%swap3A_1166, %swap3A_1167, %swap3A_1168], %swap3A_1171 {strides = array<i32>} : memref<128x64x128xf32, #tpu.memory_space<vmem>>, vector<1x64x128xf32>,
    %get3A_1172 = arith.constant 98 : index
    %get3A_1173 = arith.constant 0 : index
    %get3A_1174 = arith.constant 0 : index
    %get3A_1175 = vector.load %arg0[%get3A_1172, %get3A_1173, %get3A_1174] : memref<128x64x128xf32, #tpu.memory_space<vmem>>, vector<1x64x128xf32>
    %get3A_1176 = vector.shape_cast %get3A_1175 : vector<1x64x128xf32> to vector<64x128xf32>
    %add3A_1177 = arith.addf %add3A_1165, %get3A_1176 : vector<64x128xf32>
    %swap3A_1178 = arith.constant 98 : index
    %swap3A_1179 = arith.constant 0 : index
    %swap3A_1180 = arith.constant 0 : index
    %swap3A_1181 = vector.load %arg1[%swap3A_1178, %swap3A_1179, %swap3A_1180] : memref<128x64x128xf32, #tpu.memory_space<vmem>>, vector<1x64x128xf32>
    %swap3A_1182 = vector.shape_cast %swap3A_1181 : vector<1x64x128xf32> to vector<64x128xf32>
    %swap3A_1183 = vector.shape_cast %add3A_1177 : vector<64x128xf32> to vector<1x64x128xf32>
    tpu.vector_store %arg1[%swap3A_1178, %swap3A_1179, %swap3A_1180], %swap3A_1183 {strides = array<i32>} : memref<128x64x128xf32, #tpu.memory_space<vmem>>, vector<1x64x128xf32>,
    %get3A_1184 = arith.constant 99 : index
    %get3A_1185 = arith.constant 0 : index
    %get3A_1186 = arith.constant 0 : index
    %get3A_1187 = vector.load %arg0[%get3A_1184, %get3A_1185, %get3A_1186] : memref<128x64x128xf32, #tpu.memory_space<vmem>>, vector<1x64x128xf32>
    %get3A_1188 = vector.shape_cast %get3A_1187 : vector<1x64x128xf32> to vector<64x128xf32>
    %add3A_1189 = arith.addf %add3A_1177, %get3A_1188 : vector<64x128xf32>
    %swap3A_1190 = arith.constant 99 : index
    %swap3A_1191 = arith.constant 0 : index
    %swap3A_1192 = arith.constant 0 : index
    %swap3A_1193 = vector.load %arg1[%swap3A_1190, %swap3A_1191, %swap3A_1192] : memref<128x64x128xf32, #tpu.memory_space<vmem>>, vector<1x64x128xf32>
    %swap3A_1194 = vector.shape_cast %swap3A_1193 : vector<1x64x128xf32> to vector<64x128xf32>
    %swap3A_1195 = vector.shape_cast %add3A_1189 : vector<64x128xf32> to vector<1x64x128xf32>
    tpu.vector_store %arg1[%swap3A_1190, %swap3A_1191, %swap3A_1192], %swap3A_1195 {strides = array<i32>} : memref<128x64x128xf32, #tpu.memory_space<vmem>>, vector<1x64x128xf32>,
    %get3A_1196 = arith.constant 100 : index
    %get3A_1197 = arith.constant 0 : index
    %get3A_1198 = arith.constant 0 : index
    %get3A_1199 = vector.load %arg0[%get3A_1196, %get3A_1197, %get3A_1198] : memref<128x64x128xf32, #tpu.memory_space<vmem>>, vector<1x64x128xf32>
    %get3A_1200 = vector.shape_cast %get3A_1199 : vector<1x64x128xf32> to vector<64x128xf32>
    %add3A_1201 = arith.addf %add3A_1189, %get3A_1200 : vector<64x128xf32>
    %swap3A_1202 = arith.constant 100 : index
    %swap3A_1203 = arith.constant 0 : index
    %swap3A_1204 = arith.constant 0 : index
    %swap3A_1205 = vector.load %arg1[%swap3A_1202, %swap3A_1203, %swap3A_1204] : memref<128x64x128xf32, #tpu.memory_space<vmem>>, vector<1x64x128xf32>
    %swap3A_1206 = vector.shape_cast %swap3A_1205 : vector<1x64x128xf32> to vector<64x128xf32>
    %swap3A_1207 = vector.shape_cast %add3A_1201 : vector<64x128xf32> to vector<1x64x128xf32>
    tpu.vector_store %arg1[%swap3A_1202, %swap3A_1203, %swap3A_1204], %swap3A_1207 {strides = array<i32>} : memref<128x64x128xf32, #tpu.memory_space<vmem>>, vector<1x64x128xf32>,
    %get3A_1208 = arith.constant 101 : index
    %get3A_1209 = arith.constant 0 : index
    %get3A_1210 = arith.constant 0 : index
    %get3A_1211 = vector.load %arg0[%get3A_1208, %get3A_1209, %get3A_1210] : memref<128x64x128xf32, #tpu.memory_space<vmem>>, vector<1x64x128xf32>
    %get3A_1212 = vector.shape_cast %get3A_1211 : vector<1x64x128xf32> to vector<64x128xf32>
    %add3A_1213 = arith.addf %add3A_1201, %get3A_1212 : vector<64x128xf32>
    %swap3A_1214 = arith.constant 101 : index
    %swap3A_1215 = arith.constant 0 : index
    %swap3A_1216 = arith.constant 0 : index
    %swap3A_1217 = vector.load %arg1[%swap3A_1214, %swap3A_1215, %swap3A_1216] : memref<128x64x128xf32, #tpu.memory_space<vmem>>, vector<1x64x128xf32>
    %swap3A_1218 = vector.shape_cast %swap3A_1217 : vector<1x64x128xf32> to vector<64x128xf32>
    %swap3A_1219 = vector.shape_cast %add3A_1213 : vector<64x128xf32> to vector<1x64x128xf32>
    tpu.vector_store %arg1[%swap3A_1214, %swap3A_1215, %swap3A_1216], %swap3A_1219 {strides = array<i32>} : memref<128x64x128xf32, #tpu.memory_space<vmem>>, vector<1x64x128xf32>,
    %get3A_1220 = arith.constant 102 : index
    %get3A_1221 = arith.constant 0 : index
    %get3A_1222 = arith.constant 0 : index
    %get3A_1223 = vector.load %arg0[%get3A_1220, %get3A_1221, %get3A_1222] : memref<128x64x128xf32, #tpu.memory_space<vmem>>, vector<1x64x128xf32>
    %get3A_1224 = vector.shape_cast %get3A_1223 : vector<1x64x128xf32> to vector<64x128xf32>
    %add3A_1225 = arith.addf %add3A_1213, %get3A_1224 : vector<64x128xf32>
    %swap3A_1226 = arith.constant 102 : index
    %swap3A_1227 = arith.constant 0 : index
    %swap3A_1228 = arith.constant 0 : index
    %swap3A_1229 = vector.load %arg1[%swap3A_1226, %swap3A_1227, %swap3A_1228] : memref<128x64x128xf32, #tpu.memory_space<vmem>>, vector<1x64x128xf32>
    %swap3A_1230 = vector.shape_cast %swap3A_1229 : vector<1x64x128xf32> to vector<64x128xf32>
    %swap3A_1231 = vector.shape_cast %add3A_1225 : vector<64x128xf32> to vector<1x64x128xf32>
    tpu.vector_store %arg1[%swap3A_1226, %swap3A_1227, %swap3A_1228], %swap3A_1231 {strides = array<i32>} : memref<128x64x128xf32, #tpu.memory_space<vmem>>, vector<1x64x128xf32>,
    %get3A_1232 = arith.constant 103 : index
    %get3A_1233 = arith.constant 0 : index
    %get3A_1234 = arith.constant 0 : index
    %get3A_1235 = vector.load %arg0[%get3A_1232, %get3A_1233, %get3A_1234] : memref<128x64x128xf32, #tpu.memory_space<vmem>>, vector<1x64x128xf32>
    %get3A_1236 = vector.shape_cast %get3A_1235 : vector<1x64x128xf32> to vector<64x128xf32>
    %add3A_1237 = arith.addf %add3A_1225, %get3A_1236 : vector<64x128xf32>
    %swap3A_1238 = arith.constant 103 : index
    %swap3A_1239 = arith.constant 0 : index
    %swap3A_1240 = arith.constant 0 : index
    %swap3A_1241 = vector.load %arg1[%swap3A_1238, %swap3A_1239, %swap3A_1240] : memref<128x64x128xf32, #tpu.memory_space<vmem>>, vector<1x64x128xf32>
    %swap3A_1242 = vector.shape_cast %swap3A_1241 : vector<1x64x128xf32> to vector<64x128xf32>
    %swap3A_1243 = vector.shape_cast %add3A_1237 : vector<64x128xf32> to vector<1x64x128xf32>
    tpu.vector_store %arg1[%swap3A_1238, %swap3A_1239, %swap3A_1240], %swap3A_1243 {strides = array<i32>} : memref<128x64x128xf32, #tpu.memory_space<vmem>>, vector<1x64x128xf32>,
    %get3A_1244 = arith.constant 104 : index
    %get3A_1245 = arith.constant 0 : index
    %get3A_1246 = arith.constant 0 : index
    %get3A_1247 = vector.load %arg0[%get3A_1244, %get3A_1245, %get3A_1246] : memref<128x64x128xf32, #tpu.memory_space<vmem>>, vector<1x64x128xf32>
    %get3A_1248 = vector.shape_cast %get3A_1247 : vector<1x64x128xf32> to vector<64x128xf32>
    %add3A_1249 = arith.addf %add3A_1237, %get3A_1248 : vector<64x128xf32>
    %swap3A_1250 = arith.constant 104 : index
    %swap3A_1251 = arith.constant 0 : index
    %swap3A_1252 = arith.constant 0 : index
    %swap3A_1253 = vector.load %arg1[%swap3A_1250, %swap3A_1251, %swap3A_1252] : memref<128x64x128xf32, #tpu.memory_space<vmem>>, vector<1x64x128xf32>
    %swap3A_1254 = vector.shape_cast %swap3A_1253 : vector<1x64x128xf32> to vector<64x128xf32>
    %swap3A_1255 = vector.shape_cast %add3A_1249 : vector<64x128xf32> to vector<1x64x128xf32>
    tpu.vector_store %arg1[%swap3A_1250, %swap3A_1251, %swap3A_1252], %swap3A_1255 {strides = array<i32>} : memref<128x64x128xf32, #tpu.memory_space<vmem>>, vector<1x64x128xf32>,
    %get3A_1256 = arith.constant 105 : index
    %get3A_1257 = arith.constant 0 : index
    %get3A_1258 = arith.constant 0 : index
    %get3A_1259 = vector.load %arg0[%get3A_1256, %get3A_1257, %get3A_1258] : memref<128x64x128xf32, #tpu.memory_space<vmem>>, vector<1x64x128xf32>
    %get3A_1260 = vector.shape_cast %get3A_1259 : vector<1x64x128xf32> to vector<64x128xf32>
    %add3A_1261 = arith.addf %add3A_1249, %get3A_1260 : vector<64x128xf32>
    %swap3A_1262 = arith.constant 105 : index
    %swap3A_1263 = arith.constant 0 : index
    %swap3A_1264 = arith.constant 0 : index
    %swap3A_1265 = vector.load %arg1[%swap3A_1262, %swap3A_1263, %swap3A_1264] : memref<128x64x128xf32, #tpu.memory_space<vmem>>, vector<1x64x128xf32>
    %swap3A_1266 = vector.shape_cast %swap3A_1265 : vector<1x64x128xf32> to vector<64x128xf32>
    %swap3A_1267 = vector.shape_cast %add3A_1261 : vector<64x128xf32> to vector<1x64x128xf32>
    tpu.vector_store %arg1[%swap3A_1262, %swap3A_1263, %swap3A_1264], %swap3A_1267 {strides = array<i32>} : memref<128x64x128xf32, #tpu.memory_space<vmem>>, vector<1x64x128xf32>,
    %get3A_1268 = arith.constant 106 : index
    %get3A_1269 = arith.constant 0 : index
    %get3A_1270 = arith.constant 0 : index
    %get3A_1271 = vector.load %arg0[%get3A_1268, %get3A_1269, %get3A_1270] : memref<128x64x128xf32, #tpu.memory_space<vmem>>, vector<1x64x128xf32>
    %get3A_1272 = vector.shape_cast %get3A_1271 : vector<1x64x128xf32> to vector<64x128xf32>
    %add3A_1273 = arith.addf %add3A_1261, %get3A_1272 : vector<64x128xf32>
    %swap3A_1274 = arith.constant 106 : index
    %swap3A_1275 = arith.constant 0 : index
    %swap3A_1276 = arith.constant 0 : index
    %swap3A_1277 = vector.load %arg1[%swap3A_1274, %swap3A_1275, %swap3A_1276] : memref<128x64x128xf32, #tpu.memory_space<vmem>>, vector<1x64x128xf32>
    %swap3A_1278 = vector.shape_cast %swap3A_1277 : vector<1x64x128xf32> to vector<64x128xf32>
    %swap3A_1279 = vector.shape_cast %add3A_1273 : vector<64x128xf32> to vector<1x64x128xf32>
    tpu.vector_store %arg1[%swap3A_1274, %swap3A_1275, %swap3A_1276], %swap3A_1279 {strides = array<i32>} : memref<128x64x128xf32, #tpu.memory_space<vmem>>, vector<1x64x128xf32>,
    %get3A_1280 = arith.constant 107 : index
    %get3A_1281 = arith.constant 0 : index
    %get3A_1282 = arith.constant 0 : index
    %get3A_1283 = vector.load %arg0[%get3A_1280, %get3A_1281, %get3A_1282] : memref<128x64x128xf32, #tpu.memory_space<vmem>>, vector<1x64x128xf32>
    %get3A_1284 = vector.shape_cast %get3A_1283 : vector<1x64x128xf32> to vector<64x128xf32>
    %add3A_1285 = arith.addf %add3A_1273, %get3A_1284 : vector<64x128xf32>
    %swap3A_1286 = arith.constant 107 : index
    %swap3A_1287 = arith.constant 0 : index
    %swap3A_1288 = arith.constant 0 : index
    %swap3A_1289 = vector.load %arg1[%swap3A_1286, %swap3A_1287, %swap3A_1288] : memref<128x64x128xf32, #tpu.memory_space<vmem>>, vector<1x64x128xf32>
    %swap3A_1290 = vector.shape_cast %swap3A_1289 : vector<1x64x128xf32> to vector<64x128xf32>
    %swap3A_1291 = vector.shape_cast %add3A_1285 : vector<64x128xf32> to vector<1x64x128xf32>
    tpu.vector_store %arg1[%swap3A_1286, %swap3A_1287, %swap3A_1288], %swap3A_1291 {strides = array<i32>} : memref<128x64x128xf32, #tpu.memory_space<vmem>>, vector<1x64x128xf32>,
    %get3A_1292 = arith.constant 108 : index
    %get3A_1293 = arith.constant 0 : index
    %get3A_1294 = arith.constant 0 : index
    %get3A_1295 = vector.load %arg0[%get3A_1292, %get3A_1293, %get3A_1294] : memref<128x64x128xf32, #tpu.memory_space<vmem>>, vector<1x64x128xf32>
    %get3A_1296 = vector.shape_cast %get3A_1295 : vector<1x64x128xf32> to vector<64x128xf32>
    %add3A_1297 = arith.addf %add3A_1285, %get3A_1296 : vector<64x128xf32>
    %swap3A_1298 = arith.constant 108 : index
    %swap3A_1299 = arith.constant 0 : index
    %swap3A_1300 = arith.constant 0 : index
    %swap3A_1301 = vector.load %arg1[%swap3A_1298, %swap3A_1299, %swap3A_1300] : memref<128x64x128xf32, #tpu.memory_space<vmem>>, vector<1x64x128xf32>
    %swap3A_1302 = vector.shape_cast %swap3A_1301 : vector<1x64x128xf32> to vector<64x128xf32>
    %swap3A_1303 = vector.shape_cast %add3A_1297 : vector<64x128xf32> to vector<1x64x128xf32>
    tpu.vector_store %arg1[%swap3A_1298, %swap3A_1299, %swap3A_1300], %swap3A_1303 {strides = array<i32>} : memref<128x64x128xf32, #tpu.memory_space<vmem>>, vector<1x64x128xf32>,
    %get3A_1304 = arith.constant 109 : index
    %get3A_1305 = arith.constant 0 : index
    %get3A_1306 = arith.constant 0 : index
    %get3A_1307 = vector.load %arg0[%get3A_1304, %get3A_1305, %get3A_1306] : memref<128x64x128xf32, #tpu.memory_space<vmem>>, vector<1x64x128xf32>
    %get3A_1308 = vector.shape_cast %get3A_1307 : vector<1x64x128xf32> to vector<64x128xf32>
    %add3A_1309 = arith.addf %add3A_1297, %get3A_1308 : vector<64x128xf32>
    %swap3A_1310 = arith.constant 109 : index
    %swap3A_1311 = arith.constant 0 : index
    %swap3A_1312 = arith.constant 0 : index
    %swap3A_1313 = vector.load %arg1[%swap3A_1310, %swap3A_1311, %swap3A_1312] : memref<128x64x128xf32, #tpu.memory_space<vmem>>, vector<1x64x128xf32>
    %swap3A_1314 = vector.shape_cast %swap3A_1313 : vector<1x64x128xf32> to vector<64x128xf32>
    %swap3A_1315 = vector.shape_cast %add3A_1309 : vector<64x128xf32> to vector<1x64x128xf32>
    tpu.vector_store %arg1[%swap3A_1310, %swap3A_1311, %swap3A_1312], %swap3A_1315 {strides = array<i32>} : memref<128x64x128xf32, #tpu.memory_space<vmem>>, vector<1x64x128xf32>,
    %get3A_1316 = arith.constant 110 : index
    %get3A_1317 = arith.constant 0 : index
    %get3A_1318 = arith.constant 0 : index
    %get3A_1319 = vector.load %arg0[%get3A_1316, %get3A_1317, %get3A_1318] : memref<128x64x128xf32, #tpu.memory_space<vmem>>, vector<1x64x128xf32>
    %get3A_1320 = vector.shape_cast %get3A_1319 : vector<1x64x128xf32> to vector<64x128xf32>
    %add3A_1321 = arith.addf %add3A_1309, %get3A_1320 : vector<64x128xf32>
    %swap3A_1322 = arith.constant 110 : index
    %swap3A_1323 = arith.constant 0 : index
    %swap3A_1324 = arith.constant 0 : index
    %swap3A_1325 = vector.load %arg1[%swap3A_1322, %swap3A_1323, %swap3A_1324] : memref<128x64x128xf32, #tpu.memory_space<vmem>>, vector<1x64x128xf32>
    %swap3A_1326 = vector.shape_cast %swap3A_1325 : vector<1x64x128xf32> to vector<64x128xf32>
    %swap3A_1327 = vector.shape_cast %add3A_1321 : vector<64x128xf32> to vector<1x64x128xf32>
    tpu.vector_store %arg1[%swap3A_1322, %swap3A_1323, %swap3A_1324], %swap3A_1327 {strides = array<i32>} : memref<128x64x128xf32, #tpu.memory_space<vmem>>, vector<1x64x128xf32>,
    %get3A_1328 = arith.constant 111 : index
    %get3A_1329 = arith.constant 0 : index
    %get3A_1330 = arith.constant 0 : index
    %get3A_1331 = vector.load %arg0[%get3A_1328, %get3A_1329, %get3A_1330] : memref<128x64x128xf32, #tpu.memory_space<vmem>>, vector<1x64x128xf32>
    %get3A_1332 = vector.shape_cast %get3A_1331 : vector<1x64x128xf32> to vector<64x128xf32>
    %add3A_1333 = arith.addf %add3A_1321, %get3A_1332 : vector<64x128xf32>
    %swap3A_1334 = arith.constant 111 : index
    %swap3A_1335 = arith.constant 0 : index
    %swap3A_1336 = arith.constant 0 : index
    %swap3A_1337 = vector.load %arg1[%swap3A_1334, %swap3A_1335, %swap3A_1336] : memref<128x64x128xf32, #tpu.memory_space<vmem>>, vector<1x64x128xf32>
    %swap3A_1338 = vector.shape_cast %swap3A_1337 : vector<1x64x128xf32> to vector<64x128xf32>
    %swap3A_1339 = vector.shape_cast %add3A_1333 : vector<64x128xf32> to vector<1x64x128xf32>
    tpu.vector_store %arg1[%swap3A_1334, %swap3A_1335, %swap3A_1336], %swap3A_1339 {strides = array<i32>} : memref<128x64x128xf32, #tpu.memory_space<vmem>>, vector<1x64x128xf32>,
    %get3A_1340 = arith.constant 112 : index
    %get3A_1341 = arith.constant 0 : index
    %get3A_1342 = arith.constant 0 : index
    %get3A_1343 = vector.load %arg0[%get3A_1340, %get3A_1341, %get3A_1342] : memref<128x64x128xf32, #tpu.memory_space<vmem>>, vector<1x64x128xf32>
    %get3A_1344 = vector.shape_cast %get3A_1343 : vector<1x64x128xf32> to vector<64x128xf32>
    %add3A_1345 = arith.addf %add3A_1333, %get3A_1344 : vector<64x128xf32>
    %swap3A_1346 = arith.constant 112 : index
    %swap3A_1347 = arith.constant 0 : index
    %swap3A_1348 = arith.constant 0 : index
    %swap3A_1349 = vector.load %arg1[%swap3A_1346, %swap3A_1347, %swap3A_1348] : memref<128x64x128xf32, #tpu.memory_space<vmem>>, vector<1x64x128xf32>
    %swap3A_1350 = vector.shape_cast %swap3A_1349 : vector<1x64x128xf32> to vector<64x128xf32>
    %swap3A_1351 = vector.shape_cast %add3A_1345 : vector<64x128xf32> to vector<1x64x128xf32>
    tpu.vector_store %arg1[%swap3A_1346, %swap3A_1347, %swap3A_1348], %swap3A_1351 {strides = array<i32>} : memref<128x64x128xf32, #tpu.memory_space<vmem>>, vector<1x64x128xf32>,
    %get3A_1352 = arith.constant 113 : index
    %get3A_1353 = arith.constant 0 : index
    %get3A_1354 = arith.constant 0 : index
    %get3A_1355 = vector.load %arg0[%get3A_1352, %get3A_1353, %get3A_1354] : memref<128x64x128xf32, #tpu.memory_space<vmem>>, vector<1x64x128xf32>
    %get3A_1356 = vector.shape_cast %get3A_1355 : vector<1x64x128xf32> to vector<64x128xf32>
    %add3A_1357 = arith.addf %add3A_1345, %get3A_1356 : vector<64x128xf32>
    %swap3A_1358 = arith.constant 113 : index
    %swap3A_1359 = arith.constant 0 : index
    %swap3A_1360 = arith.constant 0 : index
    %swap3A_1361 = vector.load %arg1[%swap3A_1358, %swap3A_1359, %swap3A_1360] : memref<128x64x128xf32, #tpu.memory_space<vmem>>, vector<1x64x128xf32>
    %swap3A_1362 = vector.shape_cast %swap3A_1361 : vector<1x64x128xf32> to vector<64x128xf32>
    %swap3A_1363 = vector.shape_cast %add3A_1357 : vector<64x128xf32> to vector<1x64x128xf32>
    tpu.vector_store %arg1[%swap3A_1358, %swap3A_1359, %swap3A_1360], %swap3A_1363 {strides = array<i32>} : memref<128x64x128xf32, #tpu.memory_space<vmem>>, vector<1x64x128xf32>,
    %get3A_1364 = arith.constant 114 : index
    %get3A_1365 = arith.constant 0 : index
    %get3A_1366 = arith.constant 0 : index
    %get3A_1367 = vector.load %arg0[%get3A_1364, %get3A_1365, %get3A_1366] : memref<128x64x128xf32, #tpu.memory_space<vmem>>, vector<1x64x128xf32>
    %get3A_1368 = vector.shape_cast %get3A_1367 : vector<1x64x128xf32> to vector<64x128xf32>
    %add3A_1369 = arith.addf %add3A_1357, %get3A_1368 : vector<64x128xf32>
    %swap3A_1370 = arith.constant 114 : index
    %swap3A_1371 = arith.constant 0 : index
    %swap3A_1372 = arith.constant 0 : index
    %swap3A_1373 = vector.load %arg1[%swap3A_1370, %swap3A_1371, %swap3A_1372] : memref<128x64x128xf32, #tpu.memory_space<vmem>>, vector<1x64x128xf32>
    %swap3A_1374 = vector.shape_cast %swap3A_1373 : vector<1x64x128xf32> to vector<64x128xf32>
    %swap3A_1375 = vector.shape_cast %add3A_1369 : vector<64x128xf32> to vector<1x64x128xf32>
    tpu.vector_store %arg1[%swap3A_1370, %swap3A_1371, %swap3A_1372], %swap3A_1375 {strides = array<i32>} : memref<128x64x128xf32, #tpu.memory_space<vmem>>, vector<1x64x128xf32>,
    %get3A_1376 = arith.constant 115 : index
    %get3A_1377 = arith.constant 0 : index
    %get3A_1378 = arith.constant 0 : index
    %get3A_1379 = vector.load %arg0[%get3A_1376, %get3A_1377, %get3A_1378] : memref<128x64x128xf32, #tpu.memory_space<vmem>>, vector<1x64x128xf32>
    %get3A_1380 = vector.shape_cast %get3A_1379 : vector<1x64x128xf32> to vector<64x128xf32>
    %add3A_1381 = arith.addf %add3A_1369, %get3A_1380 : vector<64x128xf32>
    %swap3A_1382 = arith.constant 115 : index
    %swap3A_1383 = arith.constant 0 : index
    %swap3A_1384 = arith.constant 0 : index
    %swap3A_1385 = vector.load %arg1[%swap3A_1382, %swap3A_1383, %swap3A_1384] : memref<128x64x128xf32, #tpu.memory_space<vmem>>, vector<1x64x128xf32>
    %swap3A_1386 = vector.shape_cast %swap3A_1385 : vector<1x64x128xf32> to vector<64x128xf32>
    %swap3A_1387 = vector.shape_cast %add3A_1381 : vector<64x128xf32> to vector<1x64x128xf32>
    tpu.vector_store %arg1[%swap3A_1382, %swap3A_1383, %swap3A_1384], %swap3A_1387 {strides = array<i32>} : memref<128x64x128xf32, #tpu.memory_space<vmem>>, vector<1x64x128xf32>,
    %get3A_1388 = arith.constant 116 : index
    %get3A_1389 = arith.constant 0 : index
    %get3A_1390 = arith.constant 0 : index
    %get3A_1391 = vector.load %arg0[%get3A_1388, %get3A_1389, %get3A_1390] : memref<128x64x128xf32, #tpu.memory_space<vmem>>, vector<1x64x128xf32>
    %get3A_1392 = vector.shape_cast %get3A_1391 : vector<1x64x128xf32> to vector<64x128xf32>
    %add3A_1393 = arith.addf %add3A_1381, %get3A_1392 : vector<64x128xf32>
    %swap3A_1394 = arith.constant 116 : index
    %swap3A_1395 = arith.constant 0 : index
    %swap3A_1396 = arith.constant 0 : index
    %swap3A_1397 = vector.load %arg1[%swap3A_1394, %swap3A_1395, %swap3A_1396] : memref<128x64x128xf32, #tpu.memory_space<vmem>>, vector<1x64x128xf32>
    %swap3A_1398 = vector.shape_cast %swap3A_1397 : vector<1x64x128xf32> to vector<64x128xf32>
    %swap3A_1399 = vector.shape_cast %add3A_1393 : vector<64x128xf32> to vector<1x64x128xf32>
    tpu.vector_store %arg1[%swap3A_1394, %swap3A_1395, %swap3A_1396], %swap3A_1399 {strides = array<i32>} : memref<128x64x128xf32, #tpu.memory_space<vmem>>, vector<1x64x128xf32>,
    %get3A_1400 = arith.constant 117 : index
    %get3A_1401 = arith.constant 0 : index
    %get3A_1402 = arith.constant 0 : index
    %get3A_1403 = vector.load %arg0[%get3A_1400, %get3A_1401, %get3A_1402] : memref<128x64x128xf32, #tpu.memory_space<vmem>>, vector<1x64x128xf32>
    %get3A_1404 = vector.shape_cast %get3A_1403 : vector<1x64x128xf32> to vector<64x128xf32>
    %add3A_1405 = arith.addf %add3A_1393, %get3A_1404 : vector<64x128xf32>
    %swap3A_1406 = arith.constant 117 : index
    %swap3A_1407 = arith.constant 0 : index
    %swap3A_1408 = arith.constant 0 : index
    %swap3A_1409 = vector.load %arg1[%swap3A_1406, %swap3A_1407, %swap3A_1408] : memref<128x64x128xf32, #tpu.memory_space<vmem>>, vector<1x64x128xf32>
    %swap3A_1410 = vector.shape_cast %swap3A_1409 : vector<1x64x128xf32> to vector<64x128xf32>
    %swap3A_1411 = vector.shape_cast %add3A_1405 : vector<64x128xf32> to vector<1x64x128xf32>
    tpu.vector_store %arg1[%swap3A_1406, %swap3A_1407, %swap3A_1408], %swap3A_1411 {strides = array<i32>} : memref<128x64x128xf32, #tpu.memory_space<vmem>>, vector<1x64x128xf32>,
    %get3A_1412 = arith.constant 118 : index
    %get3A_1413 = arith.constant 0 : index
    %get3A_1414 = arith.constant 0 : index
    %get3A_1415 = vector.load %arg0[%get3A_1412, %get3A_1413, %get3A_1414] : memref<128x64x128xf32, #tpu.memory_space<vmem>>, vector<1x64x128xf32>
    %get3A_1416 = vector.shape_cast %get3A_1415 : vector<1x64x128xf32> to vector<64x128xf32>
    %add3A_1417 = arith.addf %add3A_1405, %get3A_1416 : vector<64x128xf32>
    %swap3A_1418 = arith.constant 118 : index
    %swap3A_1419 = arith.constant 0 : index
    %swap3A_1420 = arith.constant 0 : index
    %swap3A_1421 = vector.load %arg1[%swap3A_1418, %swap3A_1419, %swap3A_1420] : memref<128x64x128xf32, #tpu.memory_space<vmem>>, vector<1x64x128xf32>
    %swap3A_1422 = vector.shape_cast %swap3A_1421 : vector<1x64x128xf32> to vector<64x128xf32>
    %swap3A_1423 = vector.shape_cast %add3A_1417 : vector<64x128xf32> to vector<1x64x128xf32>
    tpu.vector_store %arg1[%swap3A_1418, %swap3A_1419, %swap3A_1420], %swap3A_1423 {strides = array<i32>} : memref<128x64x128xf32, #tpu.memory_space<vmem>>, vector<1x64x128xf32>,
    %get3A_1424 = arith.constant 119 : index
    %get3A_1425 = arith.constant 0 : index
    %get3A_1426 = arith.constant 0 : index
    %get3A_1427 = vector.load %arg0[%get3A_1424, %get3A_1425, %get3A_1426] : memref<128x64x128xf32, #tpu.memory_space<vmem>>, vector<1x64x128xf32>
    %get3A_1428 = vector.shape_cast %get3A_1427 : vector<1x64x128xf32> to vector<64x128xf32>
    %add3A_1429 = arith.addf %add3A_1417, %get3A_1428 : vector<64x128xf32>
    %swap3A_1430 = arith.constant 119 : index
    %swap3A_1431 = arith.constant 0 : index
    %swap3A_1432 = arith.constant 0 : index
    %swap3A_1433 = vector.load %arg1[%swap3A_1430, %swap3A_1431, %swap3A_1432] : memref<128x64x128xf32, #tpu.memory_space<vmem>>, vector<1x64x128xf32>
    %swap3A_1434 = vector.shape_cast %swap3A_1433 : vector<1x64x128xf32> to vector<64x128xf32>
    %swap3A_1435 = vector.shape_cast %add3A_1429 : vector<64x128xf32> to vector<1x64x128xf32>
    tpu.vector_store %arg1[%swap3A_1430, %swap3A_1431, %swap3A_1432], %swap3A_1435 {strides = array<i32>} : memref<128x64x128xf32, #tpu.memory_space<vmem>>, vector<1x64x128xf32>,
    %get3A_1436 = arith.constant 120 : index
    %get3A_1437 = arith.constant 0 : index
    %get3A_1438 = arith.constant 0 : index
    %get3A_1439 = vector.load %arg0[%get3A_1436, %get3A_1437, %get3A_1438] : memref<128x64x128xf32, #tpu.memory_space<vmem>>, vector<1x64x128xf32>
    %get3A_1440 = vector.shape_cast %get3A_1439 : vector<1x64x128xf32> to vector<64x128xf32>
    %add3A_1441 = arith.addf %add3A_1429, %get3A_1440 : vector<64x128xf32>
    %swap3A_1442 = arith.constant 120 : index
    %swap3A_1443 = arith.constant 0 : index
    %swap3A_1444 = arith.constant 0 : index
    %swap3A_1445 = vector.load %arg1[%swap3A_1442, %swap3A_1443, %swap3A_1444] : memref<128x64x128xf32, #tpu.memory_space<vmem>>, vector<1x64x128xf32>
    %swap3A_1446 = vector.shape_cast %swap3A_1445 : vector<1x64x128xf32> to vector<64x128xf32>
    %swap3A_1447 = vector.shape_cast %add3A_1441 : vector<64x128xf32> to vector<1x64x128xf32>
    tpu.vector_store %arg1[%swap3A_1442, %swap3A_1443, %swap3A_1444], %swap3A_1447 {strides = array<i32>} : memref<128x64x128xf32, #tpu.memory_space<vmem>>, vector<1x64x128xf32>,
    %get3A_1448 = arith.constant 121 : index
    %get3A_1449 = arith.constant 0 : index
    %get3A_1450 = arith.constant 0 : index
    %get3A_1451 = vector.load %arg0[%get3A_1448, %get3A_1449, %get3A_1450] : memref<128x64x128xf32, #tpu.memory_space<vmem>>, vector<1x64x128xf32>
    %get3A_1452 = vector.shape_cast %get3A_1451 : vector<1x64x128xf32> to vector<64x128xf32>
    %add3A_1453 = arith.addf %add3A_1441, %get3A_1452 : vector<64x128xf32>
    %swap3A_1454 = arith.constant 121 : index
    %swap3A_1455 = arith.constant 0 : index
    %swap3A_1456 = arith.constant 0 : index
    %swap3A_1457 = vector.load %arg1[%swap3A_1454, %swap3A_1455, %swap3A_1456] : memref<128x64x128xf32, #tpu.memory_space<vmem>>, vector<1x64x128xf32>
    %swap3A_1458 = vector.shape_cast %swap3A_1457 : vector<1x64x128xf32> to vector<64x128xf32>
    %swap3A_1459 = vector.shape_cast %add3A_1453 : vector<64x128xf32> to vector<1x64x128xf32>
    tpu.vector_store %arg1[%swap3A_1454, %swap3A_1455, %swap3A_1456], %swap3A_1459 {strides = array<i32>} : memref<128x64x128xf32, #tpu.memory_space<vmem>>, vector<1x64x128xf32>,
    %get3A_1460 = arith.constant 122 : index
    %get3A_1461 = arith.constant 0 : index
    %get3A_1462 = arith.constant 0 : index
    %get3A_1463 = vector.load %arg0[%get3A_1460, %get3A_1461, %get3A_1462] : memref<128x64x128xf32, #tpu.memory_space<vmem>>, vector<1x64x128xf32>
    %get3A_1464 = vector.shape_cast %get3A_1463 : vector<1x64x128xf32> to vector<64x128xf32>
    %add3A_1465 = arith.addf %add3A_1453, %get3A_1464 : vector<64x128xf32>
    %swap3A_1466 = arith.constant 122 : index
    %swap3A_1467 = arith.constant 0 : index
    %swap3A_1468 = arith.constant 0 : index
    %swap3A_1469 = vector.load %arg1[%swap3A_1466, %swap3A_1467, %swap3A_1468] : memref<128x64x128xf32, #tpu.memory_space<vmem>>, vector<1x64x128xf32>
    %swap3A_1470 = vector.shape_cast %swap3A_1469 : vector<1x64x128xf32> to vector<64x128xf32>
    %swap3A_1471 = vector.shape_cast %add3A_1465 : vector<64x128xf32> to vector<1x64x128xf32>
    tpu.vector_store %arg1[%swap3A_1466, %swap3A_1467, %swap3A_1468], %swap3A_1471 {strides = array<i32>} : memref<128x64x128xf32, #tpu.memory_space<vmem>>, vector<1x64x128xf32>,
    %get3A_1472 = arith.constant 123 : index
    %get3A_1473 = arith.constant 0 : index
    %get3A_1474 = arith.constant 0 : index
    %get3A_1475 = vector.load %arg0[%get3A_1472, %get3A_1473, %get3A_1474] : memref<128x64x128xf32, #tpu.memory_space<vmem>>, vector<1x64x128xf32>
    %get3A_1476 = vector.shape_cast %get3A_1475 : vector<1x64x128xf32> to vector<64x128xf32>
    %add3A_1477 = arith.addf %add3A_1465, %get3A_1476 : vector<64x128xf32>
    %swap3A_1478 = arith.constant 123 : index
    %swap3A_1479 = arith.constant 0 : index
    %swap3A_1480 = arith.constant 0 : index
    %swap3A_1481 = vector.load %arg1[%swap3A_1478, %swap3A_1479, %swap3A_1480] : memref<128x64x128xf32, #tpu.memory_space<vmem>>, vector<1x64x128xf32>
    %swap3A_1482 = vector.shape_cast %swap3A_1481 : vector<1x64x128xf32> to vector<64x128xf32>
    %swap3A_1483 = vector.shape_cast %add3A_1477 : vector<64x128xf32> to vector<1x64x128xf32>
    tpu.vector_store %arg1[%swap3A_1478, %swap3A_1479, %swap3A_1480], %swap3A_1483 {strides = array<i32>} : memref<128x64x128xf32, #tpu.memory_space<vmem>>, vector<1x64x128xf32>,
    %get3A_1484 = arith.constant 124 : index
    %get3A_1485 = arith.constant 0 : index
    %get3A_1486 = arith.constant 0 : index
    %get3A_1487 = vector.load %arg0[%get3A_1484, %get3A_1485, %get3A_1486] : memref<128x64x128xf32, #tpu.memory_space<vmem>>, vector<1x64x128xf32>
    %get3A_1488 = vector.shape_cast %get3A_1487 : vector<1x64x128xf32> to vector<64x128xf32>
    %add3A_1489 = arith.addf %add3A_1477, %get3A_1488 : vector<64x128xf32>
    %swap3A_1490 = arith.constant 124 : index
    %swap3A_1491 = arith.constant 0 : index
    %swap3A_1492 = arith.constant 0 : index
    %swap3A_1493 = vector.load %arg1[%swap3A_1490, %swap3A_1491, %swap3A_1492] : memref<128x64x128xf32, #tpu.memory_space<vmem>>, vector<1x64x128xf32>
    %swap3A_1494 = vector.shape_cast %swap3A_1493 : vector<1x64x128xf32> to vector<64x128xf32>
    %swap3A_1495 = vector.shape_cast %add3A_1489 : vector<64x128xf32> to vector<1x64x128xf32>
    tpu.vector_store %arg1[%swap3A_1490, %swap3A_1491, %swap3A_1492], %swap3A_1495 {strides = array<i32>} : memref<128x64x128xf32, #tpu.memory_space<vmem>>, vector<1x64x128xf32>,
    %get3A_1496 = arith.constant 125 : index
    %get3A_1497 = arith.constant 0 : index
    %get3A_1498 = arith.constant 0 : index
    %get3A_1499 = vector.load %arg0[%get3A_1496, %get3A_1497, %get3A_1498] : memref<128x64x128xf32, #tpu.memory_space<vmem>>, vector<1x64x128xf32>
    %get3A_1500 = vector.shape_cast %get3A_1499 : vector<1x64x128xf32> to vector<64x128xf32>
    %add3A_1501 = arith.addf %add3A_1489, %get3A_1500 : vector<64x128xf32>
    %swap3A_1502 = arith.constant 125 : index
    %swap3A_1503 = arith.constant 0 : index
    %swap3A_1504 = arith.constant 0 : index
    %swap3A_1505 = vector.load %arg1[%swap3A_1502, %swap3A_1503, %swap3A_1504] : memref<128x64x128xf32, #tpu.memory_space<vmem>>, vector<1x64x128xf32>
    %swap3A_1506 = vector.shape_cast %swap3A_1505 : vector<1x64x128xf32> to vector<64x128xf32>
    %swap3A_1507 = vector.shape_cast %add3A_1501 : vector<64x128xf32> to vector<1x64x128xf32>
    tpu.vector_store %arg1[%swap3A_1502, %swap3A_1503, %swap3A_1504], %swap3A_1507 {strides = array<i32>} : memref<128x64x128xf32, #tpu.memory_space<vmem>>, vector<1x64x128xf32>,
    %get3A_1508 = arith.constant 126 : index
    %get3A_1509 = arith.constant 0 : index
    %get3A_1510 = arith.constant 0 : index
    %get3A_1511 = vector.load %arg0[%get3A_1508, %get3A_1509, %get3A_1510] : memref<128x64x128xf32, #tpu.memory_space<vmem>>, vector<1x64x128xf32>
    %get3A_1512 = vector.shape_cast %get3A_1511 : vector<1x64x128xf32> to vector<64x128xf32>
    %add3A_1513 = arith.addf %add3A_1501, %get3A_1512 : vector<64x128xf32>
    %swap3A_1514 = arith.constant 126 : index
    %swap3A_1515 = arith.constant 0 : index
    %swap3A_1516 = arith.constant 0 : index
    %swap3A_1517 = vector.load %arg1[%swap3A_1514, %swap3A_1515, %swap3A_1516] : memref<128x64x128xf32, #tpu.memory_space<vmem>>, vector<1x64x128xf32>
    %swap3A_1518 = vector.shape_cast %swap3A_1517 : vector<1x64x128xf32> to vector<64x128xf32>
    %swap3A_1519 = vector.shape_cast %add3A_1513 : vector<64x128xf32> to vector<1x64x128xf32>
    tpu.vector_store %arg1[%swap3A_1514, %swap3A_1515, %swap3A_1516], %swap3A_1519 {strides = array<i32>} : memref<128x64x128xf32, #tpu.memory_space<vmem>>, vector<1x64x128xf32>,
    %get3A_1520 = arith.constant 127 : index
    %get3A_1521 = arith.constant 0 : index
    %get3A_1522 = arith.constant 0 : index
    %get3A_1523 = vector.load %arg0[%get3A_1520, %get3A_1521, %get3A_1522] : memref<128x64x128xf32, #tpu.memory_space<vmem>>, vector<1x64x128xf32>
    %get3A_1524 = vector.shape_cast %get3A_1523 : vector<1x64x128xf32> to vector<64x128xf32>
    %add3A_1525 = arith.addf %add3A_1513, %get3A_1524 : vector<64x128xf32>
    %swap3A_1526 = arith.constant 127 : index
    %swap3A_1527 = arith.constant 0 : index
    %swap3A_1528 = arith.constant 0 : index
    %swap3A_1529 = vector.load %arg1[%swap3A_1526, %swap3A_1527, %swap3A_1528] : memref<128x64x128xf32, #tpu.memory_space<vmem>>, vector<1x64x128xf32>
    %swap3A_1530 = vector.shape_cast %swap3A_1529 : vector<1x64x128xf32> to vector<64x128xf32>
    %swap3A_1531 = vector.shape_cast %add3A_1525 : vector<64x128xf32> to vector<1x64x128xf32>
    tpu.vector_store %arg1[%swap3A_1526, %swap3A_1527, %swap3A_1528], %swap3A_1531 {strides = array<i32>} : memref<128x64x128xf32, #tpu.memory_space<vmem>>, vector<1x64x128xf32>,
    return
  }
}

module attributes {stable_mosaic.version = 14 : i64} {
  func.func @_tc_fix_body(%arg0: i32, %arg1: memref<128x8x128xf32, #tpu.memory_space<vmem>>, %arg2: memref<8x128xf32, #tpu.memory_space<vmem>>, %arg3: memref<1024x128xf32, #tpu.memory_space<vmem>>, %arg4: memref<128x8x128xf32, #tpu.memory_space<vmem>>, %arg5: memref<1024x128xf32, #tpu.memory_space<vmem>>) attributes {dimension_semantics = [#tpu.dimension_semantics<arbitrary>], iteration_bounds = array<i64: 8>, scalar_prefetch = 0 : i64, scratch_operands = 0 : i64, tpu.core_type = #tpu.core_type<tc>, window_params = [{transform_indices = @transform_0, window_bounds = array<i64: 128, 8, 128>}, {transform_indices = @transform_1, window_bounds = array<i64: 8, 128>}, {transform_indices = @transform_2, window_bounds = array<i64: 1024, 128>}, {transform_indices = @transform_3, window_bounds = array<i64: 128, 8, 128>}, {transform_indices = @transform_4, window_bounds = array<i64: 1024, 128>}]} {
    %get3A = arith.constant 0 : index
    %get3A_0 = arith.constant 0 : index
    %get3A_1 = arith.constant 0 : index
    %get3A_2 = vector.load %arg1[%get3A, %get3A_0, %get3A_1] : memref<128x8x128xf32, #tpu.memory_space<vmem>>, vector<128x8x128xf32>
    %get3A_3 = arith.constant 0 : index
    %get3A_4 = arith.constant 0 : index
    %get3A_5 = vector.load %arg2[%get3A_3, %get3A_4] : memref<8x128xf32, #tpu.memory_space<vmem>>, vector<8x128xf32>
    %broadcast_in_dim3A = vector.shape_cast %get3A_5 : vector<8x128xf32> to vector<1x8x128xf32>
    %add3A = vector.broadcast %broadcast_in_dim3A : vector<1x8x128xf32> to vector<128x8x128xf32>
    %add3A_6 = arith.addf %get3A_2, %add3A : vector<128x8x128xf32>
    %swap3A = arith.constant 0 : index
    %swap3A_7 = arith.constant 0 : index
    %swap3A_8 = arith.constant 0 : index
    %swap3A_9 = vector.load %arg4[%swap3A, %swap3A_7, %swap3A_8] : memref<128x8x128xf32, #tpu.memory_space<vmem>>, vector<128x8x128xf32>
    tpu.vector_store %arg4[%swap3A, %swap3A_7, %swap3A_8], %add3A_6 {strides = array<i32>} : memref<128x8x128xf32, #tpu.memory_space<vmem>>, vector<128x8x128xf32>,
    %get3A_10 = arith.constant 0 : index
    %get3A_11 = arith.constant 0 : index
    %get3A_12 = vector.load %arg3[%get3A_10, %get3A_11] : memref<1024x128xf32, #tpu.memory_space<vmem>>, vector<1024x128xf32>
    %log3A = math.log %get3A_12 : vector<1024x128xf32>
    %swap3A_13 = arith.constant 0 : index
    %swap3A_14 = arith.constant 0 : index
    %swap3A_15 = vector.load %arg5[%swap3A_13, %swap3A_14] : memref<1024x128xf32, #tpu.memory_space<vmem>>, vector<1024x128xf32>
    tpu.vector_store %arg5[%swap3A_13, %swap3A_14], %log3A {strides = array<i32>} : memref<1024x128xf32, #tpu.memory_space<vmem>>, vector<1024x128xf32>,
    return
  }
  func.func @transform_0(%arg0: i32) -> (i32, i32, i32) {
    %c0_i32 = arith.constant 0 : i32
    %c0_i32_0 = arith.constant 0 : i32
    %c0_i32_1 = arith.constant 0 : i32
    return %c0_i32, %arg0, %c0_i32_0 : i32, i32, i32
  }
  func.func @transform_1(%arg0: i32) -> (i32, i32) {
    %c0_i32 = arith.constant 0 : i32
    %c0_i32_0 = arith.constant 0 : i32
    return %arg0, %c0_i32 : i32, i32
  }
  func.func @transform_2(%arg0: i32) -> (i32, i32) {
    %c0_i32 = arith.constant 0 : i32
    %c0_i32_0 = arith.constant 0 : i32
    return %arg0, %c0_i32 : i32, i32
  }
  func.func @transform_3(%arg0: i32) -> (i32, i32, i32) {
    %c0_i32 = arith.constant 0 : i32
    %c0_i32_0 = arith.constant 0 : i32
    %c0_i32_1 = arith.constant 0 : i32
    return %c0_i32, %arg0, %c0_i32_0 : i32, i32, i32
  }
  func.func @transform_4(%arg0: i32) -> (i32, i32) {
    %c0_i32 = arith.constant 0 : i32
    %c0_i32_0 = arith.constant 0 : i32
    return %arg0, %c0_i32 : i32, i32
  }
}

</mosaic_0001>

<sc_bundles>
// kernel: kernel.5.cloned.1.call-start
scs
__scs_entry_jumppad:
0x0: {  	(pc) =	sbr.rel $0x88, $3  }
0x1: {  	(tag) =	ssettag $0x0;
	lr =	simm.s32 $0x1  }
0x2: {  	[smem:$0x3F9F] =	sst lr;
	_ =	strace $0xD0000000  }
0x3: {  	_ = 	snop  }
0x4: {  	_ = 	snop  }
0x5: {  	_ = 	snop  }
0x6: {  	_ = 	snop  }
0x7: {  	_ = 	snop  }
__scs_overlays_trampoline_lowered:
0x8: {  	[smem:$0x3FAE] =	sst s0  }
0x9: {  	[smem:$0x3FAF] =	sst s1  }
0xa: {  	[smem:$0x3FB0] =	sst s2  }
0xb: {  	[smem:$0x3FB1] =	sst s3  }
0xc: {  	[smem:$0x3FB2] =	sst s4  }
0xd: {  	[smem:$0x3FB3] =	sst s5  }
0xe: {  	[smem:$0x3FB4] =	sst s6  }
0xf: {  	[smem:$0x3FB5] =	sst s7  }
0x10: {  	[smem:$0x3FB6] =	sst s8  }
0x11: {  	[smem:$0x3FB7] =	sst s9;
	s0 =	simm.s32 @!p0 $0x0  }
0x12: {  	s1 =	sld [smem:$0x3F9D];
	s0 =	simm.s32 @p0 $0x1  }
0x13: {  	[smem:$0x3FB8] =	sst s0;
	s0 =	simm.s32 @!p1 $0x0  }
0x14: {  	s2 =	sld [smem:$0x3F9C];
	s0 =	simm.s32 @p1 $0x1  }
0x15: {  	[smem:$0x3FB9] =	sst s0;
	s0 =	simm.s32 @!p2 $0x0  }
0x16: {  	s3 =	sld [smem:$0x3FDB];
	s0 =	simm.s32 @p2 $0x1  }
0x17: {  	s4 =	simm.s32 $0x1BF5;
	[smem:$0x3FBB] =	sst s0  }
0x18: {  	s0 =	sld [smem:$0x3F9E];
	_ =	swait.ge [sflag:s4], $0x0  }
0x19: {  	s7 =	sld [smem:$0x3F9F]  }
0x1a: {  	s8 =	sadd.s32 $0xFFFFE003, lr  }
0x1b: {  	s9 =	sadd.s32 $0xFFFFFEF7, lr;
	s5 =	simm.s32 $0xFFFFFFFF;
	p2 =	slt.u32 s8, $0xFFFFF086  }
0x1c: {  	p1 =	slt.u32 s9, $0xF7A;
	s5 =	simm.s32 @!p2 $0x0  }
0x1d: {  	s5 =	simm.s32 @p1 $0x1;
	p0 =	seq.s32 s7, s2  }
0x1e: {  	s7 =	smul.u32 @!p0 $0xF7A, s2;
	p2 =	seq.s32 @!p0 s5, $0x0  }
0x1f: {  	s9 =	smul.u32 $0xF7A, s1;
	s8 =	simm.s32 @!p0 $0x1BF5;
	p2 =	por !p2, p0  }
0x20: {  	[sflag:s8] =	ssyncset.s32 @!p0 $0xFFFFF086;
	s6 =	sadd.s32 @!p0 s3, s7;
	s7 =	simm.s32 @!p0 $0x108  }
0x21: {  	s3 =	sadd.s32 s3, s9;
	s6 =	sadd.s32 @!p0 $0x88, s6;
	s7 =	simm.s32 @p2 $0x1082  }
0x22: {  	[simem:s7], [sflag:s8] =	dma.local @!p0 [hbm:s6], $0xF7A  }
0x23: {  	s9 =	sor.u32 $0xD0000000, s2;
	s6 =	simm.s32 $0x108;
	_ =	swait.ge @!p0 [sflag:s8], $0x0  }
0x24: {  	s3 =	sadd.s32 $0x88, s3;
	s6 =	simm.s32 @!p1 $0x1082;
	[sflag:s4] =	ssyncset.s32 $0xFFFFF086  }
0x25: {  	[simem:s6], [sflag:s4] =	dma.local [hbm:s3], $0xF7A  }
0x26: {  	[smem:$0x3F9F] =	sst s1;
	(tag) =	ssettag s2;
	_ =	strace s9  }
0x27: {  	s1 =	sld [smem:$0x3FAF]  }
0x28: {  	s2 =	sld [smem:$0x3FB0]  }
0x29: {  	s4 =	sld [smem:$0x3FB2]  }
0x2a: {  	p0 =	seq.s32 s5, $0x0;
	s5 =	sld [smem:$0x3FB3]  }
0x2b: {  	s6 =	sld [smem:$0x3FB4]  }
0x2c: {  	s7 =	sld [smem:$0x3FB5]  }
0x2d: {  	s3 =	simm.s32 $0x108;
	s8 =	sld [smem:$0x3FB6]  }
0x2e: {  	s3 =	simm.s32 @!p0 $0x1082;
	s9 =	sld [smem:$0x3FB7]  }
0x2f: {  	lr =	sadd.s32 s0, s3;
	s0 =	sld [smem:$0x3FAE]  }
0x30: {  	s3 =	sld [smem:$0x3FB1]  }
0x31: {  	[smem:$0x3FBA] =	sst s10  }
0x32: {  	s10 =	sld [smem:$0x3FB8];
	_ =	sdelay $0x3  }
0x33: {  	p0 =	seq.s32 s10, $0x1;
	s10 =	sld [smem:$0x3FBA];
	_ =	sdelay $0x3  }
0x34: {  	[smem:$0x3FBA] =	sst s10  }
0x35: {  	s10 =	sld [smem:$0x3FB9];
	_ =	sdelay $0x3  }
0x36: {  	p1 =	seq.s32 s10, $0x1;
	s10 =	sld [smem:$0x3FBA];
	_ =	sdelay $0x3  }
0x37: {  	[smem:$0x3FBA] =	sst s10  }
0x38: {  	s10 =	sld [smem:$0x3FBB]  }
0x39: {  	_ = 	snop;
	(pc) =	sbr.ind lr, $3  }
0x3a: {  	_ = 	snop  }
0x3b: {  	_ = 	snop  }
0x3c: {  	p2 =	seq.s32 s10, $0x1;
	s10 =	sld [smem:$0x3FBA]  }
0x3d: {  	_ =	shalt  }
0x3e: {  	_ =	shalt  }
0x3f: {  	_ =	shalt  }
0x40: {  	_ =	shalt  }
0x41: {  	_ =	shalt  }
0x42: {  	_ =	shalt  }
0x43: {  	_ =	shalt  }
0x44: {  	_ =	shalt  }
0x45: {  	_ =	shalt  }
0x46: {  	_ =	shalt  }
0x47: {  	_ =	shalt  }
0x48: {  	_ =	shalt  }
0x49: {  	_ =	shalt  }
0x4a: {  	_ =	shalt  }
0x4b: {  	_ =	shalt  }
0x4c: {  	_ =	shalt  }
0x4d: {  	_ =	shalt  }
0x4e: {  	_ =	shalt  }
0x4f: {  	_ =	shalt  }
0x50: {  	_ =	shalt  }
0x51: {  	_ =	shalt  }
0x52: {  	_ =	shalt  }
0x53: {  	_ =	shalt  }
0x54: {  	_ =	shalt  }
0x55: {  	_ =	shalt  }
0x56: {  	_ =	shalt  }
0x57: {  	_ =	shalt  }
0x58: {  	_ =	shalt  }
0x59: {  	_ =	shalt  }
0x5a: {  	_ =	shalt  }
0x5b: {  	_ =	shalt  }
0x5c: {  	_ =	shalt  }
0x5d: {  	_ =	shalt  }
0x5e: {  	_ =	shalt  }
0x5f: {  	_ =	shalt  }
0x60: {  	_ =	shalt  }
0x61: {  	_ =	shalt  }
0x62: {  	_ =	shalt  }
0x63: {  	_ =	shalt  }
0x64: {  	_ =	shalt  }
0x65: {  	_ =	shalt  }
0x66: {  	_ =	shalt  }
0x67: {  	_ =	shalt  }
0x68: {  	_ =	shalt  }
0x69: {  	_ =	shalt  }
0x6a: {  	_ =	shalt  }
0x6b: {  	_ =	shalt  }
0x6c: {  	_ =	shalt  }
0x6d: {  	_ =	shalt  }
0x6e: {  	_ =	shalt  }
0x6f: {  	_ =	shalt  }
0x70: {  	_ =	shalt  }
0x71: {  	_ =	shalt  }
0x72: {  	_ =	shalt  }
0x73: {  	_ =	shalt  }
0x74: {  	_ =	shalt  }
0x75: {  	_ =	shalt  }
0x76: {  	_ =	shalt  }
0x77: {  	_ =	shalt  }
0x78: {  	_ =	shalt  }
0x79: {  	_ =	shalt  }
0x7a: {  	_ =	shalt  }
0x7b: {  	_ =	shalt  }
0x7c: {  	_ =	shalt  }
0x7d: {  	_ =	shalt  }
0x7e: {  	_ =	shalt  }
0x7f: {  	_ =	shalt  }
0x80: {  	_ =	shalt  }
0x81: {  	_ =	shalt  }
0x82: {  	_ =	shalt  }
0x83: {  	_ =	shalt  }
0x84: {  	_ =	shalt  }
0x85: {  	_ =	shalt  }
0x86: {  	_ =	shalt  }
0x87: {  	_ =	shalt  }
.Lfunc_end0:
.L_simem_size_0:
called_computation_lowered:
.L_overlay_start_0:
0x88: {  	s2 =	sld [smem:$0x3FD9]  }
0x89: {  	s3 =	sld [smem:$0x3FFE];
	_ =	sdelay $0x1  }
0x8a: {  	s1 =	srdreg.scid  }
0x8b: {  	s0 =	sand.u32 $0x1, s1  }
0x8c: {  	s14 =	sshll.u32 s0, $0xA;
	s2 =	sadd.s32 s3, s2  }
0x8d: {  	s2 =	sadd.s32 s2, s14  }
0x8e: {  	[smem:$0x3FC6] =	sst s2  }
0x8f: {  	_ = 	snop  }
0x90: {  	s2 =	sld [smem:$0x3FD0];
	_ =	sdelay $0x2  }
0x91: {  	s4 =	simm.s32 $0xA;
	s5 =	simm.s32 $0x10;
	s15 =	sld [smem:$0x3FC9]  }
0x92: {  	[smem:s5], [sflag:s4] =	dma.local [hbm:s2], $0x1  }
0x93: {  	_ =	swait.eq [sflag:s4], $0x1  }
0x94: {  	[sflag:s4] =	ssyncset.done $0x0  }
0x95: {  	s16 =	sld [smem:$0x10];
	[sflag:s4] =	ssyncadd.s32 $0xFFFFFFFF  }
0x96: {  	s17 =	sld [smem:$0x11];
	(tm) =	ssettm $0x1  }
0x97: {  	s18 =	sld [smem:$0x3FFB];
	_ =	sdelay $0x3  }
0x98: {  	_ =	strace s18  }
0x99: {  	s5 =	sld [smem:$0x3FFC];
	_ =	sdelay $0x3  }
0x9a: {  	_ =	strace s5  }
0x9b: {  	s5 =	sld [smem:$0x3FFD];
	_ =	sdelay $0x3  }
0x9c: {  	_ =	strace s5  }
0x9d: {  	_ =	strace $0x8FFFFFFF  }
0x9e: {  	s19 =	sld [smem:$0x3FDB];
	_ =	sdelay $0x1  }
0x9f: {  	s6 =	simm.s32 $_scs_section_size  }
0xa0: {  	s7 =	simm.s32 $_size__tile_overlayer_lowered;
	s8 =	simm.s32 $_tile_overlayer_lowered  }
0xa1: {  	s22 =	simm.s32 $0x1BFF;
	s21 =	sshll.u32 s8, $0x1;
	s5 =	sadd.s32 s6, s19  }
0xa2: {  	s9 =	simm.s32 $0x0;
	s20 =	sshll.u32 s7, $0x1;
	s7 =	sadd.s32 s21, s5  }
0xa3: {  	[timem:s9], [sflag:s22] =	dma.local [hbm:s7], s20  }
0xa4: {  	_ =	swait.ge [sflag:s22], s20  }
0xa5: {  	s6 =	ssub.s32 $0x0, s20;
	[sflag:s22] =	ssyncset.done $0x0  }
0xa6: {  	[sflag:s22] =	ssyncadd.s32 s6;
	_ =	sdelay $0x1  }
0xa7: {  	s23 =	simm.s32 $0x1B8B  }
0xa8: {  	_ =	swait.ge [sflag:s23], $0x1  }
0xa9: {  	[sflag:s23] =	ssyncset.done $0x0  }
0xaa: {  	s25 =	simm.s32 $0x1B8E;
	s24 =	sld [smem:$0x3FFE];
	[sflag:s23] =	ssyncadd.s32 $0xFFFFFFFF  }
0xab: {  	s26 =	simm.s32 $execute0_lowered;
	[smem:$0x3FD2] =	sst s25  }
0xac: {  	s7 =	sshll.u32 s26, $0x1;
	_ =	strace $0x80000046;
	[dreg:$0x1] =	wrdreg $0xFFFFFFFF  }
0xad: {  	s28 =	simm.s32 $_size_execute0_lowered;
	s5 =	sadd.s32 s5, s7;
	[dreg:$0x0] =	wrdreg $0x0  }
0xae: {  	s7 =	sshll.u32 s28, $0x1;
	[dreg:$0x2] =	wrdreg s5  }
0xaf: {  	[dreg:$0x3] =	wrdreg s7  }
0xb0: {  	[dreg:$0x4] =	wrdreg $0xC0  }
0xb1: {  	_ =	task [dreg:s9], $0x5FFFF  }
0xb2: {  	[dreg:$0x1] =	wrdreg $0xFFFFFFFF  }
0xb3: {  	[dreg:$0x0] =	wrdreg $0x60  }
0xb4: {  	[dreg:$0x2] =	wrdreg s15  }
0xb5: {  	[dreg:$0x3] =	wrdreg s24  }
0xb6: {  	[dreg:$0x4] =	wrdreg s16  }
0xb7: {  	[dreg:$0x5] =	wrdreg s17  }
0xb8: {  	[dreg:$0x6] =	wrdreg $0x9  }
0xb9: {  	_ =	task.clear_ibuf [dreg:s9], $0x7FFFF;
	_ =	strace $0x90000046  }
0xba: {  	s29 =	simm.s32 $0x9;
	_ =	strace $0x80000048  }
0xbb: {  	_ =	swait.ge [sflag:s29], $0x1  }
0xbc: {  	[sflag:s29] =	ssyncadd.s32 $0xFFFFFFFF  }
0xbd: {  	_ =	strace $0x90000048  }
0xbe: {  	_ =	sfence  }
0xbf: {  	s30 =	sld [smem:$0x0];
	_ =	sdelay $0x2  }
0xc0: {  	s31 =	sshll.u32 s1, $0xD;
	s1 =	sshrl.u32 s1, $0x2  }
0xc1: {  	s3 =	sand.u32 $0x4000, s31;
	s1 =	sadd.s32 s1, s30  }
0xc2: {  	s0 =	sor.u32 s3, s0;
	s1 =	sshll.u32 s1, $0x11  }
0xc3: {  	s0 =	sor.u32 s1, s0  }
0xc4: {  	s0 =	sadd.s32 $0x8F2B, s0  }
0xc5: {  	[sflag:s0] =	ssyncadd.remote.s32 $0x1  }
0xc6: {  	_ =	sfence.sel $0xFFFF  }
0xc7: {  	[dreg:$0x0] =	wrdreg $0xFFFFFFFF;
	(pc) =	sbr.abs _section_cstart, $3  }
0xc8: {  	[dreg:$0x1] =	wrdreg $0xFFFFFFFF  }
0xc9: {  	_ =	task.clear_ibuf [dreg:s9], $0x2FFFF;
	_ =	strace $0x9FFFFFFF  }
0xca: {  	(tm) =	ssettm $0x7FFFFFFF  }
0xcb: {  	_ =	shalt  }
tec
execute0_lowered:
.L_overlay_start_1:
0x0: {  	(tag) =	ssettag $0x1  }
0x1: {  	s6 =	rddreg [dreg:$0x0]  }
0x2: {  	s1 =	rddreg [dreg:$0x1]  }
0x3: {  	s7 =	rddreg [dreg:$0x2]  }
0x4: {  	s8 =	rddreg [dreg:$0x3]  }
0x5: {  	s0 =	rddreg [dreg:$0x4];
	s2 =	simm.s32 $0x0;
	s3 =	srdreg.scid  }
0x6: {  	s13 =	simm.s32 $0x1;
	s14 =	simm.s32 $0x10800;
	s15 =	simm.s32 $0x19000  }
0x7: {  	s16 =	simm.s32 $0x19800;
	s17 =	simm.s32 $0x0;
	[smem:$0x7FF] =	sst s2  }
0x8: {  	s5 =	sand.u32 $0x1, s3;
	s4 =	sadd.s32 $0x20000, s1;
	s3 =	stileid.u32  }
0x9: {  	v0 =	vimm.s32 $0x7FFF;
	_ =	strace $0x80000047;
	s9 =	ssub.s32 $0x2, s5;
	s11 =	sshll.u32 s3, $0x9  }
0xa: {  	s12 =	sshll.u32 s5, $0x8;
	s5 =	sadd.s32 $0x40000, s1;
	s10 =	sshrl.u32 s9, $0x1  }
0xb: {  	s31 =	sor.u32 s12, s11;
	s11 =	simm.s32 $0x800;
	s12 =	simm.s32 $0x80  }
0xc: {  	v2 =	vlaneseq.u32;
	s9 =	ssub.s32 s9, s10;
	s6 =	sadd.s32 s6, s31;
	s7 =	sadd.s32 s7, s31  }
0xd: {  	v1 =	vimm.s32 $0x0;
	v2 =	vmul.u32 $0x10, v2;
	s8 =	sadd.s32 s8, s31;
	s10 =	simm.s32 $0x2;
	s9 =	smax.u32 s9, $0x1  }
.LBB2_1:
0xe: {  	[tilespmem:s2], [sflag:$0x2] =	stream.linear.gather [hbm4b:s6+s2], $0x800, $0x38;
	[tilespmem:$0x1A000] =	vst v63  }
0xf: {  	_ =	swait.ge [sflag:s10], $0x800  }
0x10: {  	[sflag:s10] =	ssyncset.done $0x0  }
0x11: {  	[sflag:s10] =	ssyncadd.s32 $0xFFFFF800  }
0x12: {  	[tilespmem:s11], [sflag:$0x2] =	stream.linear.gather [hbm4b:s5+s2], $0x10000, $0x38;
	[tilespmem:$0x1A000] =	vst v63  }
0x13: {  	_ =	swait.ge [sflag:s10], $0x10000  }
0x14: {  	[sflag:s10] =	ssyncset.done $0x0  }
0x15: {  	s18 =	simm.s32 $0x10800;
	s19 =	simm.s32 $0x0;
	[sflag:s10] =	ssyncadd.s32 $0xFFFF0000  }
.LBB2_2:
0x16: {  	s20 =	sshra.s32 s19, $0x2;
	v4 =	vld.idx.msk [tilespmem:v0+s11+$0x0], $0xffff  }
0x17: {  	v3 =	vld [tilespmem:s20+$0x0];
	_ =	sdelay $0x4  }
0x18: {  	vm0 =	vle.f32 v4, v3  }
0x19: {  	v4 =	vsel vm0, $0x8000, v1  }
0x1a: {  	v5 =	vor.u32 $0x3FFF, v4;
	_ =	sdelay $0x4  }
0x1b: {  	v5 =	vld.idx.msk [tilespmem:v5+s11+$0x0], $0xffff;
	_ =	sdelay $0x4  }
0x1c: {  	v6 =	vor.u32 $0x4000, v4;
	vm13 =	vle.f32 v5, v3  }
0x1d: {  	v4 =	vsel vm13, v6, v4  }
0x1e: {  	v43 =	vor.u32 $0x1FFF, v4;
	_ =	sdelay $0x4  }
0x1f: {  	v5 =	vld.idx.msk [tilespmem:v43+s11+$0x0], $0xffff;
	_ =	sdelay $0x4  }
0x20: {  	v6 =	vor.u32 $0x2000, v4;
	vm14 =	vle.f32 v5, v3  }
0x21: {  	v4 =	vsel vm14, v6, v4  }
0x22: {  	v44 =	vor.u32 $0xFFF, v4;
	_ =	sdelay $0x4  }
0x23: {  	v5 =	vld.idx.msk [tilespmem:v44+s11+$0x0], $0xffff;
	_ =	sdelay $0x4  }
0x24: {  	v6 =	vor.u32 $0x1000, v4;
	vm15 =	vle.f32 v5, v3  }
0x25: {  	v4 =	vsel vm15, v6, v4  }
0x26: {  	v45 =	vadd.s32 $0x7FF, v4;
	_ =	sdelay $0x4  }
0x27: {  	v5 =	vld.idx.msk [tilespmem:v45+s11+$0x0], $0xffff;
	_ =	sdelay $0x4  }
0x28: {  	v6 =	vadd.s32 $0x800, v4;
	vm4 =	vle.f32 v5, v3  }
0x29: {  	v4 =	vsel vm4, v6, v4  }
0x2a: {  	v46 =	vadd.s32 $0x3FF, v4;
	_ =	sdelay $0x4  }
0x2b: {  	v5 =	vld.idx.msk [tilespmem:v46+s11+$0x0], $0xffff;
	_ =	sdelay $0x4  }
0x2c: {  	v6 =	vadd.s32 $0x400, v4;
	vm5 =	vle.f32 v5, v3  }
0x2d: {  	v4 =	vsel vm5, v6, v4  }
0x2e: {  	v47 =	vadd.s32 $0x1FF, v4;
	_ =	sdelay $0x4  }
0x2f: {  	v5 =	vld.idx.msk [tilespmem:v47+s11+$0x0], $0xffff;
	_ =	sdelay $0x4  }
0x30: {  	v6 =	vadd.s32 $0x200, v4;
	vm6 =	vle.f32 v5, v3  }
0x31: {  	v4 =	vsel vm6, v6, v4  }
0x32: {  	v48 =	vadd.s32 $0xFF, v4;
	_ =	sdelay $0x4  }
0x33: {  	v5 =	vld.idx.msk [tilespmem:v48+s11+$0x0], $0xffff;
	_ =	sdelay $0x4  }
0x34: {  	v6 =	vadd.s32 $0x100, v4;
	vm7 =	vle.f32 v5, v3  }
0x35: {  	v4 =	vsel vm7, v6, v4  }
0x36: {  	v49 =	vadd.s32 $0x7F, v4;
	_ =	sdelay $0x4  }
0x37: {  	v5 =	vld.idx.msk [tilespmem:v49+s11+$0x0], $0xffff;
	_ =	sdelay $0x4  }
0x38: {  	v6 =	vadd.s32 $0x80, v4;
	vm8 =	vle.f32 v5, v3  }
0x39: {  	v4 =	vsel vm8, v6, v4  }
0x3a: {  	v50 =	vadd.s32 $0x3F, v4;
	_ =	sdelay $0x4  }
0x3b: {  	v5 =	vld.idx.msk [tilespmem:v50+s11+$0x0], $0xffff;
	_ =	sdelay $0x4  }
0x3c: {  	v6 =	vadd.s32 $0x40, v4;
	vm9 =	vle.f32 v5, v3  }
0x3d: {  	v4 =	vsel vm9, v6, v4  }
0x3e: {  	v51 =	vadd.s32 $0x1F, v4;
	_ =	sdelay $0x4  }
0x3f: {  	v5 =	vld.idx.msk [tilespmem:v51+s11+$0x0], $0xffff;
	_ =	sdelay $0x4  }
0x40: {  	v6 =	vadd.s32 $0x20, v4;
	vm10 =	vle.f32 v5, v3  }
0x41: {  	v4 =	vsel vm10, v6, v4  }
0x42: {  	v52 =	vadd.s32 $0xF, v4;
	_ =	sdelay $0x4  }
0x43: {  	v5 =	vld.idx.msk [tilespmem:v52+s11+$0x0], $0xffff;
	_ =	sdelay $0x4  }
0x44: {  	v6 =	vadd.s32 $0x10, v4;
	vm11 =	vle.f32 v5, v3  }
0x45: {  	v4 =	vsel vm11, v6, v4  }
0x46: {  	v53 =	vadd.s32 $0x7, v4;
	_ =	sdelay $0x4  }
0x47: {  	v5 =	vld.idx.msk [tilespmem:v53+s11+$0x0], $0xffff;
	_ =	sdelay $0x4  }
0x48: {  	v6 =	vadd.s32 $0x8, v4;
	vm12 =	vle.f32 v5, v3  }
0x49: {  	v4 =	vsel vm12, v6, v4  }
0x4a: {  	v54 =	vadd.s32 $0x3, v4;
	_ =	sdelay $0x4  }
0x4b: {  	v5 =	vld.idx.msk [tilespmem:v54+s11+$0x0], $0xffff;
	_ =	sdelay $0x4  }
0x4c: {  	v6 =	vadd.s32 $0x4, v4;
	vm13 =	vle.f32 v5, v3  }
0x4d: {  	v4 =	vsel vm13, v6, v4  }
0x4e: {  	v55 =	vadd.s32 $0x1, v4;
	_ =	sdelay $0x4  }
0x4f: {  	v5 =	vld.idx.msk [tilespmem:v55+s11+$0x0], $0xffff;
	_ =	sdelay $0x4  }
0x50: {  	v6 =	vadd.s32 $0x2, v4;
	vm14 =	vle.f32 v5, v3  }
0x51: {  	v4 =	vsel vm14, v6, v4;
	_ =	sdelay $0x4  }
0x52: {  	v56 =	vld.idx.msk [tilespmem:v4+s11+$0x0], $0xffff;
	_ =	sdelay $0x4  }
0x53: {  	vm15 =	vle.f32 v56, v3  }
0x54: {  	v5 =	vsel vm15, $0x1, v1  }
0x55: {  	v4 =	vadd.s32 v5, v4;
	_ =	sdelay $0x4  }
0x56: {  	v5 =	vld.idx.msk [tilespmem:v4+s11+$0x0], $0xffff;
	_ =	sdelay $0x4  }
0x57: {  	vm4 =	vle.f32 v5, v3  }
0x58: {  	v3 =	vsel vm4, $0x1, v1  }
0x59: {  	v3 =	vadd.s32 v3, v4  }
0x5a: {  	v3 =	vmin.u32 v3, $0xFFFF  }
0x5b: {  	[tilespmem:s20+$0x18800] =	vst v3;
	v3 =	vld [tilespmem:s20+$0x10]  }
0x5c: {  	v57 =	vld.idx.msk [tilespmem:v0+s11+$0x0], $0xffff;
	_ =	sdelay $0x4  }
0x5d: {  	vm5 =	vle.f32 v57, v3  }
0x5e: {  	v4 =	vsel vm5, $0x8000, v1  }
0x5f: {  	v58 =	vor.u32 $0x3FFF, v4;
	_ =	sdelay $0x4  }
0x60: {  	v5 =	vld.idx.msk [tilespmem:v58+s11+$0x0], $0xffff;
	_ =	sdelay $0x4  }
0x61: {  	v59 =	vor.u32 $0x4000, v4;
	vm6 =	vle.f32 v5, v3  }
0x62: {  	v4 =	vsel vm6, v59, v4  }
0x63: {  	v60 =	vor.u32 $0x1FFF, v4;
	_ =	sdelay $0x4  }
0x64: {  	v5 =	vld.idx.msk [tilespmem:v60+s11+$0x0], $0xffff;
	_ =	sdelay $0x4  }
0x65: {  	v6 =	vor.u32 $0x2000, v4;
	vm7 =	vle.f32 v5, v3  }
0x66: {  	v4 =	vsel vm7, v6, v4  }
0x67: {  	v61 =	vor.u32 $0xFFF, v4;
	_ =	sdelay $0x4  }
0x68: {  	v5 =	vld.idx.msk [tilespmem:v61+s11+$0x0], $0xffff;
	_ =	sdelay $0x4  }
0x69: {  	v6 =	vor.u32 $0x1000, v4;
	vm8 =	vle.f32 v5, v3  }
0x6a: {  	v4 =	vsel vm8, v6, v4  }
0x6b: {  	v62 =	vadd.s32 $0x7FF, v4;
	_ =	sdelay $0x4  }
0x6c: {  	v5 =	vld.idx.msk [tilespmem:v62+s11+$0x0], $0xffff;
	_ =	sdelay $0x4  }
0x6d: {  	v6 =	vadd.s32 $0x800, v4;
	vm9 =	vle.f32 v5, v3  }
0x6e: {  	v4 =	vsel vm9, v6, v4  }
0x6f: {  	v63 =	vadd.s32 $0x3FF, v4;
	_ =	sdelay $0x4  }
0x70: {  	v5 =	vld.idx.msk [tilespmem:v63+s11+$0x0], $0xffff;
	_ =	sdelay $0x4  }
0x71: {  	v6 =	vadd.s32 $0x400, v4;
	vm10 =	vle.f32 v5, v3  }
0x72: {  	v4 =	vsel vm10, v6, v4  }
0x73: {  	v8 =	vadd.s32 $0x1FF, v4;
	_ =	sdelay $0x4  }
0x74: {  	v5 =	vld.idx.msk [tilespmem:v8+s11+$0x0], $0xffff;
	_ =	sdelay $0x4  }
0x75: {  	v6 =	vadd.s32 $0x200, v4;
	vm11 =	vle.f32 v5, v3  }
0x76: {  	v4 =	vsel vm11, v6, v4  }
0x77: {  	v9 =	vadd.s32 $0xFF, v4;
	_ =	sdelay $0x4  }
0x78: {  	v5 =	vld.idx.msk [tilespmem:v9+s11+$0x0], $0xffff;
	_ =	sdelay $0x4  }
0x79: {  	v6 =	vadd.s32 $0x100, v4;
	vm12 =	vle.f32 v5, v3  }
0x7a: {  	v4 =	vsel vm12, v6, v4  }
0x7b: {  	v10 =	vadd.s32 $0x7F, v4;
	_ =	sdelay $0x4  }
0x7c: {  	v5 =	vld.idx.msk [tilespmem:v10+s11+$0x0], $0xffff;
	_ =	sdelay $0x4  }
0x7d: {  	v6 =	vadd.s32 $0x80, v4;
	vm13 =	vle.f32 v5, v3  }
0x7e: {  	v4 =	vsel vm13, v6, v4  }
0x7f: {  	v11 =	vadd.s32 $0x3F, v4;
	_ =	sdelay $0x4  }
0x80: {  	v5 =	vld.idx.msk [tilespmem:v11+s11+$0x0], $0xffff;
	_ =	sdelay $0x4  }
0x81: {  	v6 =	vadd.s32 $0x40, v4;
	vm14 =	vle.f32 v5, v3  }
0x82: {  	v4 =	vsel vm14, v6, v4  }
0x83: {  	v12 =	vadd.s32 $0x1F, v4;
	_ =	sdelay $0x4  }
0x84: {  	v5 =	vld.idx.msk [tilespmem:v12+s11+$0x0], $0xffff;
	_ =	sdelay $0x4  }
0x85: {  	v6 =	vadd.s32 $0x20, v4;
	vm15 =	vle.f32 v5, v3  }
0x86: {  	v4 =	vsel vm15, v6, v4  }
0x87: {  	v13 =	vadd.s32 $0xF, v4;
	_ =	sdelay $0x4  }
0x88: {  	v5 =	vld.idx.msk [tilespmem:v13+s11+$0x0], $0xffff;
	_ =	sdelay $0x4  }
0x89: {  	v6 =	vadd.s32 $0x10, v4;
	vm4 =	vle.f32 v5, v3  }
0x8a: {  	v4 =	vsel vm4, v6, v4  }
0x8b: {  	v14 =	vadd.s32 $0x7, v4;
	_ =	sdelay $0x4  }
0x8c: {  	v5 =	vld.idx.msk [tilespmem:v14+s11+$0x0], $0xffff;
	_ =	sdelay $0x4  }
0x8d: {  	v6 =	vadd.s32 $0x8, v4;
	vm5 =	vle.f32 v5, v3  }
0x8e: {  	v4 =	vsel vm5, v6, v4  }
0x8f: {  	v15 =	vadd.s32 $0x3, v4;
	_ =	sdelay $0x4  }
0x90: {  	v5 =	vld.idx.msk [tilespmem:v15+s11+$0x0], $0xffff;
	_ =	sdelay $0x4  }
0x91: {  	v6 =	vadd.s32 $0x4, v4;
	vm6 =	vle.f32 v5, v3  }
0x92: {  	v4 =	vsel vm6, v6, v4  }
0x93: {  	v16 =	vadd.s32 $0x1, v4;
	_ =	sdelay $0x4  }
0x94: {  	v5 =	vld.idx.msk [tilespmem:v16+s11+$0x0], $0xffff;
	_ =	sdelay $0x4  }
0x95: {  	v6 =	vadd.s32 $0x2, v4;
	vm7 =	vle.f32 v5, v3  }
0x96: {  	v4 =	vsel vm7, v6, v4;
	_ =	sdelay $0x4  }
0x97: {  	v17 =	vld.idx.msk [tilespmem:v4+s11+$0x0], $0xffff;
	_ =	sdelay $0x4  }
0x98: {  	vm8 =	vle.f32 v17, v3  }
0x99: {  	v5 =	vsel vm8, $0x1, v1  }
0x9a: {  	v4 =	vadd.s32 v5, v4;
	_ =	sdelay $0x4  }
0x9b: {  	v5 =	vld.idx.msk [tilespmem:v4+s11+$0x0], $0xffff;
	_ =	sdelay $0x4  }
0x9c: {  	vm9 =	vle.f32 v5, v3  }
0x9d: {  	v3 =	vsel vm9, $0x1, v1  }
0x9e: {  	v3 =	vadd.s32 v3, v4  }
0x9f: {  	v3 =	vmin.u32 v3, $0xFFFF  }
0xa0: {  	[tilespmem:s20+$0x18810] =	vst v3;
	v3 =	vld [tilespmem:s20+$0x20]  }
0xa1: {  	v18 =	vld.idx.msk [tilespmem:v0+s11+$0x0], $0xffff;
	_ =	sdelay $0x4  }
0xa2: {  	vm10 =	vle.f32 v18, v3  }
0xa3: {  	v4 =	vsel vm10, $0x8000, v1  }
0xa4: {  	v19 =	vor.u32 $0x3FFF, v4;
	_ =	sdelay $0x4  }
0xa5: {  	v5 =	vld.idx.msk [tilespmem:v19+s11+$0x0], $0xffff;
	_ =	sdelay $0x4  }
0xa6: {  	v20 =	vor.u32 $0x4000, v4;
	vm11 =	vle.f32 v5, v3  }
0xa7: {  	v4 =	vsel vm11, v20, v4  }
0xa8: {  	v21 =	vor.u32 $0x1FFF, v4;
	_ =	sdelay $0x4  }
0xa9: {  	v5 =	vld.idx.msk [tilespmem:v21+s11+$0x0], $0xffff;
	_ =	sdelay $0x4  }
0xaa: {  	v6 =	vor.u32 $0x2000, v4;
	vm12 =	vle.f32 v5, v3  }
0xab: {  	v4 =	vsel vm12, v6, v4  }
0xac: {  	v22 =	vor.u32 $0xFFF, v4;
	_ =	sdelay $0x4  }
0xad: {  	v5 =	vld.idx.msk [tilespmem:v22+s11+$0x0], $0xffff;
	_ =	sdelay $0x4  }
0xae: {  	v6 =	vor.u32 $0x1000, v4;
	vm13 =	vle.f32 v5, v3  }
0xaf: {  	v4 =	vsel vm13, v6, v4  }
0xb0: {  	v23 =	vadd.s32 $0x7FF, v4;
	_ =	sdelay $0x4  }
0xb1: {  	v5 =	vld.idx.msk [tilespmem:v23+s11+$0x0], $0xffff;
	_ =	sdelay $0x4  }
0xb2: {  	v6 =	vadd.s32 $0x800, v4;
	vm14 =	vle.f32 v5, v3  }
0xb3: {  	v4 =	vsel vm14, v6, v4  }
0xb4: {  	v24 =	vadd.s32 $0x3FF, v4;
	_ =	sdelay $0x4  }
0xb5: {  	v5 =	vld.idx.msk [tilespmem:v24+s11+$0x0], $0xffff;
	_ =	sdelay $0x4  }
0xb6: {  	v6 =	vadd.s32 $0x400, v4;
	vm15 =	vle.f32 v5, v3  }
0xb7: {  	v4 =	vsel vm15, v6, v4  }
0xb8: {  	v25 =	vadd.s32 $0x1FF, v4;
	_ =	sdelay $0x4  }
0xb9: {  	v5 =	vld.idx.msk [tilespmem:v25+s11+$0x0], $0xffff;
	_ =	sdelay $0x4  }
0xba: {  	v6 =	vadd.s32 $0x200, v4;
	vm4 =	vle.f32 v5, v3  }
0xbb: {  	v4 =	vsel vm4, v6, v4  }
0xbc: {  	v26 =	vadd.s32 $0xFF, v4;
	_ =	sdelay $0x4  }
0xbd: {  	v5 =	vld.idx.msk [tilespmem:v26+s11+$0x0], $0xffff;
	_ =	sdelay $0x4  }
0xbe: {  	v6 =	vadd.s32 $0x100, v4;
	vm5 =	vle.f32 v5, v3  }
0xbf: {  	v4 =	vsel vm5, v6, v4  }
0xc0: {  	v27 =	vadd.s32 $0x7F, v4;
	_ =	sdelay $0x4  }
0xc1: {  	v5 =	vld.idx.msk [tilespmem:v27+s11+$0x0], $0xffff;
	_ =	sdelay $0x4  }
0xc2: {  	v6 =	vadd.s32 $0x80, v4;
	vm6 =	vle.f32 v5, v3  }
0xc3: {  	v4 =	vsel vm6, v6, v4  }
0xc4: {  	v28 =	vadd.s32 $0x3F, v4;
	_ =	sdelay $0x4  }
0xc5: {  	v5 =	vld.idx.msk [tilespmem:v28+s11+$0x0], $0xffff;
	_ =	sdelay $0x4  }
0xc6: {  	v6 =	vadd.s32 $0x40, v4;
	vm7 =	vle.f32 v5, v3  }
0xc7: {  	v4 =	vsel vm7, v6, v4  }
0xc8: {  	v29 =	vadd.s32 $0x1F, v4;
	_ =	sdelay $0x4  }
0xc9: {  	v5 =	vld.idx.msk [tilespmem:v29+s11+$0x0], $0xffff;
	_ =	sdelay $0x4  }
0xca: {  	v6 =	vadd.s32 $0x20, v4;
	vm8 =	vle.f32 v5, v3  }
0xcb: {  	v4 =	vsel vm8, v6, v4  }
0xcc: {  	v30 =	vadd.s32 $0xF, v4;
	_ =	sdelay $0x4  }
0xcd: {  	v5 =	vld.idx.msk [tilespmem:v30+s11+$0x0], $0xffff;
	_ =	sdelay $0x4  }
0xce: {  	v6 =	vadd.s32 $0x10, v4;
	vm9 =	vle.f32 v5, v3  }
0xcf: {  	v4 =	vsel vm9, v6, v4  }
0xd0: {  	v31 =	vadd.s32 $0x7, v4;
	_ =	sdelay $0x4  }
0xd1: {  	v5 =	vld.idx.msk [tilespmem:v31+s11+$0x0], $0xffff;
	_ =	sdelay $0x4  }
0xd2: {  	v6 =	vadd.s32 $0x8, v4;
	vm10 =	vle.f32 v5, v3  }
0xd3: {  	v4 =	vsel vm10, v6, v4  }
0xd4: {  	v32 =	vadd.s32 $0x3, v4;
	_ =	sdelay $0x4  }
0xd5: {  	v5 =	vld.idx.msk [tilespmem:v32+s11+$0x0], $0xffff;
	_ =	sdelay $0x4  }
0xd6: {  	v6 =	vadd.s32 $0x4, v4;
	vm11 =	vle.f32 v5, v3  }
0xd7: {  	v4 =	vsel vm11, v6, v4  }
0xd8: {  	v33 =	vadd.s32 $0x1, v4;
	_ =	sdelay $0x4  }
0xd9: {  	v5 =	vld.idx.msk [tilespmem:v33+s11+$0x0], $0xffff;
	_ =	sdelay $0x4  }
0xda: {  	v6 =	vadd.s32 $0x2, v4;
	vm12 =	vle.f32 v5, v3  }
0xdb: {  	v4 =	vsel vm12, v6, v4;
	_ =	sdelay $0x4  }
0xdc: {  	v34 =	vld.idx.msk [tilespmem:v4+s11+$0x0], $0xffff;
	_ =	sdelay $0x4  }
0xdd: {  	vm13 =	vle.f32 v34, v3  }
0xde: {  	v5 =	vsel vm13, $0x1, v1  }
0xdf: {  	v4 =	vadd.s32 v5, v4;
	_ =	sdelay $0x4  }
0xe0: {  	v5 =	vld.idx.msk [tilespmem:v4+s11+$0x0], $0xffff;
	_ =	sdelay $0x4  }
0xe1: {  	vm14 =	vle.f32 v5, v3  }
0xe2: {  	v3 =	vsel vm14, $0x1, v1  }
0xe3: {  	v3 =	vadd.s32 v3, v4  }
0xe4: {  	v3 =	vmin.u32 v3, $0xFFFF  }
0xe5: {  	[tilespmem:s20+$0x18820] =	vst v3;
	v3 =	vld [tilespmem:s20+$0x30]  }
0xe6: {  	v35 =	vld.idx.msk [tilespmem:v0+s11+$0x0], $0xffff;
	_ =	sdelay $0x4  }
0xe7: {  	vm15 =	vle.f32 v35, v3  }
0xe8: {  	v4 =	vsel vm15, $0x8000, v1  }
0xe9: {  	v36 =	vor.u32 $0x3FFF, v4;
	_ =	sdelay $0x4  }
0xea: {  	v5 =	vld.idx.msk [tilespmem:v36+s11+$0x0], $0xffff;
	_ =	sdelay $0x4  }
0xeb: {  	v37 =	vor.u32 $0x4000, v4;
	vm4 =	vle.f32 v5, v3  }
0xec: {  	v4 =	vsel vm4, v37, v4  }
0xed: {  	v38 =	vor.u32 $0x1FFF, v4;
	_ =	sdelay $0x4  }
0xee: {  	v5 =	vld.idx.msk [tilespmem:v38+s11+$0x0], $0xffff;
	_ =	sdelay $0x4  }
0xef: {  	v6 =	vor.u32 $0x2000, v4;
	vm5 =	vle.f32 v5, v3  }
0xf0: {  	v4 =	vsel vm5, v6, v4  }
0xf1: {  	v39 =	vor.u32 $0xFFF, v4;
	_ =	sdelay $0x4  }
0xf2: {  	v5 =	vld.idx.msk [tilespmem:v39+s11+$0x0], $0xffff;
	_ =	sdelay $0x4  }
0xf3: {  	v6 =	vor.u32 $0x1000, v4;
	vm6 =	vle.f32 v5, v3  }
0xf4: {  	v4 =	vsel vm6, v6, v4  }
0xf5: {  	v40 =	vadd.s32 $0x7FF, v4;
	_ =	sdelay $0x4  }
0xf6: {  	v5 =	vld.idx.msk [tilespmem:v40+s11+$0x0], $0xffff;
	_ =	sdelay $0x4  }
0xf7: {  	v6 =	vadd.s32 $0x800, v4;
	vm7 =	vle.f32 v5, v3  }
0xf8: {  	v4 =	vsel vm7, v6, v4  }
0xf9: {  	v41 =	vadd.s32 $0x3FF, v4;
	_ =	sdelay $0x4  }
0xfa: {  	v5 =	vld.idx.msk [tilespmem:v41+s11+$0x0], $0xffff;
	_ =	sdelay $0x4  }
0xfb: {  	v6 =	vadd.s32 $0x400, v4;
	vm8 =	vle.f32 v5, v3  }
0xfc: {  	v4 =	vsel vm8, v6, v4  }
0xfd: {  	v42 =	vadd.s32 $0x1FF, v4;
	_ =	sdelay $0x4  }
0xfe: {  	v5 =	vld.idx.msk [tilespmem:v42+s11+$0x0], $0xffff;
	_ =	sdelay $0x4  }
0xff: {  	v6 =	vadd.s32 $0x200, v4;
	vm9 =	vle.f32 v5, v3  }
0x100: {  	v4 =	vsel vm9, v6, v4  }
0x101: {  	v43 =	vadd.s32 $0xFF, v4;
	_ =	sdelay $0x4  }
0x102: {  	v5 =	vld.idx.msk [tilespmem:v43+s11+$0x0], $0xffff;
	_ =	sdelay $0x4  }
0x103: {  	v6 =	vadd.s32 $0x100, v4;
	vm10 =	vle.f32 v5, v3  }
0x104: {  	v4 =	vsel vm10, v6, v4  }
0x105: {  	v44 =	vadd.s32 $0x7F, v4;
	_ =	sdelay $0x4  }
0x106: {  	v5 =	vld.idx.msk [tilespmem:v44+s11+$0x0], $0xffff;
	_ =	sdelay $0x4  }
0x107: {  	v6 =	vadd.s32 $0x80, v4;
	vm11 =	vle.f32 v5, v3  }
0x108: {  	v4 =	vsel vm11, v6, v4  }
0x109: {  	v45 =	vadd.s32 $0x3F, v4;
	_ =	sdelay $0x4  }
0x10a: {  	v5 =	vld.idx.msk [tilespmem:v45+s11+$0x0], $0xffff;
	_ =	sdelay $0x4  }
0x10b: {  	v6 =	vadd.s32 $0x40, v4;
	vm12 =	vle.f32 v5, v3  }
0x10c: {  	v4 =	vsel vm12, v6, v4  }
0x10d: {  	v46 =	vadd.s32 $0x1F, v4;
	_ =	sdelay $0x4  }
0x10e: {  	v5 =	vld.idx.msk [tilespmem:v46+s11+$0x0], $0xffff;
	_ =	sdelay $0x4  }
0x10f: {  	v6 =	vadd.s32 $0x20, v4;
	vm13 =	vle.f32 v5, v3  }
0x110: {  	v4 =	vsel vm13, v6, v4  }
0x111: {  	v47 =	vadd.s32 $0xF, v4;
	_ =	sdelay $0x4  }
0x112: {  	v5 =	vld.idx.msk [tilespmem:v47+s11+$0x0], $0xffff;
	_ =	sdelay $0x4  }
0x113: {  	v6 =	vadd.s32 $0x10, v4;
	vm14 =	vle.f32 v5, v3  }
0x114: {  	v4 =	vsel vm14, v6, v4  }
0x115: {  	v48 =	vadd.s32 $0x7, v4;
	_ =	sdelay $0x4  }
0x116: {  	v5 =	vld.idx.msk [tilespmem:v48+s11+$0x0], $0xffff;
	_ =	sdelay $0x4  }
0x117: {  	v6 =	vadd.s32 $0x8, v4;
	vm15 =	vle.f32 v5, v3  }
0x118: {  	v4 =	vsel vm15, v6, v4  }
0x119: {  	v49 =	vadd.s32 $0x3, v4;
	_ =	sdelay $0x4  }
0x11a: {  	v5 =	vld.idx.msk [tilespmem:v49+s11+$0x0], $0xffff;
	_ =	sdelay $0x4  }
0x11b: {  	v6 =	vadd.s32 $0x4, v4;
	vm4 =	vle.f32 v5, v3  }
0x11c: {  	v4 =	vsel vm4, v6, v4  }
0x11d: {  	v50 =	vadd.s32 $0x1, v4;
	_ =	sdelay $0x4  }
0x11e: {  	v5 =	vld.idx.msk [tilespmem:v50+s11+$0x0], $0xffff;
	_ =	sdelay $0x4  }
0x11f: {  	v6 =	vadd.s32 $0x2, v4;
	vm5 =	vle.f32 v5, v3  }
0x120: {  	v4 =	vsel vm5, v6, v4;
	_ =	sdelay $0x4  }
0x121: {  	v51 =	vld.idx.msk [tilespmem:v4+s11+$0x0], $0xffff;
	_ =	sdelay $0x4  }
0x122: {  	vm6 =	vle.f32 v51, v3  }
0x123: {  	v5 =	vsel vm6, $0x1, v1  }
0x124: {  	v4 =	vadd.s32 v5, v4;
	_ =	sdelay $0x4  }
0x125: {  	v5 =	vld.idx.msk [tilespmem:v4+s11+$0x0], $0xffff;
	_ =	sdelay $0x4  }
0x126: {  	vm7 =	vle.f32 v5, v3  }
0x127: {  	v3 =	vsel vm7, $0x1, v1  }
0x128: {  	v3 =	vadd.s32 v3, v4  }
0x129: {  	v3 =	vmin.u32 v3, $0xFFFF  }
0x12a: {  	[tilespmem:s20+$0x18830] =	vst v3;
	v3 =	vld [tilespmem:s20+$0x40]  }
0x12b: {  	v52 =	vld.idx.msk [tilespmem:v0+s11+$0x0], $0xffff;
	_ =	sdelay $0x4  }
0x12c: {  	vm8 =	vle.f32 v52, v3  }
0x12d: {  	v4 =	vsel vm8, $0x8000, v1  }
0x12e: {  	v53 =	vor.u32 $0x3FFF, v4;
	_ =	sdelay $0x4  }
0x12f: {  	v5 =	vld.idx.msk [tilespmem:v53+s11+$0x0], $0xffff;
	_ =	sdelay $0x4  }
0x130: {  	v54 =	vor.u32 $0x4000, v4;
	vm9 =	vle.f32 v5, v3  }
0x131: {  	v4 =	vsel vm9, v54, v4  }
0x132: {  	v55 =	vor.u32 $0x1FFF, v4;
	_ =	sdelay $0x4  }
0x133: {  	v5 =	vld.idx.msk [tilespmem:v55+s11+$0x0], $0xffff;
	_ =	sdelay $0x4  }
0x134: {  	v6 =	vor.u32 $0x2000, v4;
	vm10 =	vle.f32 v5, v3  }
0x135: {  	v4 =	vsel vm10, v6, v4  }
0x136: {  	v56 =	vor.u32 $0xFFF, v4;
	_ =	sdelay $0x4  }
0x137: {  	v5 =	vld.idx.msk [tilespmem:v56+s11+$0x0], $0xffff;
	_ =	sdelay $0x4  }
0x138: {  	v6 =	vor.u32 $0x1000, v4;
	vm11 =	vle.f32 v5, v3  }
0x139: {  	v4 =	vsel vm11, v6, v4  }
0x13a: {  	v57 =	vadd.s32 $0x7FF, v4;
	_ =	sdelay $0x4  }
0x13b: {  	v5 =	vld.idx.msk [tilespmem:v57+s11+$0x0], $0xffff;
	_ =	sdelay $0x4  }
0x13c: {  	v6 =	vadd.s32 $0x800, v4;
	vm12 =	vle.f32 v5, v3  }
0x13d: {  	v4 =	vsel vm12, v6, v4  }
0x13e: {  	v58 =	vadd.s32 $0x3FF, v4;
	_ =	sdelay $0x4  }
0x13f: {  	v5 =	vld.idx.msk [tilespmem:v58+s11+$0x0], $0xffff;
	_ =	sdelay $0x4  }
0x140: {  	v6 =	vadd.s32 $0x400, v4;
	vm13 =	vle.f32 v5, v3  }
0x141: {  	v4 =	vsel vm13, v6, v4  }
0x142: {  	v59 =	vadd.s32 $0x1FF, v4;
	_ =	sdelay $0x4  }
0x143: {  	v5 =	vld.idx.msk [tilespmem:v59+s11+$0x0], $0xffff;
	_ =	sdelay $0x4  }
0x144: {  	v6 =	vadd.s32 $0x200, v4;
	vm14 =	vle.f32 v5, v3  }
0x145: {  	v4 =	vsel vm14, v6, v4  }
0x146: {  	v60 =	vadd.s32 $0xFF, v4;
	_ =	sdelay $0x4  }
0x147: {  	v5 =	vld.idx.msk [tilespmem:v60+s11+$0x0], $0xffff;
	_ =	sdelay $0x4  }
0x148: {  	v6 =	vadd.s32 $0x100, v4;
	vm15 =	vle.f32 v5, v3  }
0x149: {  	v4 =	vsel vm15, v6, v4  }
0x14a: {  	v61 =	vadd.s32 $0x7F, v4;
	_ =	sdelay $0x4  }
0x14b: {  	v5 =	vld.idx.msk [tilespmem:v61+s11+$0x0], $0xffff;
	_ =	sdelay $0x4  }
0x14c: {  	v6 =	vadd.s32 $0x80, v4;
	vm4 =	vle.f32 v5, v3  }
0x14d: {  	v4 =	vsel vm4, v6, v4  }
0x14e: {  	v62 =	vadd.s32 $0x3F, v4;
	_ =	sdelay $0x4  }
0x14f: {  	v5 =	vld.idx.msk [tilespmem:v62+s11+$0x0], $0xffff;
	_ =	sdelay $0x4  }
0x150: {  	v6 =	vadd.s32 $0x40, v4;
	vm5 =	vle.f32 v5, v3  }
0x151: {  	v4 =	vsel vm5, v6, v4  }
0x152: {  	v63 =	vadd.s32 $0x1F, v4;
	_ =	sdelay $0x4  }
0x153: {  	v5 =	vld.idx.msk [tilespmem:v63+s11+$0x0], $0xffff;
	_ =	sdelay $0x4  }
0x154: {  	v6 =	vadd.s32 $0x20, v4;
	vm6 =	vle.f32 v5, v3  }
0x155: {  	v4 =	vsel vm6, v6, v4  }
0x156: {  	v8 =	vadd.s32 $0xF, v4;
	_ =	sdelay $0x4  }
0x157: {  	v5 =	vld.idx.msk [tilespmem:v8+s11+$0x0], $0xffff;
	_ =	sdelay $0x4  }
0x158: {  	v6 =	vadd.s32 $0x10, v4;
	vm7 =	vle.f32 v5, v3  }
0x159: {  	v4 =	vsel vm7, v6, v4  }
0x15a: {  	v9 =	vadd.s32 $0x7, v4;
	_ =	sdelay $0x4  }
0x15b: {  	v5 =	vld.idx.msk [tilespmem:v9+s11+$0x0], $0xffff;
	_ =	sdelay $0x4  }
0x15c: {  	v6 =	vadd.s32 $0x8, v4;
	vm8 =	vle.f32 v5, v3  }
0x15d: {  	v4 =	vsel vm8, v6, v4  }
0x15e: {  	v10 =	vadd.s32 $0x3, v4;
	_ =	sdelay $0x4  }
0x15f: {  	v5 =	vld.idx.msk [tilespmem:v10+s11+$0x0], $0xffff;
	_ =	sdelay $0x4  }
0x160: {  	v6 =	vadd.s32 $0x4, v4;
	vm9 =	vle.f32 v5, v3  }
0x161: {  	v4 =	vsel vm9, v6, v4  }
0x162: {  	v11 =	vadd.s32 $0x1, v4;
	_ =	sdelay $0x4  }
0x163: {  	v5 =	vld.idx.msk [tilespmem:v11+s11+$0x0], $0xffff;
	_ =	sdelay $0x4  }
0x164: {  	v6 =	vadd.s32 $0x2, v4;
	vm10 =	vle.f32 v5, v3  }
0x165: {  	v4 =	vsel vm10, v6, v4;
	_ =	sdelay $0x4  }
0x166: {  	v12 =	vld.idx.msk [tilespmem:v4+s11+$0x0], $0xffff;
	_ =	sdelay $0x4  }
0x167: {  	vm11 =	vle.f32 v12, v3  }
0x168: {  	v5 =	vsel vm11, $0x1, v1  }
0x169: {  	v4 =	vadd.s32 v5, v4;
	_ =	sdelay $0x4  }
0x16a: {  	v5 =	vld.idx.msk [tilespmem:v4+s11+$0x0], $0xffff;
	_ =	sdelay $0x4  }
0x16b: {  	vm12 =	vle.f32 v5, v3  }
0x16c: {  	v3 =	vsel vm12, $0x1, v1  }
0x16d: {  	v3 =	vadd.s32 v3, v4  }
0x16e: {  	v3 =	vmin.u32 v3, $0xFFFF  }
0x16f: {  	[tilespmem:s20+$0x18840] =	vst v3;
	v3 =	vld [tilespmem:s20+$0x50]  }
0x170: {  	v13 =	vld.idx.msk [tilespmem:v0+s11+$0x0], $0xffff;
	_ =	sdelay $0x4  }
0x171: {  	vm13 =	vle.f32 v13, v3  }
0x172: {  	v4 =	vsel vm13, $0x8000, v1  }
0x173: {  	v14 =	vor.u32 $0x3FFF, v4;
	_ =	sdelay $0x4  }
0x174: {  	v5 =	vld.idx.msk [tilespmem:v14+s11+$0x0], $0xffff;
	_ =	sdelay $0x4  }
0x175: {  	v15 =	vor.u32 $0x4000, v4;
	vm14 =	vle.f32 v5, v3  }
0x176: {  	v4 =	vsel vm14, v15, v4  }
0x177: {  	v16 =	vor.u32 $0x1FFF, v4;
	_ =	sdelay $0x4  }
0x178: {  	v5 =	vld.idx.msk [tilespmem:v16+s11+$0x0], $0xffff;
	_ =	sdelay $0x4  }
0x179: {  	v6 =	vor.u32 $0x2000, v4;
	vm15 =	vle.f32 v5, v3  }
0x17a: {  	v4 =	vsel vm15, v6, v4  }
0x17b: {  	v17 =	vor.u32 $0xFFF, v4;
	_ =	sdelay $0x4  }
0x17c: {  	v5 =	vld.idx.msk [tilespmem:v17+s11+$0x0], $0xffff;
	_ =	sdelay $0x4  }
0x17d: {  	v6 =	vor.u32 $0x1000, v4;
	vm4 =	vle.f32 v5, v3  }
0x17e: {  	v4 =	vsel vm4, v6, v4  }
0x17f: {  	v18 =	vadd.s32 $0x7FF, v4;
	_ =	sdelay $0x4  }
0x180: {  	v5 =	vld.idx.msk [tilespmem:v18+s11+$0x0], $0xffff;
	_ =	sdelay $0x4  }
0x181: {  	v6 =	vadd.s32 $0x800, v4;
	vm5 =	vle.f32 v5, v3  }
0x182: {  	v4 =	vsel vm5, v6, v4  }
0x183: {  	v19 =	vadd.s32 $0x3FF, v4;
	_ =	sdelay $0x4  }
0x184: {  	v5 =	vld.idx.msk [tilespmem:v19+s11+$0x0], $0xffff;
	_ =	sdelay $0x4  }
0x185: {  	v6 =	vadd.s32 $0x400, v4;
	vm6 =	vle.f32 v5, v3  }
0x186: {  	v4 =	vsel vm6, v6, v4  }
0x187: {  	v20 =	vadd.s32 $0x1FF, v4;
	_ =	sdelay $0x4  }
0x188: {  	v5 =	vld.idx.msk [tilespmem:v20+s11+$0x0], $0xffff;
	_ =	sdelay $0x4  }
0x189: {  	v6 =	vadd.s32 $0x200, v4;
	vm7 =	vle.f32 v5, v3  }
0x18a: {  	v4 =	vsel vm7, v6, v4  }
0x18b: {  	v21 =	vadd.s32 $0xFF, v4;
	_ =	sdelay $0x4  }
0x18c: {  	v5 =	vld.idx.msk [tilespmem:v21+s11+$0x0], $0xffff;
	_ =	sdelay $0x4  }
0x18d: {  	v6 =	vadd.s32 $0x100, v4;
	vm8 =	vle.f32 v5, v3  }
0x18e: {  	v4 =	vsel vm8, v6, v4  }
0x18f: {  	v22 =	vadd.s32 $0x7F, v4;
	_ =	sdelay $0x4  }
0x190: {  	v5 =	vld.idx.msk [tilespmem:v22+s11+$0x0], $0xffff;
	_ =	sdelay $0x4  }
0x191: {  	v6 =	vadd.s32 $0x80, v4;
	vm9 =	vle.f32 v5, v3  }
0x192: {  	v4 =	vsel vm9, v6, v4  }
0x193: {  	v23 =	vadd.s32 $0x3F, v4;
	_ =	sdelay $0x4  }
0x194: {  	v5 =	vld.idx.msk [tilespmem:v23+s11+$0x0], $0xffff;
	_ =	sdelay $0x4  }
0x195: {  	v6 =	vadd.s32 $0x40, v4;
	vm10 =	vle.f32 v5, v3  }
0x196: {  	v4 =	vsel vm10, v6, v4  }
0x197: {  	v24 =	vadd.s32 $0x1F, v4;
	_ =	sdelay $0x4  }
0x198: {  	v5 =	vld.idx.msk [tilespmem:v24+s11+$0x0], $0xffff;
	_ =	sdelay $0x4  }
0x199: {  	v6 =	vadd.s32 $0x20, v4;
	vm11 =	vle.f32 v5, v3  }
0x19a: {  	v4 =	vsel vm11, v6, v4  }
0x19b: {  	v25 =	vadd.s32 $0xF, v4;
	_ =	sdelay $0x4  }
0x19c: {  	v5 =	vld.idx.msk [tilespmem:v25+s11+$0x0], $0xffff;
	_ =	sdelay $0x4  }
0x19d: {  	v6 =	vadd.s32 $0x10, v4;
	vm12 =	vle.f32 v5, v3  }
0x19e: {  	v4 =	vsel vm12, v6, v4  }
0x19f: {  	v26 =	vadd.s32 $0x7, v4;
	_ =	sdelay $0x4  }
0x1a0: {  	v5 =	vld.idx.msk [tilespmem:v26+s11+$0x0], $0xffff;
	_ =	sdelay $0x4  }
0x1a1: {  	v6 =	vadd.s32 $0x8, v4;
	vm13 =	vle.f32 v5, v3  }
0x1a2: {  	v4 =	vsel vm13, v6, v4  }
0x1a3: {  	v27 =	vadd.s32 $0x3, v4;
	_ =	sdelay $0x4  }
0x1a4: {  	v5 =	vld.idx.msk [tilespmem:v27+s11+$0x0], $0xffff;
	_ =	sdelay $0x4  }
0x1a5: {  	v6 =	vadd.s32 $0x4, v4;
	vm14 =	vle.f32 v5, v3  }
0x1a6: {  	v4 =	vsel vm14, v6, v4  }
0x1a7: {  	v28 =	vadd.s32 $0x1, v4;
	_ =	sdelay $0x4  }
0x1a8: {  	v5 =	vld.idx.msk [tilespmem:v28+s11+$0x0], $0xffff;
	_ =	sdelay $0x4  }
0x1a9: {  	v6 =	vadd.s32 $0x2, v4;
	vm15 =	vle.f32 v5, v3  }
0x1aa: {  	v4 =	vsel vm15, v6, v4;
	_ =	sdelay $0x4  }
0x1ab: {  	v29 =	vld.idx.msk [tilespmem:v4+s11+$0x0], $0xffff;
	_ =	sdelay $0x4  }
0x1ac: {  	vm4 =	vle.f32 v29, v3  }
0x1ad: {  	v5 =	vsel vm4, $0x1, v1  }
0x1ae: {  	v4 =	vadd.s32 v5, v4;
	_ =	sdelay $0x4  }
0x1af: {  	v5 =	vld.idx.msk [tilespmem:v4+s11+$0x0], $0xffff;
	_ =	sdelay $0x4  }
0x1b0: {  	vm5 =	vle.f32 v5, v3  }
0x1b1: {  	v3 =	vsel vm5, $0x1, v1  }
0x1b2: {  	v3 =	vadd.s32 v3, v4  }
0x1b3: {  	v3 =	vmin.u32 v3, $0xFFFF  }
0x1b4: {  	[tilespmem:s20+$0x18850] =	vst v3;
	v3 =	vld [tilespmem:s20+$0x60]  }
0x1b5: {  	v30 =	vld.idx.msk [tilespmem:v0+s11+$0x0], $0xffff;
	_ =	sdelay $0x4  }
0x1b6: {  	vm6 =	vle.f32 v30, v3  }
0x1b7: {  	v4 =	vsel vm6, $0x8000, v1  }
0x1b8: {  	v31 =	vor.u32 $0x3FFF, v4;
	_ =	sdelay $0x4  }
0x1b9: {  	v5 =	vld.idx.msk [tilespmem:v31+s11+$0x0], $0xffff;
	_ =	sdelay $0x4  }
0x1ba: {  	v32 =	vor.u32 $0x4000, v4;
	vm7 =	vle.f32 v5, v3  }
0x1bb: {  	v4 =	vsel vm7, v32, v4  }
0x1bc: {  	v33 =	vor.u32 $0x1FFF, v4;
	_ =	sdelay $0x4  }
0x1bd: {  	v5 =	vld.idx.msk [tilespmem:v33+s11+$0x0], $0xffff;
	_ =	sdelay $0x4  }
0x1be: {  	v6 =	vor.u32 $0x2000, v4;
	vm8 =	vle.f32 v5, v3  }
0x1bf: {  	v4 =	vsel vm8, v6, v4  }
0x1c0: {  	v34 =	vor.u32 $0xFFF, v4;
	_ =	sdelay $0x4  }
0x1c1: {  	v5 =	vld.idx.msk [tilespmem:v34+s11+$0x0], $0xffff;
	_ =	sdelay $0x4  }
0x1c2: {  	v6 =	vor.u32 $0x1000, v4;
	vm9 =	vle.f32 v5, v3  }
0x1c3: {  	v4 =	vsel vm9, v6, v4  }
0x1c4: {  	v35 =	vadd.s32 $0x7FF, v4;
	_ =	sdelay $0x4  }
0x1c5: {  	v5 =	vld.idx.msk [tilespmem:v35+s11+$0x0], $0xffff;
	_ =	sdelay $0x4  }
0x1c6: {  	v6 =	vadd.s32 $0x800, v4;
	vm10 =	vle.f32 v5, v3  }
0x1c7: {  	v4 =	vsel vm10, v6, v4  }
0x1c8: {  	v36 =	vadd.s32 $0x3FF, v4;
	_ =	sdelay $0x4  }
0x1c9: {  	v5 =	vld.idx.msk [tilespmem:v36+s11+$0x0], $0xffff;
	_ =	sdelay $0x4  }
0x1ca: {  	v6 =	vadd.s32 $0x400, v4;
	vm11 =	vle.f32 v5, v3  }
0x1cb: {  	v4 =	vsel vm11, v6, v4  }
0x1cc: {  	v37 =	vadd.s32 $0x1FF, v4;
	_ =	sdelay $0x4  }
0x1cd: {  	v5 =	vld.idx.msk [tilespmem:v37+s11+$0x0], $0xffff;
	_ =	sdelay $0x4  }
0x1ce: {  	v6 =	vadd.s32 $0x200, v4;
	vm12 =	vle.f32 v5, v3  }
0x1cf: {  	v4 =	vsel vm12, v6, v4  }
0x1d0: {  	v38 =	vadd.s32 $0xFF, v4;
	_ =	sdelay $0x4  }
0x1d1: {  	v5 =	vld.idx.msk [tilespmem:v38+s11+$0x0], $0xffff;
	_ =	sdelay $0x4  }
0x1d2: {  	v6 =	vadd.s32 $0x100, v4;
	vm13 =	vle.f32 v5, v3  }
0x1d3: {  	v4 =	vsel vm13, v6, v4  }
0x1d4: {  	v39 =	vadd.s32 $0x7F, v4;
	_ =	sdelay $0x4  }
0x1d5: {  	v5 =	vld.idx.msk [tilespmem:v39+s11+$0x0], $0xffff;
	_ =	sdelay $0x4  }
0x1d6: {  	v6 =	vadd.s32 $0x80, v4;
	vm14 =	vle.f32 v5, v3  }
0x1d7: {  	v4 =	vsel vm14, v6, v4  }
0x1d8: {  	v40 =	vadd.s32 $0x3F, v4;
	_ =	sdelay $0x4  }
0x1d9: {  	v5 =	vld.idx.msk [tilespmem:v40+s11+$0x0], $0xffff;
	_ =	sdelay $0x4  }
0x1da: {  	v6 =	vadd.s32 $0x40, v4;
	vm15 =	vle.f32 v5, v3  }
0x1db: {  	v4 =	vsel vm15, v6, v4  }
0x1dc: {  	v41 =	vadd.s32 $0x1F, v4;
	_ =	sdelay $0x4  }
0x1dd: {  	v5 =	vld.idx.msk [tilespmem:v41+s11+$0x0], $0xffff;
	_ =	sdelay $0x4  }
0x1de: {  	v6 =	vadd.s32 $0x20, v4;
	vm4 =	vle.f32 v5, v3  }
0x1df: {  	v4 =	vsel vm4, v6, v4  }
0x1e0: {  	v42 =	vadd.s32 $0xF, v4;
	_ =	sdelay $0x4  }
0x1e1: {  	v5 =	vld.idx.msk [tilespmem:v42+s11+$0x0], $0xffff;
	_ =	sdelay $0x4  }
0x1e2: {  	v6 =	vadd.s32 $0x10, v4;
	vm5 =	vle.f32 v5, v3  }
0x1e3: {  	v4 =	vsel vm5, v6, v4  }
0x1e4: {  	v43 =	vadd.s32 $0x7, v4;
	_ =	sdelay $0x4  }
0x1e5: {  	v5 =	vld.idx.msk [tilespmem:v43+s11+$0x0], $0xffff;
	_ =	sdelay $0x4  }
0x1e6: {  	v6 =	vadd.s32 $0x8, v4;
	vm6 =	vle.f32 v5, v3  }
0x1e7: {  	v4 =	vsel vm6, v6, v4  }
0x1e8: {  	v44 =	vadd.s32 $0x3, v4;
	_ =	sdelay $0x4  }
0x1e9: {  	v5 =	vld.idx.msk [tilespmem:v44+s11+$0x0], $0xffff;
	_ =	sdelay $0x4  }
0x1ea: {  	v6 =	vadd.s32 $0x4, v4;
	vm7 =	vle.f32 v5, v3  }
0x1eb: {  	v4 =	vsel vm7, v6, v4  }
0x1ec: {  	v45 =	vadd.s32 $0x1, v4;
	_ =	sdelay $0x4  }
0x1ed: {  	v5 =	vld.idx.msk [tilespmem:v45+s11+$0x0], $0xffff;
	_ =	sdelay $0x4  }
0x1ee: {  	v6 =	vadd.s32 $0x2, v4;
	vm8 =	vle.f32 v5, v3  }
0x1ef: {  	v4 =	vsel vm8, v6, v4;
	_ =	sdelay $0x4  }
0x1f0: {  	v46 =	vld.idx.msk [tilespmem:v4+s11+$0x0], $0xffff;
	_ =	sdelay $0x4  }
0x1f1: {  	vm9 =	vle.f32 v46, v3  }
0x1f2: {  	v5 =	vsel vm9, $0x1, v1  }
0x1f3: {  	v4 =	vadd.s32 v5, v4;
	_ =	sdelay $0x4  }
0x1f4: {  	v5 =	vld.idx.msk [tilespmem:v4+s11+$0x0], $0xffff;
	_ =	sdelay $0x4  }
0x1f5: {  	vm10 =	vle.f32 v5, v3  }
0x1f6: {  	v3 =	vsel vm10, $0x1, v1  }
0x1f7: {  	v3 =	vadd.s32 v3, v4  }
0x1f8: {  	v3 =	vmin.u32 v3, $0xFFFF  }
0x1f9: {  	[tilespmem:s20+$0x18860] =	vst v3;
	v3 =	vld [tilespmem:s20+$0x70]  }
0x1fa: {  	v47 =	vld.idx.msk [tilespmem:v0+s11+$0x0], $0xffff;
	_ =	sdelay $0x4  }
0x1fb: {  	vm11 =	vle.f32 v47, v3  }
0x1fc: {  	v4 =	vsel vm11, $0x8000, v1  }
0x1fd: {  	v48 =	vor.u32 $0x3FFF, v4;
	_ =	sdelay $0x4  }
0x1fe: {  	v5 =	vld.idx.msk [tilespmem:v48+s11+$0x0], $0xffff;
	_ =	sdelay $0x4  }
0x1ff: {  	v49 =	vor.u32 $0x4000, v4;
	vm12 =	vle.f32 v5, v3  }
0x200: {  	v4 =	vsel vm12, v49, v4  }
0x201: {  	v50 =	vor.u32 $0x1FFF, v4;
	_ =	sdelay $0x4  }
0x202: {  	v5 =	vld.idx.msk [tilespmem:v50+s11+$0x0], $0xffff;
	_ =	sdelay $0x4  }
0x203: {  	v6 =	vor.u32 $0x2000, v4;
	vm13 =	vle.f32 v5, v3  }
0x204: {  	v4 =	vsel vm13, v6, v4  }
0x205: {  	v51 =	vor.u32 $0xFFF, v4;
	_ =	sdelay $0x4  }
0x206: {  	v5 =	vld.idx.msk [tilespmem:v51+s11+$0x0], $0xffff;
	_ =	sdelay $0x4  }
0x207: {  	v6 =	vor.u32 $0x1000, v4;
	vm14 =	vle.f32 v5, v3  }
0x208: {  	v4 =	vsel vm14, v6, v4  }
0x209: {  	v52 =	vadd.s32 $0x7FF, v4;
	_ =	sdelay $0x4  }
0x20a: {  	v5 =	vld.idx.msk [tilespmem:v52+s11+$0x0], $0xffff;
	_ =	sdelay $0x4  }
0x20b: {  	v6 =	vadd.s32 $0x800, v4;
	vm15 =	vle.f32 v5, v3  }
0x20c: {  	v4 =	vsel vm15, v6, v4  }
0x20d: {  	v53 =	vadd.s32 $0x3FF, v4;
	_ =	sdelay $0x4  }
0x20e: {  	v5 =	vld.idx.msk [tilespmem:v53+s11+$0x0], $0xffff;
	_ =	sdelay $0x4  }
0x20f: {  	v6 =	vadd.s32 $0x400, v4;
	vm4 =	vle.f32 v5, v3  }
0x210: {  	v4 =	vsel vm4, v6, v4  }
0x211: {  	v54 =	vadd.s32 $0x1FF, v4;
	_ =	sdelay $0x4  }
0x212: {  	v5 =	vld.idx.msk [tilespmem:v54+s11+$0x0], $0xffff;
	_ =	sdelay $0x4  }
0x213: {  	v6 =	vadd.s32 $0x200, v4;
	vm5 =	vle.f32 v5, v3  }
0x214: {  	v4 =	vsel vm5, v6, v4  }
0x215: {  	v55 =	vadd.s32 $0xFF, v4;
	_ =	sdelay $0x4  }
0x216: {  	v5 =	vld.idx.msk [tilespmem:v55+s11+$0x0], $0xffff;
	_ =	sdelay $0x4  }
0x217: {  	v6 =	vadd.s32 $0x100, v4;
	vm6 =	vle.f32 v5, v3  }
0x218: {  	v4 =	vsel vm6, v6, v4  }
0x219: {  	v56 =	vadd.s32 $0x7F, v4;
	_ =	sdelay $0x4  }
0x21a: {  	v5 =	vld.idx.msk [tilespmem:v56+s11+$0x0], $0xffff;
	_ =	sdelay $0x4  }
0x21b: {  	v6 =	vadd.s32 $0x80, v4;
	vm7 =	vle.f32 v5, v3  }
0x21c: {  	v4 =	vsel vm7, v6, v4  }
0x21d: {  	v57 =	vadd.s32 $0x3F, v4;
	_ =	sdelay $0x4  }
0x21e: {  	v5 =	vld.idx.msk [tilespmem:v57+s11+$0x0], $0xffff;
	_ =	sdelay $0x4  }
0x21f: {  	v6 =	vadd.s32 $0x40, v4;
	vm8 =	vle.f32 v5, v3  }
0x220: {  	v4 =	vsel vm8, v6, v4  }
0x221: {  	v58 =	vadd.s32 $0x1F, v4;
	_ =	sdelay $0x4  }
0x222: {  	v5 =	vld.idx.msk [tilespmem:v58+s11+$0x0], $0xffff;
	_ =	sdelay $0x4  }
0x223: {  	v6 =	vadd.s32 $0x20, v4;
	vm9 =	vle.f32 v5, v3  }
0x224: {  	v4 =	vsel vm9, v6, v4  }
0x225: {  	v59 =	vadd.s32 $0xF, v4;
	_ =	sdelay $0x4  }
0x226: {  	v5 =	vld.idx.msk [tilespmem:v59+s11+$0x0], $0xffff;
	_ =	sdelay $0x4  }
0x227: {  	v6 =	vadd.s32 $0x10, v4;
	vm10 =	vle.f32 v5, v3  }
0x228: {  	v4 =	vsel vm10, v6, v4  }
0x229: {  	v60 =	vadd.s32 $0x7, v4;
	_ =	sdelay $0x4  }
0x22a: {  	v5 =	vld.idx.msk [tilespmem:v60+s11+$0x0], $0xffff;
	_ =	sdelay $0x4  }
0x22b: {  	v6 =	vadd.s32 $0x8, v4;
	vm11 =	vle.f32 v5, v3  }
0x22c: {  	v4 =	vsel vm11, v6, v4  }
0x22d: {  	v61 =	vadd.s32 $0x3, v4;
	_ =	sdelay $0x4  }
0x22e: {  	v5 =	vld.idx.msk [tilespmem:v61+s11+$0x0], $0xffff;
	_ =	sdelay $0x4  }
0x22f: {  	v6 =	vadd.s32 $0x4, v4;
	vm12 =	vle.f32 v5, v3  }
0x230: {  	v4 =	vsel vm12, v6, v4  }
0x231: {  	v62 =	vadd.s32 $0x1, v4;
	_ =	sdelay $0x4  }
0x232: {  	v5 =	vld.idx.msk [tilespmem:v62+s11+$0x0], $0xffff;
	_ =	sdelay $0x4  }
0x233: {  	v6 =	vadd.s32 $0x2, v4;
	vm13 =	vle.f32 v5, v3  }
0x234: {  	v4 =	vsel vm13, v6, v4;
	_ =	sdelay $0x4  }
0x235: {  	v63 =	vld.idx.msk [tilespmem:v4+s11+$0x0], $0xffff;
	_ =	sdelay $0x4  }
0x236: {  	vm14 =	vle.f32 v63, v3  }
0x237: {  	v5 =	vsel vm14, $0x1, v1  }
0x238: {  	v4 =	vadd.s32 v5, v4;
	_ =	sdelay $0x4  }
0x239: {  	v5 =	vld.idx.msk [tilespmem:v4+s11+$0x0], $0xffff;
	_ =	sdelay $0x4  }
0x23a: {  	vm15 =	vle.f32 v5, v3  }
0x23b: {  	p0 =	sne.s32 s19, $0x1E00;
	v3 =	vsel vm15, $0x1, v1  }
.Ltmp0:
0x23c: {  	v3 =	vadd.s32 v3, v4;
	(pc) =	sbr.rel @p0 .LBB2_2-.Ltmp0, $4  }
0x23d: {  	v3 =	vmin.u32 v3, $0xFFFF  }
0x23e: {  	s21 =	sadd.s32 $0x18800, s20;
	[tilespmem:s20+$0x18870] =	vst v3  }
0x23f: {  	[tilespmem:s18], [sflag:$0x1] =	stream.indirect.gather [hbm4b:s4+s12], $0x10, s21, s12, $0xb8;
	[tilespmem:$0x1A000] =	vst v63  }
0x240: {  	s19 =	sadd.s32 $0x200, s19;
	s18 =	sadd.s32 $0x800, s18  }
0x241: {  	_ =	swait.ge [sflag:s13], $0x8000;
	s18 =	simm.s32 $0x70  }
0x242: {  	s19 =	simm.s32 $0x19800;
	s20 =	simm.s32 $0x19000;
	[sflag:s13] =	ssyncset.done $0x0  }
0x243: {  	s21 =	simm.s32 $0x18840;
	s22 =	simm.s32 $0x40;
	[sflag:s13] =	ssyncadd.s32 $0xFFFF8000  }
.LBB2_4:
0x244: {  	s23 =	sadd.s32 $0xFFFFFF90, s18  }
0x245: {  	v3 =	vmov s23  }
0x246: {  	v3 =	vshll.u32 v3, $0x4  }
0x247: {  	v3 =	vor.u32 v2, v3  }
0x248: {  	v4 =	vor.u32 $0x7, v3;
	_ =	sdelay $0x3  }
0x249: {  	v5 =	vld [tilespmem:s22+$0xFFFFFFC0]  }
0x24a: {  	v4 =	vld.idx.msk [tilespmem:v4+s14+$0x0], $0xffff;
	_ =	sdelay $0x4  }
0x24b: {  	vm0 =	vle.f32 v4, v5  }
0x24c: {  	v4 =	vsel vm0, $0x8, v1  }
0x24d: {  	v6 =	vor.u32 v3, v4  }
0x24e: {  	v7 =	vor.u32 $0x3, v6;
	_ =	sdelay $0x4  }
0x24f: {  	v7 =	vld.idx.msk [tilespmem:v7+s14+$0x0], $0xffff;
	_ =	sdelay $0x4  }
0x250: {  	v8 =	vor.u32 $0x4, v4;
	vm5 =	vle.f32 v7, v5  }
0x251: {  	v4 =	vsel vm5, v8, v4  }
0x252: {  	v56 =	vand.u32 $0x4, v4  }
0x253: {  	v6 =	vor.u32 v56, v6  }
0x254: {  	v6 =	vor.u32 $0x1, v6;
	_ =	sdelay $0x4  }
0x255: {  	v6 =	vld.idx.msk [tilespmem:v6+s14+$0x0], $0xffff;
	_ =	sdelay $0x4  }
0x256: {  	v57 =	vor.u32 $0x2, v4;
	vm6 =	vle.f32 v6, v5  }
0x257: {  	v4 =	vsel vm6, v57, v4  }
0x258: {  	v58 =	vor.u32 v3, v4;
	_ =	sdelay $0x4  }
0x259: {  	v6 =	vld.idx.msk [tilespmem:v58+s14+$0x0], $0xffff;
	_ =	sdelay $0x4  }
0x25a: {  	vm7 =	vle.f32 v6, v5  }
0x25b: {  	v6 =	vsel vm7, $0x1, v1  }
0x25c: {  	v4 =	vor.u32 v6, v4  }
0x25d: {  	v3 =	vor.u32 v3, v4;
	_ =	sdelay $0x4  }
0x25e: {  	v3 =	vld.idx.msk [tilespmem:v3+s14+$0x0], $0xffff  }
0x25f: {  	v59 =	vld [tilespmem:s21+$0xFFFFFFC0];
	_ =	sdelay $0x2  }
0x260: {  	s25 =	sadd.s32 $0xFFFFFFA0, s18  }
0x261: {  	vm8 =	vle.f32 v3, v5;
	v3 =	vmov s25  }
0x262: {  	v6 =	vshll.u32 v59, $0x4;
	v5 =	vsel vm8, $0x1, v1;
	v3 =	vshll.u32 v3, $0x4  }
0x263: {  	v5 =	vor.u32 v5, v6;
	v3 =	vor.u32 v2, v3  }
0x264: {  	v4 =	vadd.s32 v4, v5;
	v60 =	vor.u32 $0x7, v3  }
0x265: {  	vm9 =	vlt.s32 v4, $0xF423F  }
0x266: {  	v4 =	vnsel vm9, $0xF423F, v4  }
0x267: {  	[tilespmem:s20+$0x0] =	vst v4  }
0x268: {  	v4 =	vld [tilespmem:s22+$0xFFFFFFD0]  }
0x269: {  	v5 =	vld.idx.msk [tilespmem:v60+s14+$0x0], $0xffff;
	_ =	sdelay $0x4  }
0x26a: {  	vm10 =	vle.f32 v5, v4  }
0x26b: {  	v5 =	vsel vm10, $0x8, v1  }
0x26c: {  	v61 =	vor.u32 v3, v5  }
0x26d: {  	v62 =	vor.u32 $0x3, v61;
	_ =	sdelay $0x4  }
0x26e: {  	v7 =	vld.idx.msk [tilespmem:v62+s14+$0x0], $0xffff;
	_ =	sdelay $0x4  }
0x26f: {  	v63 =	vor.u32 $0x4, v5;
	vm11 =	vle.f32 v7, v4  }
0x270: {  	v5 =	vsel vm11, v63, v5  }
0x271: {  	v11 =	vand.u32 $0x4, v5  }
0x272: {  	v6 =	vor.u32 v11, v61  }
0x273: {  	v6 =	vor.u32 $0x1, v6;
	_ =	sdelay $0x4  }
0x274: {  	v6 =	vld.idx.msk [tilespmem:v6+s14+$0x0], $0xffff;
	_ =	sdelay $0x4  }
0x275: {  	v12 =	vor.u32 $0x2, v5;
	vm12 =	vle.f32 v6, v4  }
0x276: {  	v5 =	vsel vm12, v12, v5  }
0x277: {  	v13 =	vor.u32 v3, v5;
	_ =	sdelay $0x4  }
0x278: {  	v6 =	vld.idx.msk [tilespmem:v13+s14+$0x0], $0xffff;
	_ =	sdelay $0x4  }
0x279: {  	vm13 =	vle.f32 v6, v4  }
0x27a: {  	v6 =	vsel vm13, $0x1, v1  }
0x27b: {  	v5 =	vor.u32 v6, v5  }
0x27c: {  	v3 =	vor.u32 v3, v5;
	_ =	sdelay $0x4  }
0x27d: {  	v3 =	vld.idx.msk [tilespmem:v3+s14+$0x0], $0xffff  }
0x27e: {  	v14 =	vld [tilespmem:s21+$0xFFFFFFD0];
	_ =	sdelay $0x2  }
0x27f: {  	s26 =	sadd.s32 $0xFFFFFFB0, s18  }
0x280: {  	vm14 =	vle.f32 v3, v4;
	v3 =	vmov s26  }
0x281: {  	v6 =	vshll.u32 v14, $0x4;
	v4 =	vsel vm14, $0x1, v1;
	v3 =	vshll.u32 v3, $0x4  }
0x282: {  	v4 =	vor.u32 v4, v6;
	v3 =	vor.u32 v2, v3  }
0x283: {  	v4 =	vadd.s32 v5, v4;
	v15 =	vor.u32 $0x7, v3  }
0x284: {  	vm15 =	vlt.s32 v4, $0xF423F  }
0x285: {  	v4 =	vnsel vm15, $0xF423F, v4  }
0x286: {  	[tilespmem:s20+$0x10] =	vst v4  }
0x287: {  	v4 =	vld [tilespmem:s22+$0xFFFFFFE0]  }
0x288: {  	v5 =	vld.idx.msk [tilespmem:v15+s14+$0x0], $0xffff;
	_ =	sdelay $0x4  }
0x289: {  	vm4 =	vle.f32 v5, v4  }
0x28a: {  	v5 =	vsel vm4, $0x8, v1  }
0x28b: {  	v16 =	vor.u32 v3, v5  }
0x28c: {  	v17 =	vor.u32 $0x3, v16;
	_ =	sdelay $0x4  }
0x28d: {  	v7 =	vld.idx.msk [tilespmem:v17+s14+$0x0], $0xffff;
	_ =	sdelay $0x4  }
0x28e: {  	v18 =	vor.u32 $0x4, v5;
	vm5 =	vle.f32 v7, v4  }
0x28f: {  	v5 =	vsel vm5, v18, v5  }
0x290: {  	v19 =	vand.u32 $0x4, v5  }
0x291: {  	v6 =	vor.u32 v19, v16  }
0x292: {  	v6 =	vor.u32 $0x1, v6;
	_ =	sdelay $0x4  }
0x293: {  	v6 =	vld.idx.msk [tilespmem:v6+s14+$0x0], $0xffff;
	_ =	sdelay $0x4  }
0x294: {  	v20 =	vor.u32 $0x2, v5;
	vm6 =	vle.f32 v6, v4  }
0x295: {  	v5 =	vsel vm6, v20, v5  }
0x296: {  	v21 =	vor.u32 v3, v5;
	_ =	sdelay $0x4  }
0x297: {  	v6 =	vld.idx.msk [tilespmem:v21+s14+$0x0], $0xffff;
	_ =	sdelay $0x4  }
0x298: {  	vm7 =	vle.f32 v6, v4  }
0x299: {  	v6 =	vsel vm7, $0x1, v1  }
0x29a: {  	v5 =	vor.u32 v6, v5  }
0x29b: {  	v3 =	vor.u32 v3, v5;
	_ =	sdelay $0x4  }
0x29c: {  	v3 =	vld.idx.msk [tilespmem:v3+s14+$0x0], $0xffff  }
0x29d: {  	v22 =	vld [tilespmem:s21+$0xFFFFFFE0];
	_ =	sdelay $0x2  }
0x29e: {  	s28 =	sadd.s32 $0xFFFFFFC0, s18  }
0x29f: {  	vm8 =	vle.f32 v3, v4;
	v3 =	vmov s28  }
0x2a0: {  	v6 =	vshll.u32 v22, $0x4;
	v4 =	vsel vm8, $0x1, v1;
	v3 =	vshll.u32 v3, $0x4  }
0x2a1: {  	v4 =	vor.u32 v4, v6;
	v3 =	vor.u32 v2, v3  }
0x2a2: {  	v4 =	vadd.s32 v5, v4;
	v23 =	vor.u32 $0x7, v3  }
0x2a3: {  	vm9 =	vlt.s32 v4, $0xF423F  }
0x2a4: {  	v4 =	vnsel vm9, $0xF423F, v4  }
0x2a5: {  	[tilespmem:s20+$0x20] =	vst v4  }
0x2a6: {  	v4 =	vld [tilespmem:s22+$0xFFFFFFF0]  }
0x2a7: {  	v5 =	vld.idx.msk [tilespmem:v23+s14+$0x0], $0xffff;
	_ =	sdelay $0x4  }
0x2a8: {  	vm10 =	vle.f32 v5, v4  }
0x2a9: {  	v5 =	vsel vm10, $0x8, v1  }
0x2aa: {  	v24 =	vor.u32 v3, v5  }
0x2ab: {  	v25 =	vor.u32 $0x3, v24;
	_ =	sdelay $0x4  }
0x2ac: {  	v7 =	vld.idx.msk [tilespmem:v25+s14+$0x0], $0xffff;
	_ =	sdelay $0x4  }
0x2ad: {  	v26 =	vor.u32 $0x4, v5;
	vm11 =	vle.f32 v7, v4  }
0x2ae: {  	v5 =	vsel vm11, v26, v5  }
0x2af: {  	v27 =	vand.u32 $0x4, v5  }
0x2b0: {  	v6 =	vor.u32 v27, v24  }
0x2b1: {  	v6 =	vor.u32 $0x1, v6;
	_ =	sdelay $0x4  }
0x2b2: {  	v6 =	vld.idx.msk [tilespmem:v6+s14+$0x0], $0xffff;
	_ =	sdelay $0x4  }
0x2b3: {  	v28 =	vor.u32 $0x2, v5;
	vm12 =	vle.f32 v6, v4  }
0x2b4: {  	v5 =	vsel vm12, v28, v5  }
0x2b5: {  	v29 =	vor.u32 v3, v5;
	_ =	sdelay $0x4  }
0x2b6: {  	v6 =	vld.idx.msk [tilespmem:v29+s14+$0x0], $0xffff;
	_ =	sdelay $0x4  }
0x2b7: {  	vm13 =	vle.f32 v6, v4  }
0x2b8: {  	v6 =	vsel vm13, $0x1, v1  }
0x2b9: {  	v5 =	vor.u32 v6, v5  }
0x2ba: {  	v3 =	vor.u32 v3, v5;
	_ =	sdelay $0x4  }
0x2bb: {  	v3 =	vld.idx.msk [tilespmem:v3+s14+$0x0], $0xffff  }
0x2bc: {  	v30 =	vld [tilespmem:s21+$0xFFFFFFF0];
	_ =	sdelay $0x2  }
0x2bd: {  	s29 =	sadd.s32 $0xFFFFFFD0, s18  }
0x2be: {  	vm14 =	vle.f32 v3, v4;
	v3 =	vmov s29  }
0x2bf: {  	v6 =	vshll.u32 v30, $0x4;
	v4 =	vsel vm14, $0x1, v1;
	v3 =	vshll.u32 v3, $0x4  }
0x2c0: {  	v4 =	vor.u32 v4, v6;
	v3 =	vor.u32 v2, v3  }
0x2c1: {  	v4 =	vadd.s32 v5, v4;
	v31 =	vor.u32 $0x7, v3  }
0x2c2: {  	vm15 =	vlt.s32 v4, $0xF423F  }
0x2c3: {  	v4 =	vnsel vm15, $0xF423F, v4  }
0x2c4: {  	[tilespmem:s20+$0x30] =	vst v4  }
0x2c5: {  	v4 =	vld [tilespmem:s22+$0x0]  }
0x2c6: {  	v5 =	vld.idx.msk [tilespmem:v31+s14+$0x0], $0xffff;
	_ =	sdelay $0x4  }
0x2c7: {  	vm4 =	vle.f32 v5, v4  }
0x2c8: {  	v5 =	vsel vm4, $0x8, v1  }
0x2c9: {  	v32 =	vor.u32 v3, v5  }
0x2ca: {  	v33 =	vor.u32 $0x3, v32;
	_ =	sdelay $0x4  }
0x2cb: {  	v7 =	vld.idx.msk [tilespmem:v33+s14+$0x0], $0xffff;
	_ =	sdelay $0x4  }
0x2cc: {  	v34 =	vor.u32 $0x4, v5;
	vm5 =	vle.f32 v7, v4  }
0x2cd: {  	v5 =	vsel vm5, v34, v5  }
0x2ce: {  	v35 =	vand.u32 $0x4, v5  }
0x2cf: {  	v6 =	vor.u32 v35, v32  }
0x2d0: {  	v6 =	vor.u32 $0x1, v6;
	_ =	sdelay $0x4  }
0x2d1: {  	v6 =	vld.idx.msk [tilespmem:v6+s14+$0x0], $0xffff;
	_ =	sdelay $0x4  }
0x2d2: {  	v36 =	vor.u32 $0x2, v5;
	vm6 =	vle.f32 v6, v4  }
0x2d3: {  	v5 =	vsel vm6, v36, v5  }
0x2d4: {  	v37 =	vor.u32 v3, v5;
	_ =	sdelay $0x4  }
0x2d5: {  	v6 =	vld.idx.msk [tilespmem:v37+s14+$0x0], $0xffff;
	_ =	sdelay $0x4  }
0x2d6: {  	vm7 =	vle.f32 v6, v4  }
0x2d7: {  	v6 =	vsel vm7, $0x1, v1  }
0x2d8: {  	v5 =	vor.u32 v6, v5  }
0x2d9: {  	v3 =	vor.u32 v3, v5;
	_ =	sdelay $0x4  }
0x2da: {  	v3 =	vld.idx.msk [tilespmem:v3+s14+$0x0], $0xffff  }
0x2db: {  	v38 =	vld [tilespmem:s21+$0x0];
	_ =	sdelay $0x2  }
0x2dc: {  	s30 =	sadd.s32 $0xFFFFFFE0, s18  }
0x2dd: {  	vm8 =	vle.f32 v3, v4;
	v3 =	vmov s30  }
0x2de: {  	v6 =	vshll.u32 v38, $0x4;
	v4 =	vsel vm8, $0x1, v1;
	v3 =	vshll.u32 v3, $0x4  }
0x2df: {  	v4 =	vor.u32 v4, v6;
	v3 =	vor.u32 v2, v3  }
0x2e0: {  	v4 =	vadd.s32 v5, v4;
	v39 =	vor.u32 $0x7, v3  }
0x2e1: {  	vm9 =	vlt.s32 v4, $0xF423F  }
0x2e2: {  	v4 =	vnsel vm9, $0xF423F, v4  }
0x2e3: {  	[tilespmem:s20+$0x40] =	vst v4  }
0x2e4: {  	v4 =	vld [tilespmem:s22+$0x10]  }
0x2e5: {  	v5 =	vld.idx.msk [tilespmem:v39+s14+$0x0], $0xffff;
	_ =	sdelay $0x4  }
0x2e6: {  	vm10 =	vle.f32 v5, v4  }
0x2e7: {  	v5 =	vsel vm10, $0x8, v1  }
0x2e8: {  	v40 =	vor.u32 v3, v5  }
0x2e9: {  	v41 =	vor.u32 $0x3, v40;
	_ =	sdelay $0x4  }
0x2ea: {  	v7 =	vld.idx.msk [tilespmem:v41+s14+$0x0], $0xffff;
	_ =	sdelay $0x4  }
0x2eb: {  	v42 =	vor.u32 $0x4, v5;
	vm11 =	vle.f32 v7, v4  }
0x2ec: {  	v5 =	vsel vm11, v42, v5  }
0x2ed: {  	v43 =	vand.u32 $0x4, v5  }
0x2ee: {  	v6 =	vor.u32 v43, v40  }
0x2ef: {  	v6 =	vor.u32 $0x1, v6;
	_ =	sdelay $0x4  }
0x2f0: {  	v6 =	vld.idx.msk [tilespmem:v6+s14+$0x0], $0xffff;
	_ =	sdelay $0x4  }
0x2f1: {  	v44 =	vor.u32 $0x2, v5;
	vm12 =	vle.f32 v6, v4  }
0x2f2: {  	v5 =	vsel vm12, v44, v5  }
0x2f3: {  	v45 =	vor.u32 v3, v5;
	_ =	sdelay $0x4  }
0x2f4: {  	v6 =	vld.idx.msk [tilespmem:v45+s14+$0x0], $0xffff;
	_ =	sdelay $0x4  }
0x2f5: {  	vm13 =	vle.f32 v6, v4  }
0x2f6: {  	v6 =	vsel vm13, $0x1, v1  }
0x2f7: {  	v5 =	vor.u32 v6, v5  }
0x2f8: {  	v3 =	vor.u32 v3, v5;
	_ =	sdelay $0x4  }
0x2f9: {  	v3 =	vld.idx.msk [tilespmem:v3+s14+$0x0], $0xffff  }
0x2fa: {  	v46 =	vld [tilespmem:s21+$0x10];
	_ =	sdelay $0x2  }
0x2fb: {  	s31 =	sadd.s32 $0xFFFFFFF0, s18  }
0x2fc: {  	vm14 =	vle.f32 v3, v4;
	v3 =	vmov s31  }
0x2fd: {  	v6 =	vshll.u32 v46, $0x4;
	v4 =	vsel vm14, $0x1, v1;
	v3 =	vshll.u32 v3, $0x4  }
0x2fe: {  	v4 =	vor.u32 v4, v6;
	v3 =	vor.u32 v2, v3  }
0x2ff: {  	v4 =	vadd.s32 v5, v4;
	v47 =	vor.u32 $0x7, v3  }
0x300: {  	vm15 =	vlt.s32 v4, $0xF423F  }
0x301: {  	v4 =	vnsel vm15, $0xF423F, v4  }
0x302: {  	[tilespmem:s20+$0x50] =	vst v4  }
0x303: {  	v4 =	vld [tilespmem:s22+$0x20]  }
0x304: {  	v5 =	vld.idx.msk [tilespmem:v47+s14+$0x0], $0xffff;
	_ =	sdelay $0x4  }
0x305: {  	vm4 =	vle.f32 v5, v4  }
0x306: {  	v5 =	vsel vm4, $0x8, v1  }
0x307: {  	v48 =	vor.u32 v3, v5  }
0x308: {  	v49 =	vor.u32 $0x3, v48;
	_ =	sdelay $0x4  }
0x309: {  	v7 =	vld.idx.msk [tilespmem:v49+s14+$0x0], $0xffff;
	_ =	sdelay $0x4  }
0x30a: {  	v50 =	vor.u32 $0x4, v5;
	vm5 =	vle.f32 v7, v4  }
0x30b: {  	v5 =	vsel vm5, v50, v5  }
0x30c: {  	v51 =	vand.u32 $0x4, v5  }
0x30d: {  	v6 =	vor.u32 v51, v48  }
0x30e: {  	v6 =	vor.u32 $0x1, v6;
	_ =	sdelay $0x4  }
0x30f: {  	v6 =	vld.idx.msk [tilespmem:v6+s14+$0x0], $0xffff;
	_ =	sdelay $0x4  }
0x310: {  	v52 =	vor.u32 $0x2, v5;
	vm6 =	vle.f32 v6, v4  }
0x311: {  	v5 =	vsel vm6, v52, v5  }
0x312: {  	v53 =	vor.u32 v3, v5;
	_ =	sdelay $0x4  }
0x313: {  	v6 =	vld.idx.msk [tilespmem:v53+s14+$0x0], $0xffff;
	_ =	sdelay $0x4  }
0x314: {  	vm7 =	vle.f32 v6, v4  }
0x315: {  	v6 =	vsel vm7, $0x1, v1  }
0x316: {  	v5 =	vor.u32 v6, v5  }
0x317: {  	v3 =	vor.u32 v3, v5;
	_ =	sdelay $0x4  }
0x318: {  	v3 =	vld.idx.msk [tilespmem:v3+s14+$0x0], $0xffff  }
0x319: {  	v54 =	vld [tilespmem:s21+$0x20];
	_ =	sdelay $0x3  }
0x31a: {  	vm8 =	vle.f32 v3, v4;
	v3 =	vmov s18  }
0x31b: {  	v6 =	vshll.u32 v54, $0x4;
	v4 =	vsel vm8, $0x1, v1;
	v3 =	vshll.u32 v3, $0x4  }
0x31c: {  	v4 =	vor.u32 v4, v6;
	v3 =	vor.u32 v2, v3  }
0x31d: {  	v4 =	vadd.s32 v5, v4;
	v55 =	vor.u32 $0x7, v3  }
0x31e: {  	vm9 =	vlt.s32 v4, $0xF423F  }
0x31f: {  	v4 =	vnsel vm9, $0xF423F, v4  }
0x320: {  	[tilespmem:s20+$0x60] =	vst v4  }
0x321: {  	v4 =	vld [tilespmem:s22+$0x30]  }
0x322: {  	v5 =	vld.idx.msk [tilespmem:v55+s14+$0x0], $0xffff;
	_ =	sdelay $0x4  }
0x323: {  	vm10 =	vle.f32 v5, v4  }
0x324: {  	v5 =	vsel vm10, $0x8, v1  }
0x325: {  	v56 =	vor.u32 v3, v5  }
0x326: {  	v57 =	vor.u32 $0x3, v56;
	_ =	sdelay $0x4  }
0x327: {  	v7 =	vld.idx.msk [tilespmem:v57+s14+$0x0], $0xffff;
	_ =	sdelay $0x4  }
0x328: {  	v58 =	vor.u32 $0x4, v5;
	vm11 =	vle.f32 v7, v4  }
0x329: {  	v5 =	vsel vm11, v58, v5  }
0x32a: {  	v59 =	vand.u32 $0x4, v5  }
0x32b: {  	v6 =	vor.u32 v59, v56  }
0x32c: {  	v6 =	vor.u32 $0x1, v6;
	_ =	sdelay $0x4  }
0x32d: {  	v6 =	vld.idx.msk [tilespmem:v6+s14+$0x0], $0xffff;
	_ =	sdelay $0x4  }
0x32e: {  	v60 =	vor.u32 $0x2, v5;
	vm12 =	vle.f32 v6, v4  }
0x32f: {  	v5 =	vsel vm12, v60, v5  }
0x330: {  	v61 =	vor.u32 v3, v5;
	_ =	sdelay $0x4  }
0x331: {  	v6 =	vld.idx.msk [tilespmem:v61+s14+$0x0], $0xffff;
	_ =	sdelay $0x4  }
0x332: {  	vm13 =	vle.f32 v6, v4  }
0x333: {  	v6 =	vsel vm13, $0x1, v1  }
0x334: {  	v5 =	vor.u32 v6, v5  }
0x335: {  	v3 =	vor.u32 v3, v5;
	_ =	sdelay $0x4  }
0x336: {  	v3 =	vld.idx.msk [tilespmem:v3+s14+$0x0], $0xffff  }
0x337: {  	v62 =	vld [tilespmem:s21+$0x30];
	_ =	sdelay $0x3  }
0x338: {  	vm14 =	vle.f32 v3, v4  }
0x339: {  	v63 =	vshll.u32 v62, $0x4;
	v3 =	vsel vm14, $0x1, v1  }
0x33a: {  	v3 =	vor.u32 v3, v63  }
0x33b: {  	p0 =	sne.s32 s18, $0x7F0;
	v3 =	vadd.s32 v5, v3  }
.Ltmp1:
0x33c: {  	vm15 =	vlt.s32 v3, $0xF423F;
	(pc) =	sbr.rel @p0 .LBB2_4-.Ltmp1, $4  }
0x33d: {  	v3 =	vnsel vm15, $0xF423F, v3  }
0x33e: {  	s18 =	sadd.s32 $0x80, s18;
	s21 =	sadd.s32 $0x80, s21;
	[tilespmem:s20+$0x70] =	vst v3  }
0x33f: {  	[tilespmem:s19], [sflag:$0x1] =	stream.indirect.gather [hbm4b:s1+s12], $0x1, s20, s12, $0xb8;
	[tilespmem:$0x1A000] =	vst v63  }
0x340: {  	s22 =	sadd.s32 $0x80, s22;
	s19 =	sadd.s32 $0x80, s19;
	s20 =	sadd.s32 $0x80, s20  }
0x341: {  	_ =	swait.ge [sflag:s13], $0x800  }
0x342: {  	[sflag:s13] =	ssyncset.done $0x0  }
0x343: {  	[sflag:s13] =	ssyncadd.s32 $0xFFFFF800  }
0x344: {  	[hbm4b:s7+s2] =	stream.linear.scatter [tilespmem:s15], [sflag:$0x2], $0x800, $0x38;
	[tilespmem:$0x1A000] =	vst v63  }
0x345: {  	s17 =	sadd.s32 $0x1, s17;
	_ =	swait.ge [sflag:s10], $0x800  }
0x346: {  	p0 =	sne.s32 s17, s9;
	[sflag:s10] =	ssyncset.done $0x0  }
.Ltmp2:
0x347: {  	[sflag:s10] =	ssyncadd.s32 $0xFFFFF800;
	(pc) =	sbr.rel @p0 .LBB2_1-.Ltmp2, $4  }
0x348: {  	[hbm4b:s8+s2] =	stream.linear.scatter [tilespmem:s16], [sflag:$0x2], $0x800, $0x38;
	[tilespmem:$0x1A000] =	vst v63  }
0x349: {  	_ =	swait.ge [sflag:s10], $0x800  }
0x34a: {  	[sflag:s10] =	ssyncset.done $0x0  }
0x34b: {  	[sflag:s10] =	ssyncadd.s32 $0xFFFFF800  }
0x34c: {  	_ =	sfence.sel $0x180000  }
0x34d: {  	[bflag:$0x0] =	sbarrier.arrive $0xFFFF  }
0x34e: {  	p0 =	sne.s32 s3, $0x0;
	_ =	strace $0x90000047  }
0x34f: {  	s0 =	sadd.s32 @!p0 $0x100000, s0;
	[bflag:$0x2] =	sbarrier.arrive $0xFFFF  }
0x350: {  	[sflag:s0] =	ssyncadd.tile.s32 @!p0 $0x1;
	_ =	shalt  }
.Lfunc_end2:
_tile_overlayer_lowered:
.L_overlay_start_2:
0x351: {  	(tag) =	ssettag $0x2  }
0x352: {  	s0 =	rddreg [dreg:$0x0];
	s2 =	stileid.u32  }
0x353: {  	s1 =	rddreg [dreg:$0x1];
	p0 =	sne.s32 s2, $0x0  }
0x354: {  	s3 =	rddreg [dreg:$0x2];
	[bflag:$0x3] =	sbarrier.arrive $0xFFFF;
	s2 =	simm.s32 @!p0 $0x1C02  }
0x355: {  	[timem:s3], [sflag:s2] =	dma.local @!p0 [hbm:s0], s1  }
0x356: {  	s0 =	simm.s32 @!p0 $0x2  }
0x357: {  	_ =	swait.ge @!p0 [sflag:s0], s1  }
0x358: {  	s1 =	ssub.s32 @!p0 $0x0, s1;
	[sflag:s0] =	ssyncset.done @!p0 $0x0  }
0x359: {  	[sflag:s0] =	ssyncadd.s32 @!p0 s1  }
0x35a: {  	[bflag:$0x3] =	sbarrier.arrive $0xFFFF  }
0x35b: {  	_ =	shalt  }

</sc_bundles>
